<compile_context>
chip_gen: v7x
topology: tpu7x:2x2x1
jax: 0.10.2.dev20260603
libtpu: 0.0.44.dev20260713+nightly
codegen_flags: <defaults>
</compile_context>

<pallas_src>
import jax
import jax.numpy as jnp
from jax import lax
from jax.experimental import pallas as pl
from jax.experimental.pallas import tpu as pltpu
from jax.experimental.pallas import tpu_sc as plsc

B = 16384
L = 50
V = 1000000
C = 16

NC = 2
NS = 16
NW = NC * NS

ROWS_W = B * L // NW
RPD = 800
NDMA = ROWS_W // RPD
BAGS_W = B // NW
NBUF = 4


def _tree_sum(vals):
    vals = list(vals)
    while len(vals) > 1:
        nxt = [vals[i] + vals[i + 1] for i in range(0, len(vals) - 1, 2)]
        if len(vals) % 2:
            nxt.append(vals[-1])
        vals = nxt
    return vals[0]


def _gather_body(idx_hbm, table_hbm, bias_hbm, out_hbm,
                 idx_v, rows_v, out_v, bias_v, *sems):
    wid = lax.axis_index("s") * NC + lax.axis_index("c")

    pltpu.sync_copy(idx_hbm.at[pl.ds(wid * ROWS_W, ROWS_W)], idx_v)
    pltpu.sync_copy(bias_hbm, bias_v)
    bias_vec = bias_v[...]

    def issue(dma, slot):
        pltpu.async_copy(table_hbm.at[idx_v.at[pl.ds(dma * RPD, RPD)]],
                         rows_v.at[slot], sems[slot])

    def wait(dma, slot):
        pltpu.make_async_copy(table_hbm.at[idx_v.at[pl.ds(dma * RPD, RPD)]],
                              rows_v.at[slot], sems[slot]).wait()

    for s in range(NBUF):
        issue(s, s)

    def loop(i, _):
        base = i * NBUF
        for s in range(NBUF):
            dma = base + s
            wait(dma, s)

            def red(k, _):
                chunk = dma * 8 + k
                for b in range(2):
                    acc = _tree_sum(
                        [rows_v[s, k * 2 * L + b * L + j, :] for j in range(L)]
                        + [bias_vec])
                    out_v[chunk * 2 + b, :] = acc
                return _

            lax.fori_loop(0, 8, red, None)
            nxt = dma + NBUF

            @pl.when(nxt < NDMA)
            def _():
                issue(nxt, s)
        return _

    lax.fori_loop(0, NDMA // NBUF, loop, None)

    pltpu.sync_copy(out_v, out_hbm.at[pl.ds(wid * BAGS_W, BAGS_W)])


@jax.jit
def _run(indices, table, bias):
    mesh = plsc.VectorSubcoreMesh(core_axis_name="c", subcore_axis_name="s")
    return pl.kernel(
        _gather_body,
        mesh=mesh,
        compiler_params=pltpu.CompilerParams(use_tc_tiling_on_sc=False),
        out_type=jax.ShapeDtypeStruct((B, C), jnp.float32),
        scratch_types=[
            pltpu.VMEM((ROWS_W,), jnp.int32),
            pltpu.VMEM((NBUF, RPD, C), jnp.float32),
            pltpu.VMEM((BAGS_W, C), jnp.float32),
            pltpu.VMEM((C,), jnp.float32),
        ] + [pltpu.SemaphoreType.DMA] * NBUF,
    )(indices, table, bias)


def kernel(indices, offsets, table, bias):
    del offsets
    return _run(indices, table, bias)

# --- scband reference (transcript-rebuilt; emitter-appended) ---
"""Pipeline reference for scband-logistic-model-63599875719385 (READ-ONLY COPY).

The authoritative reference and input builder live on the scoring server;
editing this copy changes nothing except your own understanding.
"""

import jax, jax.numpy as jnp
import numpy as np

B = 16384
L = 50
V = 1000000
C = 16

def setup_inputs(seed: int = 0) -> dict:
    key = jax.random.key(seed)
    k1, k2 = jax.random.split(key, 2)
    indices = jax.random.randint(k1, (B * L,), 0, V, dtype=jnp.int32)
    offsets = jnp.arange(B, dtype=jnp.int32) * L
    table = jax.random.normal(k2, (V, C), dtype=jnp.float32) * 0.01
    bias = jnp.zeros((C,), dtype=jnp.float32)
    return {"indices": indices, "offsets": offsets, "table": table, "bias": bias}

def reference(indices, offsets, table, bias):
    # EmbeddingBag(mode='sum') with offsets: bag b sums rows table[indices[offsets[b]:offsets[b+1]]]
    n = indices.shape[0]
    num_bags = offsets.shape[0]
    seg_ids = jnp.searchsorted(offsets, jnp.arange(n), side='right') - 1
    gathered = jnp.take(table, indices, axis=0)
    bags = jax.ops.segment_sum(gathered, seg_ids, num_segments=num_bags)
    return bags + bias

if __name__ == "__main__":
    import jax
    _d = setup_inputs()
    print(jax.jit(kernel)(*tuple(_d.values())))

</pallas_src>

<mosaic_0001>
#map = affine_map<(d0, d1) -> (0)>
#map1 = affine_map<(d0, d1) -> (0, 0)>
module attributes {stable_mosaic.version = 14 : i64} {
  func.func @_gather_body(%arg0: i32, %arg1: i32, %arg2: memref<819200xi32, #tpu.memory_space<hbm>>, %arg3: memref<1000000x16xf32, #tpu.memory_space<hbm>>, %arg4: memref<16xf32, #tpu.memory_space<hbm>>, %arg5: memref<16384x16xf32, #tpu.memory_space<hbm>>, %arg6: memref<25600xi32, #tpu.memory_space<vmem>>, %arg7: memref<4x800x16xf32, #tpu.memory_space<vmem>>, %arg8: memref<512x16xf32, #tpu.memory_space<vmem>>, %arg9: memref<16xf32, #tpu.memory_space<vmem>>, %arg10: memref<!tpu.dma_semaphore, #tpu.memory_space<semaphore_mem>>, %arg11: memref<!tpu.dma_semaphore, #tpu.memory_space<semaphore_mem>>, %arg12: memref<!tpu.dma_semaphore, #tpu.memory_space<semaphore_mem>>, %arg13: memref<!tpu.dma_semaphore, #tpu.memory_space<semaphore_mem>>) attributes {dimension_semantics = [#tpu.dimension_semantics<core_parallel>, #tpu.dimension_semantics<subcore_parallel>], iteration_bounds = array<i64: 2, 16>, scalar_prefetch = 0 : i64, scratch_operands = 8 : i64, tpu.core_type = #tpu.core_type<sc_vector_subcore>, window_params = [{transform_indices = #map}, {transform_indices = #map1}, {transform_indices = #map}, {transform_indices = #map1}]} {
    %mul3A = arith.constant 2 : i32
    %mul3A_0 = arith.muli %arg1, %mul3A : i32
    %add3A = arith.addi %mul3A_0, %arg0 : i32
    %mul3A_1 = arith.constant 25600 : i32
    %mul3A_2 = arith.muli %add3A, %mul3A_1 : i32
    "tpu.region"() ({
      %run_scoped3A = tpu.sem_alloc : memref<!tpu.dma_semaphore, #tpu.memory_space<semaphore_mem>>
      %dma_start3A_50 = tpu.memref_slice %arg2[%mul3A_2] : memref<819200xi32, #tpu.memory_space<hbm>> -> memref<25600xi32, #tpu.memory_space<hbm>>
      %dma_start3A_51 = tpu.memref_slice %arg2[%mul3A_2] : memref<819200xi32, #tpu.memory_space<hbm>> -> memref<25600xi32, #tpu.memory_space<hbm>>
      tpu.enqueue_dma source(%dma_start3A_51 : memref<25600xi32, #tpu.memory_space<hbm>>) target(%arg6 : memref<25600xi32, #tpu.memory_space<vmem>>) target_semaphore(%run_scoped3A : memref<!tpu.dma_semaphore, #tpu.memory_space<semaphore_mem>>)
      %dma_wait3A = tpu.memref_slice %arg2[%mul3A_2] : memref<819200xi32, #tpu.memory_space<hbm>> -> memref<25600xi32, #tpu.memory_space<hbm>>
      %dma_wait3A_52 = tpu.memref_slice %arg2[%mul3A_2] : memref<819200xi32, #tpu.memory_space<hbm>> -> memref<25600xi32, #tpu.memory_space<hbm>>
      tpu.wait_dma2 semaphore(%run_scoped3A : memref<!tpu.dma_semaphore, #tpu.memory_space<semaphore_mem>>) src(%dma_wait3A_52 : memref<25600xi32, #tpu.memory_space<hbm>>) dst(%arg6 : memref<25600xi32, #tpu.memory_space<vmem>>)
      tpu.yield
    }) : () -> ()
    "tpu.region"() ({
      %run_scoped3A = tpu.sem_alloc : memref<!tpu.dma_semaphore, #tpu.memory_space<semaphore_mem>>
      tpu.enqueue_dma source(%arg4 : memref<16xf32, #tpu.memory_space<hbm>>) target(%arg9 : memref<16xf32, #tpu.memory_space<vmem>>) target_semaphore(%run_scoped3A : memref<!tpu.dma_semaphore, #tpu.memory_space<semaphore_mem>>)
      tpu.wait_dma2 semaphore(%run_scoped3A : memref<!tpu.dma_semaphore, #tpu.memory_space<semaphore_mem>>) src(%arg4 : memref<16xf32, #tpu.memory_space<hbm>>) dst(%arg9 : memref<16xf32, #tpu.memory_space<vmem>>)
      tpu.yield
    }) : () -> ()
    %get3A = arith.constant 0 : index
    %get3A_3 = tpu.vector_load %arg9[%get3A] {strides = array<i32>} : memref<16xf32, #tpu.memory_space<vmem>>, vector<16xf32>,
    %get3A_4 = vector.shape_cast %get3A_3 : vector<16xf32> to vector<16xf32>
    %dma_start3A = arith.constant 0 : i32
    %dma_start3A_5 = arith.constant 0 : i32
    %dma_start3A_6 = arith.constant 0 : i32
    %dma_start3A_7 = tpu.memref_slice %arg7[%dma_start3A, %dma_start3A_5, %dma_start3A_6] : memref<4x800x16xf32, #tpu.memory_space<vmem>> -> memref<1x800x16xf32, #tpu.memory_space<vmem>>
    %dma_start3A_8 = tpu.memref_squeeze %dma_start3A_7 : memref<1x800x16xf32, #tpu.memory_space<vmem>> -> memref<800x16xf32, #tpu.memory_space<vmem>>
    %dma_start3A_9 = arith.constant 0 : i32
    %dma_start3A_10 = tpu.memref_slice %arg6[%dma_start3A_9] : memref<25600xi32, #tpu.memory_space<vmem>> -> memref<800xi32, #tpu.memory_space<vmem>>
    %dma_start3A_11 = arith.constant 0 : i32
    %dma_start3A_12 = arith.constant 0 : i32
    %dma_start3A_13 = tpu.memref_slice %arg3[%dma_start3A_11, %dma_start3A_12] : memref<1000000x16xf32, #tpu.memory_space<hbm>> -> memref<1000000x16xf32, #tpu.memory_space<hbm>>
    tpu.enqueue_indirect_dma source(%dma_start3A_13 : memref<1000000x16xf32, #tpu.memory_space<hbm>>) target(%dma_start3A_8 : memref<800x16xf32, #tpu.memory_space<vmem>>) offsets(%dma_start3A_10 : memref<800xi32, #tpu.memory_space<vmem>>) semaphore(%arg10 : memref<!tpu.dma_semaphore, #tpu.memory_space<semaphore_mem>>)
    %dma_start3A_14 = arith.constant 1 : i32
    %dma_start3A_15 = arith.constant 0 : i32
    %dma_start3A_16 = arith.constant 0 : i32
    %dma_start3A_17 = tpu.memref_slice %arg7[%dma_start3A_14, %dma_start3A_15, %dma_start3A_16] : memref<4x800x16xf32, #tpu.memory_space<vmem>> -> memref<1x800x16xf32, #tpu.memory_space<vmem>>
    %dma_start3A_18 = tpu.memref_squeeze %dma_start3A_17 : memref<1x800x16xf32, #tpu.memory_space<vmem>> -> memref<800x16xf32, #tpu.memory_space<vmem>>
    %dma_start3A_19 = arith.constant 800 : i32
    %dma_start3A_20 = tpu.memref_slice %arg6[%dma_start3A_19] : memref<25600xi32, #tpu.memory_space<vmem>> -> memref<800xi32, #tpu.memory_space<vmem>>
    %dma_start3A_21 = arith.constant 0 : i32
    %dma_start3A_22 = arith.constant 0 : i32
    %dma_start3A_23 = tpu.memref_slice %arg3[%dma_start3A_21, %dma_start3A_22] : memref<1000000x16xf32, #tpu.memory_space<hbm>> -> memref<1000000x16xf32, #tpu.memory_space<hbm>>
    tpu.enqueue_indirect_dma source(%dma_start3A_23 : memref<1000000x16xf32, #tpu.memory_space<hbm>>) target(%dma_start3A_18 : memref<800x16xf32, #tpu.memory_space<vmem>>) offsets(%dma_start3A_20 : memref<800xi32, #tpu.memory_space<vmem>>) semaphore(%arg11 : memref<!tpu.dma_semaphore, #tpu.memory_space<semaphore_mem>>)
    %dma_start3A_24 = arith.constant 2 : i32
    %dma_start3A_25 = arith.constant 0 : i32
    %dma_start3A_26 = arith.constant 0 : i32
    %dma_start3A_27 = tpu.memref_slice %arg7[%dma_start3A_24, %dma_start3A_25, %dma_start3A_26] : memref<4x800x16xf32, #tpu.memory_space<vmem>> -> memref<1x800x16xf32, #tpu.memory_space<vmem>>
    %dma_start3A_28 = tpu.memref_squeeze %dma_start3A_27 : memref<1x800x16xf32, #tpu.memory_space<vmem>> -> memref<800x16xf32, #tpu.memory_space<vmem>>
    %dma_start3A_29 = arith.constant 1600 : i32
    %dma_start3A_30 = tpu.memref_slice %arg6[%dma_start3A_29] : memref<25600xi32, #tpu.memory_space<vmem>> -> memref<800xi32, #tpu.memory_space<vmem>>
    %dma_start3A_31 = arith.constant 0 : i32
    %dma_start3A_32 = arith.constant 0 : i32
    %dma_start3A_33 = tpu.memref_slice %arg3[%dma_start3A_31, %dma_start3A_32] : memref<1000000x16xf32, #tpu.memory_space<hbm>> -> memref<1000000x16xf32, #tpu.memory_space<hbm>>
    tpu.enqueue_indirect_dma source(%dma_start3A_33 : memref<1000000x16xf32, #tpu.memory_space<hbm>>) target(%dma_start3A_28 : memref<800x16xf32, #tpu.memory_space<vmem>>) offsets(%dma_start3A_30 : memref<800xi32, #tpu.memory_space<vmem>>) semaphore(%arg12 : memref<!tpu.dma_semaphore, #tpu.memory_space<semaphore_mem>>)
    %dma_start3A_34 = arith.constant 3 : i32
    %dma_start3A_35 = arith.constant 0 : i32
    %dma_start3A_36 = arith.constant 0 : i32
    %dma_start3A_37 = tpu.memref_slice %arg7[%dma_start3A_34, %dma_start3A_35, %dma_start3A_36] : memref<4x800x16xf32, #tpu.memory_space<vmem>> -> memref<1x800x16xf32, #tpu.memory_space<vmem>>
    %dma_start3A_38 = tpu.memref_squeeze %dma_start3A_37 : memref<1x800x16xf32, #tpu.memory_space<vmem>> -> memref<800x16xf32, #tpu.memory_space<vmem>>
    %dma_start3A_39 = arith.constant 2400 : i32
    %dma_start3A_40 = tpu.memref_slice %arg6[%dma_start3A_39] : memref<25600xi32, #tpu.memory_space<vmem>> -> memref<800xi32, #tpu.memory_space<vmem>>
    %dma_start3A_41 = arith.constant 0 : i32
    %dma_start3A_42 = arith.constant 0 : i32
    %dma_start3A_43 = tpu.memref_slice %arg3[%dma_start3A_41, %dma_start3A_42] : memref<1000000x16xf32, #tpu.memory_space<hbm>> -> memref<1000000x16xf32, #tpu.memory_space<hbm>>
    tpu.enqueue_indirect_dma source(%dma_start3A_43 : memref<1000000x16xf32, #tpu.memory_space<hbm>>) target(%dma_start3A_38 : memref<800x16xf32, #tpu.memory_space<vmem>>) offsets(%dma_start3A_40 : memref<800xi32, #tpu.memory_space<vmem>>) semaphore(%arg13 : memref<!tpu.dma_semaphore, #tpu.memory_space<semaphore_mem>>)
    %scan3A = arith.constant 0 : i32
    %scan3A_44 = arith.constant 8 : i32
    %scan3A_45 = arith.addi %scan3A, %scan3A_44 : i32
    %scan3A_46 = arith.constant 1 : i32
    scf.for %scan3A_50 = %scan3A to %scan3A_45 step %scan3A_46  : i32 {
      %mul3A_51 = arith.constant 4 : i32
      %mul3A_52 = arith.muli %scan3A_50, %mul3A_51 : i32
      %add3A_53 = arith.constant 0 : i32
      %add3A_54 = arith.addi %mul3A_52, %add3A_53 : i32
      %mul3A_55 = arith.constant 800 : i32
      %mul3A_56 = arith.muli %add3A_54, %mul3A_55 : i32
      %dma_wait3A = arith.constant 0 : i32
      %dma_wait3A_57 = arith.constant 0 : i32
      %dma_wait3A_58 = arith.constant 0 : i32
      %dma_wait3A_59 = tpu.memref_slice %arg7[%dma_wait3A, %dma_wait3A_57, %dma_wait3A_58] : memref<4x800x16xf32, #tpu.memory_space<vmem>> -> memref<1x800x16xf32, #tpu.memory_space<vmem>>
      %dma_wait3A_60 = tpu.memref_squeeze %dma_wait3A_59 : memref<1x800x16xf32, #tpu.memory_space<vmem>> -> memref<800x16xf32, #tpu.memory_space<vmem>>
      %dma_wait3A_61 = tpu.memref_slice %arg6[%mul3A_56] : memref<25600xi32, #tpu.memory_space<vmem>> -> memref<800xi32, #tpu.memory_space<vmem>>
      %dma_wait3A_62 = arith.constant 0 : i32
      %dma_wait3A_63 = arith.constant 0 : i32
      %dma_wait3A_64 = tpu.memref_slice %arg3[%dma_wait3A_62, %dma_wait3A_63] : memref<1000000x16xf32, #tpu.memory_space<hbm>> -> memref<1000000x16xf32, #tpu.memory_space<hbm>>
      tpu.wait_indirect_dma semaphore(%arg10 : memref<!tpu.dma_semaphore, #tpu.memory_space<semaphore_mem>>) src(%dma_wait3A_64 : memref<1000000x16xf32, #tpu.memory_space<hbm>>) dst(%dma_wait3A_60 : memref<800x16xf32, #tpu.memory_space<vmem>>)
      %scan3A_65 = arith.constant 0 : i32
      %scan3A_66 = arith.constant 8 : i32
      %scan3A_67 = arith.addi %scan3A_65, %scan3A_66 : i32
      %scan3A_68 = arith.constant 1 : i32
      scf.for %scan3A_149 = %scan3A_65 to %scan3A_67 step %scan3A_68  : i32 {
        %mul3A_150 = arith.constant 8 : i32
        %mul3A_151 = arith.muli %add3A_54, %mul3A_150 : i32
        %add3A_152 = arith.addi %mul3A_151, %scan3A_149 : i32
        %mul3A_153 = arith.constant 2 : i32
        %mul3A_154 = arith.muli %scan3A_149, %mul3A_153 : i32
        %mul3A_155 = arith.constant 50 : i32
        %mul3A_156 = arith.muli %mul3A_154, %mul3A_155 : i32
        %add3A_157 = arith.constant 0 : i32
        %add3A_158 = arith.addi %mul3A_156, %add3A_157 : i32
        %add3A_159 = arith.constant 0 : i32
        %add3A_160 = arith.addi %add3A_158, %add3A_159 : i32
        %get3A_161 = arith.constant 0 : i32
        %get3A_162 = arith.index_cast %get3A_161 : i32 to index
        %get3A_163 = arith.index_cast %add3A_160 : i32 to index
        %get3A_164 = arith.constant 0 : index
        %get3A_165 = tpu.vector_load %arg7[%get3A_162, %get3A_163, %get3A_164] {strides = array<i32>} : memref<4x800x16xf32, #tpu.memory_space<vmem>>, vector<1x1x16xf32>,
        %get3A_166 = vector.shape_cast %get3A_165 : vector<1x1x16xf32> to vector<16xf32>
        %mul3A_167 = arith.constant 2 : i32
        %mul3A_168 = arith.muli %scan3A_149, %mul3A_167 : i32
        %mul3A_169 = arith.constant 50 : i32
        %mul3A_170 = arith.muli %mul3A_168, %mul3A_169 : i32
        %add3A_171 = arith.constant 0 : i32
        %add3A_172 = arith.addi %mul3A_170, %add3A_171 : i32
        %add3A_173 = arith.constant 1 : i32
        %add3A_174 = arith.addi %add3A_172, %add3A_173 : i32
        %get3A_175 = arith.constant 0 : i32
        %get3A_176 = arith.index_cast %get3A_175 : i32 to index
        %get3A_177 = arith.index_cast %add3A_174 : i32 to index
        %get3A_178 = arith.constant 0 : index
        %get3A_179 = tpu.vector_load %arg7[%get3A_176, %get3A_177, %get3A_178] {strides = array<i32>} : memref<4x800x16xf32, #tpu.memory_space<vmem>>, vector<1x1x16xf32>,
        %get3A_180 = vector.shape_cast %get3A_179 : vector<1x1x16xf32> to vector<16xf32>
        %mul3A_181 = arith.constant 2 : i32
        %mul3A_182 = arith.muli %scan3A_149, %mul3A_181 : i32
        %mul3A_183 = arith.constant 50 : i32
        %mul3A_184 = arith.muli %mul3A_182, %mul3A_183 : i32
        %add3A_185 = arith.constant 0 : i32
        %add3A_186 = arith.addi %mul3A_184, %add3A_185 : i32
        %add3A_187 = arith.constant 2 : i32
        %add3A_188 = arith.addi %add3A_186, %add3A_187 : i32
        %get3A_189 = arith.constant 0 : i32
        %get3A_190 = arith.index_cast %get3A_189 : i32 to index
        %get3A_191 = arith.index_cast %add3A_188 : i32 to index
        %get3A_192 = arith.constant 0 : index
        %get3A_193 = tpu.vector_load %arg7[%get3A_190, %get3A_191, %get3A_192] {strides = array<i32>} : memref<4x800x16xf32, #tpu.memory_space<vmem>>, vector<1x1x16xf32>,
        %get3A_194 = vector.shape_cast %get3A_193 : vector<1x1x16xf32> to vector<16xf32>
        %mul3A_195 = arith.constant 2 : i32
        %mul3A_196 = arith.muli %scan3A_149, %mul3A_195 : i32
        %mul3A_197 = arith.constant 50 : i32
        %mul3A_198 = arith.muli %mul3A_196, %mul3A_197 : i32
        %add3A_199 = arith.constant 0 : i32
        %add3A_200 = arith.addi %mul3A_198, %add3A_199 : i32
        %add3A_201 = arith.constant 3 : i32
        %add3A_202 = arith.addi %add3A_200, %add3A_201 : i32
        %get3A_203 = arith.constant 0 : i32
        %get3A_204 = arith.index_cast %get3A_203 : i32 to index
        %get3A_205 = arith.index_cast %add3A_202 : i32 to index
        %get3A_206 = arith.constant 0 : index
        %get3A_207 = tpu.vector_load %arg7[%get3A_204, %get3A_205, %get3A_206] {strides = array<i32>} : memref<4x800x16xf32, #tpu.memory_space<vmem>>, vector<1x1x16xf32>,
        %get3A_208 = vector.shape_cast %get3A_207 : vector<1x1x16xf32> to vector<16xf32>
        %mul3A_209 = arith.constant 2 : i32
        %mul3A_210 = arith.muli %scan3A_149, %mul3A_209 : i32
        %mul3A_211 = arith.constant 50 : i32
        %mul3A_212 = arith.muli %mul3A_210, %mul3A_211 : i32
        %add3A_213 = arith.constant 0 : i32
        %add3A_214 = arith.addi %mul3A_212, %add3A_213 : i32
        %add3A_215 = arith.constant 4 : i32
        %add3A_216 = arith.addi %add3A_214, %add3A_215 : i32
        %get3A_217 = arith.constant 0 : i32
        %get3A_218 = arith.index_cast %get3A_217 : i32 to index
        %get3A_219 = arith.index_cast %add3A_216 : i32 to index
        %get3A_220 = arith.constant 0 : index
        %get3A_221 = tpu.vector_load %arg7[%get3A_218, %get3A_219, %get3A_220] {strides = array<i32>} : memref<4x800x16xf32, #tpu.memory_space<vmem>>, vector<1x1x16xf32>,
        %get3A_222 = vector.shape_cast %get3A_221 : vector<1x1x16xf32> to vector<16xf32>
        %mul3A_223 = arith.constant 2 : i32
        %mul3A_224 = arith.muli %scan3A_149, %mul3A_223 : i32
        %mul3A_225 = arith.constant 50 : i32
        %mul3A_226 = arith.muli %mul3A_224, %mul3A_225 : i32
        %add3A_227 = arith.constant 0 : i32
        %add3A_228 = arith.addi %mul3A_226, %add3A_227 : i32
        %add3A_229 = arith.constant 5 : i32
        %add3A_230 = arith.addi %add3A_228, %add3A_229 : i32
        %get3A_231 = arith.constant 0 : i32
        %get3A_232 = arith.index_cast %get3A_231 : i32 to index
        %get3A_233 = arith.index_cast %add3A_230 : i32 to index
        %get3A_234 = arith.constant 0 : index
        %get3A_235 = tpu.vector_load %arg7[%get3A_232, %get3A_233, %get3A_234] {strides = array<i32>} : memref<4x800x16xf32, #tpu.memory_space<vmem>>, vector<1x1x16xf32>,
        %get3A_236 = vector.shape_cast %get3A_235 : vector<1x1x16xf32> to vector<16xf32>
        %mul3A_237 = arith.constant 2 : i32
        %mul3A_238 = arith.muli %scan3A_149, %mul3A_237 : i32
        %mul3A_239 = arith.constant 50 : i32
        %mul3A_240 = arith.muli %mul3A_238, %mul3A_239 : i32
        %add3A_241 = arith.constant 0 : i32
        %add3A_242 = arith.addi %mul3A_240, %add3A_241 : i32
        %add3A_243 = arith.constant 6 : i32
        %add3A_244 = arith.addi %add3A_242, %add3A_243 : i32
        %get3A_245 = arith.constant 0 : i32
        %get3A_246 = arith.index_cast %get3A_245 : i32 to index
        %get3A_247 = arith.index_cast %add3A_244 : i32 to index
        %get3A_248 = arith.constant 0 : index
        %get3A_249 = tpu.vector_load %arg7[%get3A_246, %get3A_247, %get3A_248] {strides = array<i32>} : memref<4x800x16xf32, #tpu.memory_space<vmem>>, vector<1x1x16xf32>,
        %get3A_250 = vector.shape_cast %get3A_249 : vector<1x1x16xf32> to vector<16xf32>
        %mul3A_251 = arith.constant 2 : i32
        %mul3A_252 = arith.muli %scan3A_149, %mul3A_251 : i32
        %mul3A_253 = arith.constant 50 : i32
        %mul3A_254 = arith.muli %mul3A_252, %mul3A_253 : i32
        %add3A_255 = arith.constant 0 : i32
        %add3A_256 = arith.addi %mul3A_254, %add3A_255 : i32
        %add3A_257 = arith.constant 7 : i32
        %add3A_258 = arith.addi %add3A_256, %add3A_257 : i32
        %get3A_259 = arith.constant 0 : i32
        %get3A_260 = arith.index_cast %get3A_259 : i32 to index
        %get3A_261 = arith.index_cast %add3A_258 : i32 to index
        %get3A_262 = arith.constant 0 : index
        %get3A_263 = tpu.vector_load %arg7[%get3A_260, %get3A_261, %get3A_262] {strides = array<i32>} : memref<4x800x16xf32, #tpu.memory_space<vmem>>, vector<1x1x16xf32>,
        %get3A_264 = vector.shape_cast %get3A_263 : vector<1x1x16xf32> to vector<16xf32>
        %mul3A_265 = arith.constant 2 : i32
        %mul3A_266 = arith.muli %scan3A_149, %mul3A_265 : i32
        %mul3A_267 = arith.constant 50 : i32
        %mul3A_268 = arith.muli %mul3A_266, %mul3A_267 : i32
        %add3A_269 = arith.constant 0 : i32
        %add3A_270 = arith.addi %mul3A_268, %add3A_269 : i32
        %add3A_271 = arith.constant 8 : i32
        %add3A_272 = arith.addi %add3A_270, %add3A_271 : i32
        %get3A_273 = arith.constant 0 : i32
        %get3A_274 = arith.index_cast %get3A_273 : i32 to index
        %get3A_275 = arith.index_cast %add3A_272 : i32 to index
        %get3A_276 = arith.constant 0 : index
        %get3A_277 = tpu.vector_load %arg7[%get3A_274, %get3A_275, %get3A_276] {strides = array<i32>} : memref<4x800x16xf32, #tpu.memory_space<vmem>>, vector<1x1x16xf32>,
        %get3A_278 = vector.shape_cast %get3A_277 : vector<1x1x16xf32> to vector<16xf32>
        %mul3A_279 = arith.constant 2 : i32
        %mul3A_280 = arith.muli %scan3A_149, %mul3A_279 : i32
        %mul3A_281 = arith.constant 50 : i32
        %mul3A_282 = arith.muli %mul3A_280, %mul3A_281 : i32
        %add3A_283 = arith.constant 0 : i32
        %add3A_284 = arith.addi %mul3A_282, %add3A_283 : i32
        %add3A_285 = arith.constant 9 : i32
        %add3A_286 = arith.addi %add3A_284, %add3A_285 : i32
        %get3A_287 = arith.constant 0 : i32
        %get3A_288 = arith.index_cast %get3A_287 : i32 to index
        %get3A_289 = arith.index_cast %add3A_286 : i32 to index
        %get3A_290 = arith.constant 0 : index
        %get3A_291 = tpu.vector_load %arg7[%get3A_288, %get3A_289, %get3A_290] {strides = array<i32>} : memref<4x800x16xf32, #tpu.memory_space<vmem>>, vector<1x1x16xf32>,
        %get3A_292 = vector.shape_cast %get3A_291 : vector<1x1x16xf32> to vector<16xf32>
        %mul3A_293 = arith.constant 2 : i32
        %mul3A_294 = arith.muli %scan3A_149, %mul3A_293 : i32
        %mul3A_295 = arith.constant 50 : i32
        %mul3A_296 = arith.muli %mul3A_294, %mul3A_295 : i32
        %add3A_297 = arith.constant 0 : i32
        %add3A_298 = arith.addi %mul3A_296, %add3A_297 : i32
        %add3A_299 = arith.constant 10 : i32
        %add3A_300 = arith.addi %add3A_298, %add3A_299 : i32
        %get3A_301 = arith.constant 0 : i32
        %get3A_302 = arith.index_cast %get3A_301 : i32 to index
        %get3A_303 = arith.index_cast %add3A_300 : i32 to index
        %get3A_304 = arith.constant 0 : index
        %get3A_305 = tpu.vector_load %arg7[%get3A_302, %get3A_303, %get3A_304] {strides = array<i32>} : memref<4x800x16xf32, #tpu.memory_space<vmem>>, vector<1x1x16xf32>,
        %get3A_306 = vector.shape_cast %get3A_305 : vector<1x1x16xf32> to vector<16xf32>
        %mul3A_307 = arith.constant 2 : i32
        %mul3A_308 = arith.muli %scan3A_149, %mul3A_307 : i32
        %mul3A_309 = arith.constant 50 : i32
        %mul3A_310 = arith.muli %mul3A_308, %mul3A_309 : i32
        %add3A_311 = arith.constant 0 : i32
        %add3A_312 = arith.addi %mul3A_310, %add3A_311 : i32
        %add3A_313 = arith.constant 11 : i32
        %add3A_314 = arith.addi %add3A_312, %add3A_313 : i32
        %get3A_315 = arith.constant 0 : i32
        %get3A_316 = arith.index_cast %get3A_315 : i32 to index
        %get3A_317 = arith.index_cast %add3A_314 : i32 to index
        %get3A_318 = arith.constant 0 : index
        %get3A_319 = tpu.vector_load %arg7[%get3A_316, %get3A_317, %get3A_318] {strides = array<i32>} : memref<4x800x16xf32, #tpu.memory_space<vmem>>, vector<1x1x16xf32>,
        %get3A_320 = vector.shape_cast %get3A_319 : vector<1x1x16xf32> to vector<16xf32>
        %mul3A_321 = arith.constant 2 : i32
        %mul3A_322 = arith.muli %scan3A_149, %mul3A_321 : i32
        %mul3A_323 = arith.constant 50 : i32
        %mul3A_324 = arith.muli %mul3A_322, %mul3A_323 : i32
        %add3A_325 = arith.constant 0 : i32
        %add3A_326 = arith.addi %mul3A_324, %add3A_325 : i32
        %add3A_327 = arith.constant 12 : i32
        %add3A_328 = arith.addi %add3A_326, %add3A_327 : i32
        %get3A_329 = arith.constant 0 : i32
        %get3A_330 = arith.index_cast %get3A_329 : i32 to index
        %get3A_331 = arith.index_cast %add3A_328 : i32 to index
        %get3A_332 = arith.constant 0 : index
        %get3A_333 = tpu.vector_load %arg7[%get3A_330, %get3A_331, %get3A_332] {strides = array<i32>} : memref<4x800x16xf32, #tpu.memory_space<vmem>>, vector<1x1x16xf32>,
        %get3A_334 = vector.shape_cast %get3A_333 : vector<1x1x16xf32> to vector<16xf32>
        %mul3A_335 = arith.constant 2 : i32
        %mul3A_336 = arith.muli %scan3A_149, %mul3A_335 : i32
        %mul3A_337 = arith.constant 50 : i32
        %mul3A_338 = arith.muli %mul3A_336, %mul3A_337 : i32
        %add3A_339 = arith.constant 0 : i32
        %add3A_340 = arith.addi %mul3A_338, %add3A_339 : i32
        %add3A_341 = arith.constant 13 : i32
        %add3A_342 = arith.addi %add3A_340, %add3A_341 : i32
        %get3A_343 = arith.constant 0 : i32
        %get3A_344 = arith.index_cast %get3A_343 : i32 to index
        %get3A_345 = arith.index_cast %add3A_342 : i32 to index
        %get3A_346 = arith.constant 0 : index
        %get3A_347 = tpu.vector_load %arg7[%get3A_344, %get3A_345, %get3A_346] {strides = array<i32>} : memref<4x800x16xf32, #tpu.memory_space<vmem>>, vector<1x1x16xf32>,
        %get3A_348 = vector.shape_cast %get3A_347 : vector<1x1x16xf32> to vector<16xf32>
        %mul3A_349 = arith.constant 2 : i32
        %mul3A_350 = arith.muli %scan3A_149, %mul3A_349 : i32
        %mul3A_351 = arith.constant 50 : i32
        %mul3A_352 = arith.muli %mul3A_350, %mul3A_351 : i32
        %add3A_353 = arith.constant 0 : i32
        %add3A_354 = arith.addi %mul3A_352, %add3A_353 : i32
        %add3A_355 = arith.constant 14 : i32
        %add3A_356 = arith.addi %add3A_354, %add3A_355 : i32
        %get3A_357 = arith.constant 0 : i32
        %get3A_358 = arith.index_cast %get3A_357 : i32 to index
        %get3A_359 = arith.index_cast %add3A_356 : i32 to index
        %get3A_360 = arith.constant 0 : index
        %get3A_361 = tpu.vector_load %arg7[%get3A_358, %get3A_359, %get3A_360] {strides = array<i32>} : memref<4x800x16xf32, #tpu.memory_space<vmem>>, vector<1x1x16xf32>,
        %get3A_362 = vector.shape_cast %get3A_361 : vector<1x1x16xf32> to vector<16xf32>
        %mul3A_363 = arith.constant 2 : i32
        %mul3A_364 = arith.muli %scan3A_149, %mul3A_363 : i32
        %mul3A_365 = arith.constant 50 : i32
        %mul3A_366 = arith.muli %mul3A_364, %mul3A_365 : i32
        %add3A_367 = arith.constant 0 : i32
        %add3A_368 = arith.addi %mul3A_366, %add3A_367 : i32
        %add3A_369 = arith.constant 15 : i32
        %add3A_370 = arith.addi %add3A_368, %add3A_369 : i32
        %get3A_371 = arith.constant 0 : i32
        %get3A_372 = arith.index_cast %get3A_371 : i32 to index
        %get3A_373 = arith.index_cast %add3A_370 : i32 to index
        %get3A_374 = arith.constant 0 : index
        %get3A_375 = tpu.vector_load %arg7[%get3A_372, %get3A_373, %get3A_374] {strides = array<i32>} : memref<4x800x16xf32, #tpu.memory_space<vmem>>, vector<1x1x16xf32>,
        %get3A_376 = vector.shape_cast %get3A_375 : vector<1x1x16xf32> to vector<16xf32>
        %mul3A_377 = arith.constant 2 : i32
        %mul3A_378 = arith.muli %scan3A_149, %mul3A_377 : i32
        %mul3A_379 = arith.constant 50 : i32
        %mul3A_380 = arith.muli %mul3A_378, %mul3A_379 : i32
        %add3A_381 = arith.constant 0 : i32
        %add3A_382 = arith.addi %mul3A_380, %add3A_381 : i32
        %add3A_383 = arith.constant 16 : i32
        %add3A_384 = arith.addi %add3A_382, %add3A_383 : i32
        %get3A_385 = arith.constant 0 : i32
        %get3A_386 = arith.index_cast %get3A_385 : i32 to index
        %get3A_387 = arith.index_cast %add3A_384 : i32 to index
        %get3A_388 = arith.constant 0 : index
        %get3A_389 = tpu.vector_load %arg7[%get3A_386, %get3A_387, %get3A_388] {strides = array<i32>} : memref<4x800x16xf32, #tpu.memory_space<vmem>>, vector<1x1x16xf32>,
        %get3A_390 = vector.shape_cast %get3A_389 : vector<1x1x16xf32> to vector<16xf32>
        %mul3A_391 = arith.constant 2 : i32
        %mul3A_392 = arith.muli %scan3A_149, %mul3A_391 : i32
        %mul3A_393 = arith.constant 50 : i32
        %mul3A_394 = arith.muli %mul3A_392, %mul3A_393 : i32
        %add3A_395 = arith.constant 0 : i32
        %add3A_396 = arith.addi %mul3A_394, %add3A_395 : i32
        %add3A_397 = arith.constant 17 : i32
        %add3A_398 = arith.addi %add3A_396, %add3A_397 : i32
        %get3A_399 = arith.constant 0 : i32
        %get3A_400 = arith.index_cast %get3A_399 : i32 to index
        %get3A_401 = arith.index_cast %add3A_398 : i32 to index
        %get3A_402 = arith.constant 0 : index
        %get3A_403 = tpu.vector_load %arg7[%get3A_400, %get3A_401, %get3A_402] {strides = array<i32>} : memref<4x800x16xf32, #tpu.memory_space<vmem>>, vector<1x1x16xf32>,
        %get3A_404 = vector.shape_cast %get3A_403 : vector<1x1x16xf32> to vector<16xf32>
        %mul3A_405 = arith.constant 2 : i32
        %mul3A_406 = arith.muli %scan3A_149, %mul3A_405 : i32
        %mul3A_407 = arith.constant 50 : i32
        %mul3A_408 = arith.muli %mul3A_406, %mul3A_407 : i32
        %add3A_409 = arith.constant 0 : i32
        %add3A_410 = arith.addi %mul3A_408, %add3A_409 : i32
        %add3A_411 = arith.constant 18 : i32
        %add3A_412 = arith.addi %add3A_410, %add3A_411 : i32
        %get3A_413 = arith.constant 0 : i32
        %get3A_414 = arith.index_cast %get3A_413 : i32 to index
        %get3A_415 = arith.index_cast %add3A_412 : i32 to index
        %get3A_416 = arith.constant 0 : index
        %get3A_417 = tpu.vector_load %arg7[%get3A_414, %get3A_415, %get3A_416] {strides = array<i32>} : memref<4x800x16xf32, #tpu.memory_space<vmem>>, vector<1x1x16xf32>,
        %get3A_418 = vector.shape_cast %get3A_417 : vector<1x1x16xf32> to vector<16xf32>
        %mul3A_419 = arith.constant 2 : i32
        %mul3A_420 = arith.muli %scan3A_149, %mul3A_419 : i32
        %mul3A_421 = arith.constant 50 : i32
        %mul3A_422 = arith.muli %mul3A_420, %mul3A_421 : i32
        %add3A_423 = arith.constant 0 : i32
        %add3A_424 = arith.addi %mul3A_422, %add3A_423 : i32
        %add3A_425 = arith.constant 19 : i32
        %add3A_426 = arith.addi %add3A_424, %add3A_425 : i32
        %get3A_427 = arith.constant 0 : i32
        %get3A_428 = arith.index_cast %get3A_427 : i32 to index
        %get3A_429 = arith.index_cast %add3A_426 : i32 to index
        %get3A_430 = arith.constant 0 : index
        %get3A_431 = tpu.vector_load %arg7[%get3A_428, %get3A_429, %get3A_430] {strides = array<i32>} : memref<4x800x16xf32, #tpu.memory_space<vmem>>, vector<1x1x16xf32>,
        %get3A_432 = vector.shape_cast %get3A_431 : vector<1x1x16xf32> to vector<16xf32>
        %mul3A_433 = arith.constant 2 : i32
        %mul3A_434 = arith.muli %scan3A_149, %mul3A_433 : i32
        %mul3A_435 = arith.constant 50 : i32
        %mul3A_436 = arith.muli %mul3A_434, %mul3A_435 : i32
        %add3A_437 = arith.constant 0 : i32
        %add3A_438 = arith.addi %mul3A_436, %add3A_437 : i32
        %add3A_439 = arith.constant 20 : i32
        %add3A_440 = arith.addi %add3A_438, %add3A_439 : i32
        %get3A_441 = arith.constant 0 : i32
        %get3A_442 = arith.index_cast %get3A_441 : i32 to index
        %get3A_443 = arith.index_cast %add3A_440 : i32 to index
        %get3A_444 = arith.constant 0 : index
        %get3A_445 = tpu.vector_load %arg7[%get3A_442, %get3A_443, %get3A_444] {strides = array<i32>} : memref<4x800x16xf32, #tpu.memory_space<vmem>>, vector<1x1x16xf32>,
        %get3A_446 = vector.shape_cast %get3A_445 : vector<1x1x16xf32> to vector<16xf32>
        %mul3A_447 = arith.constant 2 : i32
        %mul3A_448 = arith.muli %scan3A_149, %mul3A_447 : i32
        %mul3A_449 = arith.constant 50 : i32
        %mul3A_450 = arith.muli %mul3A_448, %mul3A_449 : i32
        %add3A_451 = arith.constant 0 : i32
        %add3A_452 = arith.addi %mul3A_450, %add3A_451 : i32
        %add3A_453 = arith.constant 21 : i32
        %add3A_454 = arith.addi %add3A_452, %add3A_453 : i32
        %get3A_455 = arith.constant 0 : i32
        %get3A_456 = arith.index_cast %get3A_455 : i32 to index
        %get3A_457 = arith.index_cast %add3A_454 : i32 to index
        %get3A_458 = arith.constant 0 : index
        %get3A_459 = tpu.vector_load %arg7[%get3A_456, %get3A_457, %get3A_458] {strides = array<i32>} : memref<4x800x16xf32, #tpu.memory_space<vmem>>, vector<1x1x16xf32>,
        %get3A_460 = vector.shape_cast %get3A_459 : vector<1x1x16xf32> to vector<16xf32>
        %mul3A_461 = arith.constant 2 : i32
        %mul3A_462 = arith.muli %scan3A_149, %mul3A_461 : i32
        %mul3A_463 = arith.constant 50 : i32
        %mul3A_464 = arith.muli %mul3A_462, %mul3A_463 : i32
        %add3A_465 = arith.constant 0 : i32
        %add3A_466 = arith.addi %mul3A_464, %add3A_465 : i32
        %add3A_467 = arith.constant 22 : i32
        %add3A_468 = arith.addi %add3A_466, %add3A_467 : i32
        %get3A_469 = arith.constant 0 : i32
        %get3A_470 = arith.index_cast %get3A_469 : i32 to index
        %get3A_471 = arith.index_cast %add3A_468 : i32 to index
        %get3A_472 = arith.constant 0 : index
        %get3A_473 = tpu.vector_load %arg7[%get3A_470, %get3A_471, %get3A_472] {strides = array<i32>} : memref<4x800x16xf32, #tpu.memory_space<vmem>>, vector<1x1x16xf32>,
        %get3A_474 = vector.shape_cast %get3A_473 : vector<1x1x16xf32> to vector<16xf32>
        %mul3A_475 = arith.constant 2 : i32
        %mul3A_476 = arith.muli %scan3A_149, %mul3A_475 : i32
        %mul3A_477 = arith.constant 50 : i32
        %mul3A_478 = arith.muli %mul3A_476, %mul3A_477 : i32
        %add3A_479 = arith.constant 0 : i32
        %add3A_480 = arith.addi %mul3A_478, %add3A_479 : i32
        %add3A_481 = arith.constant 23 : i32
        %add3A_482 = arith.addi %add3A_480, %add3A_481 : i32
        %get3A_483 = arith.constant 0 : i32
        %get3A_484 = arith.index_cast %get3A_483 : i32 to index
        %get3A_485 = arith.index_cast %add3A_482 : i32 to index
        %get3A_486 = arith.constant 0 : index
        %get3A_487 = tpu.vector_load %arg7[%get3A_484, %get3A_485, %get3A_486] {strides = array<i32>} : memref<4x800x16xf32, #tpu.memory_space<vmem>>, vector<1x1x16xf32>,
        %get3A_488 = vector.shape_cast %get3A_487 : vector<1x1x16xf32> to vector<16xf32>
        %mul3A_489 = arith.constant 2 : i32
        %mul3A_490 = arith.muli %scan3A_149, %mul3A_489 : i32
        %mul3A_491 = arith.constant 50 : i32
        %mul3A_492 = arith.muli %mul3A_490, %mul3A_491 : i32
        %add3A_493 = arith.constant 0 : i32
        %add3A_494 = arith.addi %mul3A_492, %add3A_493 : i32
        %add3A_495 = arith.constant 24 : i32
        %add3A_496 = arith.addi %add3A_494, %add3A_495 : i32
        %get3A_497 = arith.constant 0 : i32
        %get3A_498 = arith.index_cast %get3A_497 : i32 to index
        %get3A_499 = arith.index_cast %add3A_496 : i32 to index
        %get3A_500 = arith.constant 0 : index
        %get3A_501 = tpu.vector_load %arg7[%get3A_498, %get3A_499, %get3A_500] {strides = array<i32>} : memref<4x800x16xf32, #tpu.memory_space<vmem>>, vector<1x1x16xf32>,
        %get3A_502 = vector.shape_cast %get3A_501 : vector<1x1x16xf32> to vector<16xf32>
        %mul3A_503 = arith.constant 2 : i32
        %mul3A_504 = arith.muli %scan3A_149, %mul3A_503 : i32
        %mul3A_505 = arith.constant 50 : i32
        %mul3A_506 = arith.muli %mul3A_504, %mul3A_505 : i32
        %add3A_507 = arith.constant 0 : i32
        %add3A_508 = arith.addi %mul3A_506, %add3A_507 : i32
        %add3A_509 = arith.constant 25 : i32
        %add3A_510 = arith.addi %add3A_508, %add3A_509 : i32
        %get3A_511 = arith.constant 0 : i32
        %get3A_512 = arith.index_cast %get3A_511 : i32 to index
        %get3A_513 = arith.index_cast %add3A_510 : i32 to index
        %get3A_514 = arith.constant 0 : index
        %get3A_515 = tpu.vector_load %arg7[%get3A_512, %get3A_513, %get3A_514] {strides = array<i32>} : memref<4x800x16xf32, #tpu.memory_space<vmem>>, vector<1x1x16xf32>,
        %get3A_516 = vector.shape_cast %get3A_515 : vector<1x1x16xf32> to vector<16xf32>
        %mul3A_517 = arith.constant 2 : i32
        %mul3A_518 = arith.muli %scan3A_149, %mul3A_517 : i32
        %mul3A_519 = arith.constant 50 : i32
        %mul3A_520 = arith.muli %mul3A_518, %mul3A_519 : i32
        %add3A_521 = arith.constant 0 : i32
        %add3A_522 = arith.addi %mul3A_520, %add3A_521 : i32
        %add3A_523 = arith.constant 26 : i32
        %add3A_524 = arith.addi %add3A_522, %add3A_523 : i32
        %get3A_525 = arith.constant 0 : i32
        %get3A_526 = arith.index_cast %get3A_525 : i32 to index
        %get3A_527 = arith.index_cast %add3A_524 : i32 to index
        %get3A_528 = arith.constant 0 : index
        %get3A_529 = tpu.vector_load %arg7[%get3A_526, %get3A_527, %get3A_528] {strides = array<i32>} : memref<4x800x16xf32, #tpu.memory_space<vmem>>, vector<1x1x16xf32>,
        %get3A_530 = vector.shape_cast %get3A_529 : vector<1x1x16xf32> to vector<16xf32>
        %mul3A_531 = arith.constant 2 : i32
        %mul3A_532 = arith.muli %scan3A_149, %mul3A_531 : i32
        %mul3A_533 = arith.constant 50 : i32
        %mul3A_534 = arith.muli %mul3A_532, %mul3A_533 : i32
        %add3A_535 = arith.constant 0 : i32
        %add3A_536 = arith.addi %mul3A_534, %add3A_535 : i32
        %add3A_537 = arith.constant 27 : i32
        %add3A_538 = arith.addi %add3A_536, %add3A_537 : i32
        %get3A_539 = arith.constant 0 : i32
        %get3A_540 = arith.index_cast %get3A_539 : i32 to index
        %get3A_541 = arith.index_cast %add3A_538 : i32 to index
        %get3A_542 = arith.constant 0 : index
        %get3A_543 = tpu.vector_load %arg7[%get3A_540, %get3A_541, %get3A_542] {strides = array<i32>} : memref<4x800x16xf32, #tpu.memory_space<vmem>>, vector<1x1x16xf32>,
        %get3A_544 = vector.shape_cast %get3A_543 : vector<1x1x16xf32> to vector<16xf32>
        %mul3A_545 = arith.constant 2 : i32
        %mul3A_546 = arith.muli %scan3A_149, %mul3A_545 : i32
        %mul3A_547 = arith.constant 50 : i32
        %mul3A_548 = arith.muli %mul3A_546, %mul3A_547 : i32
        %add3A_549 = arith.constant 0 : i32
        %add3A_550 = arith.addi %mul3A_548, %add3A_549 : i32
        %add3A_551 = arith.constant 28 : i32
        %add3A_552 = arith.addi %add3A_550, %add3A_551 : i32
        %get3A_553 = arith.constant 0 : i32
        %get3A_554 = arith.index_cast %get3A_553 : i32 to index
        %get3A_555 = arith.index_cast %add3A_552 : i32 to index
        %get3A_556 = arith.constant 0 : index
        %get3A_557 = tpu.vector_load %arg7[%get3A_554, %get3A_555, %get3A_556] {strides = array<i32>} : memref<4x800x16xf32, #tpu.memory_space<vmem>>, vector<1x1x16xf32>,
        %get3A_558 = vector.shape_cast %get3A_557 : vector<1x1x16xf32> to vector<16xf32>
        %mul3A_559 = arith.constant 2 : i32
        %mul3A_560 = arith.muli %scan3A_149, %mul3A_559 : i32
        %mul3A_561 = arith.constant 50 : i32
        %mul3A_562 = arith.muli %mul3A_560, %mul3A_561 : i32
        %add3A_563 = arith.constant 0 : i32
        %add3A_564 = arith.addi %mul3A_562, %add3A_563 : i32
        %add3A_565 = arith.constant 29 : i32
        %add3A_566 = arith.addi %add3A_564, %add3A_565 : i32
        %get3A_567 = arith.constant 0 : i32
        %get3A_568 = arith.index_cast %get3A_567 : i32 to index
        %get3A_569 = arith.index_cast %add3A_566 : i32 to index
        %get3A_570 = arith.constant 0 : index
        %get3A_571 = tpu.vector_load %arg7[%get3A_568, %get3A_569, %get3A_570] {strides = array<i32>} : memref<4x800x16xf32, #tpu.memory_space<vmem>>, vector<1x1x16xf32>,
        %get3A_572 = vector.shape_cast %get3A_571 : vector<1x1x16xf32> to vector<16xf32>
        %mul3A_573 = arith.constant 2 : i32
        %mul3A_574 = arith.muli %scan3A_149, %mul3A_573 : i32
        %mul3A_575 = arith.constant 50 : i32
        %mul3A_576 = arith.muli %mul3A_574, %mul3A_575 : i32
        %add3A_577 = arith.constant 0 : i32
        %add3A_578 = arith.addi %mul3A_576, %add3A_577 : i32
        %add3A_579 = arith.constant 30 : i32
        %add3A_580 = arith.addi %add3A_578, %add3A_579 : i32
        %get3A_581 = arith.constant 0 : i32
        %get3A_582 = arith.index_cast %get3A_581 : i32 to index
        %get3A_583 = arith.index_cast %add3A_580 : i32 to index
        %get3A_584 = arith.constant 0 : index
        %get3A_585 = tpu.vector_load %arg7[%get3A_582, %get3A_583, %get3A_584] {strides = array<i32>} : memref<4x800x16xf32, #tpu.memory_space<vmem>>, vector<1x1x16xf32>,
        %get3A_586 = vector.shape_cast %get3A_585 : vector<1x1x16xf32> to vector<16xf32>
        %mul3A_587 = arith.constant 2 : i32
        %mul3A_588 = arith.muli %scan3A_149, %mul3A_587 : i32
        %mul3A_589 = arith.constant 50 : i32
        %mul3A_590 = arith.muli %mul3A_588, %mul3A_589 : i32
        %add3A_591 = arith.constant 0 : i32
        %add3A_592 = arith.addi %mul3A_590, %add3A_591 : i32
        %add3A_593 = arith.constant 31 : i32
        %add3A_594 = arith.addi %add3A_592, %add3A_593 : i32
        %get3A_595 = arith.constant 0 : i32
        %get3A_596 = arith.index_cast %get3A_595 : i32 to index
        %get3A_597 = arith.index_cast %add3A_594 : i32 to index
        %get3A_598 = arith.constant 0 : index
        %get3A_599 = tpu.vector_load %arg7[%get3A_596, %get3A_597, %get3A_598] {strides = array<i32>} : memref<4x800x16xf32, #tpu.memory_space<vmem>>, vector<1x1x16xf32>,
        %get3A_600 = vector.shape_cast %get3A_599 : vector<1x1x16xf32> to vector<16xf32>
        %mul3A_601 = arith.constant 2 : i32
        %mul3A_602 = arith.muli %scan3A_149, %mul3A_601 : i32
        %mul3A_603 = arith.constant 50 : i32
        %mul3A_604 = arith.muli %mul3A_602, %mul3A_603 : i32
        %add3A_605 = arith.constant 0 : i32
        %add3A_606 = arith.addi %mul3A_604, %add3A_605 : i32
        %add3A_607 = arith.constant 32 : i32
        %add3A_608 = arith.addi %add3A_606, %add3A_607 : i32
        %get3A_609 = arith.constant 0 : i32
        %get3A_610 = arith.index_cast %get3A_609 : i32 to index
        %get3A_611 = arith.index_cast %add3A_608 : i32 to index
        %get3A_612 = arith.constant 0 : index
        %get3A_613 = tpu.vector_load %arg7[%get3A_610, %get3A_611, %get3A_612] {strides = array<i32>} : memref<4x800x16xf32, #tpu.memory_space<vmem>>, vector<1x1x16xf32>,
        %get3A_614 = vector.shape_cast %get3A_613 : vector<1x1x16xf32> to vector<16xf32>
        %mul3A_615 = arith.constant 2 : i32
        %mul3A_616 = arith.muli %scan3A_149, %mul3A_615 : i32
        %mul3A_617 = arith.constant 50 : i32
        %mul3A_618 = arith.muli %mul3A_616, %mul3A_617 : i32
        %add3A_619 = arith.constant 0 : i32
        %add3A_620 = arith.addi %mul3A_618, %add3A_619 : i32
        %add3A_621 = arith.constant 33 : i32
        %add3A_622 = arith.addi %add3A_620, %add3A_621 : i32
        %get3A_623 = arith.constant 0 : i32
        %get3A_624 = arith.index_cast %get3A_623 : i32 to index
        %get3A_625 = arith.index_cast %add3A_622 : i32 to index
        %get3A_626 = arith.constant 0 : index
        %get3A_627 = tpu.vector_load %arg7[%get3A_624, %get3A_625, %get3A_626] {strides = array<i32>} : memref<4x800x16xf32, #tpu.memory_space<vmem>>, vector<1x1x16xf32>,
        %get3A_628 = vector.shape_cast %get3A_627 : vector<1x1x16xf32> to vector<16xf32>
        %mul3A_629 = arith.constant 2 : i32
        %mul3A_630 = arith.muli %scan3A_149, %mul3A_629 : i32
        %mul3A_631 = arith.constant 50 : i32
        %mul3A_632 = arith.muli %mul3A_630, %mul3A_631 : i32
        %add3A_633 = arith.constant 0 : i32
        %add3A_634 = arith.addi %mul3A_632, %add3A_633 : i32
        %add3A_635 = arith.constant 34 : i32
        %add3A_636 = arith.addi %add3A_634, %add3A_635 : i32
        %get3A_637 = arith.constant 0 : i32
        %get3A_638 = arith.index_cast %get3A_637 : i32 to index
        %get3A_639 = arith.index_cast %add3A_636 : i32 to index
        %get3A_640 = arith.constant 0 : index
        %get3A_641 = tpu.vector_load %arg7[%get3A_638, %get3A_639, %get3A_640] {strides = array<i32>} : memref<4x800x16xf32, #tpu.memory_space<vmem>>, vector<1x1x16xf32>,
        %get3A_642 = vector.shape_cast %get3A_641 : vector<1x1x16xf32> to vector<16xf32>
        %mul3A_643 = arith.constant 2 : i32
        %mul3A_644 = arith.muli %scan3A_149, %mul3A_643 : i32
        %mul3A_645 = arith.constant 50 : i32
        %mul3A_646 = arith.muli %mul3A_644, %mul3A_645 : i32
        %add3A_647 = arith.constant 0 : i32
        %add3A_648 = arith.addi %mul3A_646, %add3A_647 : i32
        %add3A_649 = arith.constant 35 : i32
        %add3A_650 = arith.addi %add3A_648, %add3A_649 : i32
        %get3A_651 = arith.constant 0 : i32
        %get3A_652 = arith.index_cast %get3A_651 : i32 to index
        %get3A_653 = arith.index_cast %add3A_650 : i32 to index
        %get3A_654 = arith.constant 0 : index
        %get3A_655 = tpu.vector_load %arg7[%get3A_652, %get3A_653, %get3A_654] {strides = array<i32>} : memref<4x800x16xf32, #tpu.memory_space<vmem>>, vector<1x1x16xf32>,
        %get3A_656 = vector.shape_cast %get3A_655 : vector<1x1x16xf32> to vector<16xf32>
        %mul3A_657 = arith.constant 2 : i32
        %mul3A_658 = arith.muli %scan3A_149, %mul3A_657 : i32
        %mul3A_659 = arith.constant 50 : i32
        %mul3A_660 = arith.muli %mul3A_658, %mul3A_659 : i32
        %add3A_661 = arith.constant 0 : i32
        %add3A_662 = arith.addi %mul3A_660, %add3A_661 : i32
        %add3A_663 = arith.constant 36 : i32
        %add3A_664 = arith.addi %add3A_662, %add3A_663 : i32
        %get3A_665 = arith.constant 0 : i32
        %get3A_666 = arith.index_cast %get3A_665 : i32 to index
        %get3A_667 = arith.index_cast %add3A_664 : i32 to index
        %get3A_668 = arith.constant 0 : index
        %get3A_669 = tpu.vector_load %arg7[%get3A_666, %get3A_667, %get3A_668] {strides = array<i32>} : memref<4x800x16xf32, #tpu.memory_space<vmem>>, vector<1x1x16xf32>,
        %get3A_670 = vector.shape_cast %get3A_669 : vector<1x1x16xf32> to vector<16xf32>
        %mul3A_671 = arith.constant 2 : i32
        %mul3A_672 = arith.muli %scan3A_149, %mul3A_671 : i32
        %mul3A_673 = arith.constant 50 : i32
        %mul3A_674 = arith.muli %mul3A_672, %mul3A_673 : i32
        %add3A_675 = arith.constant 0 : i32
        %add3A_676 = arith.addi %mul3A_674, %add3A_675 : i32
        %add3A_677 = arith.constant 37 : i32
        %add3A_678 = arith.addi %add3A_676, %add3A_677 : i32
        %get3A_679 = arith.constant 0 : i32
        %get3A_680 = arith.index_cast %get3A_679 : i32 to index
        %get3A_681 = arith.index_cast %add3A_678 : i32 to index
        %get3A_682 = arith.constant 0 : index
        %get3A_683 = tpu.vector_load %arg7[%get3A_680, %get3A_681, %get3A_682] {strides = array<i32>} : memref<4x800x16xf32, #tpu.memory_space<vmem>>, vector<1x1x16xf32>,
        %get3A_684 = vector.shape_cast %get3A_683 : vector<1x1x16xf32> to vector<16xf32>
        %mul3A_685 = arith.constant 2 : i32
        %mul3A_686 = arith.muli %scan3A_149, %mul3A_685 : i32
        %mul3A_687 = arith.constant 50 : i32
        %mul3A_688 = arith.muli %mul3A_686, %mul3A_687 : i32
        %add3A_689 = arith.constant 0 : i32
        %add3A_690 = arith.addi %mul3A_688, %add3A_689 : i32
        %add3A_691 = arith.constant 38 : i32
        %add3A_692 = arith.addi %add3A_690, %add3A_691 : i32
        %get3A_693 = arith.constant 0 : i32
        %get3A_694 = arith.index_cast %get3A_693 : i32 to index
        %get3A_695 = arith.index_cast %add3A_692 : i32 to index
        %get3A_696 = arith.constant 0 : index
        %get3A_697 = tpu.vector_load %arg7[%get3A_694, %get3A_695, %get3A_696] {strides = array<i32>} : memref<4x800x16xf32, #tpu.memory_space<vmem>>, vector<1x1x16xf32>,
        %get3A_698 = vector.shape_cast %get3A_697 : vector<1x1x16xf32> to vector<16xf32>
        %mul3A_699 = arith.constant 2 : i32
        %mul3A_700 = arith.muli %scan3A_149, %mul3A_699 : i32
        %mul3A_701 = arith.constant 50 : i32
        %mul3A_702 = arith.muli %mul3A_700, %mul3A_701 : i32
        %add3A_703 = arith.constant 0 : i32
        %add3A_704 = arith.addi %mul3A_702, %add3A_703 : i32
        %add3A_705 = arith.constant 39 : i32
        %add3A_706 = arith.addi %add3A_704, %add3A_705 : i32
        %get3A_707 = arith.constant 0 : i32
        %get3A_708 = arith.index_cast %get3A_707 : i32 to index
        %get3A_709 = arith.index_cast %add3A_706 : i32 to index
        %get3A_710 = arith.constant 0 : index
        %get3A_711 = tpu.vector_load %arg7[%get3A_708, %get3A_709, %get3A_710] {strides = array<i32>} : memref<4x800x16xf32, #tpu.memory_space<vmem>>, vector<1x1x16xf32>,
        %get3A_712 = vector.shape_cast %get3A_711 : vector<1x1x16xf32> to vector<16xf32>
        %mul3A_713 = arith.constant 2 : i32
        %mul3A_714 = arith.muli %scan3A_149, %mul3A_713 : i32
        %mul3A_715 = arith.constant 50 : i32
        %mul3A_716 = arith.muli %mul3A_714, %mul3A_715 : i32
        %add3A_717 = arith.constant 0 : i32
        %add3A_718 = arith.addi %mul3A_716, %add3A_717 : i32
        %add3A_719 = arith.constant 40 : i32
        %add3A_720 = arith.addi %add3A_718, %add3A_719 : i32
        %get3A_721 = arith.constant 0 : i32
        %get3A_722 = arith.index_cast %get3A_721 : i32 to index
        %get3A_723 = arith.index_cast %add3A_720 : i32 to index
        %get3A_724 = arith.constant 0 : index
        %get3A_725 = tpu.vector_load %arg7[%get3A_722, %get3A_723, %get3A_724] {strides = array<i32>} : memref<4x800x16xf32, #tpu.memory_space<vmem>>, vector<1x1x16xf32>,
        %get3A_726 = vector.shape_cast %get3A_725 : vector<1x1x16xf32> to vector<16xf32>
        %mul3A_727 = arith.constant 2 : i32
        %mul3A_728 = arith.muli %scan3A_149, %mul3A_727 : i32
        %mul3A_729 = arith.constant 50 : i32
        %mul3A_730 = arith.muli %mul3A_728, %mul3A_729 : i32
        %add3A_731 = arith.constant 0 : i32
        %add3A_732 = arith.addi %mul3A_730, %add3A_731 : i32
        %add3A_733 = arith.constant 41 : i32
        %add3A_734 = arith.addi %add3A_732, %add3A_733 : i32
        %get3A_735 = arith.constant 0 : i32
        %get3A_736 = arith.index_cast %get3A_735 : i32 to index
        %get3A_737 = arith.index_cast %add3A_734 : i32 to index
        %get3A_738 = arith.constant 0 : index
        %get3A_739 = tpu.vector_load %arg7[%get3A_736, %get3A_737, %get3A_738] {strides = array<i32>} : memref<4x800x16xf32, #tpu.memory_space<vmem>>, vector<1x1x16xf32>,
        %get3A_740 = vector.shape_cast %get3A_739 : vector<1x1x16xf32> to vector<16xf32>
        %mul3A_741 = arith.constant 2 : i32
        %mul3A_742 = arith.muli %scan3A_149, %mul3A_741 : i32
        %mul3A_743 = arith.constant 50 : i32
        %mul3A_744 = arith.muli %mul3A_742, %mul3A_743 : i32
        %add3A_745 = arith.constant 0 : i32
        %add3A_746 = arith.addi %mul3A_744, %add3A_745 : i32
        %add3A_747 = arith.constant 42 : i32
        %add3A_748 = arith.addi %add3A_746, %add3A_747 : i32
        %get3A_749 = arith.constant 0 : i32
        %get3A_750 = arith.index_cast %get3A_749 : i32 to index
        %get3A_751 = arith.index_cast %add3A_748 : i32 to index
        %get3A_752 = arith.constant 0 : index
        %get3A_753 = tpu.vector_load %arg7[%get3A_750, %get3A_751, %get3A_752] {strides = array<i32>} : memref<4x800x16xf32, #tpu.memory_space<vmem>>, vector<1x1x16xf32>,
        %get3A_754 = vector.shape_cast %get3A_753 : vector<1x1x16xf32> to vector<16xf32>
        %mul3A_755 = arith.constant 2 : i32
        %mul3A_756 = arith.muli %scan3A_149, %mul3A_755 : i32
        %mul3A_757 = arith.constant 50 : i32
        %mul3A_758 = arith.muli %mul3A_756, %mul3A_757 : i32
        %add3A_759 = arith.constant 0 : i32
        %add3A_760 = arith.addi %mul3A_758, %add3A_759 : i32
        %add3A_761 = arith.constant 43 : i32
        %add3A_762 = arith.addi %add3A_760, %add3A_761 : i32
        %get3A_763 = arith.constant 0 : i32
        %get3A_764 = arith.index_cast %get3A_763 : i32 to index
        %get3A_765 = arith.index_cast %add3A_762 : i32 to index
        %get3A_766 = arith.constant 0 : index
        %get3A_767 = tpu.vector_load %arg7[%get3A_764, %get3A_765, %get3A_766] {strides = array<i32>} : memref<4x800x16xf32, #tpu.memory_space<vmem>>, vector<1x1x16xf32>,
        %get3A_768 = vector.shape_cast %get3A_767 : vector<1x1x16xf32> to vector<16xf32>
        %mul3A_769 = arith.constant 2 : i32
        %mul3A_770 = arith.muli %scan3A_149, %mul3A_769 : i32
        %mul3A_771 = arith.constant 50 : i32
        %mul3A_772 = arith.muli %mul3A_770, %mul3A_771 : i32
        %add3A_773 = arith.constant 0 : i32
        %add3A_774 = arith.addi %mul3A_772, %add3A_773 : i32
        %add3A_775 = arith.constant 44 : i32
        %add3A_776 = arith.addi %add3A_774, %add3A_775 : i32
        %get3A_777 = arith.constant 0 : i32
        %get3A_778 = arith.index_cast %get3A_777 : i32 to index
        %get3A_779 = arith.index_cast %add3A_776 : i32 to index
        %get3A_780 = arith.constant 0 : index
        %get3A_781 = tpu.vector_load %arg7[%get3A_778, %get3A_779, %get3A_780] {strides = array<i32>} : memref<4x800x16xf32, #tpu.memory_space<vmem>>, vector<1x1x16xf32>,
        %get3A_782 = vector.shape_cast %get3A_781 : vector<1x1x16xf32> to vector<16xf32>
        %mul3A_783 = arith.constant 2 : i32
        %mul3A_784 = arith.muli %scan3A_149, %mul3A_783 : i32
        %mul3A_785 = arith.constant 50 : i32
        %mul3A_786 = arith.muli %mul3A_784, %mul3A_785 : i32
        %add3A_787 = arith.constant 0 : i32
        %add3A_788 = arith.addi %mul3A_786, %add3A_787 : i32
        %add3A_789 = arith.constant 45 : i32
        %add3A_790 = arith.addi %add3A_788, %add3A_789 : i32
        %get3A_791 = arith.constant 0 : i32
        %get3A_792 = arith.index_cast %get3A_791 : i32 to index
        %get3A_793 = arith.index_cast %add3A_790 : i32 to index
        %get3A_794 = arith.constant 0 : index
        %get3A_795 = tpu.vector_load %arg7[%get3A_792, %get3A_793, %get3A_794] {strides = array<i32>} : memref<4x800x16xf32, #tpu.memory_space<vmem>>, vector<1x1x16xf32>,
        %get3A_796 = vector.shape_cast %get3A_795 : vector<1x1x16xf32> to vector<16xf32>
        %mul3A_797 = arith.constant 2 : i32
        %mul3A_798 = arith.muli %scan3A_149, %mul3A_797 : i32
        %mul3A_799 = arith.constant 50 : i32
        %mul3A_800 = arith.muli %mul3A_798, %mul3A_799 : i32
        %add3A_801 = arith.constant 0 : i32
        %add3A_802 = arith.addi %mul3A_800, %add3A_801 : i32
        %add3A_803 = arith.constant 46 : i32
        %add3A_804 = arith.addi %add3A_802, %add3A_803 : i32
        %get3A_805 = arith.constant 0 : i32
        %get3A_806 = arith.index_cast %get3A_805 : i32 to index
        %get3A_807 = arith.index_cast %add3A_804 : i32 to index
        %get3A_808 = arith.constant 0 : index
        %get3A_809 = tpu.vector_load %arg7[%get3A_806, %get3A_807, %get3A_808] {strides = array<i32>} : memref<4x800x16xf32, #tpu.memory_space<vmem>>, vector<1x1x16xf32>,
        %get3A_810 = vector.shape_cast %get3A_809 : vector<1x1x16xf32> to vector<16xf32>
        %mul3A_811 = arith.constant 2 : i32
        %mul3A_812 = arith.muli %scan3A_149, %mul3A_811 : i32
        %mul3A_813 = arith.constant 50 : i32
        %mul3A_814 = arith.muli %mul3A_812, %mul3A_813 : i32
        %add3A_815 = arith.constant 0 : i32
        %add3A_816 = arith.addi %mul3A_814, %add3A_815 : i32
        %add3A_817 = arith.constant 47 : i32
        %add3A_818 = arith.addi %add3A_816, %add3A_817 : i32
        %get3A_819 = arith.constant 0 : i32
        %get3A_820 = arith.index_cast %get3A_819 : i32 to index
        %get3A_821 = arith.index_cast %add3A_818 : i32 to index
        %get3A_822 = arith.constant 0 : index
        %get3A_823 = tpu.vector_load %arg7[%get3A_820, %get3A_821, %get3A_822] {strides = array<i32>} : memref<4x800x16xf32, #tpu.memory_space<vmem>>, vector<1x1x16xf32>,
        %get3A_824 = vector.shape_cast %get3A_823 : vector<1x1x16xf32> to vector<16xf32>
        %mul3A_825 = arith.constant 2 : i32
        %mul3A_826 = arith.muli %scan3A_149, %mul3A_825 : i32
        %mul3A_827 = arith.constant 50 : i32
        %mul3A_828 = arith.muli %mul3A_826, %mul3A_827 : i32
        %add3A_829 = arith.constant 0 : i32
        %add3A_830 = arith.addi %mul3A_828, %add3A_829 : i32
        %add3A_831 = arith.constant 48 : i32
        %add3A_832 = arith.addi %add3A_830, %add3A_831 : i32
        %get3A_833 = arith.constant 0 : i32
        %get3A_834 = arith.index_cast %get3A_833 : i32 to index
        %get3A_835 = arith.index_cast %add3A_832 : i32 to index
        %get3A_836 = arith.constant 0 : index
        %get3A_837 = tpu.vector_load %arg7[%get3A_834, %get3A_835, %get3A_836] {strides = array<i32>} : memref<4x800x16xf32, #tpu.memory_space<vmem>>, vector<1x1x16xf32>,
        %get3A_838 = vector.shape_cast %get3A_837 : vector<1x1x16xf32> to vector<16xf32>
        %mul3A_839 = arith.constant 2 : i32
        %mul3A_840 = arith.muli %scan3A_149, %mul3A_839 : i32
        %mul3A_841 = arith.constant 50 : i32
        %mul3A_842 = arith.muli %mul3A_840, %mul3A_841 : i32
        %add3A_843 = arith.constant 0 : i32
        %add3A_844 = arith.addi %mul3A_842, %add3A_843 : i32
        %add3A_845 = arith.constant 49 : i32
        %add3A_846 = arith.addi %add3A_844, %add3A_845 : i32
        %get3A_847 = arith.constant 0 : i32
        %get3A_848 = arith.index_cast %get3A_847 : i32 to index
        %get3A_849 = arith.index_cast %add3A_846 : i32 to index
        %get3A_850 = arith.constant 0 : index
        %get3A_851 = tpu.vector_load %arg7[%get3A_848, %get3A_849, %get3A_850] {strides = array<i32>} : memref<4x800x16xf32, #tpu.memory_space<vmem>>, vector<1x1x16xf32>,
        %get3A_852 = vector.shape_cast %get3A_851 : vector<1x1x16xf32> to vector<16xf32>
        %add3A_853 = arith.addf %get3A_166, %get3A_180 : vector<16xf32>
        %add3A_854 = arith.addf %get3A_194, %get3A_208 : vector<16xf32>
        %add3A_855 = arith.addf %get3A_222, %get3A_236 : vector<16xf32>
        %add3A_856 = arith.addf %get3A_250, %get3A_264 : vector<16xf32>
        %add3A_857 = arith.addf %get3A_278, %get3A_292 : vector<16xf32>
        %add3A_858 = arith.addf %get3A_306, %get3A_320 : vector<16xf32>
        %add3A_859 = arith.addf %get3A_334, %get3A_348 : vector<16xf32>
        %add3A_860 = arith.addf %get3A_362, %get3A_376 : vector<16xf32>
        %add3A_861 = arith.addf %get3A_390, %get3A_404 : vector<16xf32>
        %add3A_862 = arith.addf %get3A_418, %get3A_432 : vector<16xf32>
        %add3A_863 = arith.addf %get3A_446, %get3A_460 : vector<16xf32>
        %add3A_864 = arith.addf %get3A_474, %get3A_488 : vector<16xf32>
        %add3A_865 = arith.addf %get3A_502, %get3A_516 : vector<16xf32>
        %add3A_866 = arith.addf %get3A_530, %get3A_544 : vector<16xf32>
        %add3A_867 = arith.addf %get3A_558, %get3A_572 : vector<16xf32>
        %add3A_868 = arith.addf %get3A_586, %get3A_600 : vector<16xf32>
        %add3A_869 = arith.addf %get3A_614, %get3A_628 : vector<16xf32>
        %add3A_870 = arith.addf %get3A_642, %get3A_656 : vector<16xf32>
        %add3A_871 = arith.addf %get3A_670, %get3A_684 : vector<16xf32>
        %add3A_872 = arith.addf %get3A_698, %get3A_712 : vector<16xf32>
        %add3A_873 = arith.addf %get3A_726, %get3A_740 : vector<16xf32>
        %add3A_874 = arith.addf %get3A_754, %get3A_768 : vector<16xf32>
        %add3A_875 = arith.addf %get3A_782, %get3A_796 : vector<16xf32>
        %add3A_876 = arith.addf %get3A_810, %get3A_824 : vector<16xf32>
        %add3A_877 = arith.addf %get3A_838, %get3A_852 : vector<16xf32>
        %add3A_878 = arith.addf %add3A_853, %add3A_854 : vector<16xf32>
        %add3A_879 = arith.addf %add3A_855, %add3A_856 : vector<16xf32>
        %add3A_880 = arith.addf %add3A_857, %add3A_858 : vector<16xf32>
        %add3A_881 = arith.addf %add3A_859, %add3A_860 : vector<16xf32>
        %add3A_882 = arith.addf %add3A_861, %add3A_862 : vector<16xf32>
        %add3A_883 = arith.addf %add3A_863, %add3A_864 : vector<16xf32>
        %add3A_884 = arith.addf %add3A_865, %add3A_866 : vector<16xf32>
        %add3A_885 = arith.addf %add3A_867, %add3A_868 : vector<16xf32>
        %add3A_886 = arith.addf %add3A_869, %add3A_870 : vector<16xf32>
        %add3A_887 = arith.addf %add3A_871, %add3A_872 : vector<16xf32>
        %add3A_888 = arith.addf %add3A_873, %add3A_874 : vector<16xf32>
        %add3A_889 = arith.addf %add3A_875, %add3A_876 : vector<16xf32>
        %add3A_890 = arith.addf %add3A_877, %get3A_4 : vector<16xf32>
        %add3A_891 = arith.addf %add3A_878, %add3A_879 : vector<16xf32>
        %add3A_892 = arith.addf %add3A_880, %add3A_881 : vector<16xf32>
        %add3A_893 = arith.addf %add3A_882, %add3A_883 : vector<16xf32>
        %add3A_894 = arith.addf %add3A_884, %add3A_885 : vector<16xf32>
        %add3A_895 = arith.addf %add3A_886, %add3A_887 : vector<16xf32>
        %add3A_896 = arith.addf %add3A_888, %add3A_889 : vector<16xf32>
        %add3A_897 = arith.addf %add3A_891, %add3A_892 : vector<16xf32>
        %add3A_898 = arith.addf %add3A_893, %add3A_894 : vector<16xf32>
        %add3A_899 = arith.addf %add3A_895, %add3A_896 : vector<16xf32>
        %add3A_900 = arith.addf %add3A_897, %add3A_898 : vector<16xf32>
        %add3A_901 = arith.addf %add3A_899, %add3A_890 : vector<16xf32>
        %add3A_902 = arith.addf %add3A_900, %add3A_901 : vector<16xf32>
        %mul3A_903 = arith.constant 2 : i32
        %mul3A_904 = arith.muli %add3A_152, %mul3A_903 : i32
        %add3A_905 = arith.constant 0 : i32
        %add3A_906 = arith.addi %mul3A_904, %add3A_905 : i32
        %swap3A = arith.index_cast %add3A_906 : i32 to index
        %swap3A_907 = arith.constant 0 : index
        %swap3A_908 = tpu.vector_load %arg8[%swap3A, %swap3A_907] {strides = array<i32>} : memref<512x16xf32, #tpu.memory_space<vmem>>, vector<1x16xf32>,
        %swap3A_909 = vector.shape_cast %swap3A_908 : vector<1x16xf32> to vector<16xf32>
        %swap3A_910 = vector.shape_cast %add3A_902 : vector<16xf32> to vector<1x16xf32>
        tpu.vector_store %arg8[%swap3A, %swap3A_907], %swap3A_910 {strides = array<i32>} : memref<512x16xf32, #tpu.memory_space<vmem>>, vector<1x16xf32>,
        %mul3A_911 = arith.constant 2 : i32
        %mul3A_912 = arith.muli %scan3A_149, %mul3A_911 : i32
        %mul3A_913 = arith.constant 50 : i32
        %mul3A_914 = arith.muli %mul3A_912, %mul3A_913 : i32
        %add3A_915 = arith.constant 50 : i32
        %add3A_916 = arith.addi %mul3A_914, %add3A_915 : i32
        %add3A_917 = arith.constant 0 : i32
        %add3A_918 = arith.addi %add3A_916, %add3A_917 : i32
        %get3A_919 = arith.constant 0 : i32
        %get3A_920 = arith.index_cast %get3A_919 : i32 to index
        %get3A_921 = arith.index_cast %add3A_918 : i32 to index
        %get3A_922 = arith.constant 0 : index
        %get3A_923 = tpu.vector_load %arg7[%get3A_920, %get3A_921, %get3A_922] {strides = array<i32>} : memref<4x800x16xf32, #tpu.memory_space<vmem>>, vector<1x1x16xf32>,
        %get3A_924 = vector.shape_cast %get3A_923 : vector<1x1x16xf32> to vector<16xf32>
        %mul3A_925 = arith.constant 2 : i32
        %mul3A_926 = arith.muli %scan3A_149, %mul3A_925 : i32
        %mul3A_927 = arith.constant 50 : i32
        %mul3A_928 = arith.muli %mul3A_926, %mul3A_927 : i32
        %add3A_929 = arith.constant 50 : i32
        %add3A_930 = arith.addi %mul3A_928, %add3A_929 : i32
        %add3A_931 = arith.constant 1 : i32
        %add3A_932 = arith.addi %add3A_930, %add3A_931 : i32
        %get3A_933 = arith.constant 0 : i32
        %get3A_934 = arith.index_cast %get3A_933 : i32 to index
        %get3A_935 = arith.index_cast %add3A_932 : i32 to index
        %get3A_936 = arith.constant 0 : index
        %get3A_937 = tpu.vector_load %arg7[%get3A_934, %get3A_935, %get3A_936] {strides = array<i32>} : memref<4x800x16xf32, #tpu.memory_space<vmem>>, vector<1x1x16xf32>,
        %get3A_938 = vector.shape_cast %get3A_937 : vector<1x1x16xf32> to vector<16xf32>
        %mul3A_939 = arith.constant 2 : i32
        %mul3A_940 = arith.muli %scan3A_149, %mul3A_939 : i32
        %mul3A_941 = arith.constant 50 : i32
        %mul3A_942 = arith.muli %mul3A_940, %mul3A_941 : i32
        %add3A_943 = arith.constant 50 : i32
        %add3A_944 = arith.addi %mul3A_942, %add3A_943 : i32
        %add3A_945 = arith.constant 2 : i32
        %add3A_946 = arith.addi %add3A_944, %add3A_945 : i32
        %get3A_947 = arith.constant 0 : i32
        %get3A_948 = arith.index_cast %get3A_947 : i32 to index
        %get3A_949 = arith.index_cast %add3A_946 : i32 to index
        %get3A_950 = arith.constant 0 : index
        %get3A_951 = tpu.vector_load %arg7[%get3A_948, %get3A_949, %get3A_950] {strides = array<i32>} : memref<4x800x16xf32, #tpu.memory_space<vmem>>, vector<1x1x16xf32>,
        %get3A_952 = vector.shape_cast %get3A_951 : vector<1x1x16xf32> to vector<16xf32>
        %mul3A_953 = arith.constant 2 : i32
        %mul3A_954 = arith.muli %scan3A_149, %mul3A_953 : i32
        %mul3A_955 = arith.constant 50 : i32
        %mul3A_956 = arith.muli %mul3A_954, %mul3A_955 : i32
        %add3A_957 = arith.constant 50 : i32
        %add3A_958 = arith.addi %mul3A_956, %add3A_957 : i32
        %add3A_959 = arith.constant 3 : i32
        %add3A_960 = arith.addi %add3A_958, %add3A_959 : i32
        %get3A_961 = arith.constant 0 : i32
        %get3A_962 = arith.index_cast %get3A_961 : i32 to index
        %get3A_963 = arith.index_cast %add3A_960 : i32 to index
        %get3A_964 = arith.constant 0 : index
        %get3A_965 = tpu.vector_load %arg7[%get3A_962, %get3A_963, %get3A_964] {strides = array<i32>} : memref<4x800x16xf32, #tpu.memory_space<vmem>>, vector<1x1x16xf32>,
        %get3A_966 = vector.shape_cast %get3A_965 : vector<1x1x16xf32> to vector<16xf32>
        %mul3A_967 = arith.constant 2 : i32
        %mul3A_968 = arith.muli %scan3A_149, %mul3A_967 : i32
        %mul3A_969 = arith.constant 50 : i32
        %mul3A_970 = arith.muli %mul3A_968, %mul3A_969 : i32
        %add3A_971 = arith.constant 50 : i32
        %add3A_972 = arith.addi %mul3A_970, %add3A_971 : i32
        %add3A_973 = arith.constant 4 : i32
        %add3A_974 = arith.addi %add3A_972, %add3A_973 : i32
        %get3A_975 = arith.constant 0 : i32
        %get3A_976 = arith.index_cast %get3A_975 : i32 to index
        %get3A_977 = arith.index_cast %add3A_974 : i32 to index
        %get3A_978 = arith.constant 0 : index
        %get3A_979 = tpu.vector_load %arg7[%get3A_976, %get3A_977, %get3A_978] {strides = array<i32>} : memref<4x800x16xf32, #tpu.memory_space<vmem>>, vector<1x1x16xf32>,
        %get3A_980 = vector.shape_cast %get3A_979 : vector<1x1x16xf32> to vector<16xf32>
        %mul3A_981 = arith.constant 2 : i32
        %mul3A_982 = arith.muli %scan3A_149, %mul3A_981 : i32
        %mul3A_983 = arith.constant 50 : i32
        %mul3A_984 = arith.muli %mul3A_982, %mul3A_983 : i32
        %add3A_985 = arith.constant 50 : i32
        %add3A_986 = arith.addi %mul3A_984, %add3A_985 : i32
        %add3A_987 = arith.constant 5 : i32
        %add3A_988 = arith.addi %add3A_986, %add3A_987 : i32
        %get3A_989 = arith.constant 0 : i32
        %get3A_990 = arith.index_cast %get3A_989 : i32 to index
        %get3A_991 = arith.index_cast %add3A_988 : i32 to index
        %get3A_992 = arith.constant 0 : index
        %get3A_993 = tpu.vector_load %arg7[%get3A_990, %get3A_991, %get3A_992] {strides = array<i32>} : memref<4x800x16xf32, #tpu.memory_space<vmem>>, vector<1x1x16xf32>,
        %get3A_994 = vector.shape_cast %get3A_993 : vector<1x1x16xf32> to vector<16xf32>
        %mul3A_995 = arith.constant 2 : i32
        %mul3A_996 = arith.muli %scan3A_149, %mul3A_995 : i32
        %mul3A_997 = arith.constant 50 : i32
        %mul3A_998 = arith.muli %mul3A_996, %mul3A_997 : i32
        %add3A_999 = arith.constant 50 : i32
        %add3A_1000 = arith.addi %mul3A_998, %add3A_999 : i32
        %add3A_1001 = arith.constant 6 : i32
        %add3A_1002 = arith.addi %add3A_1000, %add3A_1001 : i32
        %get3A_1003 = arith.constant 0 : i32
        %get3A_1004 = arith.index_cast %get3A_1003 : i32 to index
        %get3A_1005 = arith.index_cast %add3A_1002 : i32 to index
        %get3A_1006 = arith.constant 0 : index
        %get3A_1007 = tpu.vector_load %arg7[%get3A_1004, %get3A_1005, %get3A_1006] {strides = array<i32>} : memref<4x800x16xf32, #tpu.memory_space<vmem>>, vector<1x1x16xf32>,
        %get3A_1008 = vector.shape_cast %get3A_1007 : vector<1x1x16xf32> to vector<16xf32>
        %mul3A_1009 = arith.constant 2 : i32
        %mul3A_1010 = arith.muli %scan3A_149, %mul3A_1009 : i32
        %mul3A_1011 = arith.constant 50 : i32
        %mul3A_1012 = arith.muli %mul3A_1010, %mul3A_1011 : i32
        %add3A_1013 = arith.constant 50 : i32
        %add3A_1014 = arith.addi %mul3A_1012, %add3A_1013 : i32
        %add3A_1015 = arith.constant 7 : i32
        %add3A_1016 = arith.addi %add3A_1014, %add3A_1015 : i32
        %get3A_1017 = arith.constant 0 : i32
        %get3A_1018 = arith.index_cast %get3A_1017 : i32 to index
        %get3A_1019 = arith.index_cast %add3A_1016 : i32 to index
        %get3A_1020 = arith.constant 0 : index
        %get3A_1021 = tpu.vector_load %arg7[%get3A_1018, %get3A_1019, %get3A_1020] {strides = array<i32>} : memref<4x800x16xf32, #tpu.memory_space<vmem>>, vector<1x1x16xf32>,
        %get3A_1022 = vector.shape_cast %get3A_1021 : vector<1x1x16xf32> to vector<16xf32>
        %mul3A_1023 = arith.constant 2 : i32
        %mul3A_1024 = arith.muli %scan3A_149, %mul3A_1023 : i32
        %mul3A_1025 = arith.constant 50 : i32
        %mul3A_1026 = arith.muli %mul3A_1024, %mul3A_1025 : i32
        %add3A_1027 = arith.constant 50 : i32
        %add3A_1028 = arith.addi %mul3A_1026, %add3A_1027 : i32
        %add3A_1029 = arith.constant 8 : i32
        %add3A_1030 = arith.addi %add3A_1028, %add3A_1029 : i32
        %get3A_1031 = arith.constant 0 : i32
        %get3A_1032 = arith.index_cast %get3A_1031 : i32 to index
        %get3A_1033 = arith.index_cast %add3A_1030 : i32 to index
        %get3A_1034 = arith.constant 0 : index
        %get3A_1035 = tpu.vector_load %arg7[%get3A_1032, %get3A_1033, %get3A_1034] {strides = array<i32>} : memref<4x800x16xf32, #tpu.memory_space<vmem>>, vector<1x1x16xf32>,
        %get3A_1036 = vector.shape_cast %get3A_1035 : vector<1x1x16xf32> to vector<16xf32>
        %mul3A_1037 = arith.constant 2 : i32
        %mul3A_1038 = arith.muli %scan3A_149, %mul3A_1037 : i32
        %mul3A_1039 = arith.constant 50 : i32
        %mul3A_1040 = arith.muli %mul3A_1038, %mul3A_1039 : i32
        %add3A_1041 = arith.constant 50 : i32
        %add3A_1042 = arith.addi %mul3A_1040, %add3A_1041 : i32
        %add3A_1043 = arith.constant 9 : i32
        %add3A_1044 = arith.addi %add3A_1042, %add3A_1043 : i32
        %get3A_1045 = arith.constant 0 : i32
        %get3A_1046 = arith.index_cast %get3A_1045 : i32 to index
        %get3A_1047 = arith.index_cast %add3A_1044 : i32 to index
        %get3A_1048 = arith.constant 0 : index
        %get3A_1049 = tpu.vector_load %arg7[%get3A_1046, %get3A_1047, %get3A_1048] {strides = array<i32>} : memref<4x800x16xf32, #tpu.memory_space<vmem>>, vector<1x1x16xf32>,
        %get3A_1050 = vector.shape_cast %get3A_1049 : vector<1x1x16xf32> to vector<16xf32>
        %mul3A_1051 = arith.constant 2 : i32
        %mul3A_1052 = arith.muli %scan3A_149, %mul3A_1051 : i32
        %mul3A_1053 = arith.constant 50 : i32
        %mul3A_1054 = arith.muli %mul3A_1052, %mul3A_1053 : i32
        %add3A_1055 = arith.constant 50 : i32
        %add3A_1056 = arith.addi %mul3A_1054, %add3A_1055 : i32
        %add3A_1057 = arith.constant 10 : i32
        %add3A_1058 = arith.addi %add3A_1056, %add3A_1057 : i32
        %get3A_1059 = arith.constant 0 : i32
        %get3A_1060 = arith.index_cast %get3A_1059 : i32 to index
        %get3A_1061 = arith.index_cast %add3A_1058 : i32 to index
        %get3A_1062 = arith.constant 0 : index
        %get3A_1063 = tpu.vector_load %arg7[%get3A_1060, %get3A_1061, %get3A_1062] {strides = array<i32>} : memref<4x800x16xf32, #tpu.memory_space<vmem>>, vector<1x1x16xf32>,
        %get3A_1064 = vector.shape_cast %get3A_1063 : vector<1x1x16xf32> to vector<16xf32>
        %mul3A_1065 = arith.constant 2 : i32
        %mul3A_1066 = arith.muli %scan3A_149, %mul3A_1065 : i32
        %mul3A_1067 = arith.constant 50 : i32
        %mul3A_1068 = arith.muli %mul3A_1066, %mul3A_1067 : i32
        %add3A_1069 = arith.constant 50 : i32
        %add3A_1070 = arith.addi %mul3A_1068, %add3A_1069 : i32
        %add3A_1071 = arith.constant 11 : i32
        %add3A_1072 = arith.addi %add3A_1070, %add3A_1071 : i32
        %get3A_1073 = arith.constant 0 : i32
        %get3A_1074 = arith.index_cast %get3A_1073 : i32 to index
        %get3A_1075 = arith.index_cast %add3A_1072 : i32 to index
        %get3A_1076 = arith.constant 0 : index
        %get3A_1077 = tpu.vector_load %arg7[%get3A_1074, %get3A_1075, %get3A_1076] {strides = array<i32>} : memref<4x800x16xf32, #tpu.memory_space<vmem>>, vector<1x1x16xf32>,
        %get3A_1078 = vector.shape_cast %get3A_1077 : vector<1x1x16xf32> to vector<16xf32>
        %mul3A_1079 = arith.constant 2 : i32
        %mul3A_1080 = arith.muli %scan3A_149, %mul3A_1079 : i32
        %mul3A_1081 = arith.constant 50 : i32
        %mul3A_1082 = arith.muli %mul3A_1080, %mul3A_1081 : i32
        %add3A_1083 = arith.constant 50 : i32
        %add3A_1084 = arith.addi %mul3A_1082, %add3A_1083 : i32
        %add3A_1085 = arith.constant 12 : i32
        %add3A_1086 = arith.addi %add3A_1084, %add3A_1085 : i32
        %get3A_1087 = arith.constant 0 : i32
        %get3A_1088 = arith.index_cast %get3A_1087 : i32 to index
        %get3A_1089 = arith.index_cast %add3A_1086 : i32 to index
        %get3A_1090 = arith.constant 0 : index
        %get3A_1091 = tpu.vector_load %arg7[%get3A_1088, %get3A_1089, %get3A_1090] {strides = array<i32>} : memref<4x800x16xf32, #tpu.memory_space<vmem>>, vector<1x1x16xf32>,
        %get3A_1092 = vector.shape_cast %get3A_1091 : vector<1x1x16xf32> to vector<16xf32>
        %mul3A_1093 = arith.constant 2 : i32
        %mul3A_1094 = arith.muli %scan3A_149, %mul3A_1093 : i32
        %mul3A_1095 = arith.constant 50 : i32
        %mul3A_1096 = arith.muli %mul3A_1094, %mul3A_1095 : i32
        %add3A_1097 = arith.constant 50 : i32
        %add3A_1098 = arith.addi %mul3A_1096, %add3A_1097 : i32
        %add3A_1099 = arith.constant 13 : i32
        %add3A_1100 = arith.addi %add3A_1098, %add3A_1099 : i32
        %get3A_1101 = arith.constant 0 : i32
        %get3A_1102 = arith.index_cast %get3A_1101 : i32 to index
        %get3A_1103 = arith.index_cast %add3A_1100 : i32 to index
        %get3A_1104 = arith.constant 0 : index
        %get3A_1105 = tpu.vector_load %arg7[%get3A_1102, %get3A_1103, %get3A_1104] {strides = array<i32>} : memref<4x800x16xf32, #tpu.memory_space<vmem>>, vector<1x1x16xf32>,
        %get3A_1106 = vector.shape_cast %get3A_1105 : vector<1x1x16xf32> to vector<16xf32>
        %mul3A_1107 = arith.constant 2 : i32
        %mul3A_1108 = arith.muli %scan3A_149, %mul3A_1107 : i32
        %mul3A_1109 = arith.constant 50 : i32
        %mul3A_1110 = arith.muli %mul3A_1108, %mul3A_1109 : i32
        %add3A_1111 = arith.constant 50 : i32
        %add3A_1112 = arith.addi %mul3A_1110, %add3A_1111 : i32
        %add3A_1113 = arith.constant 14 : i32
        %add3A_1114 = arith.addi %add3A_1112, %add3A_1113 : i32
        %get3A_1115 = arith.constant 0 : i32
        %get3A_1116 = arith.index_cast %get3A_1115 : i32 to index
        %get3A_1117 = arith.index_cast %add3A_1114 : i32 to index
        %get3A_1118 = arith.constant 0 : index
        %get3A_1119 = tpu.vector_load %arg7[%get3A_1116, %get3A_1117, %get3A_1118] {strides = array<i32>} : memref<4x800x16xf32, #tpu.memory_space<vmem>>, vector<1x1x16xf32>,
        %get3A_1120 = vector.shape_cast %get3A_1119 : vector<1x1x16xf32> to vector<16xf32>
        %mul3A_1121 = arith.constant 2 : i32
        %mul3A_1122 = arith.muli %scan3A_149, %mul3A_1121 : i32
        %mul3A_1123 = arith.constant 50 : i32
        %mul3A_1124 = arith.muli %mul3A_1122, %mul3A_1123 : i32
        %add3A_1125 = arith.constant 50 : i32
        %add3A_1126 = arith.addi %mul3A_1124, %add3A_1125 : i32
        %add3A_1127 = arith.constant 15 : i32
        %add3A_1128 = arith.addi %add3A_1126, %add3A_1127 : i32
        %get3A_1129 = arith.constant 0 : i32
        %get3A_1130 = arith.index_cast %get3A_1129 : i32 to index
        %get3A_1131 = arith.index_cast %add3A_1128 : i32 to index
        %get3A_1132 = arith.constant 0 : index
        %get3A_1133 = tpu.vector_load %arg7[%get3A_1130, %get3A_1131, %get3A_1132] {strides = array<i32>} : memref<4x800x16xf32, #tpu.memory_space<vmem>>, vector<1x1x16xf32>,
        %get3A_1134 = vector.shape_cast %get3A_1133 : vector<1x1x16xf32> to vector<16xf32>
        %mul3A_1135 = arith.constant 2 : i32
        %mul3A_1136 = arith.muli %scan3A_149, %mul3A_1135 : i32
        %mul3A_1137 = arith.constant 50 : i32
        %mul3A_1138 = arith.muli %mul3A_1136, %mul3A_1137 : i32
        %add3A_1139 = arith.constant 50 : i32
        %add3A_1140 = arith.addi %mul3A_1138, %add3A_1139 : i32
        %add3A_1141 = arith.constant 16 : i32
        %add3A_1142 = arith.addi %add3A_1140, %add3A_1141 : i32
        %get3A_1143 = arith.constant 0 : i32
        %get3A_1144 = arith.index_cast %get3A_1143 : i32 to index
        %get3A_1145 = arith.index_cast %add3A_1142 : i32 to index
        %get3A_1146 = arith.constant 0 : index
        %get3A_1147 = tpu.vector_load %arg7[%get3A_1144, %get3A_1145, %get3A_1146] {strides = array<i32>} : memref<4x800x16xf32, #tpu.memory_space<vmem>>, vector<1x1x16xf32>,
        %get3A_1148 = vector.shape_cast %get3A_1147 : vector<1x1x16xf32> to vector<16xf32>
        %mul3A_1149 = arith.constant 2 : i32
        %mul3A_1150 = arith.muli %scan3A_149, %mul3A_1149 : i32
        %mul3A_1151 = arith.constant 50 : i32
        %mul3A_1152 = arith.muli %mul3A_1150, %mul3A_1151 : i32
        %add3A_1153 = arith.constant 50 : i32
        %add3A_1154 = arith.addi %mul3A_1152, %add3A_1153 : i32
        %add3A_1155 = arith.constant 17 : i32
        %add3A_1156 = arith.addi %add3A_1154, %add3A_1155 : i32
        %get3A_1157 = arith.constant 0 : i32
        %get3A_1158 = arith.index_cast %get3A_1157 : i32 to index
        %get3A_1159 = arith.index_cast %add3A_1156 : i32 to index
        %get3A_1160 = arith.constant 0 : index
        %get3A_1161 = tpu.vector_load %arg7[%get3A_1158, %get3A_1159, %get3A_1160] {strides = array<i32>} : memref<4x800x16xf32, #tpu.memory_space<vmem>>, vector<1x1x16xf32>,
        %get3A_1162 = vector.shape_cast %get3A_1161 : vector<1x1x16xf32> to vector<16xf32>
        %mul3A_1163 = arith.constant 2 : i32
        %mul3A_1164 = arith.muli %scan3A_149, %mul3A_1163 : i32
        %mul3A_1165 = arith.constant 50 : i32
        %mul3A_1166 = arith.muli %mul3A_1164, %mul3A_1165 : i32
        %add3A_1167 = arith.constant 50 : i32
        %add3A_1168 = arith.addi %mul3A_1166, %add3A_1167 : i32
        %add3A_1169 = arith.constant 18 : i32
        %add3A_1170 = arith.addi %add3A_1168, %add3A_1169 : i32
        %get3A_1171 = arith.constant 0 : i32
        %get3A_1172 = arith.index_cast %get3A_1171 : i32 to index
        %get3A_1173 = arith.index_cast %add3A_1170 : i32 to index
        %get3A_1174 = arith.constant 0 : index
        %get3A_1175 = tpu.vector_load %arg7[%get3A_1172, %get3A_1173, %get3A_1174] {strides = array<i32>} : memref<4x800x16xf32, #tpu.memory_space<vmem>>, vector<1x1x16xf32>,
        %get3A_1176 = vector.shape_cast %get3A_1175 : vector<1x1x16xf32> to vector<16xf32>
        %mul3A_1177 = arith.constant 2 : i32
        %mul3A_1178 = arith.muli %scan3A_149, %mul3A_1177 : i32
        %mul3A_1179 = arith.constant 50 : i32
        %mul3A_1180 = arith.muli %mul3A_1178, %mul3A_1179 : i32
        %add3A_1181 = arith.constant 50 : i32
        %add3A_1182 = arith.addi %mul3A_1180, %add3A_1181 : i32
        %add3A_1183 = arith.constant 19 : i32
        %add3A_1184 = arith.addi %add3A_1182, %add3A_1183 : i32
        %get3A_1185 = arith.constant 0 : i32
        %get3A_1186 = arith.index_cast %get3A_1185 : i32 to index
        %get3A_1187 = arith.index_cast %add3A_1184 : i32 to index
        %get3A_1188 = arith.constant 0 : index
        %get3A_1189 = tpu.vector_load %arg7[%get3A_1186, %get3A_1187, %get3A_1188] {strides = array<i32>} : memref<4x800x16xf32, #tpu.memory_space<vmem>>, vector<1x1x16xf32>,
        %get3A_1190 = vector.shape_cast %get3A_1189 : vector<1x1x16xf32> to vector<16xf32>
        %mul3A_1191 = arith.constant 2 : i32
        %mul3A_1192 = arith.muli %scan3A_149, %mul3A_1191 : i32
        %mul3A_1193 = arith.constant 50 : i32
        %mul3A_1194 = arith.muli %mul3A_1192, %mul3A_1193 : i32
        %add3A_1195 = arith.constant 50 : i32
        %add3A_1196 = arith.addi %mul3A_1194, %add3A_1195 : i32
        %add3A_1197 = arith.constant 20 : i32
        %add3A_1198 = arith.addi %add3A_1196, %add3A_1197 : i32
        %get3A_1199 = arith.constant 0 : i32
        %get3A_1200 = arith.index_cast %get3A_1199 : i32 to index
        %get3A_1201 = arith.index_cast %add3A_1198 : i32 to index
        %get3A_1202 = arith.constant 0 : index
        %get3A_1203 = tpu.vector_load %arg7[%get3A_1200, %get3A_1201, %get3A_1202] {strides = array<i32>} : memref<4x800x16xf32, #tpu.memory_space<vmem>>, vector<1x1x16xf32>,
        %get3A_1204 = vector.shape_cast %get3A_1203 : vector<1x1x16xf32> to vector<16xf32>
        %mul3A_1205 = arith.constant 2 : i32
        %mul3A_1206 = arith.muli %scan3A_149, %mul3A_1205 : i32
        %mul3A_1207 = arith.constant 50 : i32
        %mul3A_1208 = arith.muli %mul3A_1206, %mul3A_1207 : i32
        %add3A_1209 = arith.constant 50 : i32
        %add3A_1210 = arith.addi %mul3A_1208, %add3A_1209 : i32
        %add3A_1211 = arith.constant 21 : i32
        %add3A_1212 = arith.addi %add3A_1210, %add3A_1211 : i32
        %get3A_1213 = arith.constant 0 : i32
        %get3A_1214 = arith.index_cast %get3A_1213 : i32 to index
        %get3A_1215 = arith.index_cast %add3A_1212 : i32 to index
        %get3A_1216 = arith.constant 0 : index
        %get3A_1217 = tpu.vector_load %arg7[%get3A_1214, %get3A_1215, %get3A_1216] {strides = array<i32>} : memref<4x800x16xf32, #tpu.memory_space<vmem>>, vector<1x1x16xf32>,
        %get3A_1218 = vector.shape_cast %get3A_1217 : vector<1x1x16xf32> to vector<16xf32>
        %mul3A_1219 = arith.constant 2 : i32
        %mul3A_1220 = arith.muli %scan3A_149, %mul3A_1219 : i32
        %mul3A_1221 = arith.constant 50 : i32
        %mul3A_1222 = arith.muli %mul3A_1220, %mul3A_1221 : i32
        %add3A_1223 = arith.constant 50 : i32
        %add3A_1224 = arith.addi %mul3A_1222, %add3A_1223 : i32
        %add3A_1225 = arith.constant 22 : i32
        %add3A_1226 = arith.addi %add3A_1224, %add3A_1225 : i32
        %get3A_1227 = arith.constant 0 : i32
        %get3A_1228 = arith.index_cast %get3A_1227 : i32 to index
        %get3A_1229 = arith.index_cast %add3A_1226 : i32 to index
        %get3A_1230 = arith.constant 0 : index
        %get3A_1231 = tpu.vector_load %arg7[%get3A_1228, %get3A_1229, %get3A_1230] {strides = array<i32>} : memref<4x800x16xf32, #tpu.memory_space<vmem>>, vector<1x1x16xf32>,
        %get3A_1232 = vector.shape_cast %get3A_1231 : vector<1x1x16xf32> to vector<16xf32>
        %mul3A_1233 = arith.constant 2 : i32
        %mul3A_1234 = arith.muli %scan3A_149, %mul3A_1233 : i32
        %mul3A_1235 = arith.constant 50 : i32
        %mul3A_1236 = arith.muli %mul3A_1234, %mul3A_1235 : i32
        %add3A_1237 = arith.constant 50 : i32
        %add3A_1238 = arith.addi %mul3A_1236, %add3A_1237 : i32
        %add3A_1239 = arith.constant 23 : i32
        %add3A_1240 = arith.addi %add3A_1238, %add3A_1239 : i32
        %get3A_1241 = arith.constant 0 : i32
        %get3A_1242 = arith.index_cast %get3A_1241 : i32 to index
        %get3A_1243 = arith.index_cast %add3A_1240 : i32 to index
        %get3A_1244 = arith.constant 0 : index
        %get3A_1245 = tpu.vector_load %arg7[%get3A_1242, %get3A_1243, %get3A_1244] {strides = array<i32>} : memref<4x800x16xf32, #tpu.memory_space<vmem>>, vector<1x1x16xf32>,
        %get3A_1246 = vector.shape_cast %get3A_1245 : vector<1x1x16xf32> to vector<16xf32>
        %mul3A_1247 = arith.constant 2 : i32
        %mul3A_1248 = arith.muli %scan3A_149, %mul3A_1247 : i32
        %mul3A_1249 = arith.constant 50 : i32
        %mul3A_1250 = arith.muli %mul3A_1248, %mul3A_1249 : i32
        %add3A_1251 = arith.constant 50 : i32
        %add3A_1252 = arith.addi %mul3A_1250, %add3A_1251 : i32
        %add3A_1253 = arith.constant 24 : i32
        %add3A_1254 = arith.addi %add3A_1252, %add3A_1253 : i32
        %get3A_1255 = arith.constant 0 : i32
        %get3A_1256 = arith.index_cast %get3A_1255 : i32 to index
        %get3A_1257 = arith.index_cast %add3A_1254 : i32 to index
        %get3A_1258 = arith.constant 0 : index
        %get3A_1259 = tpu.vector_load %arg7[%get3A_1256, %get3A_1257, %get3A_1258] {strides = array<i32>} : memref<4x800x16xf32, #tpu.memory_space<vmem>>, vector<1x1x16xf32>,
        %get3A_1260 = vector.shape_cast %get3A_1259 : vector<1x1x16xf32> to vector<16xf32>
        %mul3A_1261 = arith.constant 2 : i32
        %mul3A_1262 = arith.muli %scan3A_149, %mul3A_1261 : i32
        %mul3A_1263 = arith.constant 50 : i32
        %mul3A_1264 = arith.muli %mul3A_1262, %mul3A_1263 : i32
        %add3A_1265 = arith.constant 50 : i32
        %add3A_1266 = arith.addi %mul3A_1264, %add3A_1265 : i32
        %add3A_1267 = arith.constant 25 : i32
        %add3A_1268 = arith.addi %add3A_1266, %add3A_1267 : i32
        %get3A_1269 = arith.constant 0 : i32
        %get3A_1270 = arith.index_cast %get3A_1269 : i32 to index
        %get3A_1271 = arith.index_cast %add3A_1268 : i32 to index
        %get3A_1272 = arith.constant 0 : index
        %get3A_1273 = tpu.vector_load %arg7[%get3A_1270, %get3A_1271, %get3A_1272] {strides = array<i32>} : memref<4x800x16xf32, #tpu.memory_space<vmem>>, vector<1x1x16xf32>,
        %get3A_1274 = vector.shape_cast %get3A_1273 : vector<1x1x16xf32> to vector<16xf32>
        %mul3A_1275 = arith.constant 2 : i32
        %mul3A_1276 = arith.muli %scan3A_149, %mul3A_1275 : i32
        %mul3A_1277 = arith.constant 50 : i32
        %mul3A_1278 = arith.muli %mul3A_1276, %mul3A_1277 : i32
        %add3A_1279 = arith.constant 50 : i32
        %add3A_1280 = arith.addi %mul3A_1278, %add3A_1279 : i32
        %add3A_1281 = arith.constant 26 : i32
        %add3A_1282 = arith.addi %add3A_1280, %add3A_1281 : i32
        %get3A_1283 = arith.constant 0 : i32
        %get3A_1284 = arith.index_cast %get3A_1283 : i32 to index
        %get3A_1285 = arith.index_cast %add3A_1282 : i32 to index
        %get3A_1286 = arith.constant 0 : index
        %get3A_1287 = tpu.vector_load %arg7[%get3A_1284, %get3A_1285, %get3A_1286] {strides = array<i32>} : memref<4x800x16xf32, #tpu.memory_space<vmem>>, vector<1x1x16xf32>,
        %get3A_1288 = vector.shape_cast %get3A_1287 : vector<1x1x16xf32> to vector<16xf32>
        %mul3A_1289 = arith.constant 2 : i32
        %mul3A_1290 = arith.muli %scan3A_149, %mul3A_1289 : i32
        %mul3A_1291 = arith.constant 50 : i32
        %mul3A_1292 = arith.muli %mul3A_1290, %mul3A_1291 : i32
        %add3A_1293 = arith.constant 50 : i32
        %add3A_1294 = arith.addi %mul3A_1292, %add3A_1293 : i32
        %add3A_1295 = arith.constant 27 : i32
        %add3A_1296 = arith.addi %add3A_1294, %add3A_1295 : i32
        %get3A_1297 = arith.constant 0 : i32
        %get3A_1298 = arith.index_cast %get3A_1297 : i32 to index
        %get3A_1299 = arith.index_cast %add3A_1296 : i32 to index
        %get3A_1300 = arith.constant 0 : index
        %get3A_1301 = tpu.vector_load %arg7[%get3A_1298, %get3A_1299, %get3A_1300] {strides = array<i32>} : memref<4x800x16xf32, #tpu.memory_space<vmem>>, vector<1x1x16xf32>,
        %get3A_1302 = vector.shape_cast %get3A_1301 : vector<1x1x16xf32> to vector<16xf32>
        %mul3A_1303 = arith.constant 2 : i32
        %mul3A_1304 = arith.muli %scan3A_149, %mul3A_1303 : i32
        %mul3A_1305 = arith.constant 50 : i32
        %mul3A_1306 = arith.muli %mul3A_1304, %mul3A_1305 : i32
        %add3A_1307 = arith.constant 50 : i32
        %add3A_1308 = arith.addi %mul3A_1306, %add3A_1307 : i32
        %add3A_1309 = arith.constant 28 : i32
        %add3A_1310 = arith.addi %add3A_1308, %add3A_1309 : i32
        %get3A_1311 = arith.constant 0 : i32
        %get3A_1312 = arith.index_cast %get3A_1311 : i32 to index
        %get3A_1313 = arith.index_cast %add3A_1310 : i32 to index
        %get3A_1314 = arith.constant 0 : index
        %get3A_1315 = tpu.vector_load %arg7[%get3A_1312, %get3A_1313, %get3A_1314] {strides = array<i32>} : memref<4x800x16xf32, #tpu.memory_space<vmem>>, vector<1x1x16xf32>,
        %get3A_1316 = vector.shape_cast %get3A_1315 : vector<1x1x16xf32> to vector<16xf32>
        %mul3A_1317 = arith.constant 2 : i32
        %mul3A_1318 = arith.muli %scan3A_149, %mul3A_1317 : i32
        %mul3A_1319 = arith.constant 50 : i32
        %mul3A_1320 = arith.muli %mul3A_1318, %mul3A_1319 : i32
        %add3A_1321 = arith.constant 50 : i32
        %add3A_1322 = arith.addi %mul3A_1320, %add3A_1321 : i32
        %add3A_1323 = arith.constant 29 : i32
        %add3A_1324 = arith.addi %add3A_1322, %add3A_1323 : i32
        %get3A_1325 = arith.constant 0 : i32
        %get3A_1326 = arith.index_cast %get3A_1325 : i32 to index
        %get3A_1327 = arith.index_cast %add3A_1324 : i32 to index
        %get3A_1328 = arith.constant 0 : index
        %get3A_1329 = tpu.vector_load %arg7[%get3A_1326, %get3A_1327, %get3A_1328] {strides = array<i32>} : memref<4x800x16xf32, #tpu.memory_space<vmem>>, vector<1x1x16xf32>,
        %get3A_1330 = vector.shape_cast %get3A_1329 : vector<1x1x16xf32> to vector<16xf32>
        %mul3A_1331 = arith.constant 2 : i32
        %mul3A_1332 = arith.muli %scan3A_149, %mul3A_1331 : i32
        %mul3A_1333 = arith.constant 50 : i32
        %mul3A_1334 = arith.muli %mul3A_1332, %mul3A_1333 : i32
        %add3A_1335 = arith.constant 50 : i32
        %add3A_1336 = arith.addi %mul3A_1334, %add3A_1335 : i32
        %add3A_1337 = arith.constant 30 : i32
        %add3A_1338 = arith.addi %add3A_1336, %add3A_1337 : i32
        %get3A_1339 = arith.constant 0 : i32
        %get3A_1340 = arith.index_cast %get3A_1339 : i32 to index
        %get3A_1341 = arith.index_cast %add3A_1338 : i32 to index
        %get3A_1342 = arith.constant 0 : index
        %get3A_1343 = tpu.vector_load %arg7[%get3A_1340, %get3A_1341, %get3A_1342] {strides = array<i32>} : memref<4x800x16xf32, #tpu.memory_space<vmem>>, vector<1x1x16xf32>,
        %get3A_1344 = vector.shape_cast %get3A_1343 : vector<1x1x16xf32> to vector<16xf32>
        %mul3A_1345 = arith.constant 2 : i32
        %mul3A_1346 = arith.muli %scan3A_149, %mul3A_1345 : i32
        %mul3A_1347 = arith.constant 50 : i32
        %mul3A_1348 = arith.muli %mul3A_1346, %mul3A_1347 : i32
        %add3A_1349 = arith.constant 50 : i32
        %add3A_1350 = arith.addi %mul3A_1348, %add3A_1349 : i32
        %add3A_1351 = arith.constant 31 : i32
        %add3A_1352 = arith.addi %add3A_1350, %add3A_1351 : i32
        %get3A_1353 = arith.constant 0 : i32
        %get3A_1354 = arith.index_cast %get3A_1353 : i32 to index
        %get3A_1355 = arith.index_cast %add3A_1352 : i32 to index
        %get3A_1356 = arith.constant 0 : index
        %get3A_1357 = tpu.vector_load %arg7[%get3A_1354, %get3A_1355, %get3A_1356] {strides = array<i32>} : memref<4x800x16xf32, #tpu.memory_space<vmem>>, vector<1x1x16xf32>,
        %get3A_1358 = vector.shape_cast %get3A_1357 : vector<1x1x16xf32> to vector<16xf32>
        %mul3A_1359 = arith.constant 2 : i32
        %mul3A_1360 = arith.muli %scan3A_149, %mul3A_1359 : i32
        %mul3A_1361 = arith.constant 50 : i32
        %mul3A_1362 = arith.muli %mul3A_1360, %mul3A_1361 : i32
        %add3A_1363 = arith.constant 50 : i32
        %add3A_1364 = arith.addi %mul3A_1362, %add3A_1363 : i32
        %add3A_1365 = arith.constant 32 : i32
        %add3A_1366 = arith.addi %add3A_1364, %add3A_1365 : i32
        %get3A_1367 = arith.constant 0 : i32
        %get3A_1368 = arith.index_cast %get3A_1367 : i32 to index
        %get3A_1369 = arith.index_cast %add3A_1366 : i32 to index
        %get3A_1370 = arith.constant 0 : index
        %get3A_1371 = tpu.vector_load %arg7[%get3A_1368, %get3A_1369, %get3A_1370] {strides = array<i32>} : memref<4x800x16xf32, #tpu.memory_space<vmem>>, vector<1x1x16xf32>,
        %get3A_1372 = vector.shape_cast %get3A_1371 : vector<1x1x16xf32> to vector<16xf32>
        %mul3A_1373 = arith.constant 2 : i32
        %mul3A_1374 = arith.muli %scan3A_149, %mul3A_1373 : i32
        %mul3A_1375 = arith.constant 50 : i32
        %mul3A_1376 = arith.muli %mul3A_1374, %mul3A_1375 : i32
        %add3A_1377 = arith.constant 50 : i32
        %add3A_1378 = arith.addi %mul3A_1376, %add3A_1377 : i32
        %add3A_1379 = arith.constant 33 : i32
        %add3A_1380 = arith.addi %add3A_1378, %add3A_1379 : i32
        %get3A_1381 = arith.constant 0 : i32
        %get3A_1382 = arith.index_cast %get3A_1381 : i32 to index
        %get3A_1383 = arith.index_cast %add3A_1380 : i32 to index
        %get3A_1384 = arith.constant 0 : index
        %get3A_1385 = tpu.vector_load %arg7[%get3A_1382, %get3A_1383, %get3A_1384] {strides = array<i32>} : memref<4x800x16xf32, #tpu.memory_space<vmem>>, vector<1x1x16xf32>,
        %get3A_1386 = vector.shape_cast %get3A_1385 : vector<1x1x16xf32> to vector<16xf32>
        %mul3A_1387 = arith.constant 2 : i32
        %mul3A_1388 = arith.muli %scan3A_149, %mul3A_1387 : i32
        %mul3A_1389 = arith.constant 50 : i32
        %mul3A_1390 = arith.muli %mul3A_1388, %mul3A_1389 : i32
        %add3A_1391 = arith.constant 50 : i32
        %add3A_1392 = arith.addi %mul3A_1390, %add3A_1391 : i32
        %add3A_1393 = arith.constant 34 : i32
        %add3A_1394 = arith.addi %add3A_1392, %add3A_1393 : i32
        %get3A_1395 = arith.constant 0 : i32
        %get3A_1396 = arith.index_cast %get3A_1395 : i32 to index
        %get3A_1397 = arith.index_cast %add3A_1394 : i32 to index
        %get3A_1398 = arith.constant 0 : index
        %get3A_1399 = tpu.vector_load %arg7[%get3A_1396, %get3A_1397, %get3A_1398] {strides = array<i32>} : memref<4x800x16xf32, #tpu.memory_space<vmem>>, vector<1x1x16xf32>,
        %get3A_1400 = vector.shape_cast %get3A_1399 : vector<1x1x16xf32> to vector<16xf32>
        %mul3A_1401 = arith.constant 2 : i32
        %mul3A_1402 = arith.muli %scan3A_149, %mul3A_1401 : i32
        %mul3A_1403 = arith.constant 50 : i32
        %mul3A_1404 = arith.muli %mul3A_1402, %mul3A_1403 : i32
        %add3A_1405 = arith.constant 50 : i32
        %add3A_1406 = arith.addi %mul3A_1404, %add3A_1405 : i32
        %add3A_1407 = arith.constant 35 : i32
        %add3A_1408 = arith.addi %add3A_1406, %add3A_1407 : i32
        %get3A_1409 = arith.constant 0 : i32
        %get3A_1410 = arith.index_cast %get3A_1409 : i32 to index
        %get3A_1411 = arith.index_cast %add3A_1408 : i32 to index
        %get3A_1412 = arith.constant 0 : index
        %get3A_1413 = tpu.vector_load %arg7[%get3A_1410, %get3A_1411, %get3A_1412] {strides = array<i32>} : memref<4x800x16xf32, #tpu.memory_space<vmem>>, vector<1x1x16xf32>,
        %get3A_1414 = vector.shape_cast %get3A_1413 : vector<1x1x16xf32> to vector<16xf32>
        %mul3A_1415 = arith.constant 2 : i32
        %mul3A_1416 = arith.muli %scan3A_149, %mul3A_1415 : i32
        %mul3A_1417 = arith.constant 50 : i32
        %mul3A_1418 = arith.muli %mul3A_1416, %mul3A_1417 : i32
        %add3A_1419 = arith.constant 50 : i32
        %add3A_1420 = arith.addi %mul3A_1418, %add3A_1419 : i32
        %add3A_1421 = arith.constant 36 : i32
        %add3A_1422 = arith.addi %add3A_1420, %add3A_1421 : i32
        %get3A_1423 = arith.constant 0 : i32
        %get3A_1424 = arith.index_cast %get3A_1423 : i32 to index
        %get3A_1425 = arith.index_cast %add3A_1422 : i32 to index
        %get3A_1426 = arith.constant 0 : index
        %get3A_1427 = tpu.vector_load %arg7[%get3A_1424, %get3A_1425, %get3A_1426] {strides = array<i32>} : memref<4x800x16xf32, #tpu.memory_space<vmem>>, vector<1x1x16xf32>,
        %get3A_1428 = vector.shape_cast %get3A_1427 : vector<1x1x16xf32> to vector<16xf32>
        %mul3A_1429 = arith.constant 2 : i32
        %mul3A_1430 = arith.muli %scan3A_149, %mul3A_1429 : i32
        %mul3A_1431 = arith.constant 50 : i32
        %mul3A_1432 = arith.muli %mul3A_1430, %mul3A_1431 : i32
        %add3A_1433 = arith.constant 50 : i32
        %add3A_1434 = arith.addi %mul3A_1432, %add3A_1433 : i32
        %add3A_1435 = arith.constant 37 : i32
        %add3A_1436 = arith.addi %add3A_1434, %add3A_1435 : i32
        %get3A_1437 = arith.constant 0 : i32
        %get3A_1438 = arith.index_cast %get3A_1437 : i32 to index
        %get3A_1439 = arith.index_cast %add3A_1436 : i32 to index
        %get3A_1440 = arith.constant 0 : index
        %get3A_1441 = tpu.vector_load %arg7[%get3A_1438, %get3A_1439, %get3A_1440] {strides = array<i32>} : memref<4x800x16xf32, #tpu.memory_space<vmem>>, vector<1x1x16xf32>,
        %get3A_1442 = vector.shape_cast %get3A_1441 : vector<1x1x16xf32> to vector<16xf32>
        %mul3A_1443 = arith.constant 2 : i32
        %mul3A_1444 = arith.muli %scan3A_149, %mul3A_1443 : i32
        %mul3A_1445 = arith.constant 50 : i32
        %mul3A_1446 = arith.muli %mul3A_1444, %mul3A_1445 : i32
        %add3A_1447 = arith.constant 50 : i32
        %add3A_1448 = arith.addi %mul3A_1446, %add3A_1447 : i32
        %add3A_1449 = arith.constant 38 : i32
        %add3A_1450 = arith.addi %add3A_1448, %add3A_1449 : i32
        %get3A_1451 = arith.constant 0 : i32
        %get3A_1452 = arith.index_cast %get3A_1451 : i32 to index
        %get3A_1453 = arith.index_cast %add3A_1450 : i32 to index
        %get3A_1454 = arith.constant 0 : index
        %get3A_1455 = tpu.vector_load %arg7[%get3A_1452, %get3A_1453, %get3A_1454] {strides = array<i32>} : memref<4x800x16xf32, #tpu.memory_space<vmem>>, vector<1x1x16xf32>,
        %get3A_1456 = vector.shape_cast %get3A_1455 : vector<1x1x16xf32> to vector<16xf32>
        %mul3A_1457 = arith.constant 2 : i32
        %mul3A_1458 = arith.muli %scan3A_149, %mul3A_1457 : i32
        %mul3A_1459 = arith.constant 50 : i32
        %mul3A_1460 = arith.muli %mul3A_1458, %mul3A_1459 : i32
        %add3A_1461 = arith.constant 50 : i32
        %add3A_1462 = arith.addi %mul3A_1460, %add3A_1461 : i32
        %add3A_1463 = arith.constant 39 : i32
        %add3A_1464 = arith.addi %add3A_1462, %add3A_1463 : i32
        %get3A_1465 = arith.constant 0 : i32
        %get3A_1466 = arith.index_cast %get3A_1465 : i32 to index
        %get3A_1467 = arith.index_cast %add3A_1464 : i32 to index
        %get3A_1468 = arith.constant 0 : index
        %get3A_1469 = tpu.vector_load %arg7[%get3A_1466, %get3A_1467, %get3A_1468] {strides = array<i32>} : memref<4x800x16xf32, #tpu.memory_space<vmem>>, vector<1x1x16xf32>,
        %get3A_1470 = vector.shape_cast %get3A_1469 : vector<1x1x16xf32> to vector<16xf32>
        %mul3A_1471 = arith.constant 2 : i32
        %mul3A_1472 = arith.muli %scan3A_149, %mul3A_1471 : i32
        %mul3A_1473 = arith.constant 50 : i32
        %mul3A_1474 = arith.muli %mul3A_1472, %mul3A_1473 : i32
        %add3A_1475 = arith.constant 50 : i32
        %add3A_1476 = arith.addi %mul3A_1474, %add3A_1475 : i32
        %add3A_1477 = arith.constant 40 : i32
        %add3A_1478 = arith.addi %add3A_1476, %add3A_1477 : i32
        %get3A_1479 = arith.constant 0 : i32
        %get3A_1480 = arith.index_cast %get3A_1479 : i32 to index
        %get3A_1481 = arith.index_cast %add3A_1478 : i32 to index
        %get3A_1482 = arith.constant 0 : index
        %get3A_1483 = tpu.vector_load %arg7[%get3A_1480, %get3A_1481, %get3A_1482] {strides = array<i32>} : memref<4x800x16xf32, #tpu.memory_space<vmem>>, vector<1x1x16xf32>,
        %get3A_1484 = vector.shape_cast %get3A_1483 : vector<1x1x16xf32> to vector<16xf32>
        %mul3A_1485 = arith.constant 2 : i32
        %mul3A_1486 = arith.muli %scan3A_149, %mul3A_1485 : i32
        %mul3A_1487 = arith.constant 50 : i32
        %mul3A_1488 = arith.muli %mul3A_1486, %mul3A_1487 : i32
        %add3A_1489 = arith.constant 50 : i32
        %add3A_1490 = arith.addi %mul3A_1488, %add3A_1489 : i32
        %add3A_1491 = arith.constant 41 : i32
        %add3A_1492 = arith.addi %add3A_1490, %add3A_1491 : i32
        %get3A_1493 = arith.constant 0 : i32
        %get3A_1494 = arith.index_cast %get3A_1493 : i32 to index
        %get3A_1495 = arith.index_cast %add3A_1492 : i32 to index
        %get3A_1496 = arith.constant 0 : index
        %get3A_1497 = tpu.vector_load %arg7[%get3A_1494, %get3A_1495, %get3A_1496] {strides = array<i32>} : memref<4x800x16xf32, #tpu.memory_space<vmem>>, vector<1x1x16xf32>,
        %get3A_1498 = vector.shape_cast %get3A_1497 : vector<1x1x16xf32> to vector<16xf32>
        %mul3A_1499 = arith.constant 2 : i32
        %mul3A_1500 = arith.muli %scan3A_149, %mul3A_1499 : i32
        %mul3A_1501 = arith.constant 50 : i32
        %mul3A_1502 = arith.muli %mul3A_1500, %mul3A_1501 : i32
        %add3A_1503 = arith.constant 50 : i32
        %add3A_1504 = arith.addi %mul3A_1502, %add3A_1503 : i32
        %add3A_1505 = arith.constant 42 : i32
        %add3A_1506 = arith.addi %add3A_1504, %add3A_1505 : i32
        %get3A_1507 = arith.constant 0 : i32
        %get3A_1508 = arith.index_cast %get3A_1507 : i32 to index
        %get3A_1509 = arith.index_cast %add3A_1506 : i32 to index
        %get3A_1510 = arith.constant 0 : index
        %get3A_1511 = tpu.vector_load %arg7[%get3A_1508, %get3A_1509, %get3A_1510] {strides = array<i32>} : memref<4x800x16xf32, #tpu.memory_space<vmem>>, vector<1x1x16xf32>,
        %get3A_1512 = vector.shape_cast %get3A_1511 : vector<1x1x16xf32> to vector<16xf32>
        %mul3A_1513 = arith.constant 2 : i32
        %mul3A_1514 = arith.muli %scan3A_149, %mul3A_1513 : i32
        %mul3A_1515 = arith.constant 50 : i32
        %mul3A_1516 = arith.muli %mul3A_1514, %mul3A_1515 : i32
        %add3A_1517 = arith.constant 50 : i32
        %add3A_1518 = arith.addi %mul3A_1516, %add3A_1517 : i32
        %add3A_1519 = arith.constant 43 : i32
        %add3A_1520 = arith.addi %add3A_1518, %add3A_1519 : i32
        %get3A_1521 = arith.constant 0 : i32
        %get3A_1522 = arith.index_cast %get3A_1521 : i32 to index
        %get3A_1523 = arith.index_cast %add3A_1520 : i32 to index
        %get3A_1524 = arith.constant 0 : index
        %get3A_1525 = tpu.vector_load %arg7[%get3A_1522, %get3A_1523, %get3A_1524] {strides = array<i32>} : memref<4x800x16xf32, #tpu.memory_space<vmem>>, vector<1x1x16xf32>,
        %get3A_1526 = vector.shape_cast %get3A_1525 : vector<1x1x16xf32> to vector<16xf32>
        %mul3A_1527 = arith.constant 2 : i32
        %mul3A_1528 = arith.muli %scan3A_149, %mul3A_1527 : i32
        %mul3A_1529 = arith.constant 50 : i32
        %mul3A_1530 = arith.muli %mul3A_1528, %mul3A_1529 : i32
        %add3A_1531 = arith.constant 50 : i32
        %add3A_1532 = arith.addi %mul3A_1530, %add3A_1531 : i32
        %add3A_1533 = arith.constant 44 : i32
        %add3A_1534 = arith.addi %add3A_1532, %add3A_1533 : i32
        %get3A_1535 = arith.constant 0 : i32
        %get3A_1536 = arith.index_cast %get3A_1535 : i32 to index
        %get3A_1537 = arith.index_cast %add3A_1534 : i32 to index
        %get3A_1538 = arith.constant 0 : index
        %get3A_1539 = tpu.vector_load %arg7[%get3A_1536, %get3A_1537, %get3A_1538] {strides = array<i32>} : memref<4x800x16xf32, #tpu.memory_space<vmem>>, vector<1x1x16xf32>,
        %get3A_1540 = vector.shape_cast %get3A_1539 : vector<1x1x16xf32> to vector<16xf32>
        %mul3A_1541 = arith.constant 2 : i32
        %mul3A_1542 = arith.muli %scan3A_149, %mul3A_1541 : i32
        %mul3A_1543 = arith.constant 50 : i32
        %mul3A_1544 = arith.muli %mul3A_1542, %mul3A_1543 : i32
        %add3A_1545 = arith.constant 50 : i32
        %add3A_1546 = arith.addi %mul3A_1544, %add3A_1545 : i32
        %add3A_1547 = arith.constant 45 : i32
        %add3A_1548 = arith.addi %add3A_1546, %add3A_1547 : i32
        %get3A_1549 = arith.constant 0 : i32
        %get3A_1550 = arith.index_cast %get3A_1549 : i32 to index
        %get3A_1551 = arith.index_cast %add3A_1548 : i32 to index
        %get3A_1552 = arith.constant 0 : index
        %get3A_1553 = tpu.vector_load %arg7[%get3A_1550, %get3A_1551, %get3A_1552] {strides = array<i32>} : memref<4x800x16xf32, #tpu.memory_space<vmem>>, vector<1x1x16xf32>,
        %get3A_1554 = vector.shape_cast %get3A_1553 : vector<1x1x16xf32> to vector<16xf32>
        %mul3A_1555 = arith.constant 2 : i32
        %mul3A_1556 = arith.muli %scan3A_149, %mul3A_1555 : i32
        %mul3A_1557 = arith.constant 50 : i32
        %mul3A_1558 = arith.muli %mul3A_1556, %mul3A_1557 : i32
        %add3A_1559 = arith.constant 50 : i32
        %add3A_1560 = arith.addi %mul3A_1558, %add3A_1559 : i32
        %add3A_1561 = arith.constant 46 : i32
        %add3A_1562 = arith.addi %add3A_1560, %add3A_1561 : i32
        %get3A_1563 = arith.constant 0 : i32
        %get3A_1564 = arith.index_cast %get3A_1563 : i32 to index
        %get3A_1565 = arith.index_cast %add3A_1562 : i32 to index
        %get3A_1566 = arith.constant 0 : index
        %get3A_1567 = tpu.vector_load %arg7[%get3A_1564, %get3A_1565, %get3A_1566] {strides = array<i32>} : memref<4x800x16xf32, #tpu.memory_space<vmem>>, vector<1x1x16xf32>,
        %get3A_1568 = vector.shape_cast %get3A_1567 : vector<1x1x16xf32> to vector<16xf32>
        %mul3A_1569 = arith.constant 2 : i32
        %mul3A_1570 = arith.muli %scan3A_149, %mul3A_1569 : i32
        %mul3A_1571 = arith.constant 50 : i32
        %mul3A_1572 = arith.muli %mul3A_1570, %mul3A_1571 : i32
        %add3A_1573 = arith.constant 50 : i32
        %add3A_1574 = arith.addi %mul3A_1572, %add3A_1573 : i32
        %add3A_1575 = arith.constant 47 : i32
        %add3A_1576 = arith.addi %add3A_1574, %add3A_1575 : i32
        %get3A_1577 = arith.constant 0 : i32
        %get3A_1578 = arith.index_cast %get3A_1577 : i32 to index
        %get3A_1579 = arith.index_cast %add3A_1576 : i32 to index
        %get3A_1580 = arith.constant 0 : index
        %get3A_1581 = tpu.vector_load %arg7[%get3A_1578, %get3A_1579, %get3A_1580] {strides = array<i32>} : memref<4x800x16xf32, #tpu.memory_space<vmem>>, vector<1x1x16xf32>,
        %get3A_1582 = vector.shape_cast %get3A_1581 : vector<1x1x16xf32> to vector<16xf32>
        %mul3A_1583 = arith.constant 2 : i32
        %mul3A_1584 = arith.muli %scan3A_149, %mul3A_1583 : i32
        %mul3A_1585 = arith.constant 50 : i32
        %mul3A_1586 = arith.muli %mul3A_1584, %mul3A_1585 : i32
        %add3A_1587 = arith.constant 50 : i32
        %add3A_1588 = arith.addi %mul3A_1586, %add3A_1587 : i32
        %add3A_1589 = arith.constant 48 : i32
        %add3A_1590 = arith.addi %add3A_1588, %add3A_1589 : i32
        %get3A_1591 = arith.constant 0 : i32
        %get3A_1592 = arith.index_cast %get3A_1591 : i32 to index
        %get3A_1593 = arith.index_cast %add3A_1590 : i32 to index
        %get3A_1594 = arith.constant 0 : index
        %get3A_1595 = tpu.vector_load %arg7[%get3A_1592, %get3A_1593, %get3A_1594] {strides = array<i32>} : memref<4x800x16xf32, #tpu.memory_space<vmem>>, vector<1x1x16xf32>,
        %get3A_1596 = vector.shape_cast %get3A_1595 : vector<1x1x16xf32> to vector<16xf32>
        %mul3A_1597 = arith.constant 2 : i32
        %mul3A_1598 = arith.muli %scan3A_149, %mul3A_1597 : i32
        %mul3A_1599 = arith.constant 50 : i32
        %mul3A_1600 = arith.muli %mul3A_1598, %mul3A_1599 : i32
        %add3A_1601 = arith.constant 50 : i32
        %add3A_1602 = arith.addi %mul3A_1600, %add3A_1601 : i32
        %add3A_1603 = arith.constant 49 : i32
        %add3A_1604 = arith.addi %add3A_1602, %add3A_1603 : i32
        %get3A_1605 = arith.constant 0 : i32
        %get3A_1606 = arith.index_cast %get3A_1605 : i32 to index
        %get3A_1607 = arith.index_cast %add3A_1604 : i32 to index
        %get3A_1608 = arith.constant 0 : index
        %get3A_1609 = tpu.vector_load %arg7[%get3A_1606, %get3A_1607, %get3A_1608] {strides = array<i32>} : memref<4x800x16xf32, #tpu.memory_space<vmem>>, vector<1x1x16xf32>,
        %get3A_1610 = vector.shape_cast %get3A_1609 : vector<1x1x16xf32> to vector<16xf32>
        %add3A_1611 = arith.addf %get3A_924, %get3A_938 : vector<16xf32>
        %add3A_1612 = arith.addf %get3A_952, %get3A_966 : vector<16xf32>
        %add3A_1613 = arith.addf %get3A_980, %get3A_994 : vector<16xf32>
        %add3A_1614 = arith.addf %get3A_1008, %get3A_1022 : vector<16xf32>
        %add3A_1615 = arith.addf %get3A_1036, %get3A_1050 : vector<16xf32>
        %add3A_1616 = arith.addf %get3A_1064, %get3A_1078 : vector<16xf32>
        %add3A_1617 = arith.addf %get3A_1092, %get3A_1106 : vector<16xf32>
        %add3A_1618 = arith.addf %get3A_1120, %get3A_1134 : vector<16xf32>
        %add3A_1619 = arith.addf %get3A_1148, %get3A_1162 : vector<16xf32>
        %add3A_1620 = arith.addf %get3A_1176, %get3A_1190 : vector<16xf32>
        %add3A_1621 = arith.addf %get3A_1204, %get3A_1218 : vector<16xf32>
        %add3A_1622 = arith.addf %get3A_1232, %get3A_1246 : vector<16xf32>
        %add3A_1623 = arith.addf %get3A_1260, %get3A_1274 : vector<16xf32>
        %add3A_1624 = arith.addf %get3A_1288, %get3A_1302 : vector<16xf32>
        %add3A_1625 = arith.addf %get3A_1316, %get3A_1330 : vector<16xf32>
        %add3A_1626 = arith.addf %get3A_1344, %get3A_1358 : vector<16xf32>
        %add3A_1627 = arith.addf %get3A_1372, %get3A_1386 : vector<16xf32>
        %add3A_1628 = arith.addf %get3A_1400, %get3A_1414 : vector<16xf32>
        %add3A_1629 = arith.addf %get3A_1428, %get3A_1442 : vector<16xf32>
        %add3A_1630 = arith.addf %get3A_1456, %get3A_1470 : vector<16xf32>
        %add3A_1631 = arith.addf %get3A_1484, %get3A_1498 : vector<16xf32>
        %add3A_1632 = arith.addf %get3A_1512, %get3A_1526 : vector<16xf32>
        %add3A_1633 = arith.addf %get3A_1540, %get3A_1554 : vector<16xf32>
        %add3A_1634 = arith.addf %get3A_1568, %get3A_1582 : vector<16xf32>
        %add3A_1635 = arith.addf %get3A_1596, %get3A_1610 : vector<16xf32>
        %add3A_1636 = arith.addf %add3A_1611, %add3A_1612 : vector<16xf32>
        %add3A_1637 = arith.addf %add3A_1613, %add3A_1614 : vector<16xf32>
        %add3A_1638 = arith.addf %add3A_1615, %add3A_1616 : vector<16xf32>
        %add3A_1639 = arith.addf %add3A_1617, %add3A_1618 : vector<16xf32>
        %add3A_1640 = arith.addf %add3A_1619, %add3A_1620 : vector<16xf32>
        %add3A_1641 = arith.addf %add3A_1621, %add3A_1622 : vector<16xf32>
        %add3A_1642 = arith.addf %add3A_1623, %add3A_1624 : vector<16xf32>
        %add3A_1643 = arith.addf %add3A_1625, %add3A_1626 : vector<16xf32>
        %add3A_1644 = arith.addf %add3A_1627, %add3A_1628 : vector<16xf32>
        %add3A_1645 = arith.addf %add3A_1629, %add3A_1630 : vector<16xf32>
        %add3A_1646 = arith.addf %add3A_1631, %add3A_1632 : vector<16xf32>
        %add3A_1647 = arith.addf %add3A_1633, %add3A_1634 : vector<16xf32>
        %add3A_1648 = arith.addf %add3A_1635, %get3A_4 : vector<16xf32>
        %add3A_1649 = arith.addf %add3A_1636, %add3A_1637 : vector<16xf32>
        %add3A_1650 = arith.addf %add3A_1638, %add3A_1639 : vector<16xf32>
        %add3A_1651 = arith.addf %add3A_1640, %add3A_1641 : vector<16xf32>
        %add3A_1652 = arith.addf %add3A_1642, %add3A_1643 : vector<16xf32>
        %add3A_1653 = arith.addf %add3A_1644, %add3A_1645 : vector<16xf32>
        %add3A_1654 = arith.addf %add3A_1646, %add3A_1647 : vector<16xf32>
        %add3A_1655 = arith.addf %add3A_1649, %add3A_1650 : vector<16xf32>
        %add3A_1656 = arith.addf %add3A_1651, %add3A_1652 : vector<16xf32>
        %add3A_1657 = arith.addf %add3A_1653, %add3A_1654 : vector<16xf32>
        %add3A_1658 = arith.addf %add3A_1655, %add3A_1656 : vector<16xf32>
        %add3A_1659 = arith.addf %add3A_1657, %add3A_1648 : vector<16xf32>
        %add3A_1660 = arith.addf %add3A_1658, %add3A_1659 : vector<16xf32>
        %mul3A_1661 = arith.constant 2 : i32
        %mul3A_1662 = arith.muli %add3A_152, %mul3A_1661 : i32
        %add3A_1663 = arith.constant 1 : i32
        %add3A_1664 = arith.addi %mul3A_1662, %add3A_1663 : i32
        %swap3A_1665 = arith.index_cast %add3A_1664 : i32 to index
        %swap3A_1666 = arith.constant 0 : index
        %swap3A_1667 = tpu.vector_load %arg8[%swap3A_1665, %swap3A_1666] {strides = array<i32>} : memref<512x16xf32, #tpu.memory_space<vmem>>, vector<1x16xf32>,
        %swap3A_1668 = vector.shape_cast %swap3A_1667 : vector<1x16xf32> to vector<16xf32>
        %swap3A_1669 = vector.shape_cast %add3A_1660 : vector<16xf32> to vector<1x16xf32>
        tpu.vector_store %arg8[%swap3A_1665, %swap3A_1666], %swap3A_1669 {strides = array<i32>} : memref<512x16xf32, #tpu.memory_space<vmem>>, vector<1x16xf32>,
      }
      %scan3A_69 = arith.constant 8 : i32
      %add3A_70 = arith.constant 4 : i32
      %add3A_71 = arith.addi %add3A_54, %add3A_70 : i32
      %lt3A = arith.constant 32 : i32
      %lt3A_72 = arith.cmpi slt, %add3A_71, %lt3A : i32
      %convert_element_type3A = arith.extui %lt3A_72 : i1 to i32
      %cond3A = arith.constant 0 : i32
      %cond3A_73 = arith.cmpi ne, %convert_element_type3A, %cond3A : i32
      scf.if %cond3A_73 {
        %mul3A_149 = arith.constant 800 : i32
        %mul3A_150 = arith.muli %add3A_71, %mul3A_149 : i32
        %dma_start3A_151 = arith.constant 0 : i32
        %dma_start3A_152 = arith.constant 0 : i32
        %dma_start3A_153 = arith.constant 0 : i32
        %dma_start3A_154 = tpu.memref_slice %arg7[%dma_start3A_151, %dma_start3A_152, %dma_start3A_153] : memref<4x800x16xf32, #tpu.memory_space<vmem>> -> memref<1x800x16xf32, #tpu.memory_space<vmem>>
        %dma_start3A_155 = tpu.memref_squeeze %dma_start3A_154 : memref<1x800x16xf32, #tpu.memory_space<vmem>> -> memref<800x16xf32, #tpu.memory_space<vmem>>
        %dma_start3A_156 = tpu.memref_slice %arg6[%mul3A_150] : memref<25600xi32, #tpu.memory_space<vmem>> -> memref<800xi32, #tpu.memory_space<vmem>>
        %dma_start3A_157 = arith.constant 0 : i32
        %dma_start3A_158 = arith.constant 0 : i32
        %dma_start3A_159 = tpu.memref_slice %arg3[%dma_start3A_157, %dma_start3A_158] : memref<1000000x16xf32, #tpu.memory_space<hbm>> -> memref<1000000x16xf32, #tpu.memory_space<hbm>>
        tpu.enqueue_indirect_dma source(%dma_start3A_159 : memref<1000000x16xf32, #tpu.memory_space<hbm>>) target(%dma_start3A_155 : memref<800x16xf32, #tpu.memory_space<vmem>>) offsets(%dma_start3A_156 : memref<800xi32, #tpu.memory_space<vmem>>) semaphore(%arg10 : memref<!tpu.dma_semaphore, #tpu.memory_space<semaphore_mem>>)
      } else {
      }
      %add3A_74 = arith.constant 1 : i32
      %add3A_75 = arith.addi %mul3A_52, %add3A_74 : i32
      %mul3A_76 = arith.constant 800 : i32
      %mul3A_77 = arith.muli %add3A_75, %mul3A_76 : i32
      %dma_wait3A_78 = arith.constant 1 : i32
      %dma_wait3A_79 = arith.constant 0 : i32
      %dma_wait3A_80 = arith.constant 0 : i32
      %dma_wait3A_81 = tpu.memref_slice %arg7[%dma_wait3A_78, %dma_wait3A_79, %dma_wait3A_80] : memref<4x800x16xf32, #tpu.memory_space<vmem>> -> memref<1x800x16xf32, #tpu.memory_space<vmem>>
      %dma_wait3A_82 = tpu.memref_squeeze %dma_wait3A_81 : memref<1x800x16xf32, #tpu.memory_space<vmem>> -> memref<800x16xf32, #tpu.memory_space<vmem>>
      %dma_wait3A_83 = tpu.memref_slice %arg6[%mul3A_77] : memref<25600xi32, #tpu.memory_space<vmem>> -> memref<800xi32, #tpu.memory_space<vmem>>
      %dma_wait3A_84 = arith.constant 0 : i32
      %dma_wait3A_85 = arith.constant 0 : i32
      %dma_wait3A_86 = tpu.memref_slice %arg3[%dma_wait3A_84, %dma_wait3A_85] : memref<1000000x16xf32, #tpu.memory_space<hbm>> -> memref<1000000x16xf32, #tpu.memory_space<hbm>>
      tpu.wait_indirect_dma semaphore(%arg11 : memref<!tpu.dma_semaphore, #tpu.memory_space<semaphore_mem>>) src(%dma_wait3A_86 : memref<1000000x16xf32, #tpu.memory_space<hbm>>) dst(%dma_wait3A_82 : memref<800x16xf32, #tpu.memory_space<vmem>>)
      %scan3A_87 = arith.constant 0 : i32
      %scan3A_88 = arith.constant 8 : i32
      %scan3A_89 = arith.addi %scan3A_87, %scan3A_88 : i32
      %scan3A_90 = arith.constant 1 : i32
      scf.for %scan3A_149 = %scan3A_87 to %scan3A_89 step %scan3A_90  : i32 {
        %mul3A_150 = arith.constant 8 : i32
        %mul3A_151 = arith.muli %add3A_75, %mul3A_150 : i32
        %add3A_152 = arith.addi %mul3A_151, %scan3A_149 : i32
        %mul3A_153 = arith.constant 2 : i32
        %mul3A_154 = arith.muli %scan3A_149, %mul3A_153 : i32
        %mul3A_155 = arith.constant 50 : i32
        %mul3A_156 = arith.muli %mul3A_154, %mul3A_155 : i32
        %add3A_157 = arith.constant 0 : i32
        %add3A_158 = arith.addi %mul3A_156, %add3A_157 : i32
        %add3A_159 = arith.constant 0 : i32
        %add3A_160 = arith.addi %add3A_158, %add3A_159 : i32
        %get3A_161 = arith.constant 1 : i32
        %get3A_162 = arith.index_cast %get3A_161 : i32 to index
        %get3A_163 = arith.index_cast %add3A_160 : i32 to index
        %get3A_164 = arith.constant 0 : index
        %get3A_165 = tpu.vector_load %arg7[%get3A_162, %get3A_163, %get3A_164] {strides = array<i32>} : memref<4x800x16xf32, #tpu.memory_space<vmem>>, vector<1x1x16xf32>,
        %get3A_166 = vector.shape_cast %get3A_165 : vector<1x1x16xf32> to vector<16xf32>
        %mul3A_167 = arith.constant 2 : i32
        %mul3A_168 = arith.muli %scan3A_149, %mul3A_167 : i32
        %mul3A_169 = arith.constant 50 : i32
        %mul3A_170 = arith.muli %mul3A_168, %mul3A_169 : i32
        %add3A_171 = arith.constant 0 : i32
        %add3A_172 = arith.addi %mul3A_170, %add3A_171 : i32
        %add3A_173 = arith.constant 1 : i32
        %add3A_174 = arith.addi %add3A_172, %add3A_173 : i32
        %get3A_175 = arith.constant 1 : i32
        %get3A_176 = arith.index_cast %get3A_175 : i32 to index
        %get3A_177 = arith.index_cast %add3A_174 : i32 to index
        %get3A_178 = arith.constant 0 : index
        %get3A_179 = tpu.vector_load %arg7[%get3A_176, %get3A_177, %get3A_178] {strides = array<i32>} : memref<4x800x16xf32, #tpu.memory_space<vmem>>, vector<1x1x16xf32>,
        %get3A_180 = vector.shape_cast %get3A_179 : vector<1x1x16xf32> to vector<16xf32>
        %mul3A_181 = arith.constant 2 : i32
        %mul3A_182 = arith.muli %scan3A_149, %mul3A_181 : i32
        %mul3A_183 = arith.constant 50 : i32
        %mul3A_184 = arith.muli %mul3A_182, %mul3A_183 : i32
        %add3A_185 = arith.constant 0 : i32
        %add3A_186 = arith.addi %mul3A_184, %add3A_185 : i32
        %add3A_187 = arith.constant 2 : i32
        %add3A_188 = arith.addi %add3A_186, %add3A_187 : i32
        %get3A_189 = arith.constant 1 : i32
        %get3A_190 = arith.index_cast %get3A_189 : i32 to index
        %get3A_191 = arith.index_cast %add3A_188 : i32 to index
        %get3A_192 = arith.constant 0 : index
        %get3A_193 = tpu.vector_load %arg7[%get3A_190, %get3A_191, %get3A_192] {strides = array<i32>} : memref<4x800x16xf32, #tpu.memory_space<vmem>>, vector<1x1x16xf32>,
        %get3A_194 = vector.shape_cast %get3A_193 : vector<1x1x16xf32> to vector<16xf32>
        %mul3A_195 = arith.constant 2 : i32
        %mul3A_196 = arith.muli %scan3A_149, %mul3A_195 : i32
        %mul3A_197 = arith.constant 50 : i32
        %mul3A_198 = arith.muli %mul3A_196, %mul3A_197 : i32
        %add3A_199 = arith.constant 0 : i32
        %add3A_200 = arith.addi %mul3A_198, %add3A_199 : i32
        %add3A_201 = arith.constant 3 : i32
        %add3A_202 = arith.addi %add3A_200, %add3A_201 : i32
        %get3A_203 = arith.constant 1 : i32
        %get3A_204 = arith.index_cast %get3A_203 : i32 to index
        %get3A_205 = arith.index_cast %add3A_202 : i32 to index
        %get3A_206 = arith.constant 0 : index
        %get3A_207 = tpu.vector_load %arg7[%get3A_204, %get3A_205, %get3A_206] {strides = array<i32>} : memref<4x800x16xf32, #tpu.memory_space<vmem>>, vector<1x1x16xf32>,
        %get3A_208 = vector.shape_cast %get3A_207 : vector<1x1x16xf32> to vector<16xf32>
        %mul3A_209 = arith.constant 2 : i32
        %mul3A_210 = arith.muli %scan3A_149, %mul3A_209 : i32
        %mul3A_211 = arith.constant 50 : i32
        %mul3A_212 = arith.muli %mul3A_210, %mul3A_211 : i32
        %add3A_213 = arith.constant 0 : i32
        %add3A_214 = arith.addi %mul3A_212, %add3A_213 : i32
        %add3A_215 = arith.constant 4 : i32
        %add3A_216 = arith.addi %add3A_214, %add3A_215 : i32
        %get3A_217 = arith.constant 1 : i32
        %get3A_218 = arith.index_cast %get3A_217 : i32 to index
        %get3A_219 = arith.index_cast %add3A_216 : i32 to index
        %get3A_220 = arith.constant 0 : index
        %get3A_221 = tpu.vector_load %arg7[%get3A_218, %get3A_219, %get3A_220] {strides = array<i32>} : memref<4x800x16xf32, #tpu.memory_space<vmem>>, vector<1x1x16xf32>,
        %get3A_222 = vector.shape_cast %get3A_221 : vector<1x1x16xf32> to vector<16xf32>
        %mul3A_223 = arith.constant 2 : i32
        %mul3A_224 = arith.muli %scan3A_149, %mul3A_223 : i32
        %mul3A_225 = arith.constant 50 : i32
        %mul3A_226 = arith.muli %mul3A_224, %mul3A_225 : i32
        %add3A_227 = arith.constant 0 : i32
        %add3A_228 = arith.addi %mul3A_226, %add3A_227 : i32
        %add3A_229 = arith.constant 5 : i32
        %add3A_230 = arith.addi %add3A_228, %add3A_229 : i32
        %get3A_231 = arith.constant 1 : i32
        %get3A_232 = arith.index_cast %get3A_231 : i32 to index
        %get3A_233 = arith.index_cast %add3A_230 : i32 to index
        %get3A_234 = arith.constant 0 : index
        %get3A_235 = tpu.vector_load %arg7[%get3A_232, %get3A_233, %get3A_234] {strides = array<i32>} : memref<4x800x16xf32, #tpu.memory_space<vmem>>, vector<1x1x16xf32>,
        %get3A_236 = vector.shape_cast %get3A_235 : vector<1x1x16xf32> to vector<16xf32>
        %mul3A_237 = arith.constant 2 : i32
        %mul3A_238 = arith.muli %scan3A_149, %mul3A_237 : i32
        %mul3A_239 = arith.constant 50 : i32
        %mul3A_240 = arith.muli %mul3A_238, %mul3A_239 : i32
        %add3A_241 = arith.constant 0 : i32
        %add3A_242 = arith.addi %mul3A_240, %add3A_241 : i32
        %add3A_243 = arith.constant 6 : i32
        %add3A_244 = arith.addi %add3A_242, %add3A_243 : i32
        %get3A_245 = arith.constant 1 : i32
        %get3A_246 = arith.index_cast %get3A_245 : i32 to index
        %get3A_247 = arith.index_cast %add3A_244 : i32 to index
        %get3A_248 = arith.constant 0 : index
        %get3A_249 = tpu.vector_load %arg7[%get3A_246, %get3A_247, %get3A_248] {strides = array<i32>} : memref<4x800x16xf32, #tpu.memory_space<vmem>>, vector<1x1x16xf32>,
        %get3A_250 = vector.shape_cast %get3A_249 : vector<1x1x16xf32> to vector<16xf32>
        %mul3A_251 = arith.constant 2 : i32
        %mul3A_252 = arith.muli %scan3A_149, %mul3A_251 : i32
        %mul3A_253 = arith.constant 50 : i32
        %mul3A_254 = arith.muli %mul3A_252, %mul3A_253 : i32
        %add3A_255 = arith.constant 0 : i32
        %add3A_256 = arith.addi %mul3A_254, %add3A_255 : i32
        %add3A_257 = arith.constant 7 : i32
        %add3A_258 = arith.addi %add3A_256, %add3A_257 : i32
        %get3A_259 = arith.constant 1 : i32
        %get3A_260 = arith.index_cast %get3A_259 : i32 to index
        %get3A_261 = arith.index_cast %add3A_258 : i32 to index
        %get3A_262 = arith.constant 0 : index
        %get3A_263 = tpu.vector_load %arg7[%get3A_260, %get3A_261, %get3A_262] {strides = array<i32>} : memref<4x800x16xf32, #tpu.memory_space<vmem>>, vector<1x1x16xf32>,
        %get3A_264 = vector.shape_cast %get3A_263 : vector<1x1x16xf32> to vector<16xf32>
        %mul3A_265 = arith.constant 2 : i32
        %mul3A_266 = arith.muli %scan3A_149, %mul3A_265 : i32
        %mul3A_267 = arith.constant 50 : i32
        %mul3A_268 = arith.muli %mul3A_266, %mul3A_267 : i32
        %add3A_269 = arith.constant 0 : i32
        %add3A_270 = arith.addi %mul3A_268, %add3A_269 : i32
        %add3A_271 = arith.constant 8 : i32
        %add3A_272 = arith.addi %add3A_270, %add3A_271 : i32
        %get3A_273 = arith.constant 1 : i32
        %get3A_274 = arith.index_cast %get3A_273 : i32 to index
        %get3A_275 = arith.index_cast %add3A_272 : i32 to index
        %get3A_276 = arith.constant 0 : index
        %get3A_277 = tpu.vector_load %arg7[%get3A_274, %get3A_275, %get3A_276] {strides = array<i32>} : memref<4x800x16xf32, #tpu.memory_space<vmem>>, vector<1x1x16xf32>,
        %get3A_278 = vector.shape_cast %get3A_277 : vector<1x1x16xf32> to vector<16xf32>
        %mul3A_279 = arith.constant 2 : i32
        %mul3A_280 = arith.muli %scan3A_149, %mul3A_279 : i32
        %mul3A_281 = arith.constant 50 : i32
        %mul3A_282 = arith.muli %mul3A_280, %mul3A_281 : i32
        %add3A_283 = arith.constant 0 : i32
        %add3A_284 = arith.addi %mul3A_282, %add3A_283 : i32
        %add3A_285 = arith.constant 9 : i32
        %add3A_286 = arith.addi %add3A_284, %add3A_285 : i32
        %get3A_287 = arith.constant 1 : i32
        %get3A_288 = arith.index_cast %get3A_287 : i32 to index
        %get3A_289 = arith.index_cast %add3A_286 : i32 to index
        %get3A_290 = arith.constant 0 : index
        %get3A_291 = tpu.vector_load %arg7[%get3A_288, %get3A_289, %get3A_290] {strides = array<i32>} : memref<4x800x16xf32, #tpu.memory_space<vmem>>, vector<1x1x16xf32>,
        %get3A_292 = vector.shape_cast %get3A_291 : vector<1x1x16xf32> to vector<16xf32>
        %mul3A_293 = arith.constant 2 : i32
        %mul3A_294 = arith.muli %scan3A_149, %mul3A_293 : i32
        %mul3A_295 = arith.constant 50 : i32
        %mul3A_296 = arith.muli %mul3A_294, %mul3A_295 : i32
        %add3A_297 = arith.constant 0 : i32
        %add3A_298 = arith.addi %mul3A_296, %add3A_297 : i32
        %add3A_299 = arith.constant 10 : i32
        %add3A_300 = arith.addi %add3A_298, %add3A_299 : i32
        %get3A_301 = arith.constant 1 : i32
        %get3A_302 = arith.index_cast %get3A_301 : i32 to index
        %get3A_303 = arith.index_cast %add3A_300 : i32 to index
        %get3A_304 = arith.constant 0 : index
        %get3A_305 = tpu.vector_load %arg7[%get3A_302, %get3A_303, %get3A_304] {strides = array<i32>} : memref<4x800x16xf32, #tpu.memory_space<vmem>>, vector<1x1x16xf32>,
        %get3A_306 = vector.shape_cast %get3A_305 : vector<1x1x16xf32> to vector<16xf32>
        %mul3A_307 = arith.constant 2 : i32
        %mul3A_308 = arith.muli %scan3A_149, %mul3A_307 : i32
        %mul3A_309 = arith.constant 50 : i32
        %mul3A_310 = arith.muli %mul3A_308, %mul3A_309 : i32
        %add3A_311 = arith.constant 0 : i32
        %add3A_312 = arith.addi %mul3A_310, %add3A_311 : i32
        %add3A_313 = arith.constant 11 : i32
        %add3A_314 = arith.addi %add3A_312, %add3A_313 : i32
        %get3A_315 = arith.constant 1 : i32
        %get3A_316 = arith.index_cast %get3A_315 : i32 to index
        %get3A_317 = arith.index_cast %add3A_314 : i32 to index
        %get3A_318 = arith.constant 0 : index
        %get3A_319 = tpu.vector_load %arg7[%get3A_316, %get3A_317, %get3A_318] {strides = array<i32>} : memref<4x800x16xf32, #tpu.memory_space<vmem>>, vector<1x1x16xf32>,
        %get3A_320 = vector.shape_cast %get3A_319 : vector<1x1x16xf32> to vector<16xf32>
        %mul3A_321 = arith.constant 2 : i32
        %mul3A_322 = arith.muli %scan3A_149, %mul3A_321 : i32
        %mul3A_323 = arith.constant 50 : i32
        %mul3A_324 = arith.muli %mul3A_322, %mul3A_323 : i32
        %add3A_325 = arith.constant 0 : i32
        %add3A_326 = arith.addi %mul3A_324, %add3A_325 : i32
        %add3A_327 = arith.constant 12 : i32
        %add3A_328 = arith.addi %add3A_326, %add3A_327 : i32
        %get3A_329 = arith.constant 1 : i32
        %get3A_330 = arith.index_cast %get3A_329 : i32 to index
        %get3A_331 = arith.index_cast %add3A_328 : i32 to index
        %get3A_332 = arith.constant 0 : index
        %get3A_333 = tpu.vector_load %arg7[%get3A_330, %get3A_331, %get3A_332] {strides = array<i32>} : memref<4x800x16xf32, #tpu.memory_space<vmem>>, vector<1x1x16xf32>,
        %get3A_334 = vector.shape_cast %get3A_333 : vector<1x1x16xf32> to vector<16xf32>
        %mul3A_335 = arith.constant 2 : i32
        %mul3A_336 = arith.muli %scan3A_149, %mul3A_335 : i32
        %mul3A_337 = arith.constant 50 : i32
        %mul3A_338 = arith.muli %mul3A_336, %mul3A_337 : i32
        %add3A_339 = arith.constant 0 : i32
        %add3A_340 = arith.addi %mul3A_338, %add3A_339 : i32
        %add3A_341 = arith.constant 13 : i32
        %add3A_342 = arith.addi %add3A_340, %add3A_341 : i32
        %get3A_343 = arith.constant 1 : i32
        %get3A_344 = arith.index_cast %get3A_343 : i32 to index
        %get3A_345 = arith.index_cast %add3A_342 : i32 to index
        %get3A_346 = arith.constant 0 : index
        %get3A_347 = tpu.vector_load %arg7[%get3A_344, %get3A_345, %get3A_346] {strides = array<i32>} : memref<4x800x16xf32, #tpu.memory_space<vmem>>, vector<1x1x16xf32>,
        %get3A_348 = vector.shape_cast %get3A_347 : vector<1x1x16xf32> to vector<16xf32>
        %mul3A_349 = arith.constant 2 : i32
        %mul3A_350 = arith.muli %scan3A_149, %mul3A_349 : i32
        %mul3A_351 = arith.constant 50 : i32
        %mul3A_352 = arith.muli %mul3A_350, %mul3A_351 : i32
        %add3A_353 = arith.constant 0 : i32
        %add3A_354 = arith.addi %mul3A_352, %add3A_353 : i32
        %add3A_355 = arith.constant 14 : i32
        %add3A_356 = arith.addi %add3A_354, %add3A_355 : i32
        %get3A_357 = arith.constant 1 : i32
        %get3A_358 = arith.index_cast %get3A_357 : i32 to index
        %get3A_359 = arith.index_cast %add3A_356 : i32 to index
        %get3A_360 = arith.constant 0 : index
        %get3A_361 = tpu.vector_load %arg7[%get3A_358, %get3A_359, %get3A_360] {strides = array<i32>} : memref<4x800x16xf32, #tpu.memory_space<vmem>>, vector<1x1x16xf32>,
        %get3A_362 = vector.shape_cast %get3A_361 : vector<1x1x16xf32> to vector<16xf32>
        %mul3A_363 = arith.constant 2 : i32
        %mul3A_364 = arith.muli %scan3A_149, %mul3A_363 : i32
        %mul3A_365 = arith.constant 50 : i32
        %mul3A_366 = arith.muli %mul3A_364, %mul3A_365 : i32
        %add3A_367 = arith.constant 0 : i32
        %add3A_368 = arith.addi %mul3A_366, %add3A_367 : i32
        %add3A_369 = arith.constant 15 : i32
        %add3A_370 = arith.addi %add3A_368, %add3A_369 : i32
        %get3A_371 = arith.constant 1 : i32
        %get3A_372 = arith.index_cast %get3A_371 : i32 to index
        %get3A_373 = arith.index_cast %add3A_370 : i32 to index
        %get3A_374 = arith.constant 0 : index
        %get3A_375 = tpu.vector_load %arg7[%get3A_372, %get3A_373, %get3A_374] {strides = array<i32>} : memref<4x800x16xf32, #tpu.memory_space<vmem>>, vector<1x1x16xf32>,
        %get3A_376 = vector.shape_cast %get3A_375 : vector<1x1x16xf32> to vector<16xf32>
        %mul3A_377 = arith.constant 2 : i32
        %mul3A_378 = arith.muli %scan3A_149, %mul3A_377 : i32
        %mul3A_379 = arith.constant 50 : i32
        %mul3A_380 = arith.muli %mul3A_378, %mul3A_379 : i32
        %add3A_381 = arith.constant 0 : i32
        %add3A_382 = arith.addi %mul3A_380, %add3A_381 : i32
        %add3A_383 = arith.constant 16 : i32
        %add3A_384 = arith.addi %add3A_382, %add3A_383 : i32
        %get3A_385 = arith.constant 1 : i32
        %get3A_386 = arith.index_cast %get3A_385 : i32 to index
        %get3A_387 = arith.index_cast %add3A_384 : i32 to index
        %get3A_388 = arith.constant 0 : index
        %get3A_389 = tpu.vector_load %arg7[%get3A_386, %get3A_387, %get3A_388] {strides = array<i32>} : memref<4x800x16xf32, #tpu.memory_space<vmem>>, vector<1x1x16xf32>,
        %get3A_390 = vector.shape_cast %get3A_389 : vector<1x1x16xf32> to vector<16xf32>
        %mul3A_391 = arith.constant 2 : i32
        %mul3A_392 = arith.muli %scan3A_149, %mul3A_391 : i32
        %mul3A_393 = arith.constant 50 : i32
        %mul3A_394 = arith.muli %mul3A_392, %mul3A_393 : i32
        %add3A_395 = arith.constant 0 : i32
        %add3A_396 = arith.addi %mul3A_394, %add3A_395 : i32
        %add3A_397 = arith.constant 17 : i32
        %add3A_398 = arith.addi %add3A_396, %add3A_397 : i32
        %get3A_399 = arith.constant 1 : i32
        %get3A_400 = arith.index_cast %get3A_399 : i32 to index
        %get3A_401 = arith.index_cast %add3A_398 : i32 to index
        %get3A_402 = arith.constant 0 : index
        %get3A_403 = tpu.vector_load %arg7[%get3A_400, %get3A_401, %get3A_402] {strides = array<i32>} : memref<4x800x16xf32, #tpu.memory_space<vmem>>, vector<1x1x16xf32>,
        %get3A_404 = vector.shape_cast %get3A_403 : vector<1x1x16xf32> to vector<16xf32>
        %mul3A_405 = arith.constant 2 : i32
        %mul3A_406 = arith.muli %scan3A_149, %mul3A_405 : i32
        %mul3A_407 = arith.constant 50 : i32
        %mul3A_408 = arith.muli %mul3A_406, %mul3A_407 : i32
        %add3A_409 = arith.constant 0 : i32
        %add3A_410 = arith.addi %mul3A_408, %add3A_409 : i32
        %add3A_411 = arith.constant 18 : i32
        %add3A_412 = arith.addi %add3A_410, %add3A_411 : i32
        %get3A_413 = arith.constant 1 : i32
        %get3A_414 = arith.index_cast %get3A_413 : i32 to index
        %get3A_415 = arith.index_cast %add3A_412 : i32 to index
        %get3A_416 = arith.constant 0 : index
        %get3A_417 = tpu.vector_load %arg7[%get3A_414, %get3A_415, %get3A_416] {strides = array<i32>} : memref<4x800x16xf32, #tpu.memory_space<vmem>>, vector<1x1x16xf32>,
        %get3A_418 = vector.shape_cast %get3A_417 : vector<1x1x16xf32> to vector<16xf32>
        %mul3A_419 = arith.constant 2 : i32
        %mul3A_420 = arith.muli %scan3A_149, %mul3A_419 : i32
        %mul3A_421 = arith.constant 50 : i32
        %mul3A_422 = arith.muli %mul3A_420, %mul3A_421 : i32
        %add3A_423 = arith.constant 0 : i32
        %add3A_424 = arith.addi %mul3A_422, %add3A_423 : i32
        %add3A_425 = arith.constant 19 : i32
        %add3A_426 = arith.addi %add3A_424, %add3A_425 : i32
        %get3A_427 = arith.constant 1 : i32
        %get3A_428 = arith.index_cast %get3A_427 : i32 to index
        %get3A_429 = arith.index_cast %add3A_426 : i32 to index
        %get3A_430 = arith.constant 0 : index
        %get3A_431 = tpu.vector_load %arg7[%get3A_428, %get3A_429, %get3A_430] {strides = array<i32>} : memref<4x800x16xf32, #tpu.memory_space<vmem>>, vector<1x1x16xf32>,
        %get3A_432 = vector.shape_cast %get3A_431 : vector<1x1x16xf32> to vector<16xf32>
        %mul3A_433 = arith.constant 2 : i32
        %mul3A_434 = arith.muli %scan3A_149, %mul3A_433 : i32
        %mul3A_435 = arith.constant 50 : i32
        %mul3A_436 = arith.muli %mul3A_434, %mul3A_435 : i32
        %add3A_437 = arith.constant 0 : i32
        %add3A_438 = arith.addi %mul3A_436, %add3A_437 : i32
        %add3A_439 = arith.constant 20 : i32
        %add3A_440 = arith.addi %add3A_438, %add3A_439 : i32
        %get3A_441 = arith.constant 1 : i32
        %get3A_442 = arith.index_cast %get3A_441 : i32 to index
        %get3A_443 = arith.index_cast %add3A_440 : i32 to index
        %get3A_444 = arith.constant 0 : index
        %get3A_445 = tpu.vector_load %arg7[%get3A_442, %get3A_443, %get3A_444] {strides = array<i32>} : memref<4x800x16xf32, #tpu.memory_space<vmem>>, vector<1x1x16xf32>,
        %get3A_446 = vector.shape_cast %get3A_445 : vector<1x1x16xf32> to vector<16xf32>
        %mul3A_447 = arith.constant 2 : i32
        %mul3A_448 = arith.muli %scan3A_149, %mul3A_447 : i32
        %mul3A_449 = arith.constant 50 : i32
        %mul3A_450 = arith.muli %mul3A_448, %mul3A_449 : i32
        %add3A_451 = arith.constant 0 : i32
        %add3A_452 = arith.addi %mul3A_450, %add3A_451 : i32
        %add3A_453 = arith.constant 21 : i32
        %add3A_454 = arith.addi %add3A_452, %add3A_453 : i32
        %get3A_455 = arith.constant 1 : i32
        %get3A_456 = arith.index_cast %get3A_455 : i32 to index
        %get3A_457 = arith.index_cast %add3A_454 : i32 to index
        %get3A_458 = arith.constant 0 : index
        %get3A_459 = tpu.vector_load %arg7[%get3A_456, %get3A_457, %get3A_458] {strides = array<i32>} : memref<4x800x16xf32, #tpu.memory_space<vmem>>, vector<1x1x16xf32>,
        %get3A_460 = vector.shape_cast %get3A_459 : vector<1x1x16xf32> to vector<16xf32>
        %mul3A_461 = arith.constant 2 : i32
        %mul3A_462 = arith.muli %scan3A_149, %mul3A_461 : i32
        %mul3A_463 = arith.constant 50 : i32
        %mul3A_464 = arith.muli %mul3A_462, %mul3A_463 : i32
        %add3A_465 = arith.constant 0 : i32
        %add3A_466 = arith.addi %mul3A_464, %add3A_465 : i32
        %add3A_467 = arith.constant 22 : i32
        %add3A_468 = arith.addi %add3A_466, %add3A_467 : i32
        %get3A_469 = arith.constant 1 : i32
        %get3A_470 = arith.index_cast %get3A_469 : i32 to index
        %get3A_471 = arith.index_cast %add3A_468 : i32 to index
        %get3A_472 = arith.constant 0 : index
        %get3A_473 = tpu.vector_load %arg7[%get3A_470, %get3A_471, %get3A_472] {strides = array<i32>} : memref<4x800x16xf32, #tpu.memory_space<vmem>>, vector<1x1x16xf32>,
        %get3A_474 = vector.shape_cast %get3A_473 : vector<1x1x16xf32> to vector<16xf32>
        %mul3A_475 = arith.constant 2 : i32
        %mul3A_476 = arith.muli %scan3A_149, %mul3A_475 : i32
        %mul3A_477 = arith.constant 50 : i32
        %mul3A_478 = arith.muli %mul3A_476, %mul3A_477 : i32
        %add3A_479 = arith.constant 0 : i32
        %add3A_480 = arith.addi %mul3A_478, %add3A_479 : i32
        %add3A_481 = arith.constant 23 : i32
        %add3A_482 = arith.addi %add3A_480, %add3A_481 : i32
        %get3A_483 = arith.constant 1 : i32
        %get3A_484 = arith.index_cast %get3A_483 : i32 to index
        %get3A_485 = arith.index_cast %add3A_482 : i32 to index
        %get3A_486 = arith.constant 0 : index
        %get3A_487 = tpu.vector_load %arg7[%get3A_484, %get3A_485, %get3A_486] {strides = array<i32>} : memref<4x800x16xf32, #tpu.memory_space<vmem>>, vector<1x1x16xf32>,
        %get3A_488 = vector.shape_cast %get3A_487 : vector<1x1x16xf32> to vector<16xf32>
        %mul3A_489 = arith.constant 2 : i32
        %mul3A_490 = arith.muli %scan3A_149, %mul3A_489 : i32
        %mul3A_491 = arith.constant 50 : i32
        %mul3A_492 = arith.muli %mul3A_490, %mul3A_491 : i32
        %add3A_493 = arith.constant 0 : i32
        %add3A_494 = arith.addi %mul3A_492, %add3A_493 : i32
        %add3A_495 = arith.constant 24 : i32
        %add3A_496 = arith.addi %add3A_494, %add3A_495 : i32
        %get3A_497 = arith.constant 1 : i32
        %get3A_498 = arith.index_cast %get3A_497 : i32 to index
        %get3A_499 = arith.index_cast %add3A_496 : i32 to index
        %get3A_500 = arith.constant 0 : index
        %get3A_501 = tpu.vector_load %arg7[%get3A_498, %get3A_499, %get3A_500] {strides = array<i32>} : memref<4x800x16xf32, #tpu.memory_space<vmem>>, vector<1x1x16xf32>,
        %get3A_502 = vector.shape_cast %get3A_501 : vector<1x1x16xf32> to vector<16xf32>
        %mul3A_503 = arith.constant 2 : i32
        %mul3A_504 = arith.muli %scan3A_149, %mul3A_503 : i32
        %mul3A_505 = arith.constant 50 : i32
        %mul3A_506 = arith.muli %mul3A_504, %mul3A_505 : i32
        %add3A_507 = arith.constant 0 : i32
        %add3A_508 = arith.addi %mul3A_506, %add3A_507 : i32
        %add3A_509 = arith.constant 25 : i32
        %add3A_510 = arith.addi %add3A_508, %add3A_509 : i32
        %get3A_511 = arith.constant 1 : i32
        %get3A_512 = arith.index_cast %get3A_511 : i32 to index
        %get3A_513 = arith.index_cast %add3A_510 : i32 to index
        %get3A_514 = arith.constant 0 : index
        %get3A_515 = tpu.vector_load %arg7[%get3A_512, %get3A_513, %get3A_514] {strides = array<i32>} : memref<4x800x16xf32, #tpu.memory_space<vmem>>, vector<1x1x16xf32>,
        %get3A_516 = vector.shape_cast %get3A_515 : vector<1x1x16xf32> to vector<16xf32>
        %mul3A_517 = arith.constant 2 : i32
        %mul3A_518 = arith.muli %scan3A_149, %mul3A_517 : i32
        %mul3A_519 = arith.constant 50 : i32
        %mul3A_520 = arith.muli %mul3A_518, %mul3A_519 : i32
        %add3A_521 = arith.constant 0 : i32
        %add3A_522 = arith.addi %mul3A_520, %add3A_521 : i32
        %add3A_523 = arith.constant 26 : i32
        %add3A_524 = arith.addi %add3A_522, %add3A_523 : i32
        %get3A_525 = arith.constant 1 : i32
        %get3A_526 = arith.index_cast %get3A_525 : i32 to index
        %get3A_527 = arith.index_cast %add3A_524 : i32 to index
        %get3A_528 = arith.constant 0 : index
        %get3A_529 = tpu.vector_load %arg7[%get3A_526, %get3A_527, %get3A_528] {strides = array<i32>} : memref<4x800x16xf32, #tpu.memory_space<vmem>>, vector<1x1x16xf32>,
        %get3A_530 = vector.shape_cast %get3A_529 : vector<1x1x16xf32> to vector<16xf32>
        %mul3A_531 = arith.constant 2 : i32
        %mul3A_532 = arith.muli %scan3A_149, %mul3A_531 : i32
        %mul3A_533 = arith.constant 50 : i32
        %mul3A_534 = arith.muli %mul3A_532, %mul3A_533 : i32
        %add3A_535 = arith.constant 0 : i32
        %add3A_536 = arith.addi %mul3A_534, %add3A_535 : i32
        %add3A_537 = arith.constant 27 : i32
        %add3A_538 = arith.addi %add3A_536, %add3A_537 : i32
        %get3A_539 = arith.constant 1 : i32
        %get3A_540 = arith.index_cast %get3A_539 : i32 to index
        %get3A_541 = arith.index_cast %add3A_538 : i32 to index
        %get3A_542 = arith.constant 0 : index
        %get3A_543 = tpu.vector_load %arg7[%get3A_540, %get3A_541, %get3A_542] {strides = array<i32>} : memref<4x800x16xf32, #tpu.memory_space<vmem>>, vector<1x1x16xf32>,
        %get3A_544 = vector.shape_cast %get3A_543 : vector<1x1x16xf32> to vector<16xf32>
        %mul3A_545 = arith.constant 2 : i32
        %mul3A_546 = arith.muli %scan3A_149, %mul3A_545 : i32
        %mul3A_547 = arith.constant 50 : i32
        %mul3A_548 = arith.muli %mul3A_546, %mul3A_547 : i32
        %add3A_549 = arith.constant 0 : i32
        %add3A_550 = arith.addi %mul3A_548, %add3A_549 : i32
        %add3A_551 = arith.constant 28 : i32
        %add3A_552 = arith.addi %add3A_550, %add3A_551 : i32
        %get3A_553 = arith.constant 1 : i32
        %get3A_554 = arith.index_cast %get3A_553 : i32 to index
        %get3A_555 = arith.index_cast %add3A_552 : i32 to index
        %get3A_556 = arith.constant 0 : index
        %get3A_557 = tpu.vector_load %arg7[%get3A_554, %get3A_555, %get3A_556] {strides = array<i32>} : memref<4x800x16xf32, #tpu.memory_space<vmem>>, vector<1x1x16xf32>,
        %get3A_558 = vector.shape_cast %get3A_557 : vector<1x1x16xf32> to vector<16xf32>
        %mul3A_559 = arith.constant 2 : i32
        %mul3A_560 = arith.muli %scan3A_149, %mul3A_559 : i32
        %mul3A_561 = arith.constant 50 : i32
        %mul3A_562 = arith.muli %mul3A_560, %mul3A_561 : i32
        %add3A_563 = arith.constant 0 : i32
        %add3A_564 = arith.addi %mul3A_562, %add3A_563 : i32
        %add3A_565 = arith.constant 29 : i32
        %add3A_566 = arith.addi %add3A_564, %add3A_565 : i32
        %get3A_567 = arith.constant 1 : i32
        %get3A_568 = arith.index_cast %get3A_567 : i32 to index
        %get3A_569 = arith.index_cast %add3A_566 : i32 to index
        %get3A_570 = arith.constant 0 : index
        %get3A_571 = tpu.vector_load %arg7[%get3A_568, %get3A_569, %get3A_570] {strides = array<i32>} : memref<4x800x16xf32, #tpu.memory_space<vmem>>, vector<1x1x16xf32>,
        %get3A_572 = vector.shape_cast %get3A_571 : vector<1x1x16xf32> to vector<16xf32>
        %mul3A_573 = arith.constant 2 : i32
        %mul3A_574 = arith.muli %scan3A_149, %mul3A_573 : i32
        %mul3A_575 = arith.constant 50 : i32
        %mul3A_576 = arith.muli %mul3A_574, %mul3A_575 : i32
        %add3A_577 = arith.constant 0 : i32
        %add3A_578 = arith.addi %mul3A_576, %add3A_577 : i32
        %add3A_579 = arith.constant 30 : i32
        %add3A_580 = arith.addi %add3A_578, %add3A_579 : i32
        %get3A_581 = arith.constant 1 : i32
        %get3A_582 = arith.index_cast %get3A_581 : i32 to index
        %get3A_583 = arith.index_cast %add3A_580 : i32 to index
        %get3A_584 = arith.constant 0 : index
        %get3A_585 = tpu.vector_load %arg7[%get3A_582, %get3A_583, %get3A_584] {strides = array<i32>} : memref<4x800x16xf32, #tpu.memory_space<vmem>>, vector<1x1x16xf32>,
        %get3A_586 = vector.shape_cast %get3A_585 : vector<1x1x16xf32> to vector<16xf32>
        %mul3A_587 = arith.constant 2 : i32
        %mul3A_588 = arith.muli %scan3A_149, %mul3A_587 : i32
        %mul3A_589 = arith.constant 50 : i32
        %mul3A_590 = arith.muli %mul3A_588, %mul3A_589 : i32
        %add3A_591 = arith.constant 0 : i32
        %add3A_592 = arith.addi %mul3A_590, %add3A_591 : i32
        %add3A_593 = arith.constant 31 : i32
        %add3A_594 = arith.addi %add3A_592, %add3A_593 : i32
        %get3A_595 = arith.constant 1 : i32
        %get3A_596 = arith.index_cast %get3A_595 : i32 to index
        %get3A_597 = arith.index_cast %add3A_594 : i32 to index
        %get3A_598 = arith.constant 0 : index
        %get3A_599 = tpu.vector_load %arg7[%get3A_596, %get3A_597, %get3A_598] {strides = array<i32>} : memref<4x800x16xf32, #tpu.memory_space<vmem>>, vector<1x1x16xf32>,
        %get3A_600 = vector.shape_cast %get3A_599 : vector<1x1x16xf32> to vector<16xf32>
        %mul3A_601 = arith.constant 2 : i32
        %mul3A_602 = arith.muli %scan3A_149, %mul3A_601 : i32
        %mul3A_603 = arith.constant 50 : i32
        %mul3A_604 = arith.muli %mul3A_602, %mul3A_603 : i32
        %add3A_605 = arith.constant 0 : i32
        %add3A_606 = arith.addi %mul3A_604, %add3A_605 : i32
        %add3A_607 = arith.constant 32 : i32
        %add3A_608 = arith.addi %add3A_606, %add3A_607 : i32
        %get3A_609 = arith.constant 1 : i32
        %get3A_610 = arith.index_cast %get3A_609 : i32 to index
        %get3A_611 = arith.index_cast %add3A_608 : i32 to index
        %get3A_612 = arith.constant 0 : index
        %get3A_613 = tpu.vector_load %arg7[%get3A_610, %get3A_611, %get3A_612] {strides = array<i32>} : memref<4x800x16xf32, #tpu.memory_space<vmem>>, vector<1x1x16xf32>,
        %get3A_614 = vector.shape_cast %get3A_613 : vector<1x1x16xf32> to vector<16xf32>
        %mul3A_615 = arith.constant 2 : i32
        %mul3A_616 = arith.muli %scan3A_149, %mul3A_615 : i32
        %mul3A_617 = arith.constant 50 : i32
        %mul3A_618 = arith.muli %mul3A_616, %mul3A_617 : i32
        %add3A_619 = arith.constant 0 : i32
        %add3A_620 = arith.addi %mul3A_618, %add3A_619 : i32
        %add3A_621 = arith.constant 33 : i32
        %add3A_622 = arith.addi %add3A_620, %add3A_621 : i32
        %get3A_623 = arith.constant 1 : i32
        %get3A_624 = arith.index_cast %get3A_623 : i32 to index
        %get3A_625 = arith.index_cast %add3A_622 : i32 to index
        %get3A_626 = arith.constant 0 : index
        %get3A_627 = tpu.vector_load %arg7[%get3A_624, %get3A_625, %get3A_626] {strides = array<i32>} : memref<4x800x16xf32, #tpu.memory_space<vmem>>, vector<1x1x16xf32>,
        %get3A_628 = vector.shape_cast %get3A_627 : vector<1x1x16xf32> to vector<16xf32>
        %mul3A_629 = arith.constant 2 : i32
        %mul3A_630 = arith.muli %scan3A_149, %mul3A_629 : i32
        %mul3A_631 = arith.constant 50 : i32
        %mul3A_632 = arith.muli %mul3A_630, %mul3A_631 : i32
        %add3A_633 = arith.constant 0 : i32
        %add3A_634 = arith.addi %mul3A_632, %add3A_633 : i32
        %add3A_635 = arith.constant 34 : i32
        %add3A_636 = arith.addi %add3A_634, %add3A_635 : i32
        %get3A_637 = arith.constant 1 : i32
        %get3A_638 = arith.index_cast %get3A_637 : i32 to index
        %get3A_639 = arith.index_cast %add3A_636 : i32 to index
        %get3A_640 = arith.constant 0 : index
        %get3A_641 = tpu.vector_load %arg7[%get3A_638, %get3A_639, %get3A_640] {strides = array<i32>} : memref<4x800x16xf32, #tpu.memory_space<vmem>>, vector<1x1x16xf32>,
        %get3A_642 = vector.shape_cast %get3A_641 : vector<1x1x16xf32> to vector<16xf32>
        %mul3A_643 = arith.constant 2 : i32
        %mul3A_644 = arith.muli %scan3A_149, %mul3A_643 : i32
        %mul3A_645 = arith.constant 50 : i32
        %mul3A_646 = arith.muli %mul3A_644, %mul3A_645 : i32
        %add3A_647 = arith.constant 0 : i32
        %add3A_648 = arith.addi %mul3A_646, %add3A_647 : i32
        %add3A_649 = arith.constant 35 : i32
        %add3A_650 = arith.addi %add3A_648, %add3A_649 : i32
        %get3A_651 = arith.constant 1 : i32
        %get3A_652 = arith.index_cast %get3A_651 : i32 to index
        %get3A_653 = arith.index_cast %add3A_650 : i32 to index
        %get3A_654 = arith.constant 0 : index
        %get3A_655 = tpu.vector_load %arg7[%get3A_652, %get3A_653, %get3A_654] {strides = array<i32>} : memref<4x800x16xf32, #tpu.memory_space<vmem>>, vector<1x1x16xf32>,
        %get3A_656 = vector.shape_cast %get3A_655 : vector<1x1x16xf32> to vector<16xf32>
        %mul3A_657 = arith.constant 2 : i32
        %mul3A_658 = arith.muli %scan3A_149, %mul3A_657 : i32
        %mul3A_659 = arith.constant 50 : i32
        %mul3A_660 = arith.muli %mul3A_658, %mul3A_659 : i32
        %add3A_661 = arith.constant 0 : i32
        %add3A_662 = arith.addi %mul3A_660, %add3A_661 : i32
        %add3A_663 = arith.constant 36 : i32
        %add3A_664 = arith.addi %add3A_662, %add3A_663 : i32
        %get3A_665 = arith.constant 1 : i32
        %get3A_666 = arith.index_cast %get3A_665 : i32 to index
        %get3A_667 = arith.index_cast %add3A_664 : i32 to index
        %get3A_668 = arith.constant 0 : index
        %get3A_669 = tpu.vector_load %arg7[%get3A_666, %get3A_667, %get3A_668] {strides = array<i32>} : memref<4x800x16xf32, #tpu.memory_space<vmem>>, vector<1x1x16xf32>,
        %get3A_670 = vector.shape_cast %get3A_669 : vector<1x1x16xf32> to vector<16xf32>
        %mul3A_671 = arith.constant 2 : i32
        %mul3A_672 = arith.muli %scan3A_149, %mul3A_671 : i32
        %mul3A_673 = arith.constant 50 : i32
        %mul3A_674 = arith.muli %mul3A_672, %mul3A_673 : i32
        %add3A_675 = arith.constant 0 : i32
        %add3A_676 = arith.addi %mul3A_674, %add3A_675 : i32
        %add3A_677 = arith.constant 37 : i32
        %add3A_678 = arith.addi %add3A_676, %add3A_677 : i32
        %get3A_679 = arith.constant 1 : i32
        %get3A_680 = arith.index_cast %get3A_679 : i32 to index
        %get3A_681 = arith.index_cast %add3A_678 : i32 to index
        %get3A_682 = arith.constant 0 : index
        %get3A_683 = tpu.vector_load %arg7[%get3A_680, %get3A_681, %get3A_682] {strides = array<i32>} : memref<4x800x16xf32, #tpu.memory_space<vmem>>, vector<1x1x16xf32>,
        %get3A_684 = vector.shape_cast %get3A_683 : vector<1x1x16xf32> to vector<16xf32>
        %mul3A_685 = arith.constant 2 : i32
        %mul3A_686 = arith.muli %scan3A_149, %mul3A_685 : i32
        %mul3A_687 = arith.constant 50 : i32
        %mul3A_688 = arith.muli %mul3A_686, %mul3A_687 : i32
        %add3A_689 = arith.constant 0 : i32
        %add3A_690 = arith.addi %mul3A_688, %add3A_689 : i32
        %add3A_691 = arith.constant 38 : i32
        %add3A_692 = arith.addi %add3A_690, %add3A_691 : i32
        %get3A_693 = arith.constant 1 : i32
        %get3A_694 = arith.index_cast %get3A_693 : i32 to index
        %get3A_695 = arith.index_cast %add3A_692 : i32 to index
        %get3A_696 = arith.constant 0 : index
        %get3A_697 = tpu.vector_load %arg7[%get3A_694, %get3A_695, %get3A_696] {strides = array<i32>} : memref<4x800x16xf32, #tpu.memory_space<vmem>>, vector<1x1x16xf32>,
        %get3A_698 = vector.shape_cast %get3A_697 : vector<1x1x16xf32> to vector<16xf32>
        %mul3A_699 = arith.constant 2 : i32
        %mul3A_700 = arith.muli %scan3A_149, %mul3A_699 : i32
        %mul3A_701 = arith.constant 50 : i32
        %mul3A_702 = arith.muli %mul3A_700, %mul3A_701 : i32
        %add3A_703 = arith.constant 0 : i32
        %add3A_704 = arith.addi %mul3A_702, %add3A_703 : i32
        %add3A_705 = arith.constant 39 : i32
        %add3A_706 = arith.addi %add3A_704, %add3A_705 : i32
        %get3A_707 = arith.constant 1 : i32
        %get3A_708 = arith.index_cast %get3A_707 : i32 to index
        %get3A_709 = arith.index_cast %add3A_706 : i32 to index
        %get3A_710 = arith.constant 0 : index
        %get3A_711 = tpu.vector_load %arg7[%get3A_708, %get3A_709, %get3A_710] {strides = array<i32>} : memref<4x800x16xf32, #tpu.memory_space<vmem>>, vector<1x1x16xf32>,
        %get3A_712 = vector.shape_cast %get3A_711 : vector<1x1x16xf32> to vector<16xf32>
        %mul3A_713 = arith.constant 2 : i32
        %mul3A_714 = arith.muli %scan3A_149, %mul3A_713 : i32
        %mul3A_715 = arith.constant 50 : i32
        %mul3A_716 = arith.muli %mul3A_714, %mul3A_715 : i32
        %add3A_717 = arith.constant 0 : i32
        %add3A_718 = arith.addi %mul3A_716, %add3A_717 : i32
        %add3A_719 = arith.constant 40 : i32
        %add3A_720 = arith.addi %add3A_718, %add3A_719 : i32
        %get3A_721 = arith.constant 1 : i32
        %get3A_722 = arith.index_cast %get3A_721 : i32 to index
        %get3A_723 = arith.index_cast %add3A_720 : i32 to index
        %get3A_724 = arith.constant 0 : index
        %get3A_725 = tpu.vector_load %arg7[%get3A_722, %get3A_723, %get3A_724] {strides = array<i32>} : memref<4x800x16xf32, #tpu.memory_space<vmem>>, vector<1x1x16xf32>,
        %get3A_726 = vector.shape_cast %get3A_725 : vector<1x1x16xf32> to vector<16xf32>
        %mul3A_727 = arith.constant 2 : i32
        %mul3A_728 = arith.muli %scan3A_149, %mul3A_727 : i32
        %mul3A_729 = arith.constant 50 : i32
        %mul3A_730 = arith.muli %mul3A_728, %mul3A_729 : i32
        %add3A_731 = arith.constant 0 : i32
        %add3A_732 = arith.addi %mul3A_730, %add3A_731 : i32
        %add3A_733 = arith.constant 41 : i32
        %add3A_734 = arith.addi %add3A_732, %add3A_733 : i32
        %get3A_735 = arith.constant 1 : i32
        %get3A_736 = arith.index_cast %get3A_735 : i32 to index
        %get3A_737 = arith.index_cast %add3A_734 : i32 to index
        %get3A_738 = arith.constant 0 : index
        %get3A_739 = tpu.vector_load %arg7[%get3A_736, %get3A_737, %get3A_738] {strides = array<i32>} : memref<4x800x16xf32, #tpu.memory_space<vmem>>, vector<1x1x16xf32>,
        %get3A_740 = vector.shape_cast %get3A_739 : vector<1x1x16xf32> to vector<16xf32>
        %mul3A_741 = arith.constant 2 : i32
        %mul3A_742 = arith.muli %scan3A_149, %mul3A_741 : i32
        %mul3A_743 = arith.constant 50 : i32
        %mul3A_744 = arith.muli %mul3A_742, %mul3A_743 : i32
        %add3A_745 = arith.constant 0 : i32
        %add3A_746 = arith.addi %mul3A_744, %add3A_745 : i32
        %add3A_747 = arith.constant 42 : i32
        %add3A_748 = arith.addi %add3A_746, %add3A_747 : i32
        %get3A_749 = arith.constant 1 : i32
        %get3A_750 = arith.index_cast %get3A_749 : i32 to index
        %get3A_751 = arith.index_cast %add3A_748 : i32 to index
        %get3A_752 = arith.constant 0 : index
        %get3A_753 = tpu.vector_load %arg7[%get3A_750, %get3A_751, %get3A_752] {strides = array<i32>} : memref<4x800x16xf32, #tpu.memory_space<vmem>>, vector<1x1x16xf32>,
        %get3A_754 = vector.shape_cast %get3A_753 : vector<1x1x16xf32> to vector<16xf32>
        %mul3A_755 = arith.constant 2 : i32
        %mul3A_756 = arith.muli %scan3A_149, %mul3A_755 : i32
        %mul3A_757 = arith.constant 50 : i32
        %mul3A_758 = arith.muli %mul3A_756, %mul3A_757 : i32
        %add3A_759 = arith.constant 0 : i32
        %add3A_760 = arith.addi %mul3A_758, %add3A_759 : i32
        %add3A_761 = arith.constant 43 : i32
        %add3A_762 = arith.addi %add3A_760, %add3A_761 : i32
        %get3A_763 = arith.constant 1 : i32
        %get3A_764 = arith.index_cast %get3A_763 : i32 to index
        %get3A_765 = arith.index_cast %add3A_762 : i32 to index
        %get3A_766 = arith.constant 0 : index
        %get3A_767 = tpu.vector_load %arg7[%get3A_764, %get3A_765, %get3A_766] {strides = array<i32>} : memref<4x800x16xf32, #tpu.memory_space<vmem>>, vector<1x1x16xf32>,
        %get3A_768 = vector.shape_cast %get3A_767 : vector<1x1x16xf32> to vector<16xf32>
        %mul3A_769 = arith.constant 2 : i32
        %mul3A_770 = arith.muli %scan3A_149, %mul3A_769 : i32
        %mul3A_771 = arith.constant 50 : i32
        %mul3A_772 = arith.muli %mul3A_770, %mul3A_771 : i32
        %add3A_773 = arith.constant 0 : i32
        %add3A_774 = arith.addi %mul3A_772, %add3A_773 : i32
        %add3A_775 = arith.constant 44 : i32
        %add3A_776 = arith.addi %add3A_774, %add3A_775 : i32
        %get3A_777 = arith.constant 1 : i32
        %get3A_778 = arith.index_cast %get3A_777 : i32 to index
        %get3A_779 = arith.index_cast %add3A_776 : i32 to index
        %get3A_780 = arith.constant 0 : index
        %get3A_781 = tpu.vector_load %arg7[%get3A_778, %get3A_779, %get3A_780] {strides = array<i32>} : memref<4x800x16xf32, #tpu.memory_space<vmem>>, vector<1x1x16xf32>,
        %get3A_782 = vector.shape_cast %get3A_781 : vector<1x1x16xf32> to vector<16xf32>
        %mul3A_783 = arith.constant 2 : i32
        %mul3A_784 = arith.muli %scan3A_149, %mul3A_783 : i32
        %mul3A_785 = arith.constant 50 : i32
        %mul3A_786 = arith.muli %mul3A_784, %mul3A_785 : i32
        %add3A_787 = arith.constant 0 : i32
        %add3A_788 = arith.addi %mul3A_786, %add3A_787 : i32
        %add3A_789 = arith.constant 45 : i32
        %add3A_790 = arith.addi %add3A_788, %add3A_789 : i32
        %get3A_791 = arith.constant 1 : i32
        %get3A_792 = arith.index_cast %get3A_791 : i32 to index
        %get3A_793 = arith.index_cast %add3A_790 : i32 to index
        %get3A_794 = arith.constant 0 : index
        %get3A_795 = tpu.vector_load %arg7[%get3A_792, %get3A_793, %get3A_794] {strides = array<i32>} : memref<4x800x16xf32, #tpu.memory_space<vmem>>, vector<1x1x16xf32>,
        %get3A_796 = vector.shape_cast %get3A_795 : vector<1x1x16xf32> to vector<16xf32>
        %mul3A_797 = arith.constant 2 : i32
        %mul3A_798 = arith.muli %scan3A_149, %mul3A_797 : i32
        %mul3A_799 = arith.constant 50 : i32
        %mul3A_800 = arith.muli %mul3A_798, %mul3A_799 : i32
        %add3A_801 = arith.constant 0 : i32
        %add3A_802 = arith.addi %mul3A_800, %add3A_801 : i32
        %add3A_803 = arith.constant 46 : i32
        %add3A_804 = arith.addi %add3A_802, %add3A_803 : i32
        %get3A_805 = arith.constant 1 : i32
        %get3A_806 = arith.index_cast %get3A_805 : i32 to index
        %get3A_807 = arith.index_cast %add3A_804 : i32 to index
        %get3A_808 = arith.constant 0 : index
        %get3A_809 = tpu.vector_load %arg7[%get3A_806, %get3A_807, %get3A_808] {strides = array<i32>} : memref<4x800x16xf32, #tpu.memory_space<vmem>>, vector<1x1x16xf32>,
        %get3A_810 = vector.shape_cast %get3A_809 : vector<1x1x16xf32> to vector<16xf32>
        %mul3A_811 = arith.constant 2 : i32
        %mul3A_812 = arith.muli %scan3A_149, %mul3A_811 : i32
        %mul3A_813 = arith.constant 50 : i32
        %mul3A_814 = arith.muli %mul3A_812, %mul3A_813 : i32
        %add3A_815 = arith.constant 0 : i32
        %add3A_816 = arith.addi %mul3A_814, %add3A_815 : i32
        %add3A_817 = arith.constant 47 : i32
        %add3A_818 = arith.addi %add3A_816, %add3A_817 : i32
        %get3A_819 = arith.constant 1 : i32
        %get3A_820 = arith.index_cast %get3A_819 : i32 to index
        %get3A_821 = arith.index_cast %add3A_818 : i32 to index
        %get3A_822 = arith.constant 0 : index
        %get3A_823 = tpu.vector_load %arg7[%get3A_820, %get3A_821, %get3A_822] {strides = array<i32>} : memref<4x800x16xf32, #tpu.memory_space<vmem>>, vector<1x1x16xf32>,
        %get3A_824 = vector.shape_cast %get3A_823 : vector<1x1x16xf32> to vector<16xf32>
        %mul3A_825 = arith.constant 2 : i32
        %mul3A_826 = arith.muli %scan3A_149, %mul3A_825 : i32
        %mul3A_827 = arith.constant 50 : i32
        %mul3A_828 = arith.muli %mul3A_826, %mul3A_827 : i32
        %add3A_829 = arith.constant 0 : i32
        %add3A_830 = arith.addi %mul3A_828, %add3A_829 : i32
        %add3A_831 = arith.constant 48 : i32
        %add3A_832 = arith.addi %add3A_830, %add3A_831 : i32
        %get3A_833 = arith.constant 1 : i32
        %get3A_834 = arith.index_cast %get3A_833 : i32 to index
        %get3A_835 = arith.index_cast %add3A_832 : i32 to index
        %get3A_836 = arith.constant 0 : index
        %get3A_837 = tpu.vector_load %arg7[%get3A_834, %get3A_835, %get3A_836] {strides = array<i32>} : memref<4x800x16xf32, #tpu.memory_space<vmem>>, vector<1x1x16xf32>,
        %get3A_838 = vector.shape_cast %get3A_837 : vector<1x1x16xf32> to vector<16xf32>
        %mul3A_839 = arith.constant 2 : i32
        %mul3A_840 = arith.muli %scan3A_149, %mul3A_839 : i32
        %mul3A_841 = arith.constant 50 : i32
        %mul3A_842 = arith.muli %mul3A_840, %mul3A_841 : i32
        %add3A_843 = arith.constant 0 : i32
        %add3A_844 = arith.addi %mul3A_842, %add3A_843 : i32
        %add3A_845 = arith.constant 49 : i32
        %add3A_846 = arith.addi %add3A_844, %add3A_845 : i32
        %get3A_847 = arith.constant 1 : i32
        %get3A_848 = arith.index_cast %get3A_847 : i32 to index
        %get3A_849 = arith.index_cast %add3A_846 : i32 to index
        %get3A_850 = arith.constant 0 : index
        %get3A_851 = tpu.vector_load %arg7[%get3A_848, %get3A_849, %get3A_850] {strides = array<i32>} : memref<4x800x16xf32, #tpu.memory_space<vmem>>, vector<1x1x16xf32>,
        %get3A_852 = vector.shape_cast %get3A_851 : vector<1x1x16xf32> to vector<16xf32>
        %add3A_853 = arith.addf %get3A_166, %get3A_180 : vector<16xf32>
        %add3A_854 = arith.addf %get3A_194, %get3A_208 : vector<16xf32>
        %add3A_855 = arith.addf %get3A_222, %get3A_236 : vector<16xf32>
        %add3A_856 = arith.addf %get3A_250, %get3A_264 : vector<16xf32>
        %add3A_857 = arith.addf %get3A_278, %get3A_292 : vector<16xf32>
        %add3A_858 = arith.addf %get3A_306, %get3A_320 : vector<16xf32>
        %add3A_859 = arith.addf %get3A_334, %get3A_348 : vector<16xf32>
        %add3A_860 = arith.addf %get3A_362, %get3A_376 : vector<16xf32>
        %add3A_861 = arith.addf %get3A_390, %get3A_404 : vector<16xf32>
        %add3A_862 = arith.addf %get3A_418, %get3A_432 : vector<16xf32>
        %add3A_863 = arith.addf %get3A_446, %get3A_460 : vector<16xf32>
        %add3A_864 = arith.addf %get3A_474, %get3A_488 : vector<16xf32>
        %add3A_865 = arith.addf %get3A_502, %get3A_516 : vector<16xf32>
        %add3A_866 = arith.addf %get3A_530, %get3A_544 : vector<16xf32>
        %add3A_867 = arith.addf %get3A_558, %get3A_572 : vector<16xf32>
        %add3A_868 = arith.addf %get3A_586, %get3A_600 : vector<16xf32>
        %add3A_869 = arith.addf %get3A_614, %get3A_628 : vector<16xf32>
        %add3A_870 = arith.addf %get3A_642, %get3A_656 : vector<16xf32>
        %add3A_871 = arith.addf %get3A_670, %get3A_684 : vector<16xf32>
        %add3A_872 = arith.addf %get3A_698, %get3A_712 : vector<16xf32>
        %add3A_873 = arith.addf %get3A_726, %get3A_740 : vector<16xf32>
        %add3A_874 = arith.addf %get3A_754, %get3A_768 : vector<16xf32>
        %add3A_875 = arith.addf %get3A_782, %get3A_796 : vector<16xf32>
        %add3A_876 = arith.addf %get3A_810, %get3A_824 : vector<16xf32>
        %add3A_877 = arith.addf %get3A_838, %get3A_852 : vector<16xf32>
        %add3A_878 = arith.addf %add3A_853, %add3A_854 : vector<16xf32>
        %add3A_879 = arith.addf %add3A_855, %add3A_856 : vector<16xf32>
        %add3A_880 = arith.addf %add3A_857, %add3A_858 : vector<16xf32>
        %add3A_881 = arith.addf %add3A_859, %add3A_860 : vector<16xf32>
        %add3A_882 = arith.addf %add3A_861, %add3A_862 : vector<16xf32>
        %add3A_883 = arith.addf %add3A_863, %add3A_864 : vector<16xf32>
        %add3A_884 = arith.addf %add3A_865, %add3A_866 : vector<16xf32>
        %add3A_885 = arith.addf %add3A_867, %add3A_868 : vector<16xf32>
        %add3A_886 = arith.addf %add3A_869, %add3A_870 : vector<16xf32>
        %add3A_887 = arith.addf %add3A_871, %add3A_872 : vector<16xf32>
        %add3A_888 = arith.addf %add3A_873, %add3A_874 : vector<16xf32>
        %add3A_889 = arith.addf %add3A_875, %add3A_876 : vector<16xf32>
        %add3A_890 = arith.addf %add3A_877, %get3A_4 : vector<16xf32>
        %add3A_891 = arith.addf %add3A_878, %add3A_879 : vector<16xf32>
        %add3A_892 = arith.addf %add3A_880, %add3A_881 : vector<16xf32>
        %add3A_893 = arith.addf %add3A_882, %add3A_883 : vector<16xf32>
        %add3A_894 = arith.addf %add3A_884, %add3A_885 : vector<16xf32>
        %add3A_895 = arith.addf %add3A_886, %add3A_887 : vector<16xf32>
        %add3A_896 = arith.addf %add3A_888, %add3A_889 : vector<16xf32>
        %add3A_897 = arith.addf %add3A_891, %add3A_892 : vector<16xf32>
        %add3A_898 = arith.addf %add3A_893, %add3A_894 : vector<16xf32>
        %add3A_899 = arith.addf %add3A_895, %add3A_896 : vector<16xf32>
        %add3A_900 = arith.addf %add3A_897, %add3A_898 : vector<16xf32>
        %add3A_901 = arith.addf %add3A_899, %add3A_890 : vector<16xf32>
        %add3A_902 = arith.addf %add3A_900, %add3A_901 : vector<16xf32>
        %mul3A_903 = arith.constant 2 : i32
        %mul3A_904 = arith.muli %add3A_152, %mul3A_903 : i32
        %add3A_905 = arith.constant 0 : i32
        %add3A_906 = arith.addi %mul3A_904, %add3A_905 : i32
        %swap3A = arith.index_cast %add3A_906 : i32 to index
        %swap3A_907 = arith.constant 0 : index
        %swap3A_908 = tpu.vector_load %arg8[%swap3A, %swap3A_907] {strides = array<i32>} : memref<512x16xf32, #tpu.memory_space<vmem>>, vector<1x16xf32>,
        %swap3A_909 = vector.shape_cast %swap3A_908 : vector<1x16xf32> to vector<16xf32>
        %swap3A_910 = vector.shape_cast %add3A_902 : vector<16xf32> to vector<1x16xf32>
        tpu.vector_store %arg8[%swap3A, %swap3A_907], %swap3A_910 {strides = array<i32>} : memref<512x16xf32, #tpu.memory_space<vmem>>, vector<1x16xf32>,
        %mul3A_911 = arith.constant 2 : i32
        %mul3A_912 = arith.muli %scan3A_149, %mul3A_911 : i32
        %mul3A_913 = arith.constant 50 : i32
        %mul3A_914 = arith.muli %mul3A_912, %mul3A_913 : i32
        %add3A_915 = arith.constant 50 : i32
        %add3A_916 = arith.addi %mul3A_914, %add3A_915 : i32
        %add3A_917 = arith.constant 0 : i32
        %add3A_918 = arith.addi %add3A_916, %add3A_917 : i32
        %get3A_919 = arith.constant 1 : i32
        %get3A_920 = arith.index_cast %get3A_919 : i32 to index
        %get3A_921 = arith.index_cast %add3A_918 : i32 to index
        %get3A_922 = arith.constant 0 : index
        %get3A_923 = tpu.vector_load %arg7[%get3A_920, %get3A_921, %get3A_922] {strides = array<i32>} : memref<4x800x16xf32, #tpu.memory_space<vmem>>, vector<1x1x16xf32>,
        %get3A_924 = vector.shape_cast %get3A_923 : vector<1x1x16xf32> to vector<16xf32>
        %mul3A_925 = arith.constant 2 : i32
        %mul3A_926 = arith.muli %scan3A_149, %mul3A_925 : i32
        %mul3A_927 = arith.constant 50 : i32
        %mul3A_928 = arith.muli %mul3A_926, %mul3A_927 : i32
        %add3A_929 = arith.constant 50 : i32
        %add3A_930 = arith.addi %mul3A_928, %add3A_929 : i32
        %add3A_931 = arith.constant 1 : i32
        %add3A_932 = arith.addi %add3A_930, %add3A_931 : i32
        %get3A_933 = arith.constant 1 : i32
        %get3A_934 = arith.index_cast %get3A_933 : i32 to index
        %get3A_935 = arith.index_cast %add3A_932 : i32 to index
        %get3A_936 = arith.constant 0 : index
        %get3A_937 = tpu.vector_load %arg7[%get3A_934, %get3A_935, %get3A_936] {strides = array<i32>} : memref<4x800x16xf32, #tpu.memory_space<vmem>>, vector<1x1x16xf32>,
        %get3A_938 = vector.shape_cast %get3A_937 : vector<1x1x16xf32> to vector<16xf32>
        %mul3A_939 = arith.constant 2 : i32
        %mul3A_940 = arith.muli %scan3A_149, %mul3A_939 : i32
        %mul3A_941 = arith.constant 50 : i32
        %mul3A_942 = arith.muli %mul3A_940, %mul3A_941 : i32
        %add3A_943 = arith.constant 50 : i32
        %add3A_944 = arith.addi %mul3A_942, %add3A_943 : i32
        %add3A_945 = arith.constant 2 : i32
        %add3A_946 = arith.addi %add3A_944, %add3A_945 : i32
        %get3A_947 = arith.constant 1 : i32
        %get3A_948 = arith.index_cast %get3A_947 : i32 to index
        %get3A_949 = arith.index_cast %add3A_946 : i32 to index
        %get3A_950 = arith.constant 0 : index
        %get3A_951 = tpu.vector_load %arg7[%get3A_948, %get3A_949, %get3A_950] {strides = array<i32>} : memref<4x800x16xf32, #tpu.memory_space<vmem>>, vector<1x1x16xf32>,
        %get3A_952 = vector.shape_cast %get3A_951 : vector<1x1x16xf32> to vector<16xf32>
        %mul3A_953 = arith.constant 2 : i32
        %mul3A_954 = arith.muli %scan3A_149, %mul3A_953 : i32
        %mul3A_955 = arith.constant 50 : i32
        %mul3A_956 = arith.muli %mul3A_954, %mul3A_955 : i32
        %add3A_957 = arith.constant 50 : i32
        %add3A_958 = arith.addi %mul3A_956, %add3A_957 : i32
        %add3A_959 = arith.constant 3 : i32
        %add3A_960 = arith.addi %add3A_958, %add3A_959 : i32
        %get3A_961 = arith.constant 1 : i32
        %get3A_962 = arith.index_cast %get3A_961 : i32 to index
        %get3A_963 = arith.index_cast %add3A_960 : i32 to index
        %get3A_964 = arith.constant 0 : index
        %get3A_965 = tpu.vector_load %arg7[%get3A_962, %get3A_963, %get3A_964] {strides = array<i32>} : memref<4x800x16xf32, #tpu.memory_space<vmem>>, vector<1x1x16xf32>,
        %get3A_966 = vector.shape_cast %get3A_965 : vector<1x1x16xf32> to vector<16xf32>
        %mul3A_967 = arith.constant 2 : i32
        %mul3A_968 = arith.muli %scan3A_149, %mul3A_967 : i32
        %mul3A_969 = arith.constant 50 : i32
        %mul3A_970 = arith.muli %mul3A_968, %mul3A_969 : i32
        %add3A_971 = arith.constant 50 : i32
        %add3A_972 = arith.addi %mul3A_970, %add3A_971 : i32
        %add3A_973 = arith.constant 4 : i32
        %add3A_974 = arith.addi %add3A_972, %add3A_973 : i32
        %get3A_975 = arith.constant 1 : i32
        %get3A_976 = arith.index_cast %get3A_975 : i32 to index
        %get3A_977 = arith.index_cast %add3A_974 : i32 to index
        %get3A_978 = arith.constant 0 : index
        %get3A_979 = tpu.vector_load %arg7[%get3A_976, %get3A_977, %get3A_978] {strides = array<i32>} : memref<4x800x16xf32, #tpu.memory_space<vmem>>, vector<1x1x16xf32>,
        %get3A_980 = vector.shape_cast %get3A_979 : vector<1x1x16xf32> to vector<16xf32>
        %mul3A_981 = arith.constant 2 : i32
        %mul3A_982 = arith.muli %scan3A_149, %mul3A_981 : i32
        %mul3A_983 = arith.constant 50 : i32
        %mul3A_984 = arith.muli %mul3A_982, %mul3A_983 : i32
        %add3A_985 = arith.constant 50 : i32
        %add3A_986 = arith.addi %mul3A_984, %add3A_985 : i32
        %add3A_987 = arith.constant 5 : i32
        %add3A_988 = arith.addi %add3A_986, %add3A_987 : i32
        %get3A_989 = arith.constant 1 : i32
        %get3A_990 = arith.index_cast %get3A_989 : i32 to index
        %get3A_991 = arith.index_cast %add3A_988 : i32 to index
        %get3A_992 = arith.constant 0 : index
        %get3A_993 = tpu.vector_load %arg7[%get3A_990, %get3A_991, %get3A_992] {strides = array<i32>} : memref<4x800x16xf32, #tpu.memory_space<vmem>>, vector<1x1x16xf32>,
        %get3A_994 = vector.shape_cast %get3A_993 : vector<1x1x16xf32> to vector<16xf32>
        %mul3A_995 = arith.constant 2 : i32
        %mul3A_996 = arith.muli %scan3A_149, %mul3A_995 : i32
        %mul3A_997 = arith.constant 50 : i32
        %mul3A_998 = arith.muli %mul3A_996, %mul3A_997 : i32
        %add3A_999 = arith.constant 50 : i32
        %add3A_1000 = arith.addi %mul3A_998, %add3A_999 : i32
        %add3A_1001 = arith.constant 6 : i32
        %add3A_1002 = arith.addi %add3A_1000, %add3A_1001 : i32
        %get3A_1003 = arith.constant 1 : i32
        %get3A_1004 = arith.index_cast %get3A_1003 : i32 to index
        %get3A_1005 = arith.index_cast %add3A_1002 : i32 to index
        %get3A_1006 = arith.constant 0 : index
        %get3A_1007 = tpu.vector_load %arg7[%get3A_1004, %get3A_1005, %get3A_1006] {strides = array<i32>} : memref<4x800x16xf32, #tpu.memory_space<vmem>>, vector<1x1x16xf32>,
        %get3A_1008 = vector.shape_cast %get3A_1007 : vector<1x1x16xf32> to vector<16xf32>
        %mul3A_1009 = arith.constant 2 : i32
        %mul3A_1010 = arith.muli %scan3A_149, %mul3A_1009 : i32
        %mul3A_1011 = arith.constant 50 : i32
        %mul3A_1012 = arith.muli %mul3A_1010, %mul3A_1011 : i32
        %add3A_1013 = arith.constant 50 : i32
        %add3A_1014 = arith.addi %mul3A_1012, %add3A_1013 : i32
        %add3A_1015 = arith.constant 7 : i32
        %add3A_1016 = arith.addi %add3A_1014, %add3A_1015 : i32
        %get3A_1017 = arith.constant 1 : i32
        %get3A_1018 = arith.index_cast %get3A_1017 : i32 to index
        %get3A_1019 = arith.index_cast %add3A_1016 : i32 to index
        %get3A_1020 = arith.constant 0 : index
        %get3A_1021 = tpu.vector_load %arg7[%get3A_1018, %get3A_1019, %get3A_1020] {strides = array<i32>} : memref<4x800x16xf32, #tpu.memory_space<vmem>>, vector<1x1x16xf32>,
        %get3A_1022 = vector.shape_cast %get3A_1021 : vector<1x1x16xf32> to vector<16xf32>
        %mul3A_1023 = arith.constant 2 : i32
        %mul3A_1024 = arith.muli %scan3A_149, %mul3A_1023 : i32
        %mul3A_1025 = arith.constant 50 : i32
        %mul3A_1026 = arith.muli %mul3A_1024, %mul3A_1025 : i32
        %add3A_1027 = arith.constant 50 : i32
        %add3A_1028 = arith.addi %mul3A_1026, %add3A_1027 : i32
        %add3A_1029 = arith.constant 8 : i32
        %add3A_1030 = arith.addi %add3A_1028, %add3A_1029 : i32
        %get3A_1031 = arith.constant 1 : i32
        %get3A_1032 = arith.index_cast %get3A_1031 : i32 to index
        %get3A_1033 = arith.index_cast %add3A_1030 : i32 to index
        %get3A_1034 = arith.constant 0 : index
        %get3A_1035 = tpu.vector_load %arg7[%get3A_1032, %get3A_1033, %get3A_1034] {strides = array<i32>} : memref<4x800x16xf32, #tpu.memory_space<vmem>>, vector<1x1x16xf32>,
        %get3A_1036 = vector.shape_cast %get3A_1035 : vector<1x1x16xf32> to vector<16xf32>
        %mul3A_1037 = arith.constant 2 : i32
        %mul3A_1038 = arith.muli %scan3A_149, %mul3A_1037 : i32
        %mul3A_1039 = arith.constant 50 : i32
        %mul3A_1040 = arith.muli %mul3A_1038, %mul3A_1039 : i32
        %add3A_1041 = arith.constant 50 : i32
        %add3A_1042 = arith.addi %mul3A_1040, %add3A_1041 : i32
        %add3A_1043 = arith.constant 9 : i32
        %add3A_1044 = arith.addi %add3A_1042, %add3A_1043 : i32
        %get3A_1045 = arith.constant 1 : i32
        %get3A_1046 = arith.index_cast %get3A_1045 : i32 to index
        %get3A_1047 = arith.index_cast %add3A_1044 : i32 to index
        %get3A_1048 = arith.constant 0 : index
        %get3A_1049 = tpu.vector_load %arg7[%get3A_1046, %get3A_1047, %get3A_1048] {strides = array<i32>} : memref<4x800x16xf32, #tpu.memory_space<vmem>>, vector<1x1x16xf32>,
        %get3A_1050 = vector.shape_cast %get3A_1049 : vector<1x1x16xf32> to vector<16xf32>
        %mul3A_1051 = arith.constant 2 : i32
        %mul3A_1052 = arith.muli %scan3A_149, %mul3A_1051 : i32
        %mul3A_1053 = arith.constant 50 : i32
        %mul3A_1054 = arith.muli %mul3A_1052, %mul3A_1053 : i32
        %add3A_1055 = arith.constant 50 : i32
        %add3A_1056 = arith.addi %mul3A_1054, %add3A_1055 : i32
        %add3A_1057 = arith.constant 10 : i32
        %add3A_1058 = arith.addi %add3A_1056, %add3A_1057 : i32
        %get3A_1059 = arith.constant 1 : i32
        %get3A_1060 = arith.index_cast %get3A_1059 : i32 to index
        %get3A_1061 = arith.index_cast %add3A_1058 : i32 to index
        %get3A_1062 = arith.constant 0 : index
        %get3A_1063 = tpu.vector_load %arg7[%get3A_1060, %get3A_1061, %get3A_1062] {strides = array<i32>} : memref<4x800x16xf32, #tpu.memory_space<vmem>>, vector<1x1x16xf32>,
        %get3A_1064 = vector.shape_cast %get3A_1063 : vector<1x1x16xf32> to vector<16xf32>
        %mul3A_1065 = arith.constant 2 : i32
        %mul3A_1066 = arith.muli %scan3A_149, %mul3A_1065 : i32
        %mul3A_1067 = arith.constant 50 : i32
        %mul3A_1068 = arith.muli %mul3A_1066, %mul3A_1067 : i32
        %add3A_1069 = arith.constant 50 : i32
        %add3A_1070 = arith.addi %mul3A_1068, %add3A_1069 : i32
        %add3A_1071 = arith.constant 11 : i32
        %add3A_1072 = arith.addi %add3A_1070, %add3A_1071 : i32
        %get3A_1073 = arith.constant 1 : i32
        %get3A_1074 = arith.index_cast %get3A_1073 : i32 to index
        %get3A_1075 = arith.index_cast %add3A_1072 : i32 to index
        %get3A_1076 = arith.constant 0 : index
        %get3A_1077 = tpu.vector_load %arg7[%get3A_1074, %get3A_1075, %get3A_1076] {strides = array<i32>} : memref<4x800x16xf32, #tpu.memory_space<vmem>>, vector<1x1x16xf32>,
        %get3A_1078 = vector.shape_cast %get3A_1077 : vector<1x1x16xf32> to vector<16xf32>
        %mul3A_1079 = arith.constant 2 : i32
        %mul3A_1080 = arith.muli %scan3A_149, %mul3A_1079 : i32
        %mul3A_1081 = arith.constant 50 : i32
        %mul3A_1082 = arith.muli %mul3A_1080, %mul3A_1081 : i32
        %add3A_1083 = arith.constant 50 : i32
        %add3A_1084 = arith.addi %mul3A_1082, %add3A_1083 : i32
        %add3A_1085 = arith.constant 12 : i32
        %add3A_1086 = arith.addi %add3A_1084, %add3A_1085 : i32
        %get3A_1087 = arith.constant 1 : i32
        %get3A_1088 = arith.index_cast %get3A_1087 : i32 to index
        %get3A_1089 = arith.index_cast %add3A_1086 : i32 to index
        %get3A_1090 = arith.constant 0 : index
        %get3A_1091 = tpu.vector_load %arg7[%get3A_1088, %get3A_1089, %get3A_1090] {strides = array<i32>} : memref<4x800x16xf32, #tpu.memory_space<vmem>>, vector<1x1x16xf32>,
        %get3A_1092 = vector.shape_cast %get3A_1091 : vector<1x1x16xf32> to vector<16xf32>
        %mul3A_1093 = arith.constant 2 : i32
        %mul3A_1094 = arith.muli %scan3A_149, %mul3A_1093 : i32
        %mul3A_1095 = arith.constant 50 : i32
        %mul3A_1096 = arith.muli %mul3A_1094, %mul3A_1095 : i32
        %add3A_1097 = arith.constant 50 : i32
        %add3A_1098 = arith.addi %mul3A_1096, %add3A_1097 : i32
        %add3A_1099 = arith.constant 13 : i32
        %add3A_1100 = arith.addi %add3A_1098, %add3A_1099 : i32
        %get3A_1101 = arith.constant 1 : i32
        %get3A_1102 = arith.index_cast %get3A_1101 : i32 to index
        %get3A_1103 = arith.index_cast %add3A_1100 : i32 to index
        %get3A_1104 = arith.constant 0 : index
        %get3A_1105 = tpu.vector_load %arg7[%get3A_1102, %get3A_1103, %get3A_1104] {strides = array<i32>} : memref<4x800x16xf32, #tpu.memory_space<vmem>>, vector<1x1x16xf32>,
        %get3A_1106 = vector.shape_cast %get3A_1105 : vector<1x1x16xf32> to vector<16xf32>
        %mul3A_1107 = arith.constant 2 : i32
        %mul3A_1108 = arith.muli %scan3A_149, %mul3A_1107 : i32
        %mul3A_1109 = arith.constant 50 : i32
        %mul3A_1110 = arith.muli %mul3A_1108, %mul3A_1109 : i32
        %add3A_1111 = arith.constant 50 : i32
        %add3A_1112 = arith.addi %mul3A_1110, %add3A_1111 : i32
        %add3A_1113 = arith.constant 14 : i32
        %add3A_1114 = arith.addi %add3A_1112, %add3A_1113 : i32
        %get3A_1115 = arith.constant 1 : i32
        %get3A_1116 = arith.index_cast %get3A_1115 : i32 to index
        %get3A_1117 = arith.index_cast %add3A_1114 : i32 to index
        %get3A_1118 = arith.constant 0 : index
        %get3A_1119 = tpu.vector_load %arg7[%get3A_1116, %get3A_1117, %get3A_1118] {strides = array<i32>} : memref<4x800x16xf32, #tpu.memory_space<vmem>>, vector<1x1x16xf32>,
        %get3A_1120 = vector.shape_cast %get3A_1119 : vector<1x1x16xf32> to vector<16xf32>
        %mul3A_1121 = arith.constant 2 : i32
        %mul3A_1122 = arith.muli %scan3A_149, %mul3A_1121 : i32
        %mul3A_1123 = arith.constant 50 : i32
        %mul3A_1124 = arith.muli %mul3A_1122, %mul3A_1123 : i32
        %add3A_1125 = arith.constant 50 : i32
        %add3A_1126 = arith.addi %mul3A_1124, %add3A_1125 : i32
        %add3A_1127 = arith.constant 15 : i32
        %add3A_1128 = arith.addi %add3A_1126, %add3A_1127 : i32
        %get3A_1129 = arith.constant 1 : i32
        %get3A_1130 = arith.index_cast %get3A_1129 : i32 to index
        %get3A_1131 = arith.index_cast %add3A_1128 : i32 to index
        %get3A_1132 = arith.constant 0 : index
        %get3A_1133 = tpu.vector_load %arg7[%get3A_1130, %get3A_1131, %get3A_1132] {strides = array<i32>} : memref<4x800x16xf32, #tpu.memory_space<vmem>>, vector<1x1x16xf32>,
        %get3A_1134 = vector.shape_cast %get3A_1133 : vector<1x1x16xf32> to vector<16xf32>
        %mul3A_1135 = arith.constant 2 : i32
        %mul3A_1136 = arith.muli %scan3A_149, %mul3A_1135 : i32
        %mul3A_1137 = arith.constant 50 : i32
        %mul3A_1138 = arith.muli %mul3A_1136, %mul3A_1137 : i32
        %add3A_1139 = arith.constant 50 : i32
        %add3A_1140 = arith.addi %mul3A_1138, %add3A_1139 : i32
        %add3A_1141 = arith.constant 16 : i32
        %add3A_1142 = arith.addi %add3A_1140, %add3A_1141 : i32
        %get3A_1143 = arith.constant 1 : i32
        %get3A_1144 = arith.index_cast %get3A_1143 : i32 to index
        %get3A_1145 = arith.index_cast %add3A_1142 : i32 to index
        %get3A_1146 = arith.constant 0 : index
        %get3A_1147 = tpu.vector_load %arg7[%get3A_1144, %get3A_1145, %get3A_1146] {strides = array<i32>} : memref<4x800x16xf32, #tpu.memory_space<vmem>>, vector<1x1x16xf32>,
        %get3A_1148 = vector.shape_cast %get3A_1147 : vector<1x1x16xf32> to vector<16xf32>
        %mul3A_1149 = arith.constant 2 : i32
        %mul3A_1150 = arith.muli %scan3A_149, %mul3A_1149 : i32
        %mul3A_1151 = arith.constant 50 : i32
        %mul3A_1152 = arith.muli %mul3A_1150, %mul3A_1151 : i32
        %add3A_1153 = arith.constant 50 : i32
        %add3A_1154 = arith.addi %mul3A_1152, %add3A_1153 : i32
        %add3A_1155 = arith.constant 17 : i32
        %add3A_1156 = arith.addi %add3A_1154, %add3A_1155 : i32
        %get3A_1157 = arith.constant 1 : i32
        %get3A_1158 = arith.index_cast %get3A_1157 : i32 to index
        %get3A_1159 = arith.index_cast %add3A_1156 : i32 to index
        %get3A_1160 = arith.constant 0 : index
        %get3A_1161 = tpu.vector_load %arg7[%get3A_1158, %get3A_1159, %get3A_1160] {strides = array<i32>} : memref<4x800x16xf32, #tpu.memory_space<vmem>>, vector<1x1x16xf32>,
        %get3A_1162 = vector.shape_cast %get3A_1161 : vector<1x1x16xf32> to vector<16xf32>
        %mul3A_1163 = arith.constant 2 : i32
        %mul3A_1164 = arith.muli %scan3A_149, %mul3A_1163 : i32
        %mul3A_1165 = arith.constant 50 : i32
        %mul3A_1166 = arith.muli %mul3A_1164, %mul3A_1165 : i32
        %add3A_1167 = arith.constant 50 : i32
        %add3A_1168 = arith.addi %mul3A_1166, %add3A_1167 : i32
        %add3A_1169 = arith.constant 18 : i32
        %add3A_1170 = arith.addi %add3A_1168, %add3A_1169 : i32
        %get3A_1171 = arith.constant 1 : i32
        %get3A_1172 = arith.index_cast %get3A_1171 : i32 to index
        %get3A_1173 = arith.index_cast %add3A_1170 : i32 to index
        %get3A_1174 = arith.constant 0 : index
        %get3A_1175 = tpu.vector_load %arg7[%get3A_1172, %get3A_1173, %get3A_1174] {strides = array<i32>} : memref<4x800x16xf32, #tpu.memory_space<vmem>>, vector<1x1x16xf32>,
        %get3A_1176 = vector.shape_cast %get3A_1175 : vector<1x1x16xf32> to vector<16xf32>
        %mul3A_1177 = arith.constant 2 : i32
        %mul3A_1178 = arith.muli %scan3A_149, %mul3A_1177 : i32
        %mul3A_1179 = arith.constant 50 : i32
        %mul3A_1180 = arith.muli %mul3A_1178, %mul3A_1179 : i32
        %add3A_1181 = arith.constant 50 : i32
        %add3A_1182 = arith.addi %mul3A_1180, %add3A_1181 : i32
        %add3A_1183 = arith.constant 19 : i32
        %add3A_1184 = arith.addi %add3A_1182, %add3A_1183 : i32
        %get3A_1185 = arith.constant 1 : i32
        %get3A_1186 = arith.index_cast %get3A_1185 : i32 to index
        %get3A_1187 = arith.index_cast %add3A_1184 : i32 to index
        %get3A_1188 = arith.constant 0 : index
        %get3A_1189 = tpu.vector_load %arg7[%get3A_1186, %get3A_1187, %get3A_1188] {strides = array<i32>} : memref<4x800x16xf32, #tpu.memory_space<vmem>>, vector<1x1x16xf32>,
        %get3A_1190 = vector.shape_cast %get3A_1189 : vector<1x1x16xf32> to vector<16xf32>
        %mul3A_1191 = arith.constant 2 : i32
        %mul3A_1192 = arith.muli %scan3A_149, %mul3A_1191 : i32
        %mul3A_1193 = arith.constant 50 : i32
        %mul3A_1194 = arith.muli %mul3A_1192, %mul3A_1193 : i32
        %add3A_1195 = arith.constant 50 : i32
        %add3A_1196 = arith.addi %mul3A_1194, %add3A_1195 : i32
        %add3A_1197 = arith.constant 20 : i32
        %add3A_1198 = arith.addi %add3A_1196, %add3A_1197 : i32
        %get3A_1199 = arith.constant 1 : i32
        %get3A_1200 = arith.index_cast %get3A_1199 : i32 to index
        %get3A_1201 = arith.index_cast %add3A_1198 : i32 to index
        %get3A_1202 = arith.constant 0 : index
        %get3A_1203 = tpu.vector_load %arg7[%get3A_1200, %get3A_1201, %get3A_1202] {strides = array<i32>} : memref<4x800x16xf32, #tpu.memory_space<vmem>>, vector<1x1x16xf32>,
        %get3A_1204 = vector.shape_cast %get3A_1203 : vector<1x1x16xf32> to vector<16xf32>
        %mul3A_1205 = arith.constant 2 : i32
        %mul3A_1206 = arith.muli %scan3A_149, %mul3A_1205 : i32
        %mul3A_1207 = arith.constant 50 : i32
        %mul3A_1208 = arith.muli %mul3A_1206, %mul3A_1207 : i32
        %add3A_1209 = arith.constant 50 : i32
        %add3A_1210 = arith.addi %mul3A_1208, %add3A_1209 : i32
        %add3A_1211 = arith.constant 21 : i32
        %add3A_1212 = arith.addi %add3A_1210, %add3A_1211 : i32
        %get3A_1213 = arith.constant 1 : i32
        %get3A_1214 = arith.index_cast %get3A_1213 : i32 to index
        %get3A_1215 = arith.index_cast %add3A_1212 : i32 to index
        %get3A_1216 = arith.constant 0 : index
        %get3A_1217 = tpu.vector_load %arg7[%get3A_1214, %get3A_1215, %get3A_1216] {strides = array<i32>} : memref<4x800x16xf32, #tpu.memory_space<vmem>>, vector<1x1x16xf32>,
        %get3A_1218 = vector.shape_cast %get3A_1217 : vector<1x1x16xf32> to vector<16xf32>
        %mul3A_1219 = arith.constant 2 : i32
        %mul3A_1220 = arith.muli %scan3A_149, %mul3A_1219 : i32
        %mul3A_1221 = arith.constant 50 : i32
        %mul3A_1222 = arith.muli %mul3A_1220, %mul3A_1221 : i32
        %add3A_1223 = arith.constant 50 : i32
        %add3A_1224 = arith.addi %mul3A_1222, %add3A_1223 : i32
        %add3A_1225 = arith.constant 22 : i32
        %add3A_1226 = arith.addi %add3A_1224, %add3A_1225 : i32
        %get3A_1227 = arith.constant 1 : i32
        %get3A_1228 = arith.index_cast %get3A_1227 : i32 to index
        %get3A_1229 = arith.index_cast %add3A_1226 : i32 to index
        %get3A_1230 = arith.constant 0 : index
        %get3A_1231 = tpu.vector_load %arg7[%get3A_1228, %get3A_1229, %get3A_1230] {strides = array<i32>} : memref<4x800x16xf32, #tpu.memory_space<vmem>>, vector<1x1x16xf32>,
        %get3A_1232 = vector.shape_cast %get3A_1231 : vector<1x1x16xf32> to vector<16xf32>
        %mul3A_1233 = arith.constant 2 : i32
        %mul3A_1234 = arith.muli %scan3A_149, %mul3A_1233 : i32
        %mul3A_1235 = arith.constant 50 : i32
        %mul3A_1236 = arith.muli %mul3A_1234, %mul3A_1235 : i32
        %add3A_1237 = arith.constant 50 : i32
        %add3A_1238 = arith.addi %mul3A_1236, %add3A_1237 : i32
        %add3A_1239 = arith.constant 23 : i32
        %add3A_1240 = arith.addi %add3A_1238, %add3A_1239 : i32
        %get3A_1241 = arith.constant 1 : i32
        %get3A_1242 = arith.index_cast %get3A_1241 : i32 to index
        %get3A_1243 = arith.index_cast %add3A_1240 : i32 to index
        %get3A_1244 = arith.constant 0 : index
        %get3A_1245 = tpu.vector_load %arg7[%get3A_1242, %get3A_1243, %get3A_1244] {strides = array<i32>} : memref<4x800x16xf32, #tpu.memory_space<vmem>>, vector<1x1x16xf32>,
        %get3A_1246 = vector.shape_cast %get3A_1245 : vector<1x1x16xf32> to vector<16xf32>
        %mul3A_1247 = arith.constant 2 : i32
        %mul3A_1248 = arith.muli %scan3A_149, %mul3A_1247 : i32
        %mul3A_1249 = arith.constant 50 : i32
        %mul3A_1250 = arith.muli %mul3A_1248, %mul3A_1249 : i32
        %add3A_1251 = arith.constant 50 : i32
        %add3A_1252 = arith.addi %mul3A_1250, %add3A_1251 : i32
        %add3A_1253 = arith.constant 24 : i32
        %add3A_1254 = arith.addi %add3A_1252, %add3A_1253 : i32
        %get3A_1255 = arith.constant 1 : i32
        %get3A_1256 = arith.index_cast %get3A_1255 : i32 to index
        %get3A_1257 = arith.index_cast %add3A_1254 : i32 to index
        %get3A_1258 = arith.constant 0 : index
        %get3A_1259 = tpu.vector_load %arg7[%get3A_1256, %get3A_1257, %get3A_1258] {strides = array<i32>} : memref<4x800x16xf32, #tpu.memory_space<vmem>>, vector<1x1x16xf32>,
        %get3A_1260 = vector.shape_cast %get3A_1259 : vector<1x1x16xf32> to vector<16xf32>
        %mul3A_1261 = arith.constant 2 : i32
        %mul3A_1262 = arith.muli %scan3A_149, %mul3A_1261 : i32
        %mul3A_1263 = arith.constant 50 : i32
        %mul3A_1264 = arith.muli %mul3A_1262, %mul3A_1263 : i32
        %add3A_1265 = arith.constant 50 : i32
        %add3A_1266 = arith.addi %mul3A_1264, %add3A_1265 : i32
        %add3A_1267 = arith.constant 25 : i32
        %add3A_1268 = arith.addi %add3A_1266, %add3A_1267 : i32
        %get3A_1269 = arith.constant 1 : i32
        %get3A_1270 = arith.index_cast %get3A_1269 : i32 to index
        %get3A_1271 = arith.index_cast %add3A_1268 : i32 to index
        %get3A_1272 = arith.constant 0 : index
        %get3A_1273 = tpu.vector_load %arg7[%get3A_1270, %get3A_1271, %get3A_1272] {strides = array<i32>} : memref<4x800x16xf32, #tpu.memory_space<vmem>>, vector<1x1x16xf32>,
        %get3A_1274 = vector.shape_cast %get3A_1273 : vector<1x1x16xf32> to vector<16xf32>
        %mul3A_1275 = arith.constant 2 : i32
        %mul3A_1276 = arith.muli %scan3A_149, %mul3A_1275 : i32
        %mul3A_1277 = arith.constant 50 : i32
        %mul3A_1278 = arith.muli %mul3A_1276, %mul3A_1277 : i32
        %add3A_1279 = arith.constant 50 : i32
        %add3A_1280 = arith.addi %mul3A_1278, %add3A_1279 : i32
        %add3A_1281 = arith.constant 26 : i32
        %add3A_1282 = arith.addi %add3A_1280, %add3A_1281 : i32
        %get3A_1283 = arith.constant 1 : i32
        %get3A_1284 = arith.index_cast %get3A_1283 : i32 to index
        %get3A_1285 = arith.index_cast %add3A_1282 : i32 to index
        %get3A_1286 = arith.constant 0 : index
        %get3A_1287 = tpu.vector_load %arg7[%get3A_1284, %get3A_1285, %get3A_1286] {strides = array<i32>} : memref<4x800x16xf32, #tpu.memory_space<vmem>>, vector<1x1x16xf32>,
        %get3A_1288 = vector.shape_cast %get3A_1287 : vector<1x1x16xf32> to vector<16xf32>
        %mul3A_1289 = arith.constant 2 : i32
        %mul3A_1290 = arith.muli %scan3A_149, %mul3A_1289 : i32
        %mul3A_1291 = arith.constant 50 : i32
        %mul3A_1292 = arith.muli %mul3A_1290, %mul3A_1291 : i32
        %add3A_1293 = arith.constant 50 : i32
        %add3A_1294 = arith.addi %mul3A_1292, %add3A_1293 : i32
        %add3A_1295 = arith.constant 27 : i32
        %add3A_1296 = arith.addi %add3A_1294, %add3A_1295 : i32
        %get3A_1297 = arith.constant 1 : i32
        %get3A_1298 = arith.index_cast %get3A_1297 : i32 to index
        %get3A_1299 = arith.index_cast %add3A_1296 : i32 to index
        %get3A_1300 = arith.constant 0 : index
        %get3A_1301 = tpu.vector_load %arg7[%get3A_1298, %get3A_1299, %get3A_1300] {strides = array<i32>} : memref<4x800x16xf32, #tpu.memory_space<vmem>>, vector<1x1x16xf32>,
        %get3A_1302 = vector.shape_cast %get3A_1301 : vector<1x1x16xf32> to vector<16xf32>
        %mul3A_1303 = arith.constant 2 : i32
        %mul3A_1304 = arith.muli %scan3A_149, %mul3A_1303 : i32
        %mul3A_1305 = arith.constant 50 : i32
        %mul3A_1306 = arith.muli %mul3A_1304, %mul3A_1305 : i32
        %add3A_1307 = arith.constant 50 : i32
        %add3A_1308 = arith.addi %mul3A_1306, %add3A_1307 : i32
        %add3A_1309 = arith.constant 28 : i32
        %add3A_1310 = arith.addi %add3A_1308, %add3A_1309 : i32
        %get3A_1311 = arith.constant 1 : i32
        %get3A_1312 = arith.index_cast %get3A_1311 : i32 to index
        %get3A_1313 = arith.index_cast %add3A_1310 : i32 to index
        %get3A_1314 = arith.constant 0 : index
        %get3A_1315 = tpu.vector_load %arg7[%get3A_1312, %get3A_1313, %get3A_1314] {strides = array<i32>} : memref<4x800x16xf32, #tpu.memory_space<vmem>>, vector<1x1x16xf32>,
        %get3A_1316 = vector.shape_cast %get3A_1315 : vector<1x1x16xf32> to vector<16xf32>
        %mul3A_1317 = arith.constant 2 : i32
        %mul3A_1318 = arith.muli %scan3A_149, %mul3A_1317 : i32
        %mul3A_1319 = arith.constant 50 : i32
        %mul3A_1320 = arith.muli %mul3A_1318, %mul3A_1319 : i32
        %add3A_1321 = arith.constant 50 : i32
        %add3A_1322 = arith.addi %mul3A_1320, %add3A_1321 : i32
        %add3A_1323 = arith.constant 29 : i32
        %add3A_1324 = arith.addi %add3A_1322, %add3A_1323 : i32
        %get3A_1325 = arith.constant 1 : i32
        %get3A_1326 = arith.index_cast %get3A_1325 : i32 to index
        %get3A_1327 = arith.index_cast %add3A_1324 : i32 to index
        %get3A_1328 = arith.constant 0 : index
        %get3A_1329 = tpu.vector_load %arg7[%get3A_1326, %get3A_1327, %get3A_1328] {strides = array<i32>} : memref<4x800x16xf32, #tpu.memory_space<vmem>>, vector<1x1x16xf32>,
        %get3A_1330 = vector.shape_cast %get3A_1329 : vector<1x1x16xf32> to vector<16xf32>
        %mul3A_1331 = arith.constant 2 : i32
        %mul3A_1332 = arith.muli %scan3A_149, %mul3A_1331 : i32
        %mul3A_1333 = arith.constant 50 : i32
        %mul3A_1334 = arith.muli %mul3A_1332, %mul3A_1333 : i32
        %add3A_1335 = arith.constant 50 : i32
        %add3A_1336 = arith.addi %mul3A_1334, %add3A_1335 : i32
        %add3A_1337 = arith.constant 30 : i32
        %add3A_1338 = arith.addi %add3A_1336, %add3A_1337 : i32
        %get3A_1339 = arith.constant 1 : i32
        %get3A_1340 = arith.index_cast %get3A_1339 : i32 to index
        %get3A_1341 = arith.index_cast %add3A_1338 : i32 to index
        %get3A_1342 = arith.constant 0 : index
        %get3A_1343 = tpu.vector_load %arg7[%get3A_1340, %get3A_1341, %get3A_1342] {strides = array<i32>} : memref<4x800x16xf32, #tpu.memory_space<vmem>>, vector<1x1x16xf32>,
        %get3A_1344 = vector.shape_cast %get3A_1343 : vector<1x1x16xf32> to vector<16xf32>
        %mul3A_1345 = arith.constant 2 : i32
        %mul3A_1346 = arith.muli %scan3A_149, %mul3A_1345 : i32
        %mul3A_1347 = arith.constant 50 : i32
        %mul3A_1348 = arith.muli %mul3A_1346, %mul3A_1347 : i32
        %add3A_1349 = arith.constant 50 : i32
        %add3A_1350 = arith.addi %mul3A_1348, %add3A_1349 : i32
        %add3A_1351 = arith.constant 31 : i32
        %add3A_1352 = arith.addi %add3A_1350, %add3A_1351 : i32
        %get3A_1353 = arith.constant 1 : i32
        %get3A_1354 = arith.index_cast %get3A_1353 : i32 to index
        %get3A_1355 = arith.index_cast %add3A_1352 : i32 to index
        %get3A_1356 = arith.constant 0 : index
        %get3A_1357 = tpu.vector_load %arg7[%get3A_1354, %get3A_1355, %get3A_1356] {strides = array<i32>} : memref<4x800x16xf32, #tpu.memory_space<vmem>>, vector<1x1x16xf32>,
        %get3A_1358 = vector.shape_cast %get3A_1357 : vector<1x1x16xf32> to vector<16xf32>
        %mul3A_1359 = arith.constant 2 : i32
        %mul3A_1360 = arith.muli %scan3A_149, %mul3A_1359 : i32
        %mul3A_1361 = arith.constant 50 : i32
        %mul3A_1362 = arith.muli %mul3A_1360, %mul3A_1361 : i32
        %add3A_1363 = arith.constant 50 : i32
        %add3A_1364 = arith.addi %mul3A_1362, %add3A_1363 : i32
        %add3A_1365 = arith.constant 32 : i32
        %add3A_1366 = arith.addi %add3A_1364, %add3A_1365 : i32
        %get3A_1367 = arith.constant 1 : i32
        %get3A_1368 = arith.index_cast %get3A_1367 : i32 to index
        %get3A_1369 = arith.index_cast %add3A_1366 : i32 to index
        %get3A_1370 = arith.constant 0 : index
        %get3A_1371 = tpu.vector_load %arg7[%get3A_1368, %get3A_1369, %get3A_1370] {strides = array<i32>} : memref<4x800x16xf32, #tpu.memory_space<vmem>>, vector<1x1x16xf32>,
        %get3A_1372 = vector.shape_cast %get3A_1371 : vector<1x1x16xf32> to vector<16xf32>
        %mul3A_1373 = arith.constant 2 : i32
        %mul3A_1374 = arith.muli %scan3A_149, %mul3A_1373 : i32
        %mul3A_1375 = arith.constant 50 : i32
        %mul3A_1376 = arith.muli %mul3A_1374, %mul3A_1375 : i32
        %add3A_1377 = arith.constant 50 : i32
        %add3A_1378 = arith.addi %mul3A_1376, %add3A_1377 : i32
        %add3A_1379 = arith.constant 33 : i32
        %add3A_1380 = arith.addi %add3A_1378, %add3A_1379 : i32
        %get3A_1381 = arith.constant 1 : i32
        %get3A_1382 = arith.index_cast %get3A_1381 : i32 to index
        %get3A_1383 = arith.index_cast %add3A_1380 : i32 to index
        %get3A_1384 = arith.constant 0 : index
        %get3A_1385 = tpu.vector_load %arg7[%get3A_1382, %get3A_1383, %get3A_1384] {strides = array<i32>} : memref<4x800x16xf32, #tpu.memory_space<vmem>>, vector<1x1x16xf32>,
        %get3A_1386 = vector.shape_cast %get3A_1385 : vector<1x1x16xf32> to vector<16xf32>
        %mul3A_1387 = arith.constant 2 : i32
        %mul3A_1388 = arith.muli %scan3A_149, %mul3A_1387 : i32
        %mul3A_1389 = arith.constant 50 : i32
        %mul3A_1390 = arith.muli %mul3A_1388, %mul3A_1389 : i32
        %add3A_1391 = arith.constant 50 : i32
        %add3A_1392 = arith.addi %mul3A_1390, %add3A_1391 : i32
        %add3A_1393 = arith.constant 34 : i32
        %add3A_1394 = arith.addi %add3A_1392, %add3A_1393 : i32
        %get3A_1395 = arith.constant 1 : i32
        %get3A_1396 = arith.index_cast %get3A_1395 : i32 to index
        %get3A_1397 = arith.index_cast %add3A_1394 : i32 to index
        %get3A_1398 = arith.constant 0 : index
        %get3A_1399 = tpu.vector_load %arg7[%get3A_1396, %get3A_1397, %get3A_1398] {strides = array<i32>} : memref<4x800x16xf32, #tpu.memory_space<vmem>>, vector<1x1x16xf32>,
        %get3A_1400 = vector.shape_cast %get3A_1399 : vector<1x1x16xf32> to vector<16xf32>
        %mul3A_1401 = arith.constant 2 : i32
        %mul3A_1402 = arith.muli %scan3A_149, %mul3A_1401 : i32
        %mul3A_1403 = arith.constant 50 : i32
        %mul3A_1404 = arith.muli %mul3A_1402, %mul3A_1403 : i32
        %add3A_1405 = arith.constant 50 : i32
        %add3A_1406 = arith.addi %mul3A_1404, %add3A_1405 : i32
        %add3A_1407 = arith.constant 35 : i32
        %add3A_1408 = arith.addi %add3A_1406, %add3A_1407 : i32
        %get3A_1409 = arith.constant 1 : i32
        %get3A_1410 = arith.index_cast %get3A_1409 : i32 to index
        %get3A_1411 = arith.index_cast %add3A_1408 : i32 to index
        %get3A_1412 = arith.constant 0 : index
        %get3A_1413 = tpu.vector_load %arg7[%get3A_1410, %get3A_1411, %get3A_1412] {strides = array<i32>} : memref<4x800x16xf32, #tpu.memory_space<vmem>>, vector<1x1x16xf32>,
        %get3A_1414 = vector.shape_cast %get3A_1413 : vector<1x1x16xf32> to vector<16xf32>
        %mul3A_1415 = arith.constant 2 : i32
        %mul3A_1416 = arith.muli %scan3A_149, %mul3A_1415 : i32
        %mul3A_1417 = arith.constant 50 : i32
        %mul3A_1418 = arith.muli %mul3A_1416, %mul3A_1417 : i32
        %add3A_1419 = arith.constant 50 : i32
        %add3A_1420 = arith.addi %mul3A_1418, %add3A_1419 : i32
        %add3A_1421 = arith.constant 36 : i32
        %add3A_1422 = arith.addi %add3A_1420, %add3A_1421 : i32
        %get3A_1423 = arith.constant 1 : i32
        %get3A_1424 = arith.index_cast %get3A_1423 : i32 to index
        %get3A_1425 = arith.index_cast %add3A_1422 : i32 to index
        %get3A_1426 = arith.constant 0 : index
        %get3A_1427 = tpu.vector_load %arg7[%get3A_1424, %get3A_1425, %get3A_1426] {strides = array<i32>} : memref<4x800x16xf32, #tpu.memory_space<vmem>>, vector<1x1x16xf32>,
        %get3A_1428 = vector.shape_cast %get3A_1427 : vector<1x1x16xf32> to vector<16xf32>
        %mul3A_1429 = arith.constant 2 : i32
        %mul3A_1430 = arith.muli %scan3A_149, %mul3A_1429 : i32
        %mul3A_1431 = arith.constant 50 : i32
        %mul3A_1432 = arith.muli %mul3A_1430, %mul3A_1431 : i32
        %add3A_1433 = arith.constant 50 : i32
        %add3A_1434 = arith.addi %mul3A_1432, %add3A_1433 : i32
        %add3A_1435 = arith.constant 37 : i32
        %add3A_1436 = arith.addi %add3A_1434, %add3A_1435 : i32
        %get3A_1437 = arith.constant 1 : i32
        %get3A_1438 = arith.index_cast %get3A_1437 : i32 to index
        %get3A_1439 = arith.index_cast %add3A_1436 : i32 to index
        %get3A_1440 = arith.constant 0 : index
        %get3A_1441 = tpu.vector_load %arg7[%get3A_1438, %get3A_1439, %get3A_1440] {strides = array<i32>} : memref<4x800x16xf32, #tpu.memory_space<vmem>>, vector<1x1x16xf32>,
        %get3A_1442 = vector.shape_cast %get3A_1441 : vector<1x1x16xf32> to vector<16xf32>
        %mul3A_1443 = arith.constant 2 : i32
        %mul3A_1444 = arith.muli %scan3A_149, %mul3A_1443 : i32
        %mul3A_1445 = arith.constant 50 : i32
        %mul3A_1446 = arith.muli %mul3A_1444, %mul3A_1445 : i32
        %add3A_1447 = arith.constant 50 : i32
        %add3A_1448 = arith.addi %mul3A_1446, %add3A_1447 : i32
        %add3A_1449 = arith.constant 38 : i32
        %add3A_1450 = arith.addi %add3A_1448, %add3A_1449 : i32
        %get3A_1451 = arith.constant 1 : i32
        %get3A_1452 = arith.index_cast %get3A_1451 : i32 to index
        %get3A_1453 = arith.index_cast %add3A_1450 : i32 to index
        %get3A_1454 = arith.constant 0 : index
        %get3A_1455 = tpu.vector_load %arg7[%get3A_1452, %get3A_1453, %get3A_1454] {strides = array<i32>} : memref<4x800x16xf32, #tpu.memory_space<vmem>>, vector<1x1x16xf32>,
        %get3A_1456 = vector.shape_cast %get3A_1455 : vector<1x1x16xf32> to vector<16xf32>
        %mul3A_1457 = arith.constant 2 : i32
        %mul3A_1458 = arith.muli %scan3A_149, %mul3A_1457 : i32
        %mul3A_1459 = arith.constant 50 : i32
        %mul3A_1460 = arith.muli %mul3A_1458, %mul3A_1459 : i32
        %add3A_1461 = arith.constant 50 : i32
        %add3A_1462 = arith.addi %mul3A_1460, %add3A_1461 : i32
        %add3A_1463 = arith.constant 39 : i32
        %add3A_1464 = arith.addi %add3A_1462, %add3A_1463 : i32
        %get3A_1465 = arith.constant 1 : i32
        %get3A_1466 = arith.index_cast %get3A_1465 : i32 to index
        %get3A_1467 = arith.index_cast %add3A_1464 : i32 to index
        %get3A_1468 = arith.constant 0 : index
        %get3A_1469 = tpu.vector_load %arg7[%get3A_1466, %get3A_1467, %get3A_1468] {strides = array<i32>} : memref<4x800x16xf32, #tpu.memory_space<vmem>>, vector<1x1x16xf32>,
        %get3A_1470 = vector.shape_cast %get3A_1469 : vector<1x1x16xf32> to vector<16xf32>
        %mul3A_1471 = arith.constant 2 : i32
        %mul3A_1472 = arith.muli %scan3A_149, %mul3A_1471 : i32
        %mul3A_1473 = arith.constant 50 : i32
        %mul3A_1474 = arith.muli %mul3A_1472, %mul3A_1473 : i32
        %add3A_1475 = arith.constant 50 : i32
        %add3A_1476 = arith.addi %mul3A_1474, %add3A_1475 : i32
        %add3A_1477 = arith.constant 40 : i32
        %add3A_1478 = arith.addi %add3A_1476, %add3A_1477 : i32
        %get3A_1479 = arith.constant 1 : i32
        %get3A_1480 = arith.index_cast %get3A_1479 : i32 to index
        %get3A_1481 = arith.index_cast %add3A_1478 : i32 to index
        %get3A_1482 = arith.constant 0 : index
        %get3A_1483 = tpu.vector_load %arg7[%get3A_1480, %get3A_1481, %get3A_1482] {strides = array<i32>} : memref<4x800x16xf32, #tpu.memory_space<vmem>>, vector<1x1x16xf32>,
        %get3A_1484 = vector.shape_cast %get3A_1483 : vector<1x1x16xf32> to vector<16xf32>
        %mul3A_1485 = arith.constant 2 : i32
        %mul3A_1486 = arith.muli %scan3A_149, %mul3A_1485 : i32
        %mul3A_1487 = arith.constant 50 : i32
        %mul3A_1488 = arith.muli %mul3A_1486, %mul3A_1487 : i32
        %add3A_1489 = arith.constant 50 : i32
        %add3A_1490 = arith.addi %mul3A_1488, %add3A_1489 : i32
        %add3A_1491 = arith.constant 41 : i32
        %add3A_1492 = arith.addi %add3A_1490, %add3A_1491 : i32
        %get3A_1493 = arith.constant 1 : i32
        %get3A_1494 = arith.index_cast %get3A_1493 : i32 to index
        %get3A_1495 = arith.index_cast %add3A_1492 : i32 to index
        %get3A_1496 = arith.constant 0 : index
        %get3A_1497 = tpu.vector_load %arg7[%get3A_1494, %get3A_1495, %get3A_1496] {strides = array<i32>} : memref<4x800x16xf32, #tpu.memory_space<vmem>>, vector<1x1x16xf32>,
        %get3A_1498 = vector.shape_cast %get3A_1497 : vector<1x1x16xf32> to vector<16xf32>
        %mul3A_1499 = arith.constant 2 : i32
        %mul3A_1500 = arith.muli %scan3A_149, %mul3A_1499 : i32
        %mul3A_1501 = arith.constant 50 : i32
        %mul3A_1502 = arith.muli %mul3A_1500, %mul3A_1501 : i32
        %add3A_1503 = arith.constant 50 : i32
        %add3A_1504 = arith.addi %mul3A_1502, %add3A_1503 : i32
        %add3A_1505 = arith.constant 42 : i32
        %add3A_1506 = arith.addi %add3A_1504, %add3A_1505 : i32
        %get3A_1507 = arith.constant 1 : i32
        %get3A_1508 = arith.index_cast %get3A_1507 : i32 to index
        %get3A_1509 = arith.index_cast %add3A_1506 : i32 to index
        %get3A_1510 = arith.constant 0 : index
        %get3A_1511 = tpu.vector_load %arg7[%get3A_1508, %get3A_1509, %get3A_1510] {strides = array<i32>} : memref<4x800x16xf32, #tpu.memory_space<vmem>>, vector<1x1x16xf32>,
        %get3A_1512 = vector.shape_cast %get3A_1511 : vector<1x1x16xf32> to vector<16xf32>
        %mul3A_1513 = arith.constant 2 : i32
        %mul3A_1514 = arith.muli %scan3A_149, %mul3A_1513 : i32
        %mul3A_1515 = arith.constant 50 : i32
        %mul3A_1516 = arith.muli %mul3A_1514, %mul3A_1515 : i32
        %add3A_1517 = arith.constant 50 : i32
        %add3A_1518 = arith.addi %mul3A_1516, %add3A_1517 : i32
        %add3A_1519 = arith.constant 43 : i32
        %add3A_1520 = arith.addi %add3A_1518, %add3A_1519 : i32
        %get3A_1521 = arith.constant 1 : i32
        %get3A_1522 = arith.index_cast %get3A_1521 : i32 to index
        %get3A_1523 = arith.index_cast %add3A_1520 : i32 to index
        %get3A_1524 = arith.constant 0 : index
        %get3A_1525 = tpu.vector_load %arg7[%get3A_1522, %get3A_1523, %get3A_1524] {strides = array<i32>} : memref<4x800x16xf32, #tpu.memory_space<vmem>>, vector<1x1x16xf32>,
        %get3A_1526 = vector.shape_cast %get3A_1525 : vector<1x1x16xf32> to vector<16xf32>
        %mul3A_1527 = arith.constant 2 : i32
        %mul3A_1528 = arith.muli %scan3A_149, %mul3A_1527 : i32
        %mul3A_1529 = arith.constant 50 : i32
        %mul3A_1530 = arith.muli %mul3A_1528, %mul3A_1529 : i32
        %add3A_1531 = arith.constant 50 : i32
        %add3A_1532 = arith.addi %mul3A_1530, %add3A_1531 : i32
        %add3A_1533 = arith.constant 44 : i32
        %add3A_1534 = arith.addi %add3A_1532, %add3A_1533 : i32
        %get3A_1535 = arith.constant 1 : i32
        %get3A_1536 = arith.index_cast %get3A_1535 : i32 to index
        %get3A_1537 = arith.index_cast %add3A_1534 : i32 to index
        %get3A_1538 = arith.constant 0 : index
        %get3A_1539 = tpu.vector_load %arg7[%get3A_1536, %get3A_1537, %get3A_1538] {strides = array<i32>} : memref<4x800x16xf32, #tpu.memory_space<vmem>>, vector<1x1x16xf32>,
        %get3A_1540 = vector.shape_cast %get3A_1539 : vector<1x1x16xf32> to vector<16xf32>
        %mul3A_1541 = arith.constant 2 : i32
        %mul3A_1542 = arith.muli %scan3A_149, %mul3A_1541 : i32
        %mul3A_1543 = arith.constant 50 : i32
        %mul3A_1544 = arith.muli %mul3A_1542, %mul3A_1543 : i32
        %add3A_1545 = arith.constant 50 : i32
        %add3A_1546 = arith.addi %mul3A_1544, %add3A_1545 : i32
        %add3A_1547 = arith.constant 45 : i32
        %add3A_1548 = arith.addi %add3A_1546, %add3A_1547 : i32
        %get3A_1549 = arith.constant 1 : i32
        %get3A_1550 = arith.index_cast %get3A_1549 : i32 to index
        %get3A_1551 = arith.index_cast %add3A_1548 : i32 to index
        %get3A_1552 = arith.constant 0 : index
        %get3A_1553 = tpu.vector_load %arg7[%get3A_1550, %get3A_1551, %get3A_1552] {strides = array<i32>} : memref<4x800x16xf32, #tpu.memory_space<vmem>>, vector<1x1x16xf32>,
        %get3A_1554 = vector.shape_cast %get3A_1553 : vector<1x1x16xf32> to vector<16xf32>
        %mul3A_1555 = arith.constant 2 : i32
        %mul3A_1556 = arith.muli %scan3A_149, %mul3A_1555 : i32
        %mul3A_1557 = arith.constant 50 : i32
        %mul3A_1558 = arith.muli %mul3A_1556, %mul3A_1557 : i32
        %add3A_1559 = arith.constant 50 : i32
        %add3A_1560 = arith.addi %mul3A_1558, %add3A_1559 : i32
        %add3A_1561 = arith.constant 46 : i32
        %add3A_1562 = arith.addi %add3A_1560, %add3A_1561 : i32
        %get3A_1563 = arith.constant 1 : i32
        %get3A_1564 = arith.index_cast %get3A_1563 : i32 to index
        %get3A_1565 = arith.index_cast %add3A_1562 : i32 to index
        %get3A_1566 = arith.constant 0 : index
        %get3A_1567 = tpu.vector_load %arg7[%get3A_1564, %get3A_1565, %get3A_1566] {strides = array<i32>} : memref<4x800x16xf32, #tpu.memory_space<vmem>>, vector<1x1x16xf32>,
        %get3A_1568 = vector.shape_cast %get3A_1567 : vector<1x1x16xf32> to vector<16xf32>
        %mul3A_1569 = arith.constant 2 : i32
        %mul3A_1570 = arith.muli %scan3A_149, %mul3A_1569 : i32
        %mul3A_1571 = arith.constant 50 : i32
        %mul3A_1572 = arith.muli %mul3A_1570, %mul3A_1571 : i32
        %add3A_1573 = arith.constant 50 : i32
        %add3A_1574 = arith.addi %mul3A_1572, %add3A_1573 : i32
        %add3A_1575 = arith.constant 47 : i32
        %add3A_1576 = arith.addi %add3A_1574, %add3A_1575 : i32
        %get3A_1577 = arith.constant 1 : i32
        %get3A_1578 = arith.index_cast %get3A_1577 : i32 to index
        %get3A_1579 = arith.index_cast %add3A_1576 : i32 to index
        %get3A_1580 = arith.constant 0 : index
        %get3A_1581 = tpu.vector_load %arg7[%get3A_1578, %get3A_1579, %get3A_1580] {strides = array<i32>} : memref<4x800x16xf32, #tpu.memory_space<vmem>>, vector<1x1x16xf32>,
        %get3A_1582 = vector.shape_cast %get3A_1581 : vector<1x1x16xf32> to vector<16xf32>
        %mul3A_1583 = arith.constant 2 : i32
        %mul3A_1584 = arith.muli %scan3A_149, %mul3A_1583 : i32
        %mul3A_1585 = arith.constant 50 : i32
        %mul3A_1586 = arith.muli %mul3A_1584, %mul3A_1585 : i32
        %add3A_1587 = arith.constant 50 : i32
        %add3A_1588 = arith.addi %mul3A_1586, %add3A_1587 : i32
        %add3A_1589 = arith.constant 48 : i32
        %add3A_1590 = arith.addi %add3A_1588, %add3A_1589 : i32
        %get3A_1591 = arith.constant 1 : i32
        %get3A_1592 = arith.index_cast %get3A_1591 : i32 to index
        %get3A_1593 = arith.index_cast %add3A_1590 : i32 to index
        %get3A_1594 = arith.constant 0 : index
        %get3A_1595 = tpu.vector_load %arg7[%get3A_1592, %get3A_1593, %get3A_1594] {strides = array<i32>} : memref<4x800x16xf32, #tpu.memory_space<vmem>>, vector<1x1x16xf32>,
        %get3A_1596 = vector.shape_cast %get3A_1595 : vector<1x1x16xf32> to vector<16xf32>
        %mul3A_1597 = arith.constant 2 : i32
        %mul3A_1598 = arith.muli %scan3A_149, %mul3A_1597 : i32
        %mul3A_1599 = arith.constant 50 : i32
        %mul3A_1600 = arith.muli %mul3A_1598, %mul3A_1599 : i32
        %add3A_1601 = arith.constant 50 : i32
        %add3A_1602 = arith.addi %mul3A_1600, %add3A_1601 : i32
        %add3A_1603 = arith.constant 49 : i32
        %add3A_1604 = arith.addi %add3A_1602, %add3A_1603 : i32
        %get3A_1605 = arith.constant 1 : i32
        %get3A_1606 = arith.index_cast %get3A_1605 : i32 to index
        %get3A_1607 = arith.index_cast %add3A_1604 : i32 to index
        %get3A_1608 = arith.constant 0 : index
        %get3A_1609 = tpu.vector_load %arg7[%get3A_1606, %get3A_1607, %get3A_1608] {strides = array<i32>} : memref<4x800x16xf32, #tpu.memory_space<vmem>>, vector<1x1x16xf32>,
        %get3A_1610 = vector.shape_cast %get3A_1609 : vector<1x1x16xf32> to vector<16xf32>
        %add3A_1611 = arith.addf %get3A_924, %get3A_938 : vector<16xf32>
        %add3A_1612 = arith.addf %get3A_952, %get3A_966 : vector<16xf32>
        %add3A_1613 = arith.addf %get3A_980, %get3A_994 : vector<16xf32>
        %add3A_1614 = arith.addf %get3A_1008, %get3A_1022 : vector<16xf32>
        %add3A_1615 = arith.addf %get3A_1036, %get3A_1050 : vector<16xf32>
        %add3A_1616 = arith.addf %get3A_1064, %get3A_1078 : vector<16xf32>
        %add3A_1617 = arith.addf %get3A_1092, %get3A_1106 : vector<16xf32>
        %add3A_1618 = arith.addf %get3A_1120, %get3A_1134 : vector<16xf32>
        %add3A_1619 = arith.addf %get3A_1148, %get3A_1162 : vector<16xf32>
        %add3A_1620 = arith.addf %get3A_1176, %get3A_1190 : vector<16xf32>
        %add3A_1621 = arith.addf %get3A_1204, %get3A_1218 : vector<16xf32>
        %add3A_1622 = arith.addf %get3A_1232, %get3A_1246 : vector<16xf32>
        %add3A_1623 = arith.addf %get3A_1260, %get3A_1274 : vector<16xf32>
        %add3A_1624 = arith.addf %get3A_1288, %get3A_1302 : vector<16xf32>
        %add3A_1625 = arith.addf %get3A_1316, %get3A_1330 : vector<16xf32>
        %add3A_1626 = arith.addf %get3A_1344, %get3A_1358 : vector<16xf32>
        %add3A_1627 = arith.addf %get3A_1372, %get3A_1386 : vector<16xf32>
        %add3A_1628 = arith.addf %get3A_1400, %get3A_1414 : vector<16xf32>
        %add3A_1629 = arith.addf %get3A_1428, %get3A_1442 : vector<16xf32>
        %add3A_1630 = arith.addf %get3A_1456, %get3A_1470 : vector<16xf32>
        %add3A_1631 = arith.addf %get3A_1484, %get3A_1498 : vector<16xf32>
        %add3A_1632 = arith.addf %get3A_1512, %get3A_1526 : vector<16xf32>
        %add3A_1633 = arith.addf %get3A_1540, %get3A_1554 : vector<16xf32>
        %add3A_1634 = arith.addf %get3A_1568, %get3A_1582 : vector<16xf32>
        %add3A_1635 = arith.addf %get3A_1596, %get3A_1610 : vector<16xf32>
        %add3A_1636 = arith.addf %add3A_1611, %add3A_1612 : vector<16xf32>
        %add3A_1637 = arith.addf %add3A_1613, %add3A_1614 : vector<16xf32>
        %add3A_1638 = arith.addf %add3A_1615, %add3A_1616 : vector<16xf32>
        %add3A_1639 = arith.addf %add3A_1617, %add3A_1618 : vector<16xf32>
        %add3A_1640 = arith.addf %add3A_1619, %add3A_1620 : vector<16xf32>
        %add3A_1641 = arith.addf %add3A_1621, %add3A_1622 : vector<16xf32>
        %add3A_1642 = arith.addf %add3A_1623, %add3A_1624 : vector<16xf32>
        %add3A_1643 = arith.addf %add3A_1625, %add3A_1626 : vector<16xf32>
        %add3A_1644 = arith.addf %add3A_1627, %add3A_1628 : vector<16xf32>
        %add3A_1645 = arith.addf %add3A_1629, %add3A_1630 : vector<16xf32>
        %add3A_1646 = arith.addf %add3A_1631, %add3A_1632 : vector<16xf32>
        %add3A_1647 = arith.addf %add3A_1633, %add3A_1634 : vector<16xf32>
        %add3A_1648 = arith.addf %add3A_1635, %get3A_4 : vector<16xf32>
        %add3A_1649 = arith.addf %add3A_1636, %add3A_1637 : vector<16xf32>
        %add3A_1650 = arith.addf %add3A_1638, %add3A_1639 : vector<16xf32>
        %add3A_1651 = arith.addf %add3A_1640, %add3A_1641 : vector<16xf32>
        %add3A_1652 = arith.addf %add3A_1642, %add3A_1643 : vector<16xf32>
        %add3A_1653 = arith.addf %add3A_1644, %add3A_1645 : vector<16xf32>
        %add3A_1654 = arith.addf %add3A_1646, %add3A_1647 : vector<16xf32>
        %add3A_1655 = arith.addf %add3A_1649, %add3A_1650 : vector<16xf32>
        %add3A_1656 = arith.addf %add3A_1651, %add3A_1652 : vector<16xf32>
        %add3A_1657 = arith.addf %add3A_1653, %add3A_1654 : vector<16xf32>
        %add3A_1658 = arith.addf %add3A_1655, %add3A_1656 : vector<16xf32>
        %add3A_1659 = arith.addf %add3A_1657, %add3A_1648 : vector<16xf32>
        %add3A_1660 = arith.addf %add3A_1658, %add3A_1659 : vector<16xf32>
        %mul3A_1661 = arith.constant 2 : i32
        %mul3A_1662 = arith.muli %add3A_152, %mul3A_1661 : i32
        %add3A_1663 = arith.constant 1 : i32
        %add3A_1664 = arith.addi %mul3A_1662, %add3A_1663 : i32
        %swap3A_1665 = arith.index_cast %add3A_1664 : i32 to index
        %swap3A_1666 = arith.constant 0 : index
        %swap3A_1667 = tpu.vector_load %arg8[%swap3A_1665, %swap3A_1666] {strides = array<i32>} : memref<512x16xf32, #tpu.memory_space<vmem>>, vector<1x16xf32>,
        %swap3A_1668 = vector.shape_cast %swap3A_1667 : vector<1x16xf32> to vector<16xf32>
        %swap3A_1669 = vector.shape_cast %add3A_1660 : vector<16xf32> to vector<1x16xf32>
        tpu.vector_store %arg8[%swap3A_1665, %swap3A_1666], %swap3A_1669 {strides = array<i32>} : memref<512x16xf32, #tpu.memory_space<vmem>>, vector<1x16xf32>,
      }
      %scan3A_91 = arith.constant 8 : i32
      %add3A_92 = arith.constant 4 : i32
      %add3A_93 = arith.addi %add3A_75, %add3A_92 : i32
      %lt3A_94 = arith.constant 32 : i32
      %lt3A_95 = arith.cmpi slt, %add3A_93, %lt3A_94 : i32
      %convert_element_type3A_96 = arith.extui %lt3A_95 : i1 to i32
      %cond3A_97 = arith.constant 0 : i32
      %cond3A_98 = arith.cmpi ne, %convert_element_type3A_96, %cond3A_97 : i32
      scf.if %cond3A_98 {
        %mul3A_149 = arith.constant 800 : i32
        %mul3A_150 = arith.muli %add3A_93, %mul3A_149 : i32
        %dma_start3A_151 = arith.constant 1 : i32
        %dma_start3A_152 = arith.constant 0 : i32
        %dma_start3A_153 = arith.constant 0 : i32
        %dma_start3A_154 = tpu.memref_slice %arg7[%dma_start3A_151, %dma_start3A_152, %dma_start3A_153] : memref<4x800x16xf32, #tpu.memory_space<vmem>> -> memref<1x800x16xf32, #tpu.memory_space<vmem>>
        %dma_start3A_155 = tpu.memref_squeeze %dma_start3A_154 : memref<1x800x16xf32, #tpu.memory_space<vmem>> -> memref<800x16xf32, #tpu.memory_space<vmem>>
        %dma_start3A_156 = tpu.memref_slice %arg6[%mul3A_150] : memref<25600xi32, #tpu.memory_space<vmem>> -> memref<800xi32, #tpu.memory_space<vmem>>
        %dma_start3A_157 = arith.constant 0 : i32
        %dma_start3A_158 = arith.constant 0 : i32
        %dma_start3A_159 = tpu.memref_slice %arg3[%dma_start3A_157, %dma_start3A_158] : memref<1000000x16xf32, #tpu.memory_space<hbm>> -> memref<1000000x16xf32, #tpu.memory_space<hbm>>
        tpu.enqueue_indirect_dma source(%dma_start3A_159 : memref<1000000x16xf32, #tpu.memory_space<hbm>>) target(%dma_start3A_155 : memref<800x16xf32, #tpu.memory_space<vmem>>) offsets(%dma_start3A_156 : memref<800xi32, #tpu.memory_space<vmem>>) semaphore(%arg11 : memref<!tpu.dma_semaphore, #tpu.memory_space<semaphore_mem>>)
      } else {
      }
      %add3A_99 = arith.constant 2 : i32
      %add3A_100 = arith.addi %mul3A_52, %add3A_99 : i32
      %mul3A_101 = arith.constant 800 : i32
      %mul3A_102 = arith.muli %add3A_100, %mul3A_101 : i32
      %dma_wait3A_103 = arith.constant 2 : i32
      %dma_wait3A_104 = arith.constant 0 : i32
      %dma_wait3A_105 = arith.constant 0 : i32
      %dma_wait3A_106 = tpu.memref_slice %arg7[%dma_wait3A_103, %dma_wait3A_104, %dma_wait3A_105] : memref<4x800x16xf32, #tpu.memory_space<vmem>> -> memref<1x800x16xf32, #tpu.memory_space<vmem>>
      %dma_wait3A_107 = tpu.memref_squeeze %dma_wait3A_106 : memref<1x800x16xf32, #tpu.memory_space<vmem>> -> memref<800x16xf32, #tpu.memory_space<vmem>>
      %dma_wait3A_108 = tpu.memref_slice %arg6[%mul3A_102] : memref<25600xi32, #tpu.memory_space<vmem>> -> memref<800xi32, #tpu.memory_space<vmem>>
      %dma_wait3A_109 = arith.constant 0 : i32
      %dma_wait3A_110 = arith.constant 0 : i32
      %dma_wait3A_111 = tpu.memref_slice %arg3[%dma_wait3A_109, %dma_wait3A_110] : memref<1000000x16xf32, #tpu.memory_space<hbm>> -> memref<1000000x16xf32, #tpu.memory_space<hbm>>
      tpu.wait_indirect_dma semaphore(%arg12 : memref<!tpu.dma_semaphore, #tpu.memory_space<semaphore_mem>>) src(%dma_wait3A_111 : memref<1000000x16xf32, #tpu.memory_space<hbm>>) dst(%dma_wait3A_107 : memref<800x16xf32, #tpu.memory_space<vmem>>)
      %scan3A_112 = arith.constant 0 : i32
      %scan3A_113 = arith.constant 8 : i32
      %scan3A_114 = arith.addi %scan3A_112, %scan3A_113 : i32
      %scan3A_115 = arith.constant 1 : i32
      scf.for %scan3A_149 = %scan3A_112 to %scan3A_114 step %scan3A_115  : i32 {
        %mul3A_150 = arith.constant 8 : i32
        %mul3A_151 = arith.muli %add3A_100, %mul3A_150 : i32
        %add3A_152 = arith.addi %mul3A_151, %scan3A_149 : i32
        %mul3A_153 = arith.constant 2 : i32
        %mul3A_154 = arith.muli %scan3A_149, %mul3A_153 : i32
        %mul3A_155 = arith.constant 50 : i32
        %mul3A_156 = arith.muli %mul3A_154, %mul3A_155 : i32
        %add3A_157 = arith.constant 0 : i32
        %add3A_158 = arith.addi %mul3A_156, %add3A_157 : i32
        %add3A_159 = arith.constant 0 : i32
        %add3A_160 = arith.addi %add3A_158, %add3A_159 : i32
        %get3A_161 = arith.constant 2 : i32
        %get3A_162 = arith.index_cast %get3A_161 : i32 to index
        %get3A_163 = arith.index_cast %add3A_160 : i32 to index
        %get3A_164 = arith.constant 0 : index
        %get3A_165 = tpu.vector_load %arg7[%get3A_162, %get3A_163, %get3A_164] {strides = array<i32>} : memref<4x800x16xf32, #tpu.memory_space<vmem>>, vector<1x1x16xf32>,
        %get3A_166 = vector.shape_cast %get3A_165 : vector<1x1x16xf32> to vector<16xf32>
        %mul3A_167 = arith.constant 2 : i32
        %mul3A_168 = arith.muli %scan3A_149, %mul3A_167 : i32
        %mul3A_169 = arith.constant 50 : i32
        %mul3A_170 = arith.muli %mul3A_168, %mul3A_169 : i32
        %add3A_171 = arith.constant 0 : i32
        %add3A_172 = arith.addi %mul3A_170, %add3A_171 : i32
        %add3A_173 = arith.constant 1 : i32
        %add3A_174 = arith.addi %add3A_172, %add3A_173 : i32
        %get3A_175 = arith.constant 2 : i32
        %get3A_176 = arith.index_cast %get3A_175 : i32 to index
        %get3A_177 = arith.index_cast %add3A_174 : i32 to index
        %get3A_178 = arith.constant 0 : index
        %get3A_179 = tpu.vector_load %arg7[%get3A_176, %get3A_177, %get3A_178] {strides = array<i32>} : memref<4x800x16xf32, #tpu.memory_space<vmem>>, vector<1x1x16xf32>,
        %get3A_180 = vector.shape_cast %get3A_179 : vector<1x1x16xf32> to vector<16xf32>
        %mul3A_181 = arith.constant 2 : i32
        %mul3A_182 = arith.muli %scan3A_149, %mul3A_181 : i32
        %mul3A_183 = arith.constant 50 : i32
        %mul3A_184 = arith.muli %mul3A_182, %mul3A_183 : i32
        %add3A_185 = arith.constant 0 : i32
        %add3A_186 = arith.addi %mul3A_184, %add3A_185 : i32
        %add3A_187 = arith.constant 2 : i32
        %add3A_188 = arith.addi %add3A_186, %add3A_187 : i32
        %get3A_189 = arith.constant 2 : i32
        %get3A_190 = arith.index_cast %get3A_189 : i32 to index
        %get3A_191 = arith.index_cast %add3A_188 : i32 to index
        %get3A_192 = arith.constant 0 : index
        %get3A_193 = tpu.vector_load %arg7[%get3A_190, %get3A_191, %get3A_192] {strides = array<i32>} : memref<4x800x16xf32, #tpu.memory_space<vmem>>, vector<1x1x16xf32>,
        %get3A_194 = vector.shape_cast %get3A_193 : vector<1x1x16xf32> to vector<16xf32>
        %mul3A_195 = arith.constant 2 : i32
        %mul3A_196 = arith.muli %scan3A_149, %mul3A_195 : i32
        %mul3A_197 = arith.constant 50 : i32
        %mul3A_198 = arith.muli %mul3A_196, %mul3A_197 : i32
        %add3A_199 = arith.constant 0 : i32
        %add3A_200 = arith.addi %mul3A_198, %add3A_199 : i32
        %add3A_201 = arith.constant 3 : i32
        %add3A_202 = arith.addi %add3A_200, %add3A_201 : i32
        %get3A_203 = arith.constant 2 : i32
        %get3A_204 = arith.index_cast %get3A_203 : i32 to index
        %get3A_205 = arith.index_cast %add3A_202 : i32 to index
        %get3A_206 = arith.constant 0 : index
        %get3A_207 = tpu.vector_load %arg7[%get3A_204, %get3A_205, %get3A_206] {strides = array<i32>} : memref<4x800x16xf32, #tpu.memory_space<vmem>>, vector<1x1x16xf32>,
        %get3A_208 = vector.shape_cast %get3A_207 : vector<1x1x16xf32> to vector<16xf32>
        %mul3A_209 = arith.constant 2 : i32
        %mul3A_210 = arith.muli %scan3A_149, %mul3A_209 : i32
        %mul3A_211 = arith.constant 50 : i32
        %mul3A_212 = arith.muli %mul3A_210, %mul3A_211 : i32
        %add3A_213 = arith.constant 0 : i32
        %add3A_214 = arith.addi %mul3A_212, %add3A_213 : i32
        %add3A_215 = arith.constant 4 : i32
        %add3A_216 = arith.addi %add3A_214, %add3A_215 : i32
        %get3A_217 = arith.constant 2 : i32
        %get3A_218 = arith.index_cast %get3A_217 : i32 to index
        %get3A_219 = arith.index_cast %add3A_216 : i32 to index
        %get3A_220 = arith.constant 0 : index
        %get3A_221 = tpu.vector_load %arg7[%get3A_218, %get3A_219, %get3A_220] {strides = array<i32>} : memref<4x800x16xf32, #tpu.memory_space<vmem>>, vector<1x1x16xf32>,
        %get3A_222 = vector.shape_cast %get3A_221 : vector<1x1x16xf32> to vector<16xf32>
        %mul3A_223 = arith.constant 2 : i32
        %mul3A_224 = arith.muli %scan3A_149, %mul3A_223 : i32
        %mul3A_225 = arith.constant 50 : i32
        %mul3A_226 = arith.muli %mul3A_224, %mul3A_225 : i32
        %add3A_227 = arith.constant 0 : i32
        %add3A_228 = arith.addi %mul3A_226, %add3A_227 : i32
        %add3A_229 = arith.constant 5 : i32
        %add3A_230 = arith.addi %add3A_228, %add3A_229 : i32
        %get3A_231 = arith.constant 2 : i32
        %get3A_232 = arith.index_cast %get3A_231 : i32 to index
        %get3A_233 = arith.index_cast %add3A_230 : i32 to index
        %get3A_234 = arith.constant 0 : index
        %get3A_235 = tpu.vector_load %arg7[%get3A_232, %get3A_233, %get3A_234] {strides = array<i32>} : memref<4x800x16xf32, #tpu.memory_space<vmem>>, vector<1x1x16xf32>,
        %get3A_236 = vector.shape_cast %get3A_235 : vector<1x1x16xf32> to vector<16xf32>
        %mul3A_237 = arith.constant 2 : i32
        %mul3A_238 = arith.muli %scan3A_149, %mul3A_237 : i32
        %mul3A_239 = arith.constant 50 : i32
        %mul3A_240 = arith.muli %mul3A_238, %mul3A_239 : i32
        %add3A_241 = arith.constant 0 : i32
        %add3A_242 = arith.addi %mul3A_240, %add3A_241 : i32
        %add3A_243 = arith.constant 6 : i32
        %add3A_244 = arith.addi %add3A_242, %add3A_243 : i32
        %get3A_245 = arith.constant 2 : i32
        %get3A_246 = arith.index_cast %get3A_245 : i32 to index
        %get3A_247 = arith.index_cast %add3A_244 : i32 to index
        %get3A_248 = arith.constant 0 : index
        %get3A_249 = tpu.vector_load %arg7[%get3A_246, %get3A_247, %get3A_248] {strides = array<i32>} : memref<4x800x16xf32, #tpu.memory_space<vmem>>, vector<1x1x16xf32>,
        %get3A_250 = vector.shape_cast %get3A_249 : vector<1x1x16xf32> to vector<16xf32>
        %mul3A_251 = arith.constant 2 : i32
        %mul3A_252 = arith.muli %scan3A_149, %mul3A_251 : i32
        %mul3A_253 = arith.constant 50 : i32
        %mul3A_254 = arith.muli %mul3A_252, %mul3A_253 : i32
        %add3A_255 = arith.constant 0 : i32
        %add3A_256 = arith.addi %mul3A_254, %add3A_255 : i32
        %add3A_257 = arith.constant 7 : i32
        %add3A_258 = arith.addi %add3A_256, %add3A_257 : i32
        %get3A_259 = arith.constant 2 : i32
        %get3A_260 = arith.index_cast %get3A_259 : i32 to index
        %get3A_261 = arith.index_cast %add3A_258 : i32 to index
        %get3A_262 = arith.constant 0 : index
        %get3A_263 = tpu.vector_load %arg7[%get3A_260, %get3A_261, %get3A_262] {strides = array<i32>} : memref<4x800x16xf32, #tpu.memory_space<vmem>>, vector<1x1x16xf32>,
        %get3A_264 = vector.shape_cast %get3A_263 : vector<1x1x16xf32> to vector<16xf32>
        %mul3A_265 = arith.constant 2 : i32
        %mul3A_266 = arith.muli %scan3A_149, %mul3A_265 : i32
        %mul3A_267 = arith.constant 50 : i32
        %mul3A_268 = arith.muli %mul3A_266, %mul3A_267 : i32
        %add3A_269 = arith.constant 0 : i32
        %add3A_270 = arith.addi %mul3A_268, %add3A_269 : i32
        %add3A_271 = arith.constant 8 : i32
        %add3A_272 = arith.addi %add3A_270, %add3A_271 : i32
        %get3A_273 = arith.constant 2 : i32
        %get3A_274 = arith.index_cast %get3A_273 : i32 to index
        %get3A_275 = arith.index_cast %add3A_272 : i32 to index
        %get3A_276 = arith.constant 0 : index
        %get3A_277 = tpu.vector_load %arg7[%get3A_274, %get3A_275, %get3A_276] {strides = array<i32>} : memref<4x800x16xf32, #tpu.memory_space<vmem>>, vector<1x1x16xf32>,
        %get3A_278 = vector.shape_cast %get3A_277 : vector<1x1x16xf32> to vector<16xf32>
        %mul3A_279 = arith.constant 2 : i32
        %mul3A_280 = arith.muli %scan3A_149, %mul3A_279 : i32
        %mul3A_281 = arith.constant 50 : i32
        %mul3A_282 = arith.muli %mul3A_280, %mul3A_281 : i32
        %add3A_283 = arith.constant 0 : i32
        %add3A_284 = arith.addi %mul3A_282, %add3A_283 : i32
        %add3A_285 = arith.constant 9 : i32
        %add3A_286 = arith.addi %add3A_284, %add3A_285 : i32
        %get3A_287 = arith.constant 2 : i32
        %get3A_288 = arith.index_cast %get3A_287 : i32 to index
        %get3A_289 = arith.index_cast %add3A_286 : i32 to index
        %get3A_290 = arith.constant 0 : index
        %get3A_291 = tpu.vector_load %arg7[%get3A_288, %get3A_289, %get3A_290] {strides = array<i32>} : memref<4x800x16xf32, #tpu.memory_space<vmem>>, vector<1x1x16xf32>,
        %get3A_292 = vector.shape_cast %get3A_291 : vector<1x1x16xf32> to vector<16xf32>
        %mul3A_293 = arith.constant 2 : i32
        %mul3A_294 = arith.muli %scan3A_149, %mul3A_293 : i32
        %mul3A_295 = arith.constant 50 : i32
        %mul3A_296 = arith.muli %mul3A_294, %mul3A_295 : i32
        %add3A_297 = arith.constant 0 : i32
        %add3A_298 = arith.addi %mul3A_296, %add3A_297 : i32
        %add3A_299 = arith.constant 10 : i32
        %add3A_300 = arith.addi %add3A_298, %add3A_299 : i32
        %get3A_301 = arith.constant 2 : i32
        %get3A_302 = arith.index_cast %get3A_301 : i32 to index
        %get3A_303 = arith.index_cast %add3A_300 : i32 to index
        %get3A_304 = arith.constant 0 : index
        %get3A_305 = tpu.vector_load %arg7[%get3A_302, %get3A_303, %get3A_304] {strides = array<i32>} : memref<4x800x16xf32, #tpu.memory_space<vmem>>, vector<1x1x16xf32>,
        %get3A_306 = vector.shape_cast %get3A_305 : vector<1x1x16xf32> to vector<16xf32>
        %mul3A_307 = arith.constant 2 : i32
        %mul3A_308 = arith.muli %scan3A_149, %mul3A_307 : i32
        %mul3A_309 = arith.constant 50 : i32
        %mul3A_310 = arith.muli %mul3A_308, %mul3A_309 : i32
        %add3A_311 = arith.constant 0 : i32
        %add3A_312 = arith.addi %mul3A_310, %add3A_311 : i32
        %add3A_313 = arith.constant 11 : i32
        %add3A_314 = arith.addi %add3A_312, %add3A_313 : i32
        %get3A_315 = arith.constant 2 : i32
        %get3A_316 = arith.index_cast %get3A_315 : i32 to index
        %get3A_317 = arith.index_cast %add3A_314 : i32 to index
        %get3A_318 = arith.constant 0 : index
        %get3A_319 = tpu.vector_load %arg7[%get3A_316, %get3A_317, %get3A_318] {strides = array<i32>} : memref<4x800x16xf32, #tpu.memory_space<vmem>>, vector<1x1x16xf32>,
        %get3A_320 = vector.shape_cast %get3A_319 : vector<1x1x16xf32> to vector<16xf32>
        %mul3A_321 = arith.constant 2 : i32
        %mul3A_322 = arith.muli %scan3A_149, %mul3A_321 : i32
        %mul3A_323 = arith.constant 50 : i32
        %mul3A_324 = arith.muli %mul3A_322, %mul3A_323 : i32
        %add3A_325 = arith.constant 0 : i32
        %add3A_326 = arith.addi %mul3A_324, %add3A_325 : i32
        %add3A_327 = arith.constant 12 : i32
        %add3A_328 = arith.addi %add3A_326, %add3A_327 : i32
        %get3A_329 = arith.constant 2 : i32
        %get3A_330 = arith.index_cast %get3A_329 : i32 to index
        %get3A_331 = arith.index_cast %add3A_328 : i32 to index
        %get3A_332 = arith.constant 0 : index
        %get3A_333 = tpu.vector_load %arg7[%get3A_330, %get3A_331, %get3A_332] {strides = array<i32>} : memref<4x800x16xf32, #tpu.memory_space<vmem>>, vector<1x1x16xf32>,
        %get3A_334 = vector.shape_cast %get3A_333 : vector<1x1x16xf32> to vector<16xf32>
        %mul3A_335 = arith.constant 2 : i32
        %mul3A_336 = arith.muli %scan3A_149, %mul3A_335 : i32
        %mul3A_337 = arith.constant 50 : i32
        %mul3A_338 = arith.muli %mul3A_336, %mul3A_337 : i32
        %add3A_339 = arith.constant 0 : i32
        %add3A_340 = arith.addi %mul3A_338, %add3A_339 : i32
        %add3A_341 = arith.constant 13 : i32
        %add3A_342 = arith.addi %add3A_340, %add3A_341 : i32
        %get3A_343 = arith.constant 2 : i32
        %get3A_344 = arith.index_cast %get3A_343 : i32 to index
        %get3A_345 = arith.index_cast %add3A_342 : i32 to index
        %get3A_346 = arith.constant 0 : index
        %get3A_347 = tpu.vector_load %arg7[%get3A_344, %get3A_345, %get3A_346] {strides = array<i32>} : memref<4x800x16xf32, #tpu.memory_space<vmem>>, vector<1x1x16xf32>,
        %get3A_348 = vector.shape_cast %get3A_347 : vector<1x1x16xf32> to vector<16xf32>
        %mul3A_349 = arith.constant 2 : i32
        %mul3A_350 = arith.muli %scan3A_149, %mul3A_349 : i32
        %mul3A_351 = arith.constant 50 : i32
        %mul3A_352 = arith.muli %mul3A_350, %mul3A_351 : i32
        %add3A_353 = arith.constant 0 : i32
        %add3A_354 = arith.addi %mul3A_352, %add3A_353 : i32
        %add3A_355 = arith.constant 14 : i32
        %add3A_356 = arith.addi %add3A_354, %add3A_355 : i32
        %get3A_357 = arith.constant 2 : i32
        %get3A_358 = arith.index_cast %get3A_357 : i32 to index
        %get3A_359 = arith.index_cast %add3A_356 : i32 to index
        %get3A_360 = arith.constant 0 : index
        %get3A_361 = tpu.vector_load %arg7[%get3A_358, %get3A_359, %get3A_360] {strides = array<i32>} : memref<4x800x16xf32, #tpu.memory_space<vmem>>, vector<1x1x16xf32>,
        %get3A_362 = vector.shape_cast %get3A_361 : vector<1x1x16xf32> to vector<16xf32>
        %mul3A_363 = arith.constant 2 : i32
        %mul3A_364 = arith.muli %scan3A_149, %mul3A_363 : i32
        %mul3A_365 = arith.constant 50 : i32
        %mul3A_366 = arith.muli %mul3A_364, %mul3A_365 : i32
        %add3A_367 = arith.constant 0 : i32
        %add3A_368 = arith.addi %mul3A_366, %add3A_367 : i32
        %add3A_369 = arith.constant 15 : i32
        %add3A_370 = arith.addi %add3A_368, %add3A_369 : i32
        %get3A_371 = arith.constant 2 : i32
        %get3A_372 = arith.index_cast %get3A_371 : i32 to index
        %get3A_373 = arith.index_cast %add3A_370 : i32 to index
        %get3A_374 = arith.constant 0 : index
        %get3A_375 = tpu.vector_load %arg7[%get3A_372, %get3A_373, %get3A_374] {strides = array<i32>} : memref<4x800x16xf32, #tpu.memory_space<vmem>>, vector<1x1x16xf32>,
        %get3A_376 = vector.shape_cast %get3A_375 : vector<1x1x16xf32> to vector<16xf32>
        %mul3A_377 = arith.constant 2 : i32
        %mul3A_378 = arith.muli %scan3A_149, %mul3A_377 : i32
        %mul3A_379 = arith.constant 50 : i32
        %mul3A_380 = arith.muli %mul3A_378, %mul3A_379 : i32
        %add3A_381 = arith.constant 0 : i32
        %add3A_382 = arith.addi %mul3A_380, %add3A_381 : i32
        %add3A_383 = arith.constant 16 : i32
        %add3A_384 = arith.addi %add3A_382, %add3A_383 : i32
        %get3A_385 = arith.constant 2 : i32
        %get3A_386 = arith.index_cast %get3A_385 : i32 to index
        %get3A_387 = arith.index_cast %add3A_384 : i32 to index
        %get3A_388 = arith.constant 0 : index
        %get3A_389 = tpu.vector_load %arg7[%get3A_386, %get3A_387, %get3A_388] {strides = array<i32>} : memref<4x800x16xf32, #tpu.memory_space<vmem>>, vector<1x1x16xf32>,
        %get3A_390 = vector.shape_cast %get3A_389 : vector<1x1x16xf32> to vector<16xf32>
        %mul3A_391 = arith.constant 2 : i32
        %mul3A_392 = arith.muli %scan3A_149, %mul3A_391 : i32
        %mul3A_393 = arith.constant 50 : i32
        %mul3A_394 = arith.muli %mul3A_392, %mul3A_393 : i32
        %add3A_395 = arith.constant 0 : i32
        %add3A_396 = arith.addi %mul3A_394, %add3A_395 : i32
        %add3A_397 = arith.constant 17 : i32
        %add3A_398 = arith.addi %add3A_396, %add3A_397 : i32
        %get3A_399 = arith.constant 2 : i32
        %get3A_400 = arith.index_cast %get3A_399 : i32 to index
        %get3A_401 = arith.index_cast %add3A_398 : i32 to index
        %get3A_402 = arith.constant 0 : index
        %get3A_403 = tpu.vector_load %arg7[%get3A_400, %get3A_401, %get3A_402] {strides = array<i32>} : memref<4x800x16xf32, #tpu.memory_space<vmem>>, vector<1x1x16xf32>,
        %get3A_404 = vector.shape_cast %get3A_403 : vector<1x1x16xf32> to vector<16xf32>
        %mul3A_405 = arith.constant 2 : i32
        %mul3A_406 = arith.muli %scan3A_149, %mul3A_405 : i32
        %mul3A_407 = arith.constant 50 : i32
        %mul3A_408 = arith.muli %mul3A_406, %mul3A_407 : i32
        %add3A_409 = arith.constant 0 : i32
        %add3A_410 = arith.addi %mul3A_408, %add3A_409 : i32
        %add3A_411 = arith.constant 18 : i32
        %add3A_412 = arith.addi %add3A_410, %add3A_411 : i32
        %get3A_413 = arith.constant 2 : i32
        %get3A_414 = arith.index_cast %get3A_413 : i32 to index
        %get3A_415 = arith.index_cast %add3A_412 : i32 to index
        %get3A_416 = arith.constant 0 : index
        %get3A_417 = tpu.vector_load %arg7[%get3A_414, %get3A_415, %get3A_416] {strides = array<i32>} : memref<4x800x16xf32, #tpu.memory_space<vmem>>, vector<1x1x16xf32>,
        %get3A_418 = vector.shape_cast %get3A_417 : vector<1x1x16xf32> to vector<16xf32>
        %mul3A_419 = arith.constant 2 : i32
        %mul3A_420 = arith.muli %scan3A_149, %mul3A_419 : i32
        %mul3A_421 = arith.constant 50 : i32
        %mul3A_422 = arith.muli %mul3A_420, %mul3A_421 : i32
        %add3A_423 = arith.constant 0 : i32
        %add3A_424 = arith.addi %mul3A_422, %add3A_423 : i32
        %add3A_425 = arith.constant 19 : i32
        %add3A_426 = arith.addi %add3A_424, %add3A_425 : i32
        %get3A_427 = arith.constant 2 : i32
        %get3A_428 = arith.index_cast %get3A_427 : i32 to index
        %get3A_429 = arith.index_cast %add3A_426 : i32 to index
        %get3A_430 = arith.constant 0 : index
        %get3A_431 = tpu.vector_load %arg7[%get3A_428, %get3A_429, %get3A_430] {strides = array<i32>} : memref<4x800x16xf32, #tpu.memory_space<vmem>>, vector<1x1x16xf32>,
        %get3A_432 = vector.shape_cast %get3A_431 : vector<1x1x16xf32> to vector<16xf32>
        %mul3A_433 = arith.constant 2 : i32
        %mul3A_434 = arith.muli %scan3A_149, %mul3A_433 : i32
        %mul3A_435 = arith.constant 50 : i32
        %mul3A_436 = arith.muli %mul3A_434, %mul3A_435 : i32
        %add3A_437 = arith.constant 0 : i32
        %add3A_438 = arith.addi %mul3A_436, %add3A_437 : i32
        %add3A_439 = arith.constant 20 : i32
        %add3A_440 = arith.addi %add3A_438, %add3A_439 : i32
        %get3A_441 = arith.constant 2 : i32
        %get3A_442 = arith.index_cast %get3A_441 : i32 to index
        %get3A_443 = arith.index_cast %add3A_440 : i32 to index
        %get3A_444 = arith.constant 0 : index
        %get3A_445 = tpu.vector_load %arg7[%get3A_442, %get3A_443, %get3A_444] {strides = array<i32>} : memref<4x800x16xf32, #tpu.memory_space<vmem>>, vector<1x1x16xf32>,
        %get3A_446 = vector.shape_cast %get3A_445 : vector<1x1x16xf32> to vector<16xf32>
        %mul3A_447 = arith.constant 2 : i32
        %mul3A_448 = arith.muli %scan3A_149, %mul3A_447 : i32
        %mul3A_449 = arith.constant 50 : i32
        %mul3A_450 = arith.muli %mul3A_448, %mul3A_449 : i32
        %add3A_451 = arith.constant 0 : i32
        %add3A_452 = arith.addi %mul3A_450, %add3A_451 : i32
        %add3A_453 = arith.constant 21 : i32
        %add3A_454 = arith.addi %add3A_452, %add3A_453 : i32
        %get3A_455 = arith.constant 2 : i32
        %get3A_456 = arith.index_cast %get3A_455 : i32 to index
        %get3A_457 = arith.index_cast %add3A_454 : i32 to index
        %get3A_458 = arith.constant 0 : index
        %get3A_459 = tpu.vector_load %arg7[%get3A_456, %get3A_457, %get3A_458] {strides = array<i32>} : memref<4x800x16xf32, #tpu.memory_space<vmem>>, vector<1x1x16xf32>,
        %get3A_460 = vector.shape_cast %get3A_459 : vector<1x1x16xf32> to vector<16xf32>
        %mul3A_461 = arith.constant 2 : i32
        %mul3A_462 = arith.muli %scan3A_149, %mul3A_461 : i32
        %mul3A_463 = arith.constant 50 : i32
        %mul3A_464 = arith.muli %mul3A_462, %mul3A_463 : i32
        %add3A_465 = arith.constant 0 : i32
        %add3A_466 = arith.addi %mul3A_464, %add3A_465 : i32
        %add3A_467 = arith.constant 22 : i32
        %add3A_468 = arith.addi %add3A_466, %add3A_467 : i32
        %get3A_469 = arith.constant 2 : i32
        %get3A_470 = arith.index_cast %get3A_469 : i32 to index
        %get3A_471 = arith.index_cast %add3A_468 : i32 to index
        %get3A_472 = arith.constant 0 : index
        %get3A_473 = tpu.vector_load %arg7[%get3A_470, %get3A_471, %get3A_472] {strides = array<i32>} : memref<4x800x16xf32, #tpu.memory_space<vmem>>, vector<1x1x16xf32>,
        %get3A_474 = vector.shape_cast %get3A_473 : vector<1x1x16xf32> to vector<16xf32>
        %mul3A_475 = arith.constant 2 : i32
        %mul3A_476 = arith.muli %scan3A_149, %mul3A_475 : i32
        %mul3A_477 = arith.constant 50 : i32
        %mul3A_478 = arith.muli %mul3A_476, %mul3A_477 : i32
        %add3A_479 = arith.constant 0 : i32
        %add3A_480 = arith.addi %mul3A_478, %add3A_479 : i32
        %add3A_481 = arith.constant 23 : i32
        %add3A_482 = arith.addi %add3A_480, %add3A_481 : i32
        %get3A_483 = arith.constant 2 : i32
        %get3A_484 = arith.index_cast %get3A_483 : i32 to index
        %get3A_485 = arith.index_cast %add3A_482 : i32 to index
        %get3A_486 = arith.constant 0 : index
        %get3A_487 = tpu.vector_load %arg7[%get3A_484, %get3A_485, %get3A_486] {strides = array<i32>} : memref<4x800x16xf32, #tpu.memory_space<vmem>>, vector<1x1x16xf32>,
        %get3A_488 = vector.shape_cast %get3A_487 : vector<1x1x16xf32> to vector<16xf32>
        %mul3A_489 = arith.constant 2 : i32
        %mul3A_490 = arith.muli %scan3A_149, %mul3A_489 : i32
        %mul3A_491 = arith.constant 50 : i32
        %mul3A_492 = arith.muli %mul3A_490, %mul3A_491 : i32
        %add3A_493 = arith.constant 0 : i32
        %add3A_494 = arith.addi %mul3A_492, %add3A_493 : i32
        %add3A_495 = arith.constant 24 : i32
        %add3A_496 = arith.addi %add3A_494, %add3A_495 : i32
        %get3A_497 = arith.constant 2 : i32
        %get3A_498 = arith.index_cast %get3A_497 : i32 to index
        %get3A_499 = arith.index_cast %add3A_496 : i32 to index
        %get3A_500 = arith.constant 0 : index
        %get3A_501 = tpu.vector_load %arg7[%get3A_498, %get3A_499, %get3A_500] {strides = array<i32>} : memref<4x800x16xf32, #tpu.memory_space<vmem>>, vector<1x1x16xf32>,
        %get3A_502 = vector.shape_cast %get3A_501 : vector<1x1x16xf32> to vector<16xf32>
        %mul3A_503 = arith.constant 2 : i32
        %mul3A_504 = arith.muli %scan3A_149, %mul3A_503 : i32
        %mul3A_505 = arith.constant 50 : i32
        %mul3A_506 = arith.muli %mul3A_504, %mul3A_505 : i32
        %add3A_507 = arith.constant 0 : i32
        %add3A_508 = arith.addi %mul3A_506, %add3A_507 : i32
        %add3A_509 = arith.constant 25 : i32
        %add3A_510 = arith.addi %add3A_508, %add3A_509 : i32
        %get3A_511 = arith.constant 2 : i32
        %get3A_512 = arith.index_cast %get3A_511 : i32 to index
        %get3A_513 = arith.index_cast %add3A_510 : i32 to index
        %get3A_514 = arith.constant 0 : index
        %get3A_515 = tpu.vector_load %arg7[%get3A_512, %get3A_513, %get3A_514] {strides = array<i32>} : memref<4x800x16xf32, #tpu.memory_space<vmem>>, vector<1x1x16xf32>,
        %get3A_516 = vector.shape_cast %get3A_515 : vector<1x1x16xf32> to vector<16xf32>
        %mul3A_517 = arith.constant 2 : i32
        %mul3A_518 = arith.muli %scan3A_149, %mul3A_517 : i32
        %mul3A_519 = arith.constant 50 : i32
        %mul3A_520 = arith.muli %mul3A_518, %mul3A_519 : i32
        %add3A_521 = arith.constant 0 : i32
        %add3A_522 = arith.addi %mul3A_520, %add3A_521 : i32
        %add3A_523 = arith.constant 26 : i32
        %add3A_524 = arith.addi %add3A_522, %add3A_523 : i32
        %get3A_525 = arith.constant 2 : i32
        %get3A_526 = arith.index_cast %get3A_525 : i32 to index
        %get3A_527 = arith.index_cast %add3A_524 : i32 to index
        %get3A_528 = arith.constant 0 : index
        %get3A_529 = tpu.vector_load %arg7[%get3A_526, %get3A_527, %get3A_528] {strides = array<i32>} : memref<4x800x16xf32, #tpu.memory_space<vmem>>, vector<1x1x16xf32>,
        %get3A_530 = vector.shape_cast %get3A_529 : vector<1x1x16xf32> to vector<16xf32>
        %mul3A_531 = arith.constant 2 : i32
        %mul3A_532 = arith.muli %scan3A_149, %mul3A_531 : i32
        %mul3A_533 = arith.constant 50 : i32
        %mul3A_534 = arith.muli %mul3A_532, %mul3A_533 : i32
        %add3A_535 = arith.constant 0 : i32
        %add3A_536 = arith.addi %mul3A_534, %add3A_535 : i32
        %add3A_537 = arith.constant 27 : i32
        %add3A_538 = arith.addi %add3A_536, %add3A_537 : i32
        %get3A_539 = arith.constant 2 : i32
        %get3A_540 = arith.index_cast %get3A_539 : i32 to index
        %get3A_541 = arith.index_cast %add3A_538 : i32 to index
        %get3A_542 = arith.constant 0 : index
        %get3A_543 = tpu.vector_load %arg7[%get3A_540, %get3A_541, %get3A_542] {strides = array<i32>} : memref<4x800x16xf32, #tpu.memory_space<vmem>>, vector<1x1x16xf32>,
        %get3A_544 = vector.shape_cast %get3A_543 : vector<1x1x16xf32> to vector<16xf32>
        %mul3A_545 = arith.constant 2 : i32
        %mul3A_546 = arith.muli %scan3A_149, %mul3A_545 : i32
        %mul3A_547 = arith.constant 50 : i32
        %mul3A_548 = arith.muli %mul3A_546, %mul3A_547 : i32
        %add3A_549 = arith.constant 0 : i32
        %add3A_550 = arith.addi %mul3A_548, %add3A_549 : i32
        %add3A_551 = arith.constant 28 : i32
        %add3A_552 = arith.addi %add3A_550, %add3A_551 : i32
        %get3A_553 = arith.constant 2 : i32
        %get3A_554 = arith.index_cast %get3A_553 : i32 to index
        %get3A_555 = arith.index_cast %add3A_552 : i32 to index
        %get3A_556 = arith.constant 0 : index
        %get3A_557 = tpu.vector_load %arg7[%get3A_554, %get3A_555, %get3A_556] {strides = array<i32>} : memref<4x800x16xf32, #tpu.memory_space<vmem>>, vector<1x1x16xf32>,
        %get3A_558 = vector.shape_cast %get3A_557 : vector<1x1x16xf32> to vector<16xf32>
        %mul3A_559 = arith.constant 2 : i32
        %mul3A_560 = arith.muli %scan3A_149, %mul3A_559 : i32
        %mul3A_561 = arith.constant 50 : i32
        %mul3A_562 = arith.muli %mul3A_560, %mul3A_561 : i32
        %add3A_563 = arith.constant 0 : i32
        %add3A_564 = arith.addi %mul3A_562, %add3A_563 : i32
        %add3A_565 = arith.constant 29 : i32
        %add3A_566 = arith.addi %add3A_564, %add3A_565 : i32
        %get3A_567 = arith.constant 2 : i32
        %get3A_568 = arith.index_cast %get3A_567 : i32 to index
        %get3A_569 = arith.index_cast %add3A_566 : i32 to index
        %get3A_570 = arith.constant 0 : index
        %get3A_571 = tpu.vector_load %arg7[%get3A_568, %get3A_569, %get3A_570] {strides = array<i32>} : memref<4x800x16xf32, #tpu.memory_space<vmem>>, vector<1x1x16xf32>,
        %get3A_572 = vector.shape_cast %get3A_571 : vector<1x1x16xf32> to vector<16xf32>
        %mul3A_573 = arith.constant 2 : i32
        %mul3A_574 = arith.muli %scan3A_149, %mul3A_573 : i32
        %mul3A_575 = arith.constant 50 : i32
        %mul3A_576 = arith.muli %mul3A_574, %mul3A_575 : i32
        %add3A_577 = arith.constant 0 : i32
        %add3A_578 = arith.addi %mul3A_576, %add3A_577 : i32
        %add3A_579 = arith.constant 30 : i32
        %add3A_580 = arith.addi %add3A_578, %add3A_579 : i32
        %get3A_581 = arith.constant 2 : i32
        %get3A_582 = arith.index_cast %get3A_581 : i32 to index
        %get3A_583 = arith.index_cast %add3A_580 : i32 to index
        %get3A_584 = arith.constant 0 : index
        %get3A_585 = tpu.vector_load %arg7[%get3A_582, %get3A_583, %get3A_584] {strides = array<i32>} : memref<4x800x16xf32, #tpu.memory_space<vmem>>, vector<1x1x16xf32>,
        %get3A_586 = vector.shape_cast %get3A_585 : vector<1x1x16xf32> to vector<16xf32>
        %mul3A_587 = arith.constant 2 : i32
        %mul3A_588 = arith.muli %scan3A_149, %mul3A_587 : i32
        %mul3A_589 = arith.constant 50 : i32
        %mul3A_590 = arith.muli %mul3A_588, %mul3A_589 : i32
        %add3A_591 = arith.constant 0 : i32
        %add3A_592 = arith.addi %mul3A_590, %add3A_591 : i32
        %add3A_593 = arith.constant 31 : i32
        %add3A_594 = arith.addi %add3A_592, %add3A_593 : i32
        %get3A_595 = arith.constant 2 : i32
        %get3A_596 = arith.index_cast %get3A_595 : i32 to index
        %get3A_597 = arith.index_cast %add3A_594 : i32 to index
        %get3A_598 = arith.constant 0 : index
        %get3A_599 = tpu.vector_load %arg7[%get3A_596, %get3A_597, %get3A_598] {strides = array<i32>} : memref<4x800x16xf32, #tpu.memory_space<vmem>>, vector<1x1x16xf32>,
        %get3A_600 = vector.shape_cast %get3A_599 : vector<1x1x16xf32> to vector<16xf32>
        %mul3A_601 = arith.constant 2 : i32
        %mul3A_602 = arith.muli %scan3A_149, %mul3A_601 : i32
        %mul3A_603 = arith.constant 50 : i32
        %mul3A_604 = arith.muli %mul3A_602, %mul3A_603 : i32
        %add3A_605 = arith.constant 0 : i32
        %add3A_606 = arith.addi %mul3A_604, %add3A_605 : i32
        %add3A_607 = arith.constant 32 : i32
        %add3A_608 = arith.addi %add3A_606, %add3A_607 : i32
        %get3A_609 = arith.constant 2 : i32
        %get3A_610 = arith.index_cast %get3A_609 : i32 to index
        %get3A_611 = arith.index_cast %add3A_608 : i32 to index
        %get3A_612 = arith.constant 0 : index
        %get3A_613 = tpu.vector_load %arg7[%get3A_610, %get3A_611, %get3A_612] {strides = array<i32>} : memref<4x800x16xf32, #tpu.memory_space<vmem>>, vector<1x1x16xf32>,
        %get3A_614 = vector.shape_cast %get3A_613 : vector<1x1x16xf32> to vector<16xf32>
        %mul3A_615 = arith.constant 2 : i32
        %mul3A_616 = arith.muli %scan3A_149, %mul3A_615 : i32
        %mul3A_617 = arith.constant 50 : i32
        %mul3A_618 = arith.muli %mul3A_616, %mul3A_617 : i32
        %add3A_619 = arith.constant 0 : i32
        %add3A_620 = arith.addi %mul3A_618, %add3A_619 : i32
        %add3A_621 = arith.constant 33 : i32
        %add3A_622 = arith.addi %add3A_620, %add3A_621 : i32
        %get3A_623 = arith.constant 2 : i32
        %get3A_624 = arith.index_cast %get3A_623 : i32 to index
        %get3A_625 = arith.index_cast %add3A_622 : i32 to index
        %get3A_626 = arith.constant 0 : index
        %get3A_627 = tpu.vector_load %arg7[%get3A_624, %get3A_625, %get3A_626] {strides = array<i32>} : memref<4x800x16xf32, #tpu.memory_space<vmem>>, vector<1x1x16xf32>,
        %get3A_628 = vector.shape_cast %get3A_627 : vector<1x1x16xf32> to vector<16xf32>
        %mul3A_629 = arith.constant 2 : i32
        %mul3A_630 = arith.muli %scan3A_149, %mul3A_629 : i32
        %mul3A_631 = arith.constant 50 : i32
        %mul3A_632 = arith.muli %mul3A_630, %mul3A_631 : i32
        %add3A_633 = arith.constant 0 : i32
        %add3A_634 = arith.addi %mul3A_632, %add3A_633 : i32
        %add3A_635 = arith.constant 34 : i32
        %add3A_636 = arith.addi %add3A_634, %add3A_635 : i32
        %get3A_637 = arith.constant 2 : i32
        %get3A_638 = arith.index_cast %get3A_637 : i32 to index
        %get3A_639 = arith.index_cast %add3A_636 : i32 to index
        %get3A_640 = arith.constant 0 : index
        %get3A_641 = tpu.vector_load %arg7[%get3A_638, %get3A_639, %get3A_640] {strides = array<i32>} : memref<4x800x16xf32, #tpu.memory_space<vmem>>, vector<1x1x16xf32>,
        %get3A_642 = vector.shape_cast %get3A_641 : vector<1x1x16xf32> to vector<16xf32>
        %mul3A_643 = arith.constant 2 : i32
        %mul3A_644 = arith.muli %scan3A_149, %mul3A_643 : i32
        %mul3A_645 = arith.constant 50 : i32
        %mul3A_646 = arith.muli %mul3A_644, %mul3A_645 : i32
        %add3A_647 = arith.constant 0 : i32
        %add3A_648 = arith.addi %mul3A_646, %add3A_647 : i32
        %add3A_649 = arith.constant 35 : i32
        %add3A_650 = arith.addi %add3A_648, %add3A_649 : i32
        %get3A_651 = arith.constant 2 : i32
        %get3A_652 = arith.index_cast %get3A_651 : i32 to index
        %get3A_653 = arith.index_cast %add3A_650 : i32 to index
        %get3A_654 = arith.constant 0 : index
        %get3A_655 = tpu.vector_load %arg7[%get3A_652, %get3A_653, %get3A_654] {strides = array<i32>} : memref<4x800x16xf32, #tpu.memory_space<vmem>>, vector<1x1x16xf32>,
        %get3A_656 = vector.shape_cast %get3A_655 : vector<1x1x16xf32> to vector<16xf32>
        %mul3A_657 = arith.constant 2 : i32
        %mul3A_658 = arith.muli %scan3A_149, %mul3A_657 : i32
        %mul3A_659 = arith.constant 50 : i32
        %mul3A_660 = arith.muli %mul3A_658, %mul3A_659 : i32
        %add3A_661 = arith.constant 0 : i32
        %add3A_662 = arith.addi %mul3A_660, %add3A_661 : i32
        %add3A_663 = arith.constant 36 : i32
        %add3A_664 = arith.addi %add3A_662, %add3A_663 : i32
        %get3A_665 = arith.constant 2 : i32
        %get3A_666 = arith.index_cast %get3A_665 : i32 to index
        %get3A_667 = arith.index_cast %add3A_664 : i32 to index
        %get3A_668 = arith.constant 0 : index
        %get3A_669 = tpu.vector_load %arg7[%get3A_666, %get3A_667, %get3A_668] {strides = array<i32>} : memref<4x800x16xf32, #tpu.memory_space<vmem>>, vector<1x1x16xf32>,
        %get3A_670 = vector.shape_cast %get3A_669 : vector<1x1x16xf32> to vector<16xf32>
        %mul3A_671 = arith.constant 2 : i32
        %mul3A_672 = arith.muli %scan3A_149, %mul3A_671 : i32
        %mul3A_673 = arith.constant 50 : i32
        %mul3A_674 = arith.muli %mul3A_672, %mul3A_673 : i32
        %add3A_675 = arith.constant 0 : i32
        %add3A_676 = arith.addi %mul3A_674, %add3A_675 : i32
        %add3A_677 = arith.constant 37 : i32
        %add3A_678 = arith.addi %add3A_676, %add3A_677 : i32
        %get3A_679 = arith.constant 2 : i32
        %get3A_680 = arith.index_cast %get3A_679 : i32 to index
        %get3A_681 = arith.index_cast %add3A_678 : i32 to index
        %get3A_682 = arith.constant 0 : index
        %get3A_683 = tpu.vector_load %arg7[%get3A_680, %get3A_681, %get3A_682] {strides = array<i32>} : memref<4x800x16xf32, #tpu.memory_space<vmem>>, vector<1x1x16xf32>,
        %get3A_684 = vector.shape_cast %get3A_683 : vector<1x1x16xf32> to vector<16xf32>
        %mul3A_685 = arith.constant 2 : i32
        %mul3A_686 = arith.muli %scan3A_149, %mul3A_685 : i32
        %mul3A_687 = arith.constant 50 : i32
        %mul3A_688 = arith.muli %mul3A_686, %mul3A_687 : i32
        %add3A_689 = arith.constant 0 : i32
        %add3A_690 = arith.addi %mul3A_688, %add3A_689 : i32
        %add3A_691 = arith.constant 38 : i32
        %add3A_692 = arith.addi %add3A_690, %add3A_691 : i32
        %get3A_693 = arith.constant 2 : i32
        %get3A_694 = arith.index_cast %get3A_693 : i32 to index
        %get3A_695 = arith.index_cast %add3A_692 : i32 to index
        %get3A_696 = arith.constant 0 : index
        %get3A_697 = tpu.vector_load %arg7[%get3A_694, %get3A_695, %get3A_696] {strides = array<i32>} : memref<4x800x16xf32, #tpu.memory_space<vmem>>, vector<1x1x16xf32>,
        %get3A_698 = vector.shape_cast %get3A_697 : vector<1x1x16xf32> to vector<16xf32>
        %mul3A_699 = arith.constant 2 : i32
        %mul3A_700 = arith.muli %scan3A_149, %mul3A_699 : i32
        %mul3A_701 = arith.constant 50 : i32
        %mul3A_702 = arith.muli %mul3A_700, %mul3A_701 : i32
        %add3A_703 = arith.constant 0 : i32
        %add3A_704 = arith.addi %mul3A_702, %add3A_703 : i32
        %add3A_705 = arith.constant 39 : i32
        %add3A_706 = arith.addi %add3A_704, %add3A_705 : i32
        %get3A_707 = arith.constant 2 : i32
        %get3A_708 = arith.index_cast %get3A_707 : i32 to index
        %get3A_709 = arith.index_cast %add3A_706 : i32 to index
        %get3A_710 = arith.constant 0 : index
        %get3A_711 = tpu.vector_load %arg7[%get3A_708, %get3A_709, %get3A_710] {strides = array<i32>} : memref<4x800x16xf32, #tpu.memory_space<vmem>>, vector<1x1x16xf32>,
        %get3A_712 = vector.shape_cast %get3A_711 : vector<1x1x16xf32> to vector<16xf32>
        %mul3A_713 = arith.constant 2 : i32
        %mul3A_714 = arith.muli %scan3A_149, %mul3A_713 : i32
        %mul3A_715 = arith.constant 50 : i32
        %mul3A_716 = arith.muli %mul3A_714, %mul3A_715 : i32
        %add3A_717 = arith.constant 0 : i32
        %add3A_718 = arith.addi %mul3A_716, %add3A_717 : i32
        %add3A_719 = arith.constant 40 : i32
        %add3A_720 = arith.addi %add3A_718, %add3A_719 : i32
        %get3A_721 = arith.constant 2 : i32
        %get3A_722 = arith.index_cast %get3A_721 : i32 to index
        %get3A_723 = arith.index_cast %add3A_720 : i32 to index
        %get3A_724 = arith.constant 0 : index
        %get3A_725 = tpu.vector_load %arg7[%get3A_722, %get3A_723, %get3A_724] {strides = array<i32>} : memref<4x800x16xf32, #tpu.memory_space<vmem>>, vector<1x1x16xf32>,
        %get3A_726 = vector.shape_cast %get3A_725 : vector<1x1x16xf32> to vector<16xf32>
        %mul3A_727 = arith.constant 2 : i32
        %mul3A_728 = arith.muli %scan3A_149, %mul3A_727 : i32
        %mul3A_729 = arith.constant 50 : i32
        %mul3A_730 = arith.muli %mul3A_728, %mul3A_729 : i32
        %add3A_731 = arith.constant 0 : i32
        %add3A_732 = arith.addi %mul3A_730, %add3A_731 : i32
        %add3A_733 = arith.constant 41 : i32
        %add3A_734 = arith.addi %add3A_732, %add3A_733 : i32
        %get3A_735 = arith.constant 2 : i32
        %get3A_736 = arith.index_cast %get3A_735 : i32 to index
        %get3A_737 = arith.index_cast %add3A_734 : i32 to index
        %get3A_738 = arith.constant 0 : index
        %get3A_739 = tpu.vector_load %arg7[%get3A_736, %get3A_737, %get3A_738] {strides = array<i32>} : memref<4x800x16xf32, #tpu.memory_space<vmem>>, vector<1x1x16xf32>,
        %get3A_740 = vector.shape_cast %get3A_739 : vector<1x1x16xf32> to vector<16xf32>
        %mul3A_741 = arith.constant 2 : i32
        %mul3A_742 = arith.muli %scan3A_149, %mul3A_741 : i32
        %mul3A_743 = arith.constant 50 : i32
        %mul3A_744 = arith.muli %mul3A_742, %mul3A_743 : i32
        %add3A_745 = arith.constant 0 : i32
        %add3A_746 = arith.addi %mul3A_744, %add3A_745 : i32
        %add3A_747 = arith.constant 42 : i32
        %add3A_748 = arith.addi %add3A_746, %add3A_747 : i32
        %get3A_749 = arith.constant 2 : i32
        %get3A_750 = arith.index_cast %get3A_749 : i32 to index
        %get3A_751 = arith.index_cast %add3A_748 : i32 to index
        %get3A_752 = arith.constant 0 : index
        %get3A_753 = tpu.vector_load %arg7[%get3A_750, %get3A_751, %get3A_752] {strides = array<i32>} : memref<4x800x16xf32, #tpu.memory_space<vmem>>, vector<1x1x16xf32>,
        %get3A_754 = vector.shape_cast %get3A_753 : vector<1x1x16xf32> to vector<16xf32>
        %mul3A_755 = arith.constant 2 : i32
        %mul3A_756 = arith.muli %scan3A_149, %mul3A_755 : i32
        %mul3A_757 = arith.constant 50 : i32
        %mul3A_758 = arith.muli %mul3A_756, %mul3A_757 : i32
        %add3A_759 = arith.constant 0 : i32
        %add3A_760 = arith.addi %mul3A_758, %add3A_759 : i32
        %add3A_761 = arith.constant 43 : i32
        %add3A_762 = arith.addi %add3A_760, %add3A_761 : i32
        %get3A_763 = arith.constant 2 : i32
        %get3A_764 = arith.index_cast %get3A_763 : i32 to index
        %get3A_765 = arith.index_cast %add3A_762 : i32 to index
        %get3A_766 = arith.constant 0 : index
        %get3A_767 = tpu.vector_load %arg7[%get3A_764, %get3A_765, %get3A_766] {strides = array<i32>} : memref<4x800x16xf32, #tpu.memory_space<vmem>>, vector<1x1x16xf32>,
        %get3A_768 = vector.shape_cast %get3A_767 : vector<1x1x16xf32> to vector<16xf32>
        %mul3A_769 = arith.constant 2 : i32
        %mul3A_770 = arith.muli %scan3A_149, %mul3A_769 : i32
        %mul3A_771 = arith.constant 50 : i32
        %mul3A_772 = arith.muli %mul3A_770, %mul3A_771 : i32
        %add3A_773 = arith.constant 0 : i32
        %add3A_774 = arith.addi %mul3A_772, %add3A_773 : i32
        %add3A_775 = arith.constant 44 : i32
        %add3A_776 = arith.addi %add3A_774, %add3A_775 : i32
        %get3A_777 = arith.constant 2 : i32
        %get3A_778 = arith.index_cast %get3A_777 : i32 to index
        %get3A_779 = arith.index_cast %add3A_776 : i32 to index
        %get3A_780 = arith.constant 0 : index
        %get3A_781 = tpu.vector_load %arg7[%get3A_778, %get3A_779, %get3A_780] {strides = array<i32>} : memref<4x800x16xf32, #tpu.memory_space<vmem>>, vector<1x1x16xf32>,
        %get3A_782 = vector.shape_cast %get3A_781 : vector<1x1x16xf32> to vector<16xf32>
        %mul3A_783 = arith.constant 2 : i32
        %mul3A_784 = arith.muli %scan3A_149, %mul3A_783 : i32
        %mul3A_785 = arith.constant 50 : i32
        %mul3A_786 = arith.muli %mul3A_784, %mul3A_785 : i32
        %add3A_787 = arith.constant 0 : i32
        %add3A_788 = arith.addi %mul3A_786, %add3A_787 : i32
        %add3A_789 = arith.constant 45 : i32
        %add3A_790 = arith.addi %add3A_788, %add3A_789 : i32
        %get3A_791 = arith.constant 2 : i32
        %get3A_792 = arith.index_cast %get3A_791 : i32 to index
        %get3A_793 = arith.index_cast %add3A_790 : i32 to index
        %get3A_794 = arith.constant 0 : index
        %get3A_795 = tpu.vector_load %arg7[%get3A_792, %get3A_793, %get3A_794] {strides = array<i32>} : memref<4x800x16xf32, #tpu.memory_space<vmem>>, vector<1x1x16xf32>,
        %get3A_796 = vector.shape_cast %get3A_795 : vector<1x1x16xf32> to vector<16xf32>
        %mul3A_797 = arith.constant 2 : i32
        %mul3A_798 = arith.muli %scan3A_149, %mul3A_797 : i32
        %mul3A_799 = arith.constant 50 : i32
        %mul3A_800 = arith.muli %mul3A_798, %mul3A_799 : i32
        %add3A_801 = arith.constant 0 : i32
        %add3A_802 = arith.addi %mul3A_800, %add3A_801 : i32
        %add3A_803 = arith.constant 46 : i32
        %add3A_804 = arith.addi %add3A_802, %add3A_803 : i32
        %get3A_805 = arith.constant 2 : i32
        %get3A_806 = arith.index_cast %get3A_805 : i32 to index
        %get3A_807 = arith.index_cast %add3A_804 : i32 to index
        %get3A_808 = arith.constant 0 : index
        %get3A_809 = tpu.vector_load %arg7[%get3A_806, %get3A_807, %get3A_808] {strides = array<i32>} : memref<4x800x16xf32, #tpu.memory_space<vmem>>, vector<1x1x16xf32>,
        %get3A_810 = vector.shape_cast %get3A_809 : vector<1x1x16xf32> to vector<16xf32>
        %mul3A_811 = arith.constant 2 : i32
        %mul3A_812 = arith.muli %scan3A_149, %mul3A_811 : i32
        %mul3A_813 = arith.constant 50 : i32
        %mul3A_814 = arith.muli %mul3A_812, %mul3A_813 : i32
        %add3A_815 = arith.constant 0 : i32
        %add3A_816 = arith.addi %mul3A_814, %add3A_815 : i32
        %add3A_817 = arith.constant 47 : i32
        %add3A_818 = arith.addi %add3A_816, %add3A_817 : i32
        %get3A_819 = arith.constant 2 : i32
        %get3A_820 = arith.index_cast %get3A_819 : i32 to index
        %get3A_821 = arith.index_cast %add3A_818 : i32 to index
        %get3A_822 = arith.constant 0 : index
        %get3A_823 = tpu.vector_load %arg7[%get3A_820, %get3A_821, %get3A_822] {strides = array<i32>} : memref<4x800x16xf32, #tpu.memory_space<vmem>>, vector<1x1x16xf32>,
        %get3A_824 = vector.shape_cast %get3A_823 : vector<1x1x16xf32> to vector<16xf32>
        %mul3A_825 = arith.constant 2 : i32
        %mul3A_826 = arith.muli %scan3A_149, %mul3A_825 : i32
        %mul3A_827 = arith.constant 50 : i32
        %mul3A_828 = arith.muli %mul3A_826, %mul3A_827 : i32
        %add3A_829 = arith.constant 0 : i32
        %add3A_830 = arith.addi %mul3A_828, %add3A_829 : i32
        %add3A_831 = arith.constant 48 : i32
        %add3A_832 = arith.addi %add3A_830, %add3A_831 : i32
        %get3A_833 = arith.constant 2 : i32
        %get3A_834 = arith.index_cast %get3A_833 : i32 to index
        %get3A_835 = arith.index_cast %add3A_832 : i32 to index
        %get3A_836 = arith.constant 0 : index
        %get3A_837 = tpu.vector_load %arg7[%get3A_834, %get3A_835, %get3A_836] {strides = array<i32>} : memref<4x800x16xf32, #tpu.memory_space<vmem>>, vector<1x1x16xf32>,
        %get3A_838 = vector.shape_cast %get3A_837 : vector<1x1x16xf32> to vector<16xf32>
        %mul3A_839 = arith.constant 2 : i32
        %mul3A_840 = arith.muli %scan3A_149, %mul3A_839 : i32
        %mul3A_841 = arith.constant 50 : i32
        %mul3A_842 = arith.muli %mul3A_840, %mul3A_841 : i32
        %add3A_843 = arith.constant 0 : i32
        %add3A_844 = arith.addi %mul3A_842, %add3A_843 : i32
        %add3A_845 = arith.constant 49 : i32
        %add3A_846 = arith.addi %add3A_844, %add3A_845 : i32
        %get3A_847 = arith.constant 2 : i32
        %get3A_848 = arith.index_cast %get3A_847 : i32 to index
        %get3A_849 = arith.index_cast %add3A_846 : i32 to index
        %get3A_850 = arith.constant 0 : index
        %get3A_851 = tpu.vector_load %arg7[%get3A_848, %get3A_849, %get3A_850] {strides = array<i32>} : memref<4x800x16xf32, #tpu.memory_space<vmem>>, vector<1x1x16xf32>,
        %get3A_852 = vector.shape_cast %get3A_851 : vector<1x1x16xf32> to vector<16xf32>
        %add3A_853 = arith.addf %get3A_166, %get3A_180 : vector<16xf32>
        %add3A_854 = arith.addf %get3A_194, %get3A_208 : vector<16xf32>
        %add3A_855 = arith.addf %get3A_222, %get3A_236 : vector<16xf32>
        %add3A_856 = arith.addf %get3A_250, %get3A_264 : vector<16xf32>
        %add3A_857 = arith.addf %get3A_278, %get3A_292 : vector<16xf32>
        %add3A_858 = arith.addf %get3A_306, %get3A_320 : vector<16xf32>
        %add3A_859 = arith.addf %get3A_334, %get3A_348 : vector<16xf32>
        %add3A_860 = arith.addf %get3A_362, %get3A_376 : vector<16xf32>
        %add3A_861 = arith.addf %get3A_390, %get3A_404 : vector<16xf32>
        %add3A_862 = arith.addf %get3A_418, %get3A_432 : vector<16xf32>
        %add3A_863 = arith.addf %get3A_446, %get3A_460 : vector<16xf32>
        %add3A_864 = arith.addf %get3A_474, %get3A_488 : vector<16xf32>
        %add3A_865 = arith.addf %get3A_502, %get3A_516 : vector<16xf32>
        %add3A_866 = arith.addf %get3A_530, %get3A_544 : vector<16xf32>
        %add3A_867 = arith.addf %get3A_558, %get3A_572 : vector<16xf32>
        %add3A_868 = arith.addf %get3A_586, %get3A_600 : vector<16xf32>
        %add3A_869 = arith.addf %get3A_614, %get3A_628 : vector<16xf32>
        %add3A_870 = arith.addf %get3A_642, %get3A_656 : vector<16xf32>
        %add3A_871 = arith.addf %get3A_670, %get3A_684 : vector<16xf32>
        %add3A_872 = arith.addf %get3A_698, %get3A_712 : vector<16xf32>
        %add3A_873 = arith.addf %get3A_726, %get3A_740 : vector<16xf32>
        %add3A_874 = arith.addf %get3A_754, %get3A_768 : vector<16xf32>
        %add3A_875 = arith.addf %get3A_782, %get3A_796 : vector<16xf32>
        %add3A_876 = arith.addf %get3A_810, %get3A_824 : vector<16xf32>
        %add3A_877 = arith.addf %get3A_838, %get3A_852 : vector<16xf32>
        %add3A_878 = arith.addf %add3A_853, %add3A_854 : vector<16xf32>
        %add3A_879 = arith.addf %add3A_855, %add3A_856 : vector<16xf32>
        %add3A_880 = arith.addf %add3A_857, %add3A_858 : vector<16xf32>
        %add3A_881 = arith.addf %add3A_859, %add3A_860 : vector<16xf32>
        %add3A_882 = arith.addf %add3A_861, %add3A_862 : vector<16xf32>
        %add3A_883 = arith.addf %add3A_863, %add3A_864 : vector<16xf32>
        %add3A_884 = arith.addf %add3A_865, %add3A_866 : vector<16xf32>
        %add3A_885 = arith.addf %add3A_867, %add3A_868 : vector<16xf32>
        %add3A_886 = arith.addf %add3A_869, %add3A_870 : vector<16xf32>
        %add3A_887 = arith.addf %add3A_871, %add3A_872 : vector<16xf32>
        %add3A_888 = arith.addf %add3A_873, %add3A_874 : vector<16xf32>
        %add3A_889 = arith.addf %add3A_875, %add3A_876 : vector<16xf32>
        %add3A_890 = arith.addf %add3A_877, %get3A_4 : vector<16xf32>
        %add3A_891 = arith.addf %add3A_878, %add3A_879 : vector<16xf32>
        %add3A_892 = arith.addf %add3A_880, %add3A_881 : vector<16xf32>
        %add3A_893 = arith.addf %add3A_882, %add3A_883 : vector<16xf32>
        %add3A_894 = arith.addf %add3A_884, %add3A_885 : vector<16xf32>
        %add3A_895 = arith.addf %add3A_886, %add3A_887 : vector<16xf32>
        %add3A_896 = arith.addf %add3A_888, %add3A_889 : vector<16xf32>
        %add3A_897 = arith.addf %add3A_891, %add3A_892 : vector<16xf32>
        %add3A_898 = arith.addf %add3A_893, %add3A_894 : vector<16xf32>
        %add3A_899 = arith.addf %add3A_895, %add3A_896 : vector<16xf32>
        %add3A_900 = arith.addf %add3A_897, %add3A_898 : vector<16xf32>
        %add3A_901 = arith.addf %add3A_899, %add3A_890 : vector<16xf32>
        %add3A_902 = arith.addf %add3A_900, %add3A_901 : vector<16xf32>
        %mul3A_903 = arith.constant 2 : i32
        %mul3A_904 = arith.muli %add3A_152, %mul3A_903 : i32
        %add3A_905 = arith.constant 0 : i32
        %add3A_906 = arith.addi %mul3A_904, %add3A_905 : i32
        %swap3A = arith.index_cast %add3A_906 : i32 to index
        %swap3A_907 = arith.constant 0 : index
        %swap3A_908 = tpu.vector_load %arg8[%swap3A, %swap3A_907] {strides = array<i32>} : memref<512x16xf32, #tpu.memory_space<vmem>>, vector<1x16xf32>,
        %swap3A_909 = vector.shape_cast %swap3A_908 : vector<1x16xf32> to vector<16xf32>
        %swap3A_910 = vector.shape_cast %add3A_902 : vector<16xf32> to vector<1x16xf32>
        tpu.vector_store %arg8[%swap3A, %swap3A_907], %swap3A_910 {strides = array<i32>} : memref<512x16xf32, #tpu.memory_space<vmem>>, vector<1x16xf32>,
        %mul3A_911 = arith.constant 2 : i32
        %mul3A_912 = arith.muli %scan3A_149, %mul3A_911 : i32
        %mul3A_913 = arith.constant 50 : i32
        %mul3A_914 = arith.muli %mul3A_912, %mul3A_913 : i32
        %add3A_915 = arith.constant 50 : i32
        %add3A_916 = arith.addi %mul3A_914, %add3A_915 : i32
        %add3A_917 = arith.constant 0 : i32
        %add3A_918 = arith.addi %add3A_916, %add3A_917 : i32
        %get3A_919 = arith.constant 2 : i32
        %get3A_920 = arith.index_cast %get3A_919 : i32 to index
        %get3A_921 = arith.index_cast %add3A_918 : i32 to index
        %get3A_922 = arith.constant 0 : index
        %get3A_923 = tpu.vector_load %arg7[%get3A_920, %get3A_921, %get3A_922] {strides = array<i32>} : memref<4x800x16xf32, #tpu.memory_space<vmem>>, vector<1x1x16xf32>,
        %get3A_924 = vector.shape_cast %get3A_923 : vector<1x1x16xf32> to vector<16xf32>
        %mul3A_925 = arith.constant 2 : i32
        %mul3A_926 = arith.muli %scan3A_149, %mul3A_925 : i32
        %mul3A_927 = arith.constant 50 : i32
        %mul3A_928 = arith.muli %mul3A_926, %mul3A_927 : i32
        %add3A_929 = arith.constant 50 : i32
        %add3A_930 = arith.addi %mul3A_928, %add3A_929 : i32
        %add3A_931 = arith.constant 1 : i32
        %add3A_932 = arith.addi %add3A_930, %add3A_931 : i32
        %get3A_933 = arith.constant 2 : i32
        %get3A_934 = arith.index_cast %get3A_933 : i32 to index
        %get3A_935 = arith.index_cast %add3A_932 : i32 to index
        %get3A_936 = arith.constant 0 : index
        %get3A_937 = tpu.vector_load %arg7[%get3A_934, %get3A_935, %get3A_936] {strides = array<i32>} : memref<4x800x16xf32, #tpu.memory_space<vmem>>, vector<1x1x16xf32>,
        %get3A_938 = vector.shape_cast %get3A_937 : vector<1x1x16xf32> to vector<16xf32>
        %mul3A_939 = arith.constant 2 : i32
        %mul3A_940 = arith.muli %scan3A_149, %mul3A_939 : i32
        %mul3A_941 = arith.constant 50 : i32
        %mul3A_942 = arith.muli %mul3A_940, %mul3A_941 : i32
        %add3A_943 = arith.constant 50 : i32
        %add3A_944 = arith.addi %mul3A_942, %add3A_943 : i32
        %add3A_945 = arith.constant 2 : i32
        %add3A_946 = arith.addi %add3A_944, %add3A_945 : i32
        %get3A_947 = arith.constant 2 : i32
        %get3A_948 = arith.index_cast %get3A_947 : i32 to index
        %get3A_949 = arith.index_cast %add3A_946 : i32 to index
        %get3A_950 = arith.constant 0 : index
        %get3A_951 = tpu.vector_load %arg7[%get3A_948, %get3A_949, %get3A_950] {strides = array<i32>} : memref<4x800x16xf32, #tpu.memory_space<vmem>>, vector<1x1x16xf32>,
        %get3A_952 = vector.shape_cast %get3A_951 : vector<1x1x16xf32> to vector<16xf32>
        %mul3A_953 = arith.constant 2 : i32
        %mul3A_954 = arith.muli %scan3A_149, %mul3A_953 : i32
        %mul3A_955 = arith.constant 50 : i32
        %mul3A_956 = arith.muli %mul3A_954, %mul3A_955 : i32
        %add3A_957 = arith.constant 50 : i32
        %add3A_958 = arith.addi %mul3A_956, %add3A_957 : i32
        %add3A_959 = arith.constant 3 : i32
        %add3A_960 = arith.addi %add3A_958, %add3A_959 : i32
        %get3A_961 = arith.constant 2 : i32
        %get3A_962 = arith.index_cast %get3A_961 : i32 to index
        %get3A_963 = arith.index_cast %add3A_960 : i32 to index
        %get3A_964 = arith.constant 0 : index
        %get3A_965 = tpu.vector_load %arg7[%get3A_962, %get3A_963, %get3A_964] {strides = array<i32>} : memref<4x800x16xf32, #tpu.memory_space<vmem>>, vector<1x1x16xf32>,
        %get3A_966 = vector.shape_cast %get3A_965 : vector<1x1x16xf32> to vector<16xf32>
        %mul3A_967 = arith.constant 2 : i32
        %mul3A_968 = arith.muli %scan3A_149, %mul3A_967 : i32
        %mul3A_969 = arith.constant 50 : i32
        %mul3A_970 = arith.muli %mul3A_968, %mul3A_969 : i32
        %add3A_971 = arith.constant 50 : i32
        %add3A_972 = arith.addi %mul3A_970, %add3A_971 : i32
        %add3A_973 = arith.constant 4 : i32
        %add3A_974 = arith.addi %add3A_972, %add3A_973 : i32
        %get3A_975 = arith.constant 2 : i32
        %get3A_976 = arith.index_cast %get3A_975 : i32 to index
        %get3A_977 = arith.index_cast %add3A_974 : i32 to index
        %get3A_978 = arith.constant 0 : index
        %get3A_979 = tpu.vector_load %arg7[%get3A_976, %get3A_977, %get3A_978] {strides = array<i32>} : memref<4x800x16xf32, #tpu.memory_space<vmem>>, vector<1x1x16xf32>,
        %get3A_980 = vector.shape_cast %get3A_979 : vector<1x1x16xf32> to vector<16xf32>
        %mul3A_981 = arith.constant 2 : i32
        %mul3A_982 = arith.muli %scan3A_149, %mul3A_981 : i32
        %mul3A_983 = arith.constant 50 : i32
        %mul3A_984 = arith.muli %mul3A_982, %mul3A_983 : i32
        %add3A_985 = arith.constant 50 : i32
        %add3A_986 = arith.addi %mul3A_984, %add3A_985 : i32
        %add3A_987 = arith.constant 5 : i32
        %add3A_988 = arith.addi %add3A_986, %add3A_987 : i32
        %get3A_989 = arith.constant 2 : i32
        %get3A_990 = arith.index_cast %get3A_989 : i32 to index
        %get3A_991 = arith.index_cast %add3A_988 : i32 to index
        %get3A_992 = arith.constant 0 : index
        %get3A_993 = tpu.vector_load %arg7[%get3A_990, %get3A_991, %get3A_992] {strides = array<i32>} : memref<4x800x16xf32, #tpu.memory_space<vmem>>, vector<1x1x16xf32>,
        %get3A_994 = vector.shape_cast %get3A_993 : vector<1x1x16xf32> to vector<16xf32>
        %mul3A_995 = arith.constant 2 : i32
        %mul3A_996 = arith.muli %scan3A_149, %mul3A_995 : i32
        %mul3A_997 = arith.constant 50 : i32
        %mul3A_998 = arith.muli %mul3A_996, %mul3A_997 : i32
        %add3A_999 = arith.constant 50 : i32
        %add3A_1000 = arith.addi %mul3A_998, %add3A_999 : i32
        %add3A_1001 = arith.constant 6 : i32
        %add3A_1002 = arith.addi %add3A_1000, %add3A_1001 : i32
        %get3A_1003 = arith.constant 2 : i32
        %get3A_1004 = arith.index_cast %get3A_1003 : i32 to index
        %get3A_1005 = arith.index_cast %add3A_1002 : i32 to index
        %get3A_1006 = arith.constant 0 : index
        %get3A_1007 = tpu.vector_load %arg7[%get3A_1004, %get3A_1005, %get3A_1006] {strides = array<i32>} : memref<4x800x16xf32, #tpu.memory_space<vmem>>, vector<1x1x16xf32>,
        %get3A_1008 = vector.shape_cast %get3A_1007 : vector<1x1x16xf32> to vector<16xf32>
        %mul3A_1009 = arith.constant 2 : i32
        %mul3A_1010 = arith.muli %scan3A_149, %mul3A_1009 : i32
        %mul3A_1011 = arith.constant 50 : i32
        %mul3A_1012 = arith.muli %mul3A_1010, %mul3A_1011 : i32
        %add3A_1013 = arith.constant 50 : i32
        %add3A_1014 = arith.addi %mul3A_1012, %add3A_1013 : i32
        %add3A_1015 = arith.constant 7 : i32
        %add3A_1016 = arith.addi %add3A_1014, %add3A_1015 : i32
        %get3A_1017 = arith.constant 2 : i32
        %get3A_1018 = arith.index_cast %get3A_1017 : i32 to index
        %get3A_1019 = arith.index_cast %add3A_1016 : i32 to index
        %get3A_1020 = arith.constant 0 : index
        %get3A_1021 = tpu.vector_load %arg7[%get3A_1018, %get3A_1019, %get3A_1020] {strides = array<i32>} : memref<4x800x16xf32, #tpu.memory_space<vmem>>, vector<1x1x16xf32>,
        %get3A_1022 = vector.shape_cast %get3A_1021 : vector<1x1x16xf32> to vector<16xf32>
        %mul3A_1023 = arith.constant 2 : i32
        %mul3A_1024 = arith.muli %scan3A_149, %mul3A_1023 : i32
        %mul3A_1025 = arith.constant 50 : i32
        %mul3A_1026 = arith.muli %mul3A_1024, %mul3A_1025 : i32
        %add3A_1027 = arith.constant 50 : i32
        %add3A_1028 = arith.addi %mul3A_1026, %add3A_1027 : i32
        %add3A_1029 = arith.constant 8 : i32
        %add3A_1030 = arith.addi %add3A_1028, %add3A_1029 : i32
        %get3A_1031 = arith.constant 2 : i32
        %get3A_1032 = arith.index_cast %get3A_1031 : i32 to index
        %get3A_1033 = arith.index_cast %add3A_1030 : i32 to index
        %get3A_1034 = arith.constant 0 : index
        %get3A_1035 = tpu.vector_load %arg7[%get3A_1032, %get3A_1033, %get3A_1034] {strides = array<i32>} : memref<4x800x16xf32, #tpu.memory_space<vmem>>, vector<1x1x16xf32>,
        %get3A_1036 = vector.shape_cast %get3A_1035 : vector<1x1x16xf32> to vector<16xf32>
        %mul3A_1037 = arith.constant 2 : i32
        %mul3A_1038 = arith.muli %scan3A_149, %mul3A_1037 : i32
        %mul3A_1039 = arith.constant 50 : i32
        %mul3A_1040 = arith.muli %mul3A_1038, %mul3A_1039 : i32
        %add3A_1041 = arith.constant 50 : i32
        %add3A_1042 = arith.addi %mul3A_1040, %add3A_1041 : i32
        %add3A_1043 = arith.constant 9 : i32
        %add3A_1044 = arith.addi %add3A_1042, %add3A_1043 : i32
        %get3A_1045 = arith.constant 2 : i32
        %get3A_1046 = arith.index_cast %get3A_1045 : i32 to index
        %get3A_1047 = arith.index_cast %add3A_1044 : i32 to index
        %get3A_1048 = arith.constant 0 : index
        %get3A_1049 = tpu.vector_load %arg7[%get3A_1046, %get3A_1047, %get3A_1048] {strides = array<i32>} : memref<4x800x16xf32, #tpu.memory_space<vmem>>, vector<1x1x16xf32>,
        %get3A_1050 = vector.shape_cast %get3A_1049 : vector<1x1x16xf32> to vector<16xf32>
        %mul3A_1051 = arith.constant 2 : i32
        %mul3A_1052 = arith.muli %scan3A_149, %mul3A_1051 : i32
        %mul3A_1053 = arith.constant 50 : i32
        %mul3A_1054 = arith.muli %mul3A_1052, %mul3A_1053 : i32
        %add3A_1055 = arith.constant 50 : i32
        %add3A_1056 = arith.addi %mul3A_1054, %add3A_1055 : i32
        %add3A_1057 = arith.constant 10 : i32
        %add3A_1058 = arith.addi %add3A_1056, %add3A_1057 : i32
        %get3A_1059 = arith.constant 2 : i32
        %get3A_1060 = arith.index_cast %get3A_1059 : i32 to index
        %get3A_1061 = arith.index_cast %add3A_1058 : i32 to index
        %get3A_1062 = arith.constant 0 : index
        %get3A_1063 = tpu.vector_load %arg7[%get3A_1060, %get3A_1061, %get3A_1062] {strides = array<i32>} : memref<4x800x16xf32, #tpu.memory_space<vmem>>, vector<1x1x16xf32>,
        %get3A_1064 = vector.shape_cast %get3A_1063 : vector<1x1x16xf32> to vector<16xf32>
        %mul3A_1065 = arith.constant 2 : i32
        %mul3A_1066 = arith.muli %scan3A_149, %mul3A_1065 : i32
        %mul3A_1067 = arith.constant 50 : i32
        %mul3A_1068 = arith.muli %mul3A_1066, %mul3A_1067 : i32
        %add3A_1069 = arith.constant 50 : i32
        %add3A_1070 = arith.addi %mul3A_1068, %add3A_1069 : i32
        %add3A_1071 = arith.constant 11 : i32
        %add3A_1072 = arith.addi %add3A_1070, %add3A_1071 : i32
        %get3A_1073 = arith.constant 2 : i32
        %get3A_1074 = arith.index_cast %get3A_1073 : i32 to index
        %get3A_1075 = arith.index_cast %add3A_1072 : i32 to index
        %get3A_1076 = arith.constant 0 : index
        %get3A_1077 = tpu.vector_load %arg7[%get3A_1074, %get3A_1075, %get3A_1076] {strides = array<i32>} : memref<4x800x16xf32, #tpu.memory_space<vmem>>, vector<1x1x16xf32>,
        %get3A_1078 = vector.shape_cast %get3A_1077 : vector<1x1x16xf32> to vector<16xf32>
        %mul3A_1079 = arith.constant 2 : i32
        %mul3A_1080 = arith.muli %scan3A_149, %mul3A_1079 : i32
        %mul3A_1081 = arith.constant 50 : i32
        %mul3A_1082 = arith.muli %mul3A_1080, %mul3A_1081 : i32
        %add3A_1083 = arith.constant 50 : i32
        %add3A_1084 = arith.addi %mul3A_1082, %add3A_1083 : i32
        %add3A_1085 = arith.constant 12 : i32
        %add3A_1086 = arith.addi %add3A_1084, %add3A_1085 : i32
        %get3A_1087 = arith.constant 2 : i32
        %get3A_1088 = arith.index_cast %get3A_1087 : i32 to index
        %get3A_1089 = arith.index_cast %add3A_1086 : i32 to index
        %get3A_1090 = arith.constant 0 : index
        %get3A_1091 = tpu.vector_load %arg7[%get3A_1088, %get3A_1089, %get3A_1090] {strides = array<i32>} : memref<4x800x16xf32, #tpu.memory_space<vmem>>, vector<1x1x16xf32>,
        %get3A_1092 = vector.shape_cast %get3A_1091 : vector<1x1x16xf32> to vector<16xf32>
        %mul3A_1093 = arith.constant 2 : i32
        %mul3A_1094 = arith.muli %scan3A_149, %mul3A_1093 : i32
        %mul3A_1095 = arith.constant 50 : i32
        %mul3A_1096 = arith.muli %mul3A_1094, %mul3A_1095 : i32
        %add3A_1097 = arith.constant 50 : i32
        %add3A_1098 = arith.addi %mul3A_1096, %add3A_1097 : i32
        %add3A_1099 = arith.constant 13 : i32
        %add3A_1100 = arith.addi %add3A_1098, %add3A_1099 : i32
        %get3A_1101 = arith.constant 2 : i32
        %get3A_1102 = arith.index_cast %get3A_1101 : i32 to index
        %get3A_1103 = arith.index_cast %add3A_1100 : i32 to index
        %get3A_1104 = arith.constant 0 : index
        %get3A_1105 = tpu.vector_load %arg7[%get3A_1102, %get3A_1103, %get3A_1104] {strides = array<i32>} : memref<4x800x16xf32, #tpu.memory_space<vmem>>, vector<1x1x16xf32>,
        %get3A_1106 = vector.shape_cast %get3A_1105 : vector<1x1x16xf32> to vector<16xf32>
        %mul3A_1107 = arith.constant 2 : i32
        %mul3A_1108 = arith.muli %scan3A_149, %mul3A_1107 : i32
        %mul3A_1109 = arith.constant 50 : i32
        %mul3A_1110 = arith.muli %mul3A_1108, %mul3A_1109 : i32
        %add3A_1111 = arith.constant 50 : i32
        %add3A_1112 = arith.addi %mul3A_1110, %add3A_1111 : i32
        %add3A_1113 = arith.constant 14 : i32
        %add3A_1114 = arith.addi %add3A_1112, %add3A_1113 : i32
        %get3A_1115 = arith.constant 2 : i32
        %get3A_1116 = arith.index_cast %get3A_1115 : i32 to index
        %get3A_1117 = arith.index_cast %add3A_1114 : i32 to index
        %get3A_1118 = arith.constant 0 : index
        %get3A_1119 = tpu.vector_load %arg7[%get3A_1116, %get3A_1117, %get3A_1118] {strides = array<i32>} : memref<4x800x16xf32, #tpu.memory_space<vmem>>, vector<1x1x16xf32>,
        %get3A_1120 = vector.shape_cast %get3A_1119 : vector<1x1x16xf32> to vector<16xf32>
        %mul3A_1121 = arith.constant 2 : i32
        %mul3A_1122 = arith.muli %scan3A_149, %mul3A_1121 : i32
        %mul3A_1123 = arith.constant 50 : i32
        %mul3A_1124 = arith.muli %mul3A_1122, %mul3A_1123 : i32
        %add3A_1125 = arith.constant 50 : i32
        %add3A_1126 = arith.addi %mul3A_1124, %add3A_1125 : i32
        %add3A_1127 = arith.constant 15 : i32
        %add3A_1128 = arith.addi %add3A_1126, %add3A_1127 : i32
        %get3A_1129 = arith.constant 2 : i32
        %get3A_1130 = arith.index_cast %get3A_1129 : i32 to index
        %get3A_1131 = arith.index_cast %add3A_1128 : i32 to index
        %get3A_1132 = arith.constant 0 : index
        %get3A_1133 = tpu.vector_load %arg7[%get3A_1130, %get3A_1131, %get3A_1132] {strides = array<i32>} : memref<4x800x16xf32, #tpu.memory_space<vmem>>, vector<1x1x16xf32>,
        %get3A_1134 = vector.shape_cast %get3A_1133 : vector<1x1x16xf32> to vector<16xf32>
        %mul3A_1135 = arith.constant 2 : i32
        %mul3A_1136 = arith.muli %scan3A_149, %mul3A_1135 : i32
        %mul3A_1137 = arith.constant 50 : i32
        %mul3A_1138 = arith.muli %mul3A_1136, %mul3A_1137 : i32
        %add3A_1139 = arith.constant 50 : i32
        %add3A_1140 = arith.addi %mul3A_1138, %add3A_1139 : i32
        %add3A_1141 = arith.constant 16 : i32
        %add3A_1142 = arith.addi %add3A_1140, %add3A_1141 : i32
        %get3A_1143 = arith.constant 2 : i32
        %get3A_1144 = arith.index_cast %get3A_1143 : i32 to index
        %get3A_1145 = arith.index_cast %add3A_1142 : i32 to index
        %get3A_1146 = arith.constant 0 : index
        %get3A_1147 = tpu.vector_load %arg7[%get3A_1144, %get3A_1145, %get3A_1146] {strides = array<i32>} : memref<4x800x16xf32, #tpu.memory_space<vmem>>, vector<1x1x16xf32>,
        %get3A_1148 = vector.shape_cast %get3A_1147 : vector<1x1x16xf32> to vector<16xf32>
        %mul3A_1149 = arith.constant 2 : i32
        %mul3A_1150 = arith.muli %scan3A_149, %mul3A_1149 : i32
        %mul3A_1151 = arith.constant 50 : i32
        %mul3A_1152 = arith.muli %mul3A_1150, %mul3A_1151 : i32
        %add3A_1153 = arith.constant 50 : i32
        %add3A_1154 = arith.addi %mul3A_1152, %add3A_1153 : i32
        %add3A_1155 = arith.constant 17 : i32
        %add3A_1156 = arith.addi %add3A_1154, %add3A_1155 : i32
        %get3A_1157 = arith.constant 2 : i32
        %get3A_1158 = arith.index_cast %get3A_1157 : i32 to index
        %get3A_1159 = arith.index_cast %add3A_1156 : i32 to index
        %get3A_1160 = arith.constant 0 : index
        %get3A_1161 = tpu.vector_load %arg7[%get3A_1158, %get3A_1159, %get3A_1160] {strides = array<i32>} : memref<4x800x16xf32, #tpu.memory_space<vmem>>, vector<1x1x16xf32>,
        %get3A_1162 = vector.shape_cast %get3A_1161 : vector<1x1x16xf32> to vector<16xf32>
        %mul3A_1163 = arith.constant 2 : i32
        %mul3A_1164 = arith.muli %scan3A_149, %mul3A_1163 : i32
        %mul3A_1165 = arith.constant 50 : i32
        %mul3A_1166 = arith.muli %mul3A_1164, %mul3A_1165 : i32
        %add3A_1167 = arith.constant 50 : i32
        %add3A_1168 = arith.addi %mul3A_1166, %add3A_1167 : i32
        %add3A_1169 = arith.constant 18 : i32
        %add3A_1170 = arith.addi %add3A_1168, %add3A_1169 : i32
        %get3A_1171 = arith.constant 2 : i32
        %get3A_1172 = arith.index_cast %get3A_1171 : i32 to index
        %get3A_1173 = arith.index_cast %add3A_1170 : i32 to index
        %get3A_1174 = arith.constant 0 : index
        %get3A_1175 = tpu.vector_load %arg7[%get3A_1172, %get3A_1173, %get3A_1174] {strides = array<i32>} : memref<4x800x16xf32, #tpu.memory_space<vmem>>, vector<1x1x16xf32>,
        %get3A_1176 = vector.shape_cast %get3A_1175 : vector<1x1x16xf32> to vector<16xf32>
        %mul3A_1177 = arith.constant 2 : i32
        %mul3A_1178 = arith.muli %scan3A_149, %mul3A_1177 : i32
        %mul3A_1179 = arith.constant 50 : i32
        %mul3A_1180 = arith.muli %mul3A_1178, %mul3A_1179 : i32
        %add3A_1181 = arith.constant 50 : i32
        %add3A_1182 = arith.addi %mul3A_1180, %add3A_1181 : i32
        %add3A_1183 = arith.constant 19 : i32
        %add3A_1184 = arith.addi %add3A_1182, %add3A_1183 : i32
        %get3A_1185 = arith.constant 2 : i32
        %get3A_1186 = arith.index_cast %get3A_1185 : i32 to index
        %get3A_1187 = arith.index_cast %add3A_1184 : i32 to index
        %get3A_1188 = arith.constant 0 : index
        %get3A_1189 = tpu.vector_load %arg7[%get3A_1186, %get3A_1187, %get3A_1188] {strides = array<i32>} : memref<4x800x16xf32, #tpu.memory_space<vmem>>, vector<1x1x16xf32>,
        %get3A_1190 = vector.shape_cast %get3A_1189 : vector<1x1x16xf32> to vector<16xf32>
        %mul3A_1191 = arith.constant 2 : i32
        %mul3A_1192 = arith.muli %scan3A_149, %mul3A_1191 : i32
        %mul3A_1193 = arith.constant 50 : i32
        %mul3A_1194 = arith.muli %mul3A_1192, %mul3A_1193 : i32
        %add3A_1195 = arith.constant 50 : i32
        %add3A_1196 = arith.addi %mul3A_1194, %add3A_1195 : i32
        %add3A_1197 = arith.constant 20 : i32
        %add3A_1198 = arith.addi %add3A_1196, %add3A_1197 : i32
        %get3A_1199 = arith.constant 2 : i32
        %get3A_1200 = arith.index_cast %get3A_1199 : i32 to index
        %get3A_1201 = arith.index_cast %add3A_1198 : i32 to index
        %get3A_1202 = arith.constant 0 : index
        %get3A_1203 = tpu.vector_load %arg7[%get3A_1200, %get3A_1201, %get3A_1202] {strides = array<i32>} : memref<4x800x16xf32, #tpu.memory_space<vmem>>, vector<1x1x16xf32>,
        %get3A_1204 = vector.shape_cast %get3A_1203 : vector<1x1x16xf32> to vector<16xf32>
        %mul3A_1205 = arith.constant 2 : i32
        %mul3A_1206 = arith.muli %scan3A_149, %mul3A_1205 : i32
        %mul3A_1207 = arith.constant 50 : i32
        %mul3A_1208 = arith.muli %mul3A_1206, %mul3A_1207 : i32
        %add3A_1209 = arith.constant 50 : i32
        %add3A_1210 = arith.addi %mul3A_1208, %add3A_1209 : i32
        %add3A_1211 = arith.constant 21 : i32
        %add3A_1212 = arith.addi %add3A_1210, %add3A_1211 : i32
        %get3A_1213 = arith.constant 2 : i32
        %get3A_1214 = arith.index_cast %get3A_1213 : i32 to index
        %get3A_1215 = arith.index_cast %add3A_1212 : i32 to index
        %get3A_1216 = arith.constant 0 : index
        %get3A_1217 = tpu.vector_load %arg7[%get3A_1214, %get3A_1215, %get3A_1216] {strides = array<i32>} : memref<4x800x16xf32, #tpu.memory_space<vmem>>, vector<1x1x16xf32>,
        %get3A_1218 = vector.shape_cast %get3A_1217 : vector<1x1x16xf32> to vector<16xf32>
        %mul3A_1219 = arith.constant 2 : i32
        %mul3A_1220 = arith.muli %scan3A_149, %mul3A_1219 : i32
        %mul3A_1221 = arith.constant 50 : i32
        %mul3A_1222 = arith.muli %mul3A_1220, %mul3A_1221 : i32
        %add3A_1223 = arith.constant 50 : i32
        %add3A_1224 = arith.addi %mul3A_1222, %add3A_1223 : i32
        %add3A_1225 = arith.constant 22 : i32
        %add3A_1226 = arith.addi %add3A_1224, %add3A_1225 : i32
        %get3A_1227 = arith.constant 2 : i32
        %get3A_1228 = arith.index_cast %get3A_1227 : i32 to index
        %get3A_1229 = arith.index_cast %add3A_1226 : i32 to index
        %get3A_1230 = arith.constant 0 : index
        %get3A_1231 = tpu.vector_load %arg7[%get3A_1228, %get3A_1229, %get3A_1230] {strides = array<i32>} : memref<4x800x16xf32, #tpu.memory_space<vmem>>, vector<1x1x16xf32>,
        %get3A_1232 = vector.shape_cast %get3A_1231 : vector<1x1x16xf32> to vector<16xf32>
        %mul3A_1233 = arith.constant 2 : i32
        %mul3A_1234 = arith.muli %scan3A_149, %mul3A_1233 : i32
        %mul3A_1235 = arith.constant 50 : i32
        %mul3A_1236 = arith.muli %mul3A_1234, %mul3A_1235 : i32
        %add3A_1237 = arith.constant 50 : i32
        %add3A_1238 = arith.addi %mul3A_1236, %add3A_1237 : i32
        %add3A_1239 = arith.constant 23 : i32
        %add3A_1240 = arith.addi %add3A_1238, %add3A_1239 : i32
        %get3A_1241 = arith.constant 2 : i32
        %get3A_1242 = arith.index_cast %get3A_1241 : i32 to index
        %get3A_1243 = arith.index_cast %add3A_1240 : i32 to index
        %get3A_1244 = arith.constant 0 : index
        %get3A_1245 = tpu.vector_load %arg7[%get3A_1242, %get3A_1243, %get3A_1244] {strides = array<i32>} : memref<4x800x16xf32, #tpu.memory_space<vmem>>, vector<1x1x16xf32>,
        %get3A_1246 = vector.shape_cast %get3A_1245 : vector<1x1x16xf32> to vector<16xf32>
        %mul3A_1247 = arith.constant 2 : i32
        %mul3A_1248 = arith.muli %scan3A_149, %mul3A_1247 : i32
        %mul3A_1249 = arith.constant 50 : i32
        %mul3A_1250 = arith.muli %mul3A_1248, %mul3A_1249 : i32
        %add3A_1251 = arith.constant 50 : i32
        %add3A_1252 = arith.addi %mul3A_1250, %add3A_1251 : i32
        %add3A_1253 = arith.constant 24 : i32
        %add3A_1254 = arith.addi %add3A_1252, %add3A_1253 : i32
        %get3A_1255 = arith.constant 2 : i32
        %get3A_1256 = arith.index_cast %get3A_1255 : i32 to index
        %get3A_1257 = arith.index_cast %add3A_1254 : i32 to index
        %get3A_1258 = arith.constant 0 : index
        %get3A_1259 = tpu.vector_load %arg7[%get3A_1256, %get3A_1257, %get3A_1258] {strides = array<i32>} : memref<4x800x16xf32, #tpu.memory_space<vmem>>, vector<1x1x16xf32>,
        %get3A_1260 = vector.shape_cast %get3A_1259 : vector<1x1x16xf32> to vector<16xf32>
        %mul3A_1261 = arith.constant 2 : i32
        %mul3A_1262 = arith.muli %scan3A_149, %mul3A_1261 : i32
        %mul3A_1263 = arith.constant 50 : i32
        %mul3A_1264 = arith.muli %mul3A_1262, %mul3A_1263 : i32
        %add3A_1265 = arith.constant 50 : i32
        %add3A_1266 = arith.addi %mul3A_1264, %add3A_1265 : i32
        %add3A_1267 = arith.constant 25 : i32
        %add3A_1268 = arith.addi %add3A_1266, %add3A_1267 : i32
        %get3A_1269 = arith.constant 2 : i32
        %get3A_1270 = arith.index_cast %get3A_1269 : i32 to index
        %get3A_1271 = arith.index_cast %add3A_1268 : i32 to index
        %get3A_1272 = arith.constant 0 : index
        %get3A_1273 = tpu.vector_load %arg7[%get3A_1270, %get3A_1271, %get3A_1272] {strides = array<i32>} : memref<4x800x16xf32, #tpu.memory_space<vmem>>, vector<1x1x16xf32>,
        %get3A_1274 = vector.shape_cast %get3A_1273 : vector<1x1x16xf32> to vector<16xf32>
        %mul3A_1275 = arith.constant 2 : i32
        %mul3A_1276 = arith.muli %scan3A_149, %mul3A_1275 : i32
        %mul3A_1277 = arith.constant 50 : i32
        %mul3A_1278 = arith.muli %mul3A_1276, %mul3A_1277 : i32
        %add3A_1279 = arith.constant 50 : i32
        %add3A_1280 = arith.addi %mul3A_1278, %add3A_1279 : i32
        %add3A_1281 = arith.constant 26 : i32
        %add3A_1282 = arith.addi %add3A_1280, %add3A_1281 : i32
        %get3A_1283 = arith.constant 2 : i32
        %get3A_1284 = arith.index_cast %get3A_1283 : i32 to index
        %get3A_1285 = arith.index_cast %add3A_1282 : i32 to index
        %get3A_1286 = arith.constant 0 : index
        %get3A_1287 = tpu.vector_load %arg7[%get3A_1284, %get3A_1285, %get3A_1286] {strides = array<i32>} : memref<4x800x16xf32, #tpu.memory_space<vmem>>, vector<1x1x16xf32>,
        %get3A_1288 = vector.shape_cast %get3A_1287 : vector<1x1x16xf32> to vector<16xf32>
        %mul3A_1289 = arith.constant 2 : i32
        %mul3A_1290 = arith.muli %scan3A_149, %mul3A_1289 : i32
        %mul3A_1291 = arith.constant 50 : i32
        %mul3A_1292 = arith.muli %mul3A_1290, %mul3A_1291 : i32
        %add3A_1293 = arith.constant 50 : i32
        %add3A_1294 = arith.addi %mul3A_1292, %add3A_1293 : i32
        %add3A_1295 = arith.constant 27 : i32
        %add3A_1296 = arith.addi %add3A_1294, %add3A_1295 : i32
        %get3A_1297 = arith.constant 2 : i32
        %get3A_1298 = arith.index_cast %get3A_1297 : i32 to index
        %get3A_1299 = arith.index_cast %add3A_1296 : i32 to index
        %get3A_1300 = arith.constant 0 : index
        %get3A_1301 = tpu.vector_load %arg7[%get3A_1298, %get3A_1299, %get3A_1300] {strides = array<i32>} : memref<4x800x16xf32, #tpu.memory_space<vmem>>, vector<1x1x16xf32>,
        %get3A_1302 = vector.shape_cast %get3A_1301 : vector<1x1x16xf32> to vector<16xf32>
        %mul3A_1303 = arith.constant 2 : i32
        %mul3A_1304 = arith.muli %scan3A_149, %mul3A_1303 : i32
        %mul3A_1305 = arith.constant 50 : i32
        %mul3A_1306 = arith.muli %mul3A_1304, %mul3A_1305 : i32
        %add3A_1307 = arith.constant 50 : i32
        %add3A_1308 = arith.addi %mul3A_1306, %add3A_1307 : i32
        %add3A_1309 = arith.constant 28 : i32
        %add3A_1310 = arith.addi %add3A_1308, %add3A_1309 : i32
        %get3A_1311 = arith.constant 2 : i32
        %get3A_1312 = arith.index_cast %get3A_1311 : i32 to index
        %get3A_1313 = arith.index_cast %add3A_1310 : i32 to index
        %get3A_1314 = arith.constant 0 : index
        %get3A_1315 = tpu.vector_load %arg7[%get3A_1312, %get3A_1313, %get3A_1314] {strides = array<i32>} : memref<4x800x16xf32, #tpu.memory_space<vmem>>, vector<1x1x16xf32>,
        %get3A_1316 = vector.shape_cast %get3A_1315 : vector<1x1x16xf32> to vector<16xf32>
        %mul3A_1317 = arith.constant 2 : i32
        %mul3A_1318 = arith.muli %scan3A_149, %mul3A_1317 : i32
        %mul3A_1319 = arith.constant 50 : i32
        %mul3A_1320 = arith.muli %mul3A_1318, %mul3A_1319 : i32
        %add3A_1321 = arith.constant 50 : i32
        %add3A_1322 = arith.addi %mul3A_1320, %add3A_1321 : i32
        %add3A_1323 = arith.constant 29 : i32
        %add3A_1324 = arith.addi %add3A_1322, %add3A_1323 : i32
        %get3A_1325 = arith.constant 2 : i32
        %get3A_1326 = arith.index_cast %get3A_1325 : i32 to index
        %get3A_1327 = arith.index_cast %add3A_1324 : i32 to index
        %get3A_1328 = arith.constant 0 : index
        %get3A_1329 = tpu.vector_load %arg7[%get3A_1326, %get3A_1327, %get3A_1328] {strides = array<i32>} : memref<4x800x16xf32, #tpu.memory_space<vmem>>, vector<1x1x16xf32>,
        %get3A_1330 = vector.shape_cast %get3A_1329 : vector<1x1x16xf32> to vector<16xf32>
        %mul3A_1331 = arith.constant 2 : i32
        %mul3A_1332 = arith.muli %scan3A_149, %mul3A_1331 : i32
        %mul3A_1333 = arith.constant 50 : i32
        %mul3A_1334 = arith.muli %mul3A_1332, %mul3A_1333 : i32
        %add3A_1335 = arith.constant 50 : i32
        %add3A_1336 = arith.addi %mul3A_1334, %add3A_1335 : i32
        %add3A_1337 = arith.constant 30 : i32
        %add3A_1338 = arith.addi %add3A_1336, %add3A_1337 : i32
        %get3A_1339 = arith.constant 2 : i32
        %get3A_1340 = arith.index_cast %get3A_1339 : i32 to index
        %get3A_1341 = arith.index_cast %add3A_1338 : i32 to index
        %get3A_1342 = arith.constant 0 : index
        %get3A_1343 = tpu.vector_load %arg7[%get3A_1340, %get3A_1341, %get3A_1342] {strides = array<i32>} : memref<4x800x16xf32, #tpu.memory_space<vmem>>, vector<1x1x16xf32>,
        %get3A_1344 = vector.shape_cast %get3A_1343 : vector<1x1x16xf32> to vector<16xf32>
        %mul3A_1345 = arith.constant 2 : i32
        %mul3A_1346 = arith.muli %scan3A_149, %mul3A_1345 : i32
        %mul3A_1347 = arith.constant 50 : i32
        %mul3A_1348 = arith.muli %mul3A_1346, %mul3A_1347 : i32
        %add3A_1349 = arith.constant 50 : i32
        %add3A_1350 = arith.addi %mul3A_1348, %add3A_1349 : i32
        %add3A_1351 = arith.constant 31 : i32
        %add3A_1352 = arith.addi %add3A_1350, %add3A_1351 : i32
        %get3A_1353 = arith.constant 2 : i32
        %get3A_1354 = arith.index_cast %get3A_1353 : i32 to index
        %get3A_1355 = arith.index_cast %add3A_1352 : i32 to index
        %get3A_1356 = arith.constant 0 : index
        %get3A_1357 = tpu.vector_load %arg7[%get3A_1354, %get3A_1355, %get3A_1356] {strides = array<i32>} : memref<4x800x16xf32, #tpu.memory_space<vmem>>, vector<1x1x16xf32>,
        %get3A_1358 = vector.shape_cast %get3A_1357 : vector<1x1x16xf32> to vector<16xf32>
        %mul3A_1359 = arith.constant 2 : i32
        %mul3A_1360 = arith.muli %scan3A_149, %mul3A_1359 : i32
        %mul3A_1361 = arith.constant 50 : i32
        %mul3A_1362 = arith.muli %mul3A_1360, %mul3A_1361 : i32
        %add3A_1363 = arith.constant 50 : i32
        %add3A_1364 = arith.addi %mul3A_1362, %add3A_1363 : i32
        %add3A_1365 = arith.constant 32 : i32
        %add3A_1366 = arith.addi %add3A_1364, %add3A_1365 : i32
        %get3A_1367 = arith.constant 2 : i32
        %get3A_1368 = arith.index_cast %get3A_1367 : i32 to index
        %get3A_1369 = arith.index_cast %add3A_1366 : i32 to index
        %get3A_1370 = arith.constant 0 : index
        %get3A_1371 = tpu.vector_load %arg7[%get3A_1368, %get3A_1369, %get3A_1370] {strides = array<i32>} : memref<4x800x16xf32, #tpu.memory_space<vmem>>, vector<1x1x16xf32>,
        %get3A_1372 = vector.shape_cast %get3A_1371 : vector<1x1x16xf32> to vector<16xf32>
        %mul3A_1373 = arith.constant 2 : i32
        %mul3A_1374 = arith.muli %scan3A_149, %mul3A_1373 : i32
        %mul3A_1375 = arith.constant 50 : i32
        %mul3A_1376 = arith.muli %mul3A_1374, %mul3A_1375 : i32
        %add3A_1377 = arith.constant 50 : i32
        %add3A_1378 = arith.addi %mul3A_1376, %add3A_1377 : i32
        %add3A_1379 = arith.constant 33 : i32
        %add3A_1380 = arith.addi %add3A_1378, %add3A_1379 : i32
        %get3A_1381 = arith.constant 2 : i32
        %get3A_1382 = arith.index_cast %get3A_1381 : i32 to index
        %get3A_1383 = arith.index_cast %add3A_1380 : i32 to index
        %get3A_1384 = arith.constant 0 : index
        %get3A_1385 = tpu.vector_load %arg7[%get3A_1382, %get3A_1383, %get3A_1384] {strides = array<i32>} : memref<4x800x16xf32, #tpu.memory_space<vmem>>, vector<1x1x16xf32>,
        %get3A_1386 = vector.shape_cast %get3A_1385 : vector<1x1x16xf32> to vector<16xf32>
        %mul3A_1387 = arith.constant 2 : i32
        %mul3A_1388 = arith.muli %scan3A_149, %mul3A_1387 : i32
        %mul3A_1389 = arith.constant 50 : i32
        %mul3A_1390 = arith.muli %mul3A_1388, %mul3A_1389 : i32
        %add3A_1391 = arith.constant 50 : i32
        %add3A_1392 = arith.addi %mul3A_1390, %add3A_1391 : i32
        %add3A_1393 = arith.constant 34 : i32
        %add3A_1394 = arith.addi %add3A_1392, %add3A_1393 : i32
        %get3A_1395 = arith.constant 2 : i32
        %get3A_1396 = arith.index_cast %get3A_1395 : i32 to index
        %get3A_1397 = arith.index_cast %add3A_1394 : i32 to index
        %get3A_1398 = arith.constant 0 : index
        %get3A_1399 = tpu.vector_load %arg7[%get3A_1396, %get3A_1397, %get3A_1398] {strides = array<i32>} : memref<4x800x16xf32, #tpu.memory_space<vmem>>, vector<1x1x16xf32>,
        %get3A_1400 = vector.shape_cast %get3A_1399 : vector<1x1x16xf32> to vector<16xf32>
        %mul3A_1401 = arith.constant 2 : i32
        %mul3A_1402 = arith.muli %scan3A_149, %mul3A_1401 : i32
        %mul3A_1403 = arith.constant 50 : i32
        %mul3A_1404 = arith.muli %mul3A_1402, %mul3A_1403 : i32
        %add3A_1405 = arith.constant 50 : i32
        %add3A_1406 = arith.addi %mul3A_1404, %add3A_1405 : i32
        %add3A_1407 = arith.constant 35 : i32
        %add3A_1408 = arith.addi %add3A_1406, %add3A_1407 : i32
        %get3A_1409 = arith.constant 2 : i32
        %get3A_1410 = arith.index_cast %get3A_1409 : i32 to index
        %get3A_1411 = arith.index_cast %add3A_1408 : i32 to index
        %get3A_1412 = arith.constant 0 : index
        %get3A_1413 = tpu.vector_load %arg7[%get3A_1410, %get3A_1411, %get3A_1412] {strides = array<i32>} : memref<4x800x16xf32, #tpu.memory_space<vmem>>, vector<1x1x16xf32>,
        %get3A_1414 = vector.shape_cast %get3A_1413 : vector<1x1x16xf32> to vector<16xf32>
        %mul3A_1415 = arith.constant 2 : i32
        %mul3A_1416 = arith.muli %scan3A_149, %mul3A_1415 : i32
        %mul3A_1417 = arith.constant 50 : i32
        %mul3A_1418 = arith.muli %mul3A_1416, %mul3A_1417 : i32
        %add3A_1419 = arith.constant 50 : i32
        %add3A_1420 = arith.addi %mul3A_1418, %add3A_1419 : i32
        %add3A_1421 = arith.constant 36 : i32
        %add3A_1422 = arith.addi %add3A_1420, %add3A_1421 : i32
        %get3A_1423 = arith.constant 2 : i32
        %get3A_1424 = arith.index_cast %get3A_1423 : i32 to index
        %get3A_1425 = arith.index_cast %add3A_1422 : i32 to index
        %get3A_1426 = arith.constant 0 : index
        %get3A_1427 = tpu.vector_load %arg7[%get3A_1424, %get3A_1425, %get3A_1426] {strides = array<i32>} : memref<4x800x16xf32, #tpu.memory_space<vmem>>, vector<1x1x16xf32>,
        %get3A_1428 = vector.shape_cast %get3A_1427 : vector<1x1x16xf32> to vector<16xf32>
        %mul3A_1429 = arith.constant 2 : i32
        %mul3A_1430 = arith.muli %scan3A_149, %mul3A_1429 : i32
        %mul3A_1431 = arith.constant 50 : i32
        %mul3A_1432 = arith.muli %mul3A_1430, %mul3A_1431 : i32
        %add3A_1433 = arith.constant 50 : i32
        %add3A_1434 = arith.addi %mul3A_1432, %add3A_1433 : i32
        %add3A_1435 = arith.constant 37 : i32
        %add3A_1436 = arith.addi %add3A_1434, %add3A_1435 : i32
        %get3A_1437 = arith.constant 2 : i32
        %get3A_1438 = arith.index_cast %get3A_1437 : i32 to index
        %get3A_1439 = arith.index_cast %add3A_1436 : i32 to index
        %get3A_1440 = arith.constant 0 : index
        %get3A_1441 = tpu.vector_load %arg7[%get3A_1438, %get3A_1439, %get3A_1440] {strides = array<i32>} : memref<4x800x16xf32, #tpu.memory_space<vmem>>, vector<1x1x16xf32>,
        %get3A_1442 = vector.shape_cast %get3A_1441 : vector<1x1x16xf32> to vector<16xf32>
        %mul3A_1443 = arith.constant 2 : i32
        %mul3A_1444 = arith.muli %scan3A_149, %mul3A_1443 : i32
        %mul3A_1445 = arith.constant 50 : i32
        %mul3A_1446 = arith.muli %mul3A_1444, %mul3A_1445 : i32
        %add3A_1447 = arith.constant 50 : i32
        %add3A_1448 = arith.addi %mul3A_1446, %add3A_1447 : i32
        %add3A_1449 = arith.constant 38 : i32
        %add3A_1450 = arith.addi %add3A_1448, %add3A_1449 : i32
        %get3A_1451 = arith.constant 2 : i32
        %get3A_1452 = arith.index_cast %get3A_1451 : i32 to index
        %get3A_1453 = arith.index_cast %add3A_1450 : i32 to index
        %get3A_1454 = arith.constant 0 : index
        %get3A_1455 = tpu.vector_load %arg7[%get3A_1452, %get3A_1453, %get3A_1454] {strides = array<i32>} : memref<4x800x16xf32, #tpu.memory_space<vmem>>, vector<1x1x16xf32>,
        %get3A_1456 = vector.shape_cast %get3A_1455 : vector<1x1x16xf32> to vector<16xf32>
        %mul3A_1457 = arith.constant 2 : i32
        %mul3A_1458 = arith.muli %scan3A_149, %mul3A_1457 : i32
        %mul3A_1459 = arith.constant 50 : i32
        %mul3A_1460 = arith.muli %mul3A_1458, %mul3A_1459 : i32
        %add3A_1461 = arith.constant 50 : i32
        %add3A_1462 = arith.addi %mul3A_1460, %add3A_1461 : i32
        %add3A_1463 = arith.constant 39 : i32
        %add3A_1464 = arith.addi %add3A_1462, %add3A_1463 : i32
        %get3A_1465 = arith.constant 2 : i32
        %get3A_1466 = arith.index_cast %get3A_1465 : i32 to index
        %get3A_1467 = arith.index_cast %add3A_1464 : i32 to index
        %get3A_1468 = arith.constant 0 : index
        %get3A_1469 = tpu.vector_load %arg7[%get3A_1466, %get3A_1467, %get3A_1468] {strides = array<i32>} : memref<4x800x16xf32, #tpu.memory_space<vmem>>, vector<1x1x16xf32>,
        %get3A_1470 = vector.shape_cast %get3A_1469 : vector<1x1x16xf32> to vector<16xf32>
        %mul3A_1471 = arith.constant 2 : i32
        %mul3A_1472 = arith.muli %scan3A_149, %mul3A_1471 : i32
        %mul3A_1473 = arith.constant 50 : i32
        %mul3A_1474 = arith.muli %mul3A_1472, %mul3A_1473 : i32
        %add3A_1475 = arith.constant 50 : i32
        %add3A_1476 = arith.addi %mul3A_1474, %add3A_1475 : i32
        %add3A_1477 = arith.constant 40 : i32
        %add3A_1478 = arith.addi %add3A_1476, %add3A_1477 : i32
        %get3A_1479 = arith.constant 2 : i32
        %get3A_1480 = arith.index_cast %get3A_1479 : i32 to index
        %get3A_1481 = arith.index_cast %add3A_1478 : i32 to index
        %get3A_1482 = arith.constant 0 : index
        %get3A_1483 = tpu.vector_load %arg7[%get3A_1480, %get3A_1481, %get3A_1482] {strides = array<i32>} : memref<4x800x16xf32, #tpu.memory_space<vmem>>, vector<1x1x16xf32>,
        %get3A_1484 = vector.shape_cast %get3A_1483 : vector<1x1x16xf32> to vector<16xf32>
        %mul3A_1485 = arith.constant 2 : i32
        %mul3A_1486 = arith.muli %scan3A_149, %mul3A_1485 : i32
        %mul3A_1487 = arith.constant 50 : i32
        %mul3A_1488 = arith.muli %mul3A_1486, %mul3A_1487 : i32
        %add3A_1489 = arith.constant 50 : i32
        %add3A_1490 = arith.addi %mul3A_1488, %add3A_1489 : i32
        %add3A_1491 = arith.constant 41 : i32
        %add3A_1492 = arith.addi %add3A_1490, %add3A_1491 : i32
        %get3A_1493 = arith.constant 2 : i32
        %get3A_1494 = arith.index_cast %get3A_1493 : i32 to index
        %get3A_1495 = arith.index_cast %add3A_1492 : i32 to index
        %get3A_1496 = arith.constant 0 : index
        %get3A_1497 = tpu.vector_load %arg7[%get3A_1494, %get3A_1495, %get3A_1496] {strides = array<i32>} : memref<4x800x16xf32, #tpu.memory_space<vmem>>, vector<1x1x16xf32>,
        %get3A_1498 = vector.shape_cast %get3A_1497 : vector<1x1x16xf32> to vector<16xf32>
        %mul3A_1499 = arith.constant 2 : i32
        %mul3A_1500 = arith.muli %scan3A_149, %mul3A_1499 : i32
        %mul3A_1501 = arith.constant 50 : i32
        %mul3A_1502 = arith.muli %mul3A_1500, %mul3A_1501 : i32
        %add3A_1503 = arith.constant 50 : i32
        %add3A_1504 = arith.addi %mul3A_1502, %add3A_1503 : i32
        %add3A_1505 = arith.constant 42 : i32
        %add3A_1506 = arith.addi %add3A_1504, %add3A_1505 : i32
        %get3A_1507 = arith.constant 2 : i32
        %get3A_1508 = arith.index_cast %get3A_1507 : i32 to index
        %get3A_1509 = arith.index_cast %add3A_1506 : i32 to index
        %get3A_1510 = arith.constant 0 : index
        %get3A_1511 = tpu.vector_load %arg7[%get3A_1508, %get3A_1509, %get3A_1510] {strides = array<i32>} : memref<4x800x16xf32, #tpu.memory_space<vmem>>, vector<1x1x16xf32>,
        %get3A_1512 = vector.shape_cast %get3A_1511 : vector<1x1x16xf32> to vector<16xf32>
        %mul3A_1513 = arith.constant 2 : i32
        %mul3A_1514 = arith.muli %scan3A_149, %mul3A_1513 : i32
        %mul3A_1515 = arith.constant 50 : i32
        %mul3A_1516 = arith.muli %mul3A_1514, %mul3A_1515 : i32
        %add3A_1517 = arith.constant 50 : i32
        %add3A_1518 = arith.addi %mul3A_1516, %add3A_1517 : i32
        %add3A_1519 = arith.constant 43 : i32
        %add3A_1520 = arith.addi %add3A_1518, %add3A_1519 : i32
        %get3A_1521 = arith.constant 2 : i32
        %get3A_1522 = arith.index_cast %get3A_1521 : i32 to index
        %get3A_1523 = arith.index_cast %add3A_1520 : i32 to index
        %get3A_1524 = arith.constant 0 : index
        %get3A_1525 = tpu.vector_load %arg7[%get3A_1522, %get3A_1523, %get3A_1524] {strides = array<i32>} : memref<4x800x16xf32, #tpu.memory_space<vmem>>, vector<1x1x16xf32>,
        %get3A_1526 = vector.shape_cast %get3A_1525 : vector<1x1x16xf32> to vector<16xf32>
        %mul3A_1527 = arith.constant 2 : i32
        %mul3A_1528 = arith.muli %scan3A_149, %mul3A_1527 : i32
        %mul3A_1529 = arith.constant 50 : i32
        %mul3A_1530 = arith.muli %mul3A_1528, %mul3A_1529 : i32
        %add3A_1531 = arith.constant 50 : i32
        %add3A_1532 = arith.addi %mul3A_1530, %add3A_1531 : i32
        %add3A_1533 = arith.constant 44 : i32
        %add3A_1534 = arith.addi %add3A_1532, %add3A_1533 : i32
        %get3A_1535 = arith.constant 2 : i32
        %get3A_1536 = arith.index_cast %get3A_1535 : i32 to index
        %get3A_1537 = arith.index_cast %add3A_1534 : i32 to index
        %get3A_1538 = arith.constant 0 : index
        %get3A_1539 = tpu.vector_load %arg7[%get3A_1536, %get3A_1537, %get3A_1538] {strides = array<i32>} : memref<4x800x16xf32, #tpu.memory_space<vmem>>, vector<1x1x16xf32>,
        %get3A_1540 = vector.shape_cast %get3A_1539 : vector<1x1x16xf32> to vector<16xf32>
        %mul3A_1541 = arith.constant 2 : i32
        %mul3A_1542 = arith.muli %scan3A_149, %mul3A_1541 : i32
        %mul3A_1543 = arith.constant 50 : i32
        %mul3A_1544 = arith.muli %mul3A_1542, %mul3A_1543 : i32
        %add3A_1545 = arith.constant 50 : i32
        %add3A_1546 = arith.addi %mul3A_1544, %add3A_1545 : i32
        %add3A_1547 = arith.constant 45 : i32
        %add3A_1548 = arith.addi %add3A_1546, %add3A_1547 : i32
        %get3A_1549 = arith.constant 2 : i32
        %get3A_1550 = arith.index_cast %get3A_1549 : i32 to index
        %get3A_1551 = arith.index_cast %add3A_1548 : i32 to index
        %get3A_1552 = arith.constant 0 : index
        %get3A_1553 = tpu.vector_load %arg7[%get3A_1550, %get3A_1551, %get3A_1552] {strides = array<i32>} : memref<4x800x16xf32, #tpu.memory_space<vmem>>, vector<1x1x16xf32>,
        %get3A_1554 = vector.shape_cast %get3A_1553 : vector<1x1x16xf32> to vector<16xf32>
        %mul3A_1555 = arith.constant 2 : i32
        %mul3A_1556 = arith.muli %scan3A_149, %mul3A_1555 : i32
        %mul3A_1557 = arith.constant 50 : i32
        %mul3A_1558 = arith.muli %mul3A_1556, %mul3A_1557 : i32
        %add3A_1559 = arith.constant 50 : i32
        %add3A_1560 = arith.addi %mul3A_1558, %add3A_1559 : i32
        %add3A_1561 = arith.constant 46 : i32
        %add3A_1562 = arith.addi %add3A_1560, %add3A_1561 : i32
        %get3A_1563 = arith.constant 2 : i32
        %get3A_1564 = arith.index_cast %get3A_1563 : i32 to index
        %get3A_1565 = arith.index_cast %add3A_1562 : i32 to index
        %get3A_1566 = arith.constant 0 : index
        %get3A_1567 = tpu.vector_load %arg7[%get3A_1564, %get3A_1565, %get3A_1566] {strides = array<i32>} : memref<4x800x16xf32, #tpu.memory_space<vmem>>, vector<1x1x16xf32>,
        %get3A_1568 = vector.shape_cast %get3A_1567 : vector<1x1x16xf32> to vector<16xf32>
        %mul3A_1569 = arith.constant 2 : i32
        %mul3A_1570 = arith.muli %scan3A_149, %mul3A_1569 : i32
        %mul3A_1571 = arith.constant 50 : i32
        %mul3A_1572 = arith.muli %mul3A_1570, %mul3A_1571 : i32
        %add3A_1573 = arith.constant 50 : i32
        %add3A_1574 = arith.addi %mul3A_1572, %add3A_1573 : i32
        %add3A_1575 = arith.constant 47 : i32
        %add3A_1576 = arith.addi %add3A_1574, %add3A_1575 : i32
        %get3A_1577 = arith.constant 2 : i32
        %get3A_1578 = arith.index_cast %get3A_1577 : i32 to index
        %get3A_1579 = arith.index_cast %add3A_1576 : i32 to index
        %get3A_1580 = arith.constant 0 : index
        %get3A_1581 = tpu.vector_load %arg7[%get3A_1578, %get3A_1579, %get3A_1580] {strides = array<i32>} : memref<4x800x16xf32, #tpu.memory_space<vmem>>, vector<1x1x16xf32>,
        %get3A_1582 = vector.shape_cast %get3A_1581 : vector<1x1x16xf32> to vector<16xf32>
        %mul3A_1583 = arith.constant 2 : i32
        %mul3A_1584 = arith.muli %scan3A_149, %mul3A_1583 : i32
        %mul3A_1585 = arith.constant 50 : i32
        %mul3A_1586 = arith.muli %mul3A_1584, %mul3A_1585 : i32
        %add3A_1587 = arith.constant 50 : i32
        %add3A_1588 = arith.addi %mul3A_1586, %add3A_1587 : i32
        %add3A_1589 = arith.constant 48 : i32
        %add3A_1590 = arith.addi %add3A_1588, %add3A_1589 : i32
        %get3A_1591 = arith.constant 2 : i32
        %get3A_1592 = arith.index_cast %get3A_1591 : i32 to index
        %get3A_1593 = arith.index_cast %add3A_1590 : i32 to index
        %get3A_1594 = arith.constant 0 : index
        %get3A_1595 = tpu.vector_load %arg7[%get3A_1592, %get3A_1593, %get3A_1594] {strides = array<i32>} : memref<4x800x16xf32, #tpu.memory_space<vmem>>, vector<1x1x16xf32>,
        %get3A_1596 = vector.shape_cast %get3A_1595 : vector<1x1x16xf32> to vector<16xf32>
        %mul3A_1597 = arith.constant 2 : i32
        %mul3A_1598 = arith.muli %scan3A_149, %mul3A_1597 : i32
        %mul3A_1599 = arith.constant 50 : i32
        %mul3A_1600 = arith.muli %mul3A_1598, %mul3A_1599 : i32
        %add3A_1601 = arith.constant 50 : i32
        %add3A_1602 = arith.addi %mul3A_1600, %add3A_1601 : i32
        %add3A_1603 = arith.constant 49 : i32
        %add3A_1604 = arith.addi %add3A_1602, %add3A_1603 : i32
        %get3A_1605 = arith.constant 2 : i32
        %get3A_1606 = arith.index_cast %get3A_1605 : i32 to index
        %get3A_1607 = arith.index_cast %add3A_1604 : i32 to index
        %get3A_1608 = arith.constant 0 : index
        %get3A_1609 = tpu.vector_load %arg7[%get3A_1606, %get3A_1607, %get3A_1608] {strides = array<i32>} : memref<4x800x16xf32, #tpu.memory_space<vmem>>, vector<1x1x16xf32>,
        %get3A_1610 = vector.shape_cast %get3A_1609 : vector<1x1x16xf32> to vector<16xf32>
        %add3A_1611 = arith.addf %get3A_924, %get3A_938 : vector<16xf32>
        %add3A_1612 = arith.addf %get3A_952, %get3A_966 : vector<16xf32>
        %add3A_1613 = arith.addf %get3A_980, %get3A_994 : vector<16xf32>
        %add3A_1614 = arith.addf %get3A_1008, %get3A_1022 : vector<16xf32>
        %add3A_1615 = arith.addf %get3A_1036, %get3A_1050 : vector<16xf32>
        %add3A_1616 = arith.addf %get3A_1064, %get3A_1078 : vector<16xf32>
        %add3A_1617 = arith.addf %get3A_1092, %get3A_1106 : vector<16xf32>
        %add3A_1618 = arith.addf %get3A_1120, %get3A_1134 : vector<16xf32>
        %add3A_1619 = arith.addf %get3A_1148, %get3A_1162 : vector<16xf32>
        %add3A_1620 = arith.addf %get3A_1176, %get3A_1190 : vector<16xf32>
        %add3A_1621 = arith.addf %get3A_1204, %get3A_1218 : vector<16xf32>
        %add3A_1622 = arith.addf %get3A_1232, %get3A_1246 : vector<16xf32>
        %add3A_1623 = arith.addf %get3A_1260, %get3A_1274 : vector<16xf32>
        %add3A_1624 = arith.addf %get3A_1288, %get3A_1302 : vector<16xf32>
        %add3A_1625 = arith.addf %get3A_1316, %get3A_1330 : vector<16xf32>
        %add3A_1626 = arith.addf %get3A_1344, %get3A_1358 : vector<16xf32>
        %add3A_1627 = arith.addf %get3A_1372, %get3A_1386 : vector<16xf32>
        %add3A_1628 = arith.addf %get3A_1400, %get3A_1414 : vector<16xf32>
        %add3A_1629 = arith.addf %get3A_1428, %get3A_1442 : vector<16xf32>
        %add3A_1630 = arith.addf %get3A_1456, %get3A_1470 : vector<16xf32>
        %add3A_1631 = arith.addf %get3A_1484, %get3A_1498 : vector<16xf32>
        %add3A_1632 = arith.addf %get3A_1512, %get3A_1526 : vector<16xf32>
        %add3A_1633 = arith.addf %get3A_1540, %get3A_1554 : vector<16xf32>
        %add3A_1634 = arith.addf %get3A_1568, %get3A_1582 : vector<16xf32>
        %add3A_1635 = arith.addf %get3A_1596, %get3A_1610 : vector<16xf32>
        %add3A_1636 = arith.addf %add3A_1611, %add3A_1612 : vector<16xf32>
        %add3A_1637 = arith.addf %add3A_1613, %add3A_1614 : vector<16xf32>
        %add3A_1638 = arith.addf %add3A_1615, %add3A_1616 : vector<16xf32>
        %add3A_1639 = arith.addf %add3A_1617, %add3A_1618 : vector<16xf32>
        %add3A_1640 = arith.addf %add3A_1619, %add3A_1620 : vector<16xf32>
        %add3A_1641 = arith.addf %add3A_1621, %add3A_1622 : vector<16xf32>
        %add3A_1642 = arith.addf %add3A_1623, %add3A_1624 : vector<16xf32>
        %add3A_1643 = arith.addf %add3A_1625, %add3A_1626 : vector<16xf32>
        %add3A_1644 = arith.addf %add3A_1627, %add3A_1628 : vector<16xf32>
        %add3A_1645 = arith.addf %add3A_1629, %add3A_1630 : vector<16xf32>
        %add3A_1646 = arith.addf %add3A_1631, %add3A_1632 : vector<16xf32>
        %add3A_1647 = arith.addf %add3A_1633, %add3A_1634 : vector<16xf32>
        %add3A_1648 = arith.addf %add3A_1635, %get3A_4 : vector<16xf32>
        %add3A_1649 = arith.addf %add3A_1636, %add3A_1637 : vector<16xf32>
        %add3A_1650 = arith.addf %add3A_1638, %add3A_1639 : vector<16xf32>
        %add3A_1651 = arith.addf %add3A_1640, %add3A_1641 : vector<16xf32>
        %add3A_1652 = arith.addf %add3A_1642, %add3A_1643 : vector<16xf32>
        %add3A_1653 = arith.addf %add3A_1644, %add3A_1645 : vector<16xf32>
        %add3A_1654 = arith.addf %add3A_1646, %add3A_1647 : vector<16xf32>
        %add3A_1655 = arith.addf %add3A_1649, %add3A_1650 : vector<16xf32>
        %add3A_1656 = arith.addf %add3A_1651, %add3A_1652 : vector<16xf32>
        %add3A_1657 = arith.addf %add3A_1653, %add3A_1654 : vector<16xf32>
        %add3A_1658 = arith.addf %add3A_1655, %add3A_1656 : vector<16xf32>
        %add3A_1659 = arith.addf %add3A_1657, %add3A_1648 : vector<16xf32>
        %add3A_1660 = arith.addf %add3A_1658, %add3A_1659 : vector<16xf32>
        %mul3A_1661 = arith.constant 2 : i32
        %mul3A_1662 = arith.muli %add3A_152, %mul3A_1661 : i32
        %add3A_1663 = arith.constant 1 : i32
        %add3A_1664 = arith.addi %mul3A_1662, %add3A_1663 : i32
        %swap3A_1665 = arith.index_cast %add3A_1664 : i32 to index
        %swap3A_1666 = arith.constant 0 : index
        %swap3A_1667 = tpu.vector_load %arg8[%swap3A_1665, %swap3A_1666] {strides = array<i32>} : memref<512x16xf32, #tpu.memory_space<vmem>>, vector<1x16xf32>,
        %swap3A_1668 = vector.shape_cast %swap3A_1667 : vector<1x16xf32> to vector<16xf32>
        %swap3A_1669 = vector.shape_cast %add3A_1660 : vector<16xf32> to vector<1x16xf32>
        tpu.vector_store %arg8[%swap3A_1665, %swap3A_1666], %swap3A_1669 {strides = array<i32>} : memref<512x16xf32, #tpu.memory_space<vmem>>, vector<1x16xf32>,
      }
      %scan3A_116 = arith.constant 8 : i32
      %add3A_117 = arith.constant 4 : i32
      %add3A_118 = arith.addi %add3A_100, %add3A_117 : i32
      %lt3A_119 = arith.constant 32 : i32
      %lt3A_120 = arith.cmpi slt, %add3A_118, %lt3A_119 : i32
      %convert_element_type3A_121 = arith.extui %lt3A_120 : i1 to i32
      %cond3A_122 = arith.constant 0 : i32
      %cond3A_123 = arith.cmpi ne, %convert_element_type3A_121, %cond3A_122 : i32
      scf.if %cond3A_123 {
        %mul3A_149 = arith.constant 800 : i32
        %mul3A_150 = arith.muli %add3A_118, %mul3A_149 : i32
        %dma_start3A_151 = arith.constant 2 : i32
        %dma_start3A_152 = arith.constant 0 : i32
        %dma_start3A_153 = arith.constant 0 : i32
        %dma_start3A_154 = tpu.memref_slice %arg7[%dma_start3A_151, %dma_start3A_152, %dma_start3A_153] : memref<4x800x16xf32, #tpu.memory_space<vmem>> -> memref<1x800x16xf32, #tpu.memory_space<vmem>>
        %dma_start3A_155 = tpu.memref_squeeze %dma_start3A_154 : memref<1x800x16xf32, #tpu.memory_space<vmem>> -> memref<800x16xf32, #tpu.memory_space<vmem>>
        %dma_start3A_156 = tpu.memref_slice %arg6[%mul3A_150] : memref<25600xi32, #tpu.memory_space<vmem>> -> memref<800xi32, #tpu.memory_space<vmem>>
        %dma_start3A_157 = arith.constant 0 : i32
        %dma_start3A_158 = arith.constant 0 : i32
        %dma_start3A_159 = tpu.memref_slice %arg3[%dma_start3A_157, %dma_start3A_158] : memref<1000000x16xf32, #tpu.memory_space<hbm>> -> memref<1000000x16xf32, #tpu.memory_space<hbm>>
        tpu.enqueue_indirect_dma source(%dma_start3A_159 : memref<1000000x16xf32, #tpu.memory_space<hbm>>) target(%dma_start3A_155 : memref<800x16xf32, #tpu.memory_space<vmem>>) offsets(%dma_start3A_156 : memref<800xi32, #tpu.memory_space<vmem>>) semaphore(%arg12 : memref<!tpu.dma_semaphore, #tpu.memory_space<semaphore_mem>>)
      } else {
      }
      %add3A_124 = arith.constant 3 : i32
      %add3A_125 = arith.addi %mul3A_52, %add3A_124 : i32
      %mul3A_126 = arith.constant 800 : i32
      %mul3A_127 = arith.muli %add3A_125, %mul3A_126 : i32
      %dma_wait3A_128 = arith.constant 3 : i32
      %dma_wait3A_129 = arith.constant 0 : i32
      %dma_wait3A_130 = arith.constant 0 : i32
      %dma_wait3A_131 = tpu.memref_slice %arg7[%dma_wait3A_128, %dma_wait3A_129, %dma_wait3A_130] : memref<4x800x16xf32, #tpu.memory_space<vmem>> -> memref<1x800x16xf32, #tpu.memory_space<vmem>>
      %dma_wait3A_132 = tpu.memref_squeeze %dma_wait3A_131 : memref<1x800x16xf32, #tpu.memory_space<vmem>> -> memref<800x16xf32, #tpu.memory_space<vmem>>
      %dma_wait3A_133 = tpu.memref_slice %arg6[%mul3A_127] : memref<25600xi32, #tpu.memory_space<vmem>> -> memref<800xi32, #tpu.memory_space<vmem>>
      %dma_wait3A_134 = arith.constant 0 : i32
      %dma_wait3A_135 = arith.constant 0 : i32
      %dma_wait3A_136 = tpu.memref_slice %arg3[%dma_wait3A_134, %dma_wait3A_135] : memref<1000000x16xf32, #tpu.memory_space<hbm>> -> memref<1000000x16xf32, #tpu.memory_space<hbm>>
      tpu.wait_indirect_dma semaphore(%arg13 : memref<!tpu.dma_semaphore, #tpu.memory_space<semaphore_mem>>) src(%dma_wait3A_136 : memref<1000000x16xf32, #tpu.memory_space<hbm>>) dst(%dma_wait3A_132 : memref<800x16xf32, #tpu.memory_space<vmem>>)
      %scan3A_137 = arith.constant 0 : i32
      %scan3A_138 = arith.constant 8 : i32
      %scan3A_139 = arith.addi %scan3A_137, %scan3A_138 : i32
      %scan3A_140 = arith.constant 1 : i32
      scf.for %scan3A_149 = %scan3A_137 to %scan3A_139 step %scan3A_140  : i32 {
        %mul3A_150 = arith.constant 8 : i32
        %mul3A_151 = arith.muli %add3A_125, %mul3A_150 : i32
        %add3A_152 = arith.addi %mul3A_151, %scan3A_149 : i32
        %mul3A_153 = arith.constant 2 : i32
        %mul3A_154 = arith.muli %scan3A_149, %mul3A_153 : i32
        %mul3A_155 = arith.constant 50 : i32
        %mul3A_156 = arith.muli %mul3A_154, %mul3A_155 : i32
        %add3A_157 = arith.constant 0 : i32
        %add3A_158 = arith.addi %mul3A_156, %add3A_157 : i32
        %add3A_159 = arith.constant 0 : i32
        %add3A_160 = arith.addi %add3A_158, %add3A_159 : i32
        %get3A_161 = arith.constant 3 : i32
        %get3A_162 = arith.index_cast %get3A_161 : i32 to index
        %get3A_163 = arith.index_cast %add3A_160 : i32 to index
        %get3A_164 = arith.constant 0 : index
        %get3A_165 = tpu.vector_load %arg7[%get3A_162, %get3A_163, %get3A_164] {strides = array<i32>} : memref<4x800x16xf32, #tpu.memory_space<vmem>>, vector<1x1x16xf32>,
        %get3A_166 = vector.shape_cast %get3A_165 : vector<1x1x16xf32> to vector<16xf32>
        %mul3A_167 = arith.constant 2 : i32
        %mul3A_168 = arith.muli %scan3A_149, %mul3A_167 : i32
        %mul3A_169 = arith.constant 50 : i32
        %mul3A_170 = arith.muli %mul3A_168, %mul3A_169 : i32
        %add3A_171 = arith.constant 0 : i32
        %add3A_172 = arith.addi %mul3A_170, %add3A_171 : i32
        %add3A_173 = arith.constant 1 : i32
        %add3A_174 = arith.addi %add3A_172, %add3A_173 : i32
        %get3A_175 = arith.constant 3 : i32
        %get3A_176 = arith.index_cast %get3A_175 : i32 to index
        %get3A_177 = arith.index_cast %add3A_174 : i32 to index
        %get3A_178 = arith.constant 0 : index
        %get3A_179 = tpu.vector_load %arg7[%get3A_176, %get3A_177, %get3A_178] {strides = array<i32>} : memref<4x800x16xf32, #tpu.memory_space<vmem>>, vector<1x1x16xf32>,
        %get3A_180 = vector.shape_cast %get3A_179 : vector<1x1x16xf32> to vector<16xf32>
        %mul3A_181 = arith.constant 2 : i32
        %mul3A_182 = arith.muli %scan3A_149, %mul3A_181 : i32
        %mul3A_183 = arith.constant 50 : i32
        %mul3A_184 = arith.muli %mul3A_182, %mul3A_183 : i32
        %add3A_185 = arith.constant 0 : i32
        %add3A_186 = arith.addi %mul3A_184, %add3A_185 : i32
        %add3A_187 = arith.constant 2 : i32
        %add3A_188 = arith.addi %add3A_186, %add3A_187 : i32
        %get3A_189 = arith.constant 3 : i32
        %get3A_190 = arith.index_cast %get3A_189 : i32 to index
        %get3A_191 = arith.index_cast %add3A_188 : i32 to index
        %get3A_192 = arith.constant 0 : index
        %get3A_193 = tpu.vector_load %arg7[%get3A_190, %get3A_191, %get3A_192] {strides = array<i32>} : memref<4x800x16xf32, #tpu.memory_space<vmem>>, vector<1x1x16xf32>,
        %get3A_194 = vector.shape_cast %get3A_193 : vector<1x1x16xf32> to vector<16xf32>
        %mul3A_195 = arith.constant 2 : i32
        %mul3A_196 = arith.muli %scan3A_149, %mul3A_195 : i32
        %mul3A_197 = arith.constant 50 : i32
        %mul3A_198 = arith.muli %mul3A_196, %mul3A_197 : i32
        %add3A_199 = arith.constant 0 : i32
        %add3A_200 = arith.addi %mul3A_198, %add3A_199 : i32
        %add3A_201 = arith.constant 3 : i32
        %add3A_202 = arith.addi %add3A_200, %add3A_201 : i32
        %get3A_203 = arith.constant 3 : i32
        %get3A_204 = arith.index_cast %get3A_203 : i32 to index
        %get3A_205 = arith.index_cast %add3A_202 : i32 to index
        %get3A_206 = arith.constant 0 : index
        %get3A_207 = tpu.vector_load %arg7[%get3A_204, %get3A_205, %get3A_206] {strides = array<i32>} : memref<4x800x16xf32, #tpu.memory_space<vmem>>, vector<1x1x16xf32>,
        %get3A_208 = vector.shape_cast %get3A_207 : vector<1x1x16xf32> to vector<16xf32>
        %mul3A_209 = arith.constant 2 : i32
        %mul3A_210 = arith.muli %scan3A_149, %mul3A_209 : i32
        %mul3A_211 = arith.constant 50 : i32
        %mul3A_212 = arith.muli %mul3A_210, %mul3A_211 : i32
        %add3A_213 = arith.constant 0 : i32
        %add3A_214 = arith.addi %mul3A_212, %add3A_213 : i32
        %add3A_215 = arith.constant 4 : i32
        %add3A_216 = arith.addi %add3A_214, %add3A_215 : i32
        %get3A_217 = arith.constant 3 : i32
        %get3A_218 = arith.index_cast %get3A_217 : i32 to index
        %get3A_219 = arith.index_cast %add3A_216 : i32 to index
        %get3A_220 = arith.constant 0 : index
        %get3A_221 = tpu.vector_load %arg7[%get3A_218, %get3A_219, %get3A_220] {strides = array<i32>} : memref<4x800x16xf32, #tpu.memory_space<vmem>>, vector<1x1x16xf32>,
        %get3A_222 = vector.shape_cast %get3A_221 : vector<1x1x16xf32> to vector<16xf32>
        %mul3A_223 = arith.constant 2 : i32
        %mul3A_224 = arith.muli %scan3A_149, %mul3A_223 : i32
        %mul3A_225 = arith.constant 50 : i32
        %mul3A_226 = arith.muli %mul3A_224, %mul3A_225 : i32
        %add3A_227 = arith.constant 0 : i32
        %add3A_228 = arith.addi %mul3A_226, %add3A_227 : i32
        %add3A_229 = arith.constant 5 : i32
        %add3A_230 = arith.addi %add3A_228, %add3A_229 : i32
        %get3A_231 = arith.constant 3 : i32
        %get3A_232 = arith.index_cast %get3A_231 : i32 to index
        %get3A_233 = arith.index_cast %add3A_230 : i32 to index
        %get3A_234 = arith.constant 0 : index
        %get3A_235 = tpu.vector_load %arg7[%get3A_232, %get3A_233, %get3A_234] {strides = array<i32>} : memref<4x800x16xf32, #tpu.memory_space<vmem>>, vector<1x1x16xf32>,
        %get3A_236 = vector.shape_cast %get3A_235 : vector<1x1x16xf32> to vector<16xf32>
        %mul3A_237 = arith.constant 2 : i32
        %mul3A_238 = arith.muli %scan3A_149, %mul3A_237 : i32
        %mul3A_239 = arith.constant 50 : i32
        %mul3A_240 = arith.muli %mul3A_238, %mul3A_239 : i32
        %add3A_241 = arith.constant 0 : i32
        %add3A_242 = arith.addi %mul3A_240, %add3A_241 : i32
        %add3A_243 = arith.constant 6 : i32
        %add3A_244 = arith.addi %add3A_242, %add3A_243 : i32
        %get3A_245 = arith.constant 3 : i32
        %get3A_246 = arith.index_cast %get3A_245 : i32 to index
        %get3A_247 = arith.index_cast %add3A_244 : i32 to index
        %get3A_248 = arith.constant 0 : index
        %get3A_249 = tpu.vector_load %arg7[%get3A_246, %get3A_247, %get3A_248] {strides = array<i32>} : memref<4x800x16xf32, #tpu.memory_space<vmem>>, vector<1x1x16xf32>,
        %get3A_250 = vector.shape_cast %get3A_249 : vector<1x1x16xf32> to vector<16xf32>
        %mul3A_251 = arith.constant 2 : i32
        %mul3A_252 = arith.muli %scan3A_149, %mul3A_251 : i32
        %mul3A_253 = arith.constant 50 : i32
        %mul3A_254 = arith.muli %mul3A_252, %mul3A_253 : i32
        %add3A_255 = arith.constant 0 : i32
        %add3A_256 = arith.addi %mul3A_254, %add3A_255 : i32
        %add3A_257 = arith.constant 7 : i32
        %add3A_258 = arith.addi %add3A_256, %add3A_257 : i32
        %get3A_259 = arith.constant 3 : i32
        %get3A_260 = arith.index_cast %get3A_259 : i32 to index
        %get3A_261 = arith.index_cast %add3A_258 : i32 to index
        %get3A_262 = arith.constant 0 : index
        %get3A_263 = tpu.vector_load %arg7[%get3A_260, %get3A_261, %get3A_262] {strides = array<i32>} : memref<4x800x16xf32, #tpu.memory_space<vmem>>, vector<1x1x16xf32>,
        %get3A_264 = vector.shape_cast %get3A_263 : vector<1x1x16xf32> to vector<16xf32>
        %mul3A_265 = arith.constant 2 : i32
        %mul3A_266 = arith.muli %scan3A_149, %mul3A_265 : i32
        %mul3A_267 = arith.constant 50 : i32
        %mul3A_268 = arith.muli %mul3A_266, %mul3A_267 : i32
        %add3A_269 = arith.constant 0 : i32
        %add3A_270 = arith.addi %mul3A_268, %add3A_269 : i32
        %add3A_271 = arith.constant 8 : i32
        %add3A_272 = arith.addi %add3A_270, %add3A_271 : i32
        %get3A_273 = arith.constant 3 : i32
        %get3A_274 = arith.index_cast %get3A_273 : i32 to index
        %get3A_275 = arith.index_cast %add3A_272 : i32 to index
        %get3A_276 = arith.constant 0 : index
        %get3A_277 = tpu.vector_load %arg7[%get3A_274, %get3A_275, %get3A_276] {strides = array<i32>} : memref<4x800x16xf32, #tpu.memory_space<vmem>>, vector<1x1x16xf32>,
        %get3A_278 = vector.shape_cast %get3A_277 : vector<1x1x16xf32> to vector<16xf32>
        %mul3A_279 = arith.constant 2 : i32
        %mul3A_280 = arith.muli %scan3A_149, %mul3A_279 : i32
        %mul3A_281 = arith.constant 50 : i32
        %mul3A_282 = arith.muli %mul3A_280, %mul3A_281 : i32
        %add3A_283 = arith.constant 0 : i32
        %add3A_284 = arith.addi %mul3A_282, %add3A_283 : i32
        %add3A_285 = arith.constant 9 : i32
        %add3A_286 = arith.addi %add3A_284, %add3A_285 : i32
        %get3A_287 = arith.constant 3 : i32
        %get3A_288 = arith.index_cast %get3A_287 : i32 to index
        %get3A_289 = arith.index_cast %add3A_286 : i32 to index
        %get3A_290 = arith.constant 0 : index
        %get3A_291 = tpu.vector_load %arg7[%get3A_288, %get3A_289, %get3A_290] {strides = array<i32>} : memref<4x800x16xf32, #tpu.memory_space<vmem>>, vector<1x1x16xf32>,
        %get3A_292 = vector.shape_cast %get3A_291 : vector<1x1x16xf32> to vector<16xf32>
        %mul3A_293 = arith.constant 2 : i32
        %mul3A_294 = arith.muli %scan3A_149, %mul3A_293 : i32
        %mul3A_295 = arith.constant 50 : i32
        %mul3A_296 = arith.muli %mul3A_294, %mul3A_295 : i32
        %add3A_297 = arith.constant 0 : i32
        %add3A_298 = arith.addi %mul3A_296, %add3A_297 : i32
        %add3A_299 = arith.constant 10 : i32
        %add3A_300 = arith.addi %add3A_298, %add3A_299 : i32
        %get3A_301 = arith.constant 3 : i32
        %get3A_302 = arith.index_cast %get3A_301 : i32 to index
        %get3A_303 = arith.index_cast %add3A_300 : i32 to index
        %get3A_304 = arith.constant 0 : index
        %get3A_305 = tpu.vector_load %arg7[%get3A_302, %get3A_303, %get3A_304] {strides = array<i32>} : memref<4x800x16xf32, #tpu.memory_space<vmem>>, vector<1x1x16xf32>,
        %get3A_306 = vector.shape_cast %get3A_305 : vector<1x1x16xf32> to vector<16xf32>
        %mul3A_307 = arith.constant 2 : i32
        %mul3A_308 = arith.muli %scan3A_149, %mul3A_307 : i32
        %mul3A_309 = arith.constant 50 : i32
        %mul3A_310 = arith.muli %mul3A_308, %mul3A_309 : i32
        %add3A_311 = arith.constant 0 : i32
        %add3A_312 = arith.addi %mul3A_310, %add3A_311 : i32
        %add3A_313 = arith.constant 11 : i32
        %add3A_314 = arith.addi %add3A_312, %add3A_313 : i32
        %get3A_315 = arith.constant 3 : i32
        %get3A_316 = arith.index_cast %get3A_315 : i32 to index
        %get3A_317 = arith.index_cast %add3A_314 : i32 to index
        %get3A_318 = arith.constant 0 : index
        %get3A_319 = tpu.vector_load %arg7[%get3A_316, %get3A_317, %get3A_318] {strides = array<i32>} : memref<4x800x16xf32, #tpu.memory_space<vmem>>, vector<1x1x16xf32>,
        %get3A_320 = vector.shape_cast %get3A_319 : vector<1x1x16xf32> to vector<16xf32>
        %mul3A_321 = arith.constant 2 : i32
        %mul3A_322 = arith.muli %scan3A_149, %mul3A_321 : i32
        %mul3A_323 = arith.constant 50 : i32
        %mul3A_324 = arith.muli %mul3A_322, %mul3A_323 : i32
        %add3A_325 = arith.constant 0 : i32
        %add3A_326 = arith.addi %mul3A_324, %add3A_325 : i32
        %add3A_327 = arith.constant 12 : i32
        %add3A_328 = arith.addi %add3A_326, %add3A_327 : i32
        %get3A_329 = arith.constant 3 : i32
        %get3A_330 = arith.index_cast %get3A_329 : i32 to index
        %get3A_331 = arith.index_cast %add3A_328 : i32 to index
        %get3A_332 = arith.constant 0 : index
        %get3A_333 = tpu.vector_load %arg7[%get3A_330, %get3A_331, %get3A_332] {strides = array<i32>} : memref<4x800x16xf32, #tpu.memory_space<vmem>>, vector<1x1x16xf32>,
        %get3A_334 = vector.shape_cast %get3A_333 : vector<1x1x16xf32> to vector<16xf32>
        %mul3A_335 = arith.constant 2 : i32
        %mul3A_336 = arith.muli %scan3A_149, %mul3A_335 : i32
        %mul3A_337 = arith.constant 50 : i32
        %mul3A_338 = arith.muli %mul3A_336, %mul3A_337 : i32
        %add3A_339 = arith.constant 0 : i32
        %add3A_340 = arith.addi %mul3A_338, %add3A_339 : i32
        %add3A_341 = arith.constant 13 : i32
        %add3A_342 = arith.addi %add3A_340, %add3A_341 : i32
        %get3A_343 = arith.constant 3 : i32
        %get3A_344 = arith.index_cast %get3A_343 : i32 to index
        %get3A_345 = arith.index_cast %add3A_342 : i32 to index
        %get3A_346 = arith.constant 0 : index
        %get3A_347 = tpu.vector_load %arg7[%get3A_344, %get3A_345, %get3A_346] {strides = array<i32>} : memref<4x800x16xf32, #tpu.memory_space<vmem>>, vector<1x1x16xf32>,
        %get3A_348 = vector.shape_cast %get3A_347 : vector<1x1x16xf32> to vector<16xf32>
        %mul3A_349 = arith.constant 2 : i32
        %mul3A_350 = arith.muli %scan3A_149, %mul3A_349 : i32
        %mul3A_351 = arith.constant 50 : i32
        %mul3A_352 = arith.muli %mul3A_350, %mul3A_351 : i32
        %add3A_353 = arith.constant 0 : i32
        %add3A_354 = arith.addi %mul3A_352, %add3A_353 : i32
        %add3A_355 = arith.constant 14 : i32
        %add3A_356 = arith.addi %add3A_354, %add3A_355 : i32
        %get3A_357 = arith.constant 3 : i32
        %get3A_358 = arith.index_cast %get3A_357 : i32 to index
        %get3A_359 = arith.index_cast %add3A_356 : i32 to index
        %get3A_360 = arith.constant 0 : index
        %get3A_361 = tpu.vector_load %arg7[%get3A_358, %get3A_359, %get3A_360] {strides = array<i32>} : memref<4x800x16xf32, #tpu.memory_space<vmem>>, vector<1x1x16xf32>,
        %get3A_362 = vector.shape_cast %get3A_361 : vector<1x1x16xf32> to vector<16xf32>
        %mul3A_363 = arith.constant 2 : i32
        %mul3A_364 = arith.muli %scan3A_149, %mul3A_363 : i32
        %mul3A_365 = arith.constant 50 : i32
        %mul3A_366 = arith.muli %mul3A_364, %mul3A_365 : i32
        %add3A_367 = arith.constant 0 : i32
        %add3A_368 = arith.addi %mul3A_366, %add3A_367 : i32
        %add3A_369 = arith.constant 15 : i32
        %add3A_370 = arith.addi %add3A_368, %add3A_369 : i32
        %get3A_371 = arith.constant 3 : i32
        %get3A_372 = arith.index_cast %get3A_371 : i32 to index
        %get3A_373 = arith.index_cast %add3A_370 : i32 to index
        %get3A_374 = arith.constant 0 : index
        %get3A_375 = tpu.vector_load %arg7[%get3A_372, %get3A_373, %get3A_374] {strides = array<i32>} : memref<4x800x16xf32, #tpu.memory_space<vmem>>, vector<1x1x16xf32>,
        %get3A_376 = vector.shape_cast %get3A_375 : vector<1x1x16xf32> to vector<16xf32>
        %mul3A_377 = arith.constant 2 : i32
        %mul3A_378 = arith.muli %scan3A_149, %mul3A_377 : i32
        %mul3A_379 = arith.constant 50 : i32
        %mul3A_380 = arith.muli %mul3A_378, %mul3A_379 : i32
        %add3A_381 = arith.constant 0 : i32
        %add3A_382 = arith.addi %mul3A_380, %add3A_381 : i32
        %add3A_383 = arith.constant 16 : i32
        %add3A_384 = arith.addi %add3A_382, %add3A_383 : i32
        %get3A_385 = arith.constant 3 : i32
        %get3A_386 = arith.index_cast %get3A_385 : i32 to index
        %get3A_387 = arith.index_cast %add3A_384 : i32 to index
        %get3A_388 = arith.constant 0 : index
        %get3A_389 = tpu.vector_load %arg7[%get3A_386, %get3A_387, %get3A_388] {strides = array<i32>} : memref<4x800x16xf32, #tpu.memory_space<vmem>>, vector<1x1x16xf32>,
        %get3A_390 = vector.shape_cast %get3A_389 : vector<1x1x16xf32> to vector<16xf32>
        %mul3A_391 = arith.constant 2 : i32
        %mul3A_392 = arith.muli %scan3A_149, %mul3A_391 : i32
        %mul3A_393 = arith.constant 50 : i32
        %mul3A_394 = arith.muli %mul3A_392, %mul3A_393 : i32
        %add3A_395 = arith.constant 0 : i32
        %add3A_396 = arith.addi %mul3A_394, %add3A_395 : i32
        %add3A_397 = arith.constant 17 : i32
        %add3A_398 = arith.addi %add3A_396, %add3A_397 : i32
        %get3A_399 = arith.constant 3 : i32
        %get3A_400 = arith.index_cast %get3A_399 : i32 to index
        %get3A_401 = arith.index_cast %add3A_398 : i32 to index
        %get3A_402 = arith.constant 0 : index
        %get3A_403 = tpu.vector_load %arg7[%get3A_400, %get3A_401, %get3A_402] {strides = array<i32>} : memref<4x800x16xf32, #tpu.memory_space<vmem>>, vector<1x1x16xf32>,
        %get3A_404 = vector.shape_cast %get3A_403 : vector<1x1x16xf32> to vector<16xf32>
        %mul3A_405 = arith.constant 2 : i32
        %mul3A_406 = arith.muli %scan3A_149, %mul3A_405 : i32
        %mul3A_407 = arith.constant 50 : i32
        %mul3A_408 = arith.muli %mul3A_406, %mul3A_407 : i32
        %add3A_409 = arith.constant 0 : i32
        %add3A_410 = arith.addi %mul3A_408, %add3A_409 : i32
        %add3A_411 = arith.constant 18 : i32
        %add3A_412 = arith.addi %add3A_410, %add3A_411 : i32
        %get3A_413 = arith.constant 3 : i32
        %get3A_414 = arith.index_cast %get3A_413 : i32 to index
        %get3A_415 = arith.index_cast %add3A_412 : i32 to index
        %get3A_416 = arith.constant 0 : index
        %get3A_417 = tpu.vector_load %arg7[%get3A_414, %get3A_415, %get3A_416] {strides = array<i32>} : memref<4x800x16xf32, #tpu.memory_space<vmem>>, vector<1x1x16xf32>,
        %get3A_418 = vector.shape_cast %get3A_417 : vector<1x1x16xf32> to vector<16xf32>
        %mul3A_419 = arith.constant 2 : i32
        %mul3A_420 = arith.muli %scan3A_149, %mul3A_419 : i32
        %mul3A_421 = arith.constant 50 : i32
        %mul3A_422 = arith.muli %mul3A_420, %mul3A_421 : i32
        %add3A_423 = arith.constant 0 : i32
        %add3A_424 = arith.addi %mul3A_422, %add3A_423 : i32
        %add3A_425 = arith.constant 19 : i32
        %add3A_426 = arith.addi %add3A_424, %add3A_425 : i32
        %get3A_427 = arith.constant 3 : i32
        %get3A_428 = arith.index_cast %get3A_427 : i32 to index
        %get3A_429 = arith.index_cast %add3A_426 : i32 to index
        %get3A_430 = arith.constant 0 : index
        %get3A_431 = tpu.vector_load %arg7[%get3A_428, %get3A_429, %get3A_430] {strides = array<i32>} : memref<4x800x16xf32, #tpu.memory_space<vmem>>, vector<1x1x16xf32>,
        %get3A_432 = vector.shape_cast %get3A_431 : vector<1x1x16xf32> to vector<16xf32>
        %mul3A_433 = arith.constant 2 : i32
        %mul3A_434 = arith.muli %scan3A_149, %mul3A_433 : i32
        %mul3A_435 = arith.constant 50 : i32
        %mul3A_436 = arith.muli %mul3A_434, %mul3A_435 : i32
        %add3A_437 = arith.constant 0 : i32
        %add3A_438 = arith.addi %mul3A_436, %add3A_437 : i32
        %add3A_439 = arith.constant 20 : i32
        %add3A_440 = arith.addi %add3A_438, %add3A_439 : i32
        %get3A_441 = arith.constant 3 : i32
        %get3A_442 = arith.index_cast %get3A_441 : i32 to index
        %get3A_443 = arith.index_cast %add3A_440 : i32 to index
        %get3A_444 = arith.constant 0 : index
        %get3A_445 = tpu.vector_load %arg7[%get3A_442, %get3A_443, %get3A_444] {strides = array<i32>} : memref<4x800x16xf32, #tpu.memory_space<vmem>>, vector<1x1x16xf32>,
        %get3A_446 = vector.shape_cast %get3A_445 : vector<1x1x16xf32> to vector<16xf32>
        %mul3A_447 = arith.constant 2 : i32
        %mul3A_448 = arith.muli %scan3A_149, %mul3A_447 : i32
        %mul3A_449 = arith.constant 50 : i32
        %mul3A_450 = arith.muli %mul3A_448, %mul3A_449 : i32
        %add3A_451 = arith.constant 0 : i32
        %add3A_452 = arith.addi %mul3A_450, %add3A_451 : i32
        %add3A_453 = arith.constant 21 : i32
        %add3A_454 = arith.addi %add3A_452, %add3A_453 : i32
        %get3A_455 = arith.constant 3 : i32
        %get3A_456 = arith.index_cast %get3A_455 : i32 to index
        %get3A_457 = arith.index_cast %add3A_454 : i32 to index
        %get3A_458 = arith.constant 0 : index
        %get3A_459 = tpu.vector_load %arg7[%get3A_456, %get3A_457, %get3A_458] {strides = array<i32>} : memref<4x800x16xf32, #tpu.memory_space<vmem>>, vector<1x1x16xf32>,
        %get3A_460 = vector.shape_cast %get3A_459 : vector<1x1x16xf32> to vector<16xf32>
        %mul3A_461 = arith.constant 2 : i32
        %mul3A_462 = arith.muli %scan3A_149, %mul3A_461 : i32
        %mul3A_463 = arith.constant 50 : i32
        %mul3A_464 = arith.muli %mul3A_462, %mul3A_463 : i32
        %add3A_465 = arith.constant 0 : i32
        %add3A_466 = arith.addi %mul3A_464, %add3A_465 : i32
        %add3A_467 = arith.constant 22 : i32
        %add3A_468 = arith.addi %add3A_466, %add3A_467 : i32
        %get3A_469 = arith.constant 3 : i32
        %get3A_470 = arith.index_cast %get3A_469 : i32 to index
        %get3A_471 = arith.index_cast %add3A_468 : i32 to index
        %get3A_472 = arith.constant 0 : index
        %get3A_473 = tpu.vector_load %arg7[%get3A_470, %get3A_471, %get3A_472] {strides = array<i32>} : memref<4x800x16xf32, #tpu.memory_space<vmem>>, vector<1x1x16xf32>,
        %get3A_474 = vector.shape_cast %get3A_473 : vector<1x1x16xf32> to vector<16xf32>
        %mul3A_475 = arith.constant 2 : i32
        %mul3A_476 = arith.muli %scan3A_149, %mul3A_475 : i32
        %mul3A_477 = arith.constant 50 : i32
        %mul3A_478 = arith.muli %mul3A_476, %mul3A_477 : i32
        %add3A_479 = arith.constant 0 : i32
        %add3A_480 = arith.addi %mul3A_478, %add3A_479 : i32
        %add3A_481 = arith.constant 23 : i32
        %add3A_482 = arith.addi %add3A_480, %add3A_481 : i32
        %get3A_483 = arith.constant 3 : i32
        %get3A_484 = arith.index_cast %get3A_483 : i32 to index
        %get3A_485 = arith.index_cast %add3A_482 : i32 to index
        %get3A_486 = arith.constant 0 : index
        %get3A_487 = tpu.vector_load %arg7[%get3A_484, %get3A_485, %get3A_486] {strides = array<i32>} : memref<4x800x16xf32, #tpu.memory_space<vmem>>, vector<1x1x16xf32>,
        %get3A_488 = vector.shape_cast %get3A_487 : vector<1x1x16xf32> to vector<16xf32>
        %mul3A_489 = arith.constant 2 : i32
        %mul3A_490 = arith.muli %scan3A_149, %mul3A_489 : i32
        %mul3A_491 = arith.constant 50 : i32
        %mul3A_492 = arith.muli %mul3A_490, %mul3A_491 : i32
        %add3A_493 = arith.constant 0 : i32
        %add3A_494 = arith.addi %mul3A_492, %add3A_493 : i32
        %add3A_495 = arith.constant 24 : i32
        %add3A_496 = arith.addi %add3A_494, %add3A_495 : i32
        %get3A_497 = arith.constant 3 : i32
        %get3A_498 = arith.index_cast %get3A_497 : i32 to index
        %get3A_499 = arith.index_cast %add3A_496 : i32 to index
        %get3A_500 = arith.constant 0 : index
        %get3A_501 = tpu.vector_load %arg7[%get3A_498, %get3A_499, %get3A_500] {strides = array<i32>} : memref<4x800x16xf32, #tpu.memory_space<vmem>>, vector<1x1x16xf32>,
        %get3A_502 = vector.shape_cast %get3A_501 : vector<1x1x16xf32> to vector<16xf32>
        %mul3A_503 = arith.constant 2 : i32
        %mul3A_504 = arith.muli %scan3A_149, %mul3A_503 : i32
        %mul3A_505 = arith.constant 50 : i32
        %mul3A_506 = arith.muli %mul3A_504, %mul3A_505 : i32
        %add3A_507 = arith.constant 0 : i32
        %add3A_508 = arith.addi %mul3A_506, %add3A_507 : i32
        %add3A_509 = arith.constant 25 : i32
        %add3A_510 = arith.addi %add3A_508, %add3A_509 : i32
        %get3A_511 = arith.constant 3 : i32
        %get3A_512 = arith.index_cast %get3A_511 : i32 to index
        %get3A_513 = arith.index_cast %add3A_510 : i32 to index
        %get3A_514 = arith.constant 0 : index
        %get3A_515 = tpu.vector_load %arg7[%get3A_512, %get3A_513, %get3A_514] {strides = array<i32>} : memref<4x800x16xf32, #tpu.memory_space<vmem>>, vector<1x1x16xf32>,
        %get3A_516 = vector.shape_cast %get3A_515 : vector<1x1x16xf32> to vector<16xf32>
        %mul3A_517 = arith.constant 2 : i32
        %mul3A_518 = arith.muli %scan3A_149, %mul3A_517 : i32
        %mul3A_519 = arith.constant 50 : i32
        %mul3A_520 = arith.muli %mul3A_518, %mul3A_519 : i32
        %add3A_521 = arith.constant 0 : i32
        %add3A_522 = arith.addi %mul3A_520, %add3A_521 : i32
        %add3A_523 = arith.constant 26 : i32
        %add3A_524 = arith.addi %add3A_522, %add3A_523 : i32
        %get3A_525 = arith.constant 3 : i32
        %get3A_526 = arith.index_cast %get3A_525 : i32 to index
        %get3A_527 = arith.index_cast %add3A_524 : i32 to index
        %get3A_528 = arith.constant 0 : index
        %get3A_529 = tpu.vector_load %arg7[%get3A_526, %get3A_527, %get3A_528] {strides = array<i32>} : memref<4x800x16xf32, #tpu.memory_space<vmem>>, vector<1x1x16xf32>,
        %get3A_530 = vector.shape_cast %get3A_529 : vector<1x1x16xf32> to vector<16xf32>
        %mul3A_531 = arith.constant 2 : i32
        %mul3A_532 = arith.muli %scan3A_149, %mul3A_531 : i32
        %mul3A_533 = arith.constant 50 : i32
        %mul3A_534 = arith.muli %mul3A_532, %mul3A_533 : i32
        %add3A_535 = arith.constant 0 : i32
        %add3A_536 = arith.addi %mul3A_534, %add3A_535 : i32
        %add3A_537 = arith.constant 27 : i32
        %add3A_538 = arith.addi %add3A_536, %add3A_537 : i32
        %get3A_539 = arith.constant 3 : i32
        %get3A_540 = arith.index_cast %get3A_539 : i32 to index
        %get3A_541 = arith.index_cast %add3A_538 : i32 to index
        %get3A_542 = arith.constant 0 : index
        %get3A_543 = tpu.vector_load %arg7[%get3A_540, %get3A_541, %get3A_542] {strides = array<i32>} : memref<4x800x16xf32, #tpu.memory_space<vmem>>, vector<1x1x16xf32>,
        %get3A_544 = vector.shape_cast %get3A_543 : vector<1x1x16xf32> to vector<16xf32>
        %mul3A_545 = arith.constant 2 : i32
        %mul3A_546 = arith.muli %scan3A_149, %mul3A_545 : i32
        %mul3A_547 = arith.constant 50 : i32
        %mul3A_548 = arith.muli %mul3A_546, %mul3A_547 : i32
        %add3A_549 = arith.constant 0 : i32
        %add3A_550 = arith.addi %mul3A_548, %add3A_549 : i32
        %add3A_551 = arith.constant 28 : i32
        %add3A_552 = arith.addi %add3A_550, %add3A_551 : i32
        %get3A_553 = arith.constant 3 : i32
        %get3A_554 = arith.index_cast %get3A_553 : i32 to index
        %get3A_555 = arith.index_cast %add3A_552 : i32 to index
        %get3A_556 = arith.constant 0 : index
        %get3A_557 = tpu.vector_load %arg7[%get3A_554, %get3A_555, %get3A_556] {strides = array<i32>} : memref<4x800x16xf32, #tpu.memory_space<vmem>>, vector<1x1x16xf32>,
        %get3A_558 = vector.shape_cast %get3A_557 : vector<1x1x16xf32> to vector<16xf32>
        %mul3A_559 = arith.constant 2 : i32
        %mul3A_560 = arith.muli %scan3A_149, %mul3A_559 : i32
        %mul3A_561 = arith.constant 50 : i32
        %mul3A_562 = arith.muli %mul3A_560, %mul3A_561 : i32
        %add3A_563 = arith.constant 0 : i32
        %add3A_564 = arith.addi %mul3A_562, %add3A_563 : i32
        %add3A_565 = arith.constant 29 : i32
        %add3A_566 = arith.addi %add3A_564, %add3A_565 : i32
        %get3A_567 = arith.constant 3 : i32
        %get3A_568 = arith.index_cast %get3A_567 : i32 to index
        %get3A_569 = arith.index_cast %add3A_566 : i32 to index
        %get3A_570 = arith.constant 0 : index
        %get3A_571 = tpu.vector_load %arg7[%get3A_568, %get3A_569, %get3A_570] {strides = array<i32>} : memref<4x800x16xf32, #tpu.memory_space<vmem>>, vector<1x1x16xf32>,
        %get3A_572 = vector.shape_cast %get3A_571 : vector<1x1x16xf32> to vector<16xf32>
        %mul3A_573 = arith.constant 2 : i32
        %mul3A_574 = arith.muli %scan3A_149, %mul3A_573 : i32
        %mul3A_575 = arith.constant 50 : i32
        %mul3A_576 = arith.muli %mul3A_574, %mul3A_575 : i32
        %add3A_577 = arith.constant 0 : i32
        %add3A_578 = arith.addi %mul3A_576, %add3A_577 : i32
        %add3A_579 = arith.constant 30 : i32
        %add3A_580 = arith.addi %add3A_578, %add3A_579 : i32
        %get3A_581 = arith.constant 3 : i32
        %get3A_582 = arith.index_cast %get3A_581 : i32 to index
        %get3A_583 = arith.index_cast %add3A_580 : i32 to index
        %get3A_584 = arith.constant 0 : index
        %get3A_585 = tpu.vector_load %arg7[%get3A_582, %get3A_583, %get3A_584] {strides = array<i32>} : memref<4x800x16xf32, #tpu.memory_space<vmem>>, vector<1x1x16xf32>,
        %get3A_586 = vector.shape_cast %get3A_585 : vector<1x1x16xf32> to vector<16xf32>
        %mul3A_587 = arith.constant 2 : i32
        %mul3A_588 = arith.muli %scan3A_149, %mul3A_587 : i32
        %mul3A_589 = arith.constant 50 : i32
        %mul3A_590 = arith.muli %mul3A_588, %mul3A_589 : i32
        %add3A_591 = arith.constant 0 : i32
        %add3A_592 = arith.addi %mul3A_590, %add3A_591 : i32
        %add3A_593 = arith.constant 31 : i32
        %add3A_594 = arith.addi %add3A_592, %add3A_593 : i32
        %get3A_595 = arith.constant 3 : i32
        %get3A_596 = arith.index_cast %get3A_595 : i32 to index
        %get3A_597 = arith.index_cast %add3A_594 : i32 to index
        %get3A_598 = arith.constant 0 : index
        %get3A_599 = tpu.vector_load %arg7[%get3A_596, %get3A_597, %get3A_598] {strides = array<i32>} : memref<4x800x16xf32, #tpu.memory_space<vmem>>, vector<1x1x16xf32>,
        %get3A_600 = vector.shape_cast %get3A_599 : vector<1x1x16xf32> to vector<16xf32>
        %mul3A_601 = arith.constant 2 : i32
        %mul3A_602 = arith.muli %scan3A_149, %mul3A_601 : i32
        %mul3A_603 = arith.constant 50 : i32
        %mul3A_604 = arith.muli %mul3A_602, %mul3A_603 : i32
        %add3A_605 = arith.constant 0 : i32
        %add3A_606 = arith.addi %mul3A_604, %add3A_605 : i32
        %add3A_607 = arith.constant 32 : i32
        %add3A_608 = arith.addi %add3A_606, %add3A_607 : i32
        %get3A_609 = arith.constant 3 : i32
        %get3A_610 = arith.index_cast %get3A_609 : i32 to index
        %get3A_611 = arith.index_cast %add3A_608 : i32 to index
        %get3A_612 = arith.constant 0 : index
        %get3A_613 = tpu.vector_load %arg7[%get3A_610, %get3A_611, %get3A_612] {strides = array<i32>} : memref<4x800x16xf32, #tpu.memory_space<vmem>>, vector<1x1x16xf32>,
        %get3A_614 = vector.shape_cast %get3A_613 : vector<1x1x16xf32> to vector<16xf32>
        %mul3A_615 = arith.constant 2 : i32
        %mul3A_616 = arith.muli %scan3A_149, %mul3A_615 : i32
        %mul3A_617 = arith.constant 50 : i32
        %mul3A_618 = arith.muli %mul3A_616, %mul3A_617 : i32
        %add3A_619 = arith.constant 0 : i32
        %add3A_620 = arith.addi %mul3A_618, %add3A_619 : i32
        %add3A_621 = arith.constant 33 : i32
        %add3A_622 = arith.addi %add3A_620, %add3A_621 : i32
        %get3A_623 = arith.constant 3 : i32
        %get3A_624 = arith.index_cast %get3A_623 : i32 to index
        %get3A_625 = arith.index_cast %add3A_622 : i32 to index
        %get3A_626 = arith.constant 0 : index
        %get3A_627 = tpu.vector_load %arg7[%get3A_624, %get3A_625, %get3A_626] {strides = array<i32>} : memref<4x800x16xf32, #tpu.memory_space<vmem>>, vector<1x1x16xf32>,
        %get3A_628 = vector.shape_cast %get3A_627 : vector<1x1x16xf32> to vector<16xf32>
        %mul3A_629 = arith.constant 2 : i32
        %mul3A_630 = arith.muli %scan3A_149, %mul3A_629 : i32
        %mul3A_631 = arith.constant 50 : i32
        %mul3A_632 = arith.muli %mul3A_630, %mul3A_631 : i32
        %add3A_633 = arith.constant 0 : i32
        %add3A_634 = arith.addi %mul3A_632, %add3A_633 : i32
        %add3A_635 = arith.constant 34 : i32
        %add3A_636 = arith.addi %add3A_634, %add3A_635 : i32
        %get3A_637 = arith.constant 3 : i32
        %get3A_638 = arith.index_cast %get3A_637 : i32 to index
        %get3A_639 = arith.index_cast %add3A_636 : i32 to index
        %get3A_640 = arith.constant 0 : index
        %get3A_641 = tpu.vector_load %arg7[%get3A_638, %get3A_639, %get3A_640] {strides = array<i32>} : memref<4x800x16xf32, #tpu.memory_space<vmem>>, vector<1x1x16xf32>,
        %get3A_642 = vector.shape_cast %get3A_641 : vector<1x1x16xf32> to vector<16xf32>
        %mul3A_643 = arith.constant 2 : i32
        %mul3A_644 = arith.muli %scan3A_149, %mul3A_643 : i32
        %mul3A_645 = arith.constant 50 : i32
        %mul3A_646 = arith.muli %mul3A_644, %mul3A_645 : i32
        %add3A_647 = arith.constant 0 : i32
        %add3A_648 = arith.addi %mul3A_646, %add3A_647 : i32
        %add3A_649 = arith.constant 35 : i32
        %add3A_650 = arith.addi %add3A_648, %add3A_649 : i32
        %get3A_651 = arith.constant 3 : i32
        %get3A_652 = arith.index_cast %get3A_651 : i32 to index
        %get3A_653 = arith.index_cast %add3A_650 : i32 to index
        %get3A_654 = arith.constant 0 : index
        %get3A_655 = tpu.vector_load %arg7[%get3A_652, %get3A_653, %get3A_654] {strides = array<i32>} : memref<4x800x16xf32, #tpu.memory_space<vmem>>, vector<1x1x16xf32>,
        %get3A_656 = vector.shape_cast %get3A_655 : vector<1x1x16xf32> to vector<16xf32>
        %mul3A_657 = arith.constant 2 : i32
        %mul3A_658 = arith.muli %scan3A_149, %mul3A_657 : i32
        %mul3A_659 = arith.constant 50 : i32
        %mul3A_660 = arith.muli %mul3A_658, %mul3A_659 : i32
        %add3A_661 = arith.constant 0 : i32
        %add3A_662 = arith.addi %mul3A_660, %add3A_661 : i32
        %add3A_663 = arith.constant 36 : i32
        %add3A_664 = arith.addi %add3A_662, %add3A_663 : i32
        %get3A_665 = arith.constant 3 : i32
        %get3A_666 = arith.index_cast %get3A_665 : i32 to index
        %get3A_667 = arith.index_cast %add3A_664 : i32 to index
        %get3A_668 = arith.constant 0 : index
        %get3A_669 = tpu.vector_load %arg7[%get3A_666, %get3A_667, %get3A_668] {strides = array<i32>} : memref<4x800x16xf32, #tpu.memory_space<vmem>>, vector<1x1x16xf32>,
        %get3A_670 = vector.shape_cast %get3A_669 : vector<1x1x16xf32> to vector<16xf32>
        %mul3A_671 = arith.constant 2 : i32
        %mul3A_672 = arith.muli %scan3A_149, %mul3A_671 : i32
        %mul3A_673 = arith.constant 50 : i32
        %mul3A_674 = arith.muli %mul3A_672, %mul3A_673 : i32
        %add3A_675 = arith.constant 0 : i32
        %add3A_676 = arith.addi %mul3A_674, %add3A_675 : i32
        %add3A_677 = arith.constant 37 : i32
        %add3A_678 = arith.addi %add3A_676, %add3A_677 : i32
        %get3A_679 = arith.constant 3 : i32
        %get3A_680 = arith.index_cast %get3A_679 : i32 to index
        %get3A_681 = arith.index_cast %add3A_678 : i32 to index
        %get3A_682 = arith.constant 0 : index
        %get3A_683 = tpu.vector_load %arg7[%get3A_680, %get3A_681, %get3A_682] {strides = array<i32>} : memref<4x800x16xf32, #tpu.memory_space<vmem>>, vector<1x1x16xf32>,
        %get3A_684 = vector.shape_cast %get3A_683 : vector<1x1x16xf32> to vector<16xf32>
        %mul3A_685 = arith.constant 2 : i32
        %mul3A_686 = arith.muli %scan3A_149, %mul3A_685 : i32
        %mul3A_687 = arith.constant 50 : i32
        %mul3A_688 = arith.muli %mul3A_686, %mul3A_687 : i32
        %add3A_689 = arith.constant 0 : i32
        %add3A_690 = arith.addi %mul3A_688, %add3A_689 : i32
        %add3A_691 = arith.constant 38 : i32
        %add3A_692 = arith.addi %add3A_690, %add3A_691 : i32
        %get3A_693 = arith.constant 3 : i32
        %get3A_694 = arith.index_cast %get3A_693 : i32 to index
        %get3A_695 = arith.index_cast %add3A_692 : i32 to index
        %get3A_696 = arith.constant 0 : index
        %get3A_697 = tpu.vector_load %arg7[%get3A_694, %get3A_695, %get3A_696] {strides = array<i32>} : memref<4x800x16xf32, #tpu.memory_space<vmem>>, vector<1x1x16xf32>,
        %get3A_698 = vector.shape_cast %get3A_697 : vector<1x1x16xf32> to vector<16xf32>
        %mul3A_699 = arith.constant 2 : i32
        %mul3A_700 = arith.muli %scan3A_149, %mul3A_699 : i32
        %mul3A_701 = arith.constant 50 : i32
        %mul3A_702 = arith.muli %mul3A_700, %mul3A_701 : i32
        %add3A_703 = arith.constant 0 : i32
        %add3A_704 = arith.addi %mul3A_702, %add3A_703 : i32
        %add3A_705 = arith.constant 39 : i32
        %add3A_706 = arith.addi %add3A_704, %add3A_705 : i32
        %get3A_707 = arith.constant 3 : i32
        %get3A_708 = arith.index_cast %get3A_707 : i32 to index
        %get3A_709 = arith.index_cast %add3A_706 : i32 to index
        %get3A_710 = arith.constant 0 : index
        %get3A_711 = tpu.vector_load %arg7[%get3A_708, %get3A_709, %get3A_710] {strides = array<i32>} : memref<4x800x16xf32, #tpu.memory_space<vmem>>, vector<1x1x16xf32>,
        %get3A_712 = vector.shape_cast %get3A_711 : vector<1x1x16xf32> to vector<16xf32>
        %mul3A_713 = arith.constant 2 : i32
        %mul3A_714 = arith.muli %scan3A_149, %mul3A_713 : i32
        %mul3A_715 = arith.constant 50 : i32
        %mul3A_716 = arith.muli %mul3A_714, %mul3A_715 : i32
        %add3A_717 = arith.constant 0 : i32
        %add3A_718 = arith.addi %mul3A_716, %add3A_717 : i32
        %add3A_719 = arith.constant 40 : i32
        %add3A_720 = arith.addi %add3A_718, %add3A_719 : i32
        %get3A_721 = arith.constant 3 : i32
        %get3A_722 = arith.index_cast %get3A_721 : i32 to index
        %get3A_723 = arith.index_cast %add3A_720 : i32 to index
        %get3A_724 = arith.constant 0 : index
        %get3A_725 = tpu.vector_load %arg7[%get3A_722, %get3A_723, %get3A_724] {strides = array<i32>} : memref<4x800x16xf32, #tpu.memory_space<vmem>>, vector<1x1x16xf32>,
        %get3A_726 = vector.shape_cast %get3A_725 : vector<1x1x16xf32> to vector<16xf32>
        %mul3A_727 = arith.constant 2 : i32
        %mul3A_728 = arith.muli %scan3A_149, %mul3A_727 : i32
        %mul3A_729 = arith.constant 50 : i32
        %mul3A_730 = arith.muli %mul3A_728, %mul3A_729 : i32
        %add3A_731 = arith.constant 0 : i32
        %add3A_732 = arith.addi %mul3A_730, %add3A_731 : i32
        %add3A_733 = arith.constant 41 : i32
        %add3A_734 = arith.addi %add3A_732, %add3A_733 : i32
        %get3A_735 = arith.constant 3 : i32
        %get3A_736 = arith.index_cast %get3A_735 : i32 to index
        %get3A_737 = arith.index_cast %add3A_734 : i32 to index
        %get3A_738 = arith.constant 0 : index
        %get3A_739 = tpu.vector_load %arg7[%get3A_736, %get3A_737, %get3A_738] {strides = array<i32>} : memref<4x800x16xf32, #tpu.memory_space<vmem>>, vector<1x1x16xf32>,
        %get3A_740 = vector.shape_cast %get3A_739 : vector<1x1x16xf32> to vector<16xf32>
        %mul3A_741 = arith.constant 2 : i32
        %mul3A_742 = arith.muli %scan3A_149, %mul3A_741 : i32
        %mul3A_743 = arith.constant 50 : i32
        %mul3A_744 = arith.muli %mul3A_742, %mul3A_743 : i32
        %add3A_745 = arith.constant 0 : i32
        %add3A_746 = arith.addi %mul3A_744, %add3A_745 : i32
        %add3A_747 = arith.constant 42 : i32
        %add3A_748 = arith.addi %add3A_746, %add3A_747 : i32
        %get3A_749 = arith.constant 3 : i32
        %get3A_750 = arith.index_cast %get3A_749 : i32 to index
        %get3A_751 = arith.index_cast %add3A_748 : i32 to index
        %get3A_752 = arith.constant 0 : index
        %get3A_753 = tpu.vector_load %arg7[%get3A_750, %get3A_751, %get3A_752] {strides = array<i32>} : memref<4x800x16xf32, #tpu.memory_space<vmem>>, vector<1x1x16xf32>,
        %get3A_754 = vector.shape_cast %get3A_753 : vector<1x1x16xf32> to vector<16xf32>
        %mul3A_755 = arith.constant 2 : i32
        %mul3A_756 = arith.muli %scan3A_149, %mul3A_755 : i32
        %mul3A_757 = arith.constant 50 : i32
        %mul3A_758 = arith.muli %mul3A_756, %mul3A_757 : i32
        %add3A_759 = arith.constant 0 : i32
        %add3A_760 = arith.addi %mul3A_758, %add3A_759 : i32
        %add3A_761 = arith.constant 43 : i32
        %add3A_762 = arith.addi %add3A_760, %add3A_761 : i32
        %get3A_763 = arith.constant 3 : i32
        %get3A_764 = arith.index_cast %get3A_763 : i32 to index
        %get3A_765 = arith.index_cast %add3A_762 : i32 to index
        %get3A_766 = arith.constant 0 : index
        %get3A_767 = tpu.vector_load %arg7[%get3A_764, %get3A_765, %get3A_766] {strides = array<i32>} : memref<4x800x16xf32, #tpu.memory_space<vmem>>, vector<1x1x16xf32>,
        %get3A_768 = vector.shape_cast %get3A_767 : vector<1x1x16xf32> to vector<16xf32>
        %mul3A_769 = arith.constant 2 : i32
        %mul3A_770 = arith.muli %scan3A_149, %mul3A_769 : i32
        %mul3A_771 = arith.constant 50 : i32
        %mul3A_772 = arith.muli %mul3A_770, %mul3A_771 : i32
        %add3A_773 = arith.constant 0 : i32
        %add3A_774 = arith.addi %mul3A_772, %add3A_773 : i32
        %add3A_775 = arith.constant 44 : i32
        %add3A_776 = arith.addi %add3A_774, %add3A_775 : i32
        %get3A_777 = arith.constant 3 : i32
        %get3A_778 = arith.index_cast %get3A_777 : i32 to index
        %get3A_779 = arith.index_cast %add3A_776 : i32 to index
        %get3A_780 = arith.constant 0 : index
        %get3A_781 = tpu.vector_load %arg7[%get3A_778, %get3A_779, %get3A_780] {strides = array<i32>} : memref<4x800x16xf32, #tpu.memory_space<vmem>>, vector<1x1x16xf32>,
        %get3A_782 = vector.shape_cast %get3A_781 : vector<1x1x16xf32> to vector<16xf32>
        %mul3A_783 = arith.constant 2 : i32
        %mul3A_784 = arith.muli %scan3A_149, %mul3A_783 : i32
        %mul3A_785 = arith.constant 50 : i32
        %mul3A_786 = arith.muli %mul3A_784, %mul3A_785 : i32
        %add3A_787 = arith.constant 0 : i32
        %add3A_788 = arith.addi %mul3A_786, %add3A_787 : i32
        %add3A_789 = arith.constant 45 : i32
        %add3A_790 = arith.addi %add3A_788, %add3A_789 : i32
        %get3A_791 = arith.constant 3 : i32
        %get3A_792 = arith.index_cast %get3A_791 : i32 to index
        %get3A_793 = arith.index_cast %add3A_790 : i32 to index
        %get3A_794 = arith.constant 0 : index
        %get3A_795 = tpu.vector_load %arg7[%get3A_792, %get3A_793, %get3A_794] {strides = array<i32>} : memref<4x800x16xf32, #tpu.memory_space<vmem>>, vector<1x1x16xf32>,
        %get3A_796 = vector.shape_cast %get3A_795 : vector<1x1x16xf32> to vector<16xf32>
        %mul3A_797 = arith.constant 2 : i32
        %mul3A_798 = arith.muli %scan3A_149, %mul3A_797 : i32
        %mul3A_799 = arith.constant 50 : i32
        %mul3A_800 = arith.muli %mul3A_798, %mul3A_799 : i32
        %add3A_801 = arith.constant 0 : i32
        %add3A_802 = arith.addi %mul3A_800, %add3A_801 : i32
        %add3A_803 = arith.constant 46 : i32
        %add3A_804 = arith.addi %add3A_802, %add3A_803 : i32
        %get3A_805 = arith.constant 3 : i32
        %get3A_806 = arith.index_cast %get3A_805 : i32 to index
        %get3A_807 = arith.index_cast %add3A_804 : i32 to index
        %get3A_808 = arith.constant 0 : index
        %get3A_809 = tpu.vector_load %arg7[%get3A_806, %get3A_807, %get3A_808] {strides = array<i32>} : memref<4x800x16xf32, #tpu.memory_space<vmem>>, vector<1x1x16xf32>,
        %get3A_810 = vector.shape_cast %get3A_809 : vector<1x1x16xf32> to vector<16xf32>
        %mul3A_811 = arith.constant 2 : i32
        %mul3A_812 = arith.muli %scan3A_149, %mul3A_811 : i32
        %mul3A_813 = arith.constant 50 : i32
        %mul3A_814 = arith.muli %mul3A_812, %mul3A_813 : i32
        %add3A_815 = arith.constant 0 : i32
        %add3A_816 = arith.addi %mul3A_814, %add3A_815 : i32
        %add3A_817 = arith.constant 47 : i32
        %add3A_818 = arith.addi %add3A_816, %add3A_817 : i32
        %get3A_819 = arith.constant 3 : i32
        %get3A_820 = arith.index_cast %get3A_819 : i32 to index
        %get3A_821 = arith.index_cast %add3A_818 : i32 to index
        %get3A_822 = arith.constant 0 : index
        %get3A_823 = tpu.vector_load %arg7[%get3A_820, %get3A_821, %get3A_822] {strides = array<i32>} : memref<4x800x16xf32, #tpu.memory_space<vmem>>, vector<1x1x16xf32>,
        %get3A_824 = vector.shape_cast %get3A_823 : vector<1x1x16xf32> to vector<16xf32>
        %mul3A_825 = arith.constant 2 : i32
        %mul3A_826 = arith.muli %scan3A_149, %mul3A_825 : i32
        %mul3A_827 = arith.constant 50 : i32
        %mul3A_828 = arith.muli %mul3A_826, %mul3A_827 : i32
        %add3A_829 = arith.constant 0 : i32
        %add3A_830 = arith.addi %mul3A_828, %add3A_829 : i32
        %add3A_831 = arith.constant 48 : i32
        %add3A_832 = arith.addi %add3A_830, %add3A_831 : i32
        %get3A_833 = arith.constant 3 : i32
        %get3A_834 = arith.index_cast %get3A_833 : i32 to index
        %get3A_835 = arith.index_cast %add3A_832 : i32 to index
        %get3A_836 = arith.constant 0 : index
        %get3A_837 = tpu.vector_load %arg7[%get3A_834, %get3A_835, %get3A_836] {strides = array<i32>} : memref<4x800x16xf32, #tpu.memory_space<vmem>>, vector<1x1x16xf32>,
        %get3A_838 = vector.shape_cast %get3A_837 : vector<1x1x16xf32> to vector<16xf32>
        %mul3A_839 = arith.constant 2 : i32
        %mul3A_840 = arith.muli %scan3A_149, %mul3A_839 : i32
        %mul3A_841 = arith.constant 50 : i32
        %mul3A_842 = arith.muli %mul3A_840, %mul3A_841 : i32
        %add3A_843 = arith.constant 0 : i32
        %add3A_844 = arith.addi %mul3A_842, %add3A_843 : i32
        %add3A_845 = arith.constant 49 : i32
        %add3A_846 = arith.addi %add3A_844, %add3A_845 : i32
        %get3A_847 = arith.constant 3 : i32
        %get3A_848 = arith.index_cast %get3A_847 : i32 to index
        %get3A_849 = arith.index_cast %add3A_846 : i32 to index
        %get3A_850 = arith.constant 0 : index
        %get3A_851 = tpu.vector_load %arg7[%get3A_848, %get3A_849, %get3A_850] {strides = array<i32>} : memref<4x800x16xf32, #tpu.memory_space<vmem>>, vector<1x1x16xf32>,
        %get3A_852 = vector.shape_cast %get3A_851 : vector<1x1x16xf32> to vector<16xf32>
        %add3A_853 = arith.addf %get3A_166, %get3A_180 : vector<16xf32>
        %add3A_854 = arith.addf %get3A_194, %get3A_208 : vector<16xf32>
        %add3A_855 = arith.addf %get3A_222, %get3A_236 : vector<16xf32>
        %add3A_856 = arith.addf %get3A_250, %get3A_264 : vector<16xf32>
        %add3A_857 = arith.addf %get3A_278, %get3A_292 : vector<16xf32>
        %add3A_858 = arith.addf %get3A_306, %get3A_320 : vector<16xf32>
        %add3A_859 = arith.addf %get3A_334, %get3A_348 : vector<16xf32>
        %add3A_860 = arith.addf %get3A_362, %get3A_376 : vector<16xf32>
        %add3A_861 = arith.addf %get3A_390, %get3A_404 : vector<16xf32>
        %add3A_862 = arith.addf %get3A_418, %get3A_432 : vector<16xf32>
        %add3A_863 = arith.addf %get3A_446, %get3A_460 : vector<16xf32>
        %add3A_864 = arith.addf %get3A_474, %get3A_488 : vector<16xf32>
        %add3A_865 = arith.addf %get3A_502, %get3A_516 : vector<16xf32>
        %add3A_866 = arith.addf %get3A_530, %get3A_544 : vector<16xf32>
        %add3A_867 = arith.addf %get3A_558, %get3A_572 : vector<16xf32>
        %add3A_868 = arith.addf %get3A_586, %get3A_600 : vector<16xf32>
        %add3A_869 = arith.addf %get3A_614, %get3A_628 : vector<16xf32>
        %add3A_870 = arith.addf %get3A_642, %get3A_656 : vector<16xf32>
        %add3A_871 = arith.addf %get3A_670, %get3A_684 : vector<16xf32>
        %add3A_872 = arith.addf %get3A_698, %get3A_712 : vector<16xf32>
        %add3A_873 = arith.addf %get3A_726, %get3A_740 : vector<16xf32>
        %add3A_874 = arith.addf %get3A_754, %get3A_768 : vector<16xf32>
        %add3A_875 = arith.addf %get3A_782, %get3A_796 : vector<16xf32>
        %add3A_876 = arith.addf %get3A_810, %get3A_824 : vector<16xf32>
        %add3A_877 = arith.addf %get3A_838, %get3A_852 : vector<16xf32>
        %add3A_878 = arith.addf %add3A_853, %add3A_854 : vector<16xf32>
        %add3A_879 = arith.addf %add3A_855, %add3A_856 : vector<16xf32>
        %add3A_880 = arith.addf %add3A_857, %add3A_858 : vector<16xf32>
        %add3A_881 = arith.addf %add3A_859, %add3A_860 : vector<16xf32>
        %add3A_882 = arith.addf %add3A_861, %add3A_862 : vector<16xf32>
        %add3A_883 = arith.addf %add3A_863, %add3A_864 : vector<16xf32>
        %add3A_884 = arith.addf %add3A_865, %add3A_866 : vector<16xf32>
        %add3A_885 = arith.addf %add3A_867, %add3A_868 : vector<16xf32>
        %add3A_886 = arith.addf %add3A_869, %add3A_870 : vector<16xf32>
        %add3A_887 = arith.addf %add3A_871, %add3A_872 : vector<16xf32>
        %add3A_888 = arith.addf %add3A_873, %add3A_874 : vector<16xf32>
        %add3A_889 = arith.addf %add3A_875, %add3A_876 : vector<16xf32>
        %add3A_890 = arith.addf %add3A_877, %get3A_4 : vector<16xf32>
        %add3A_891 = arith.addf %add3A_878, %add3A_879 : vector<16xf32>
        %add3A_892 = arith.addf %add3A_880, %add3A_881 : vector<16xf32>
        %add3A_893 = arith.addf %add3A_882, %add3A_883 : vector<16xf32>
        %add3A_894 = arith.addf %add3A_884, %add3A_885 : vector<16xf32>
        %add3A_895 = arith.addf %add3A_886, %add3A_887 : vector<16xf32>
        %add3A_896 = arith.addf %add3A_888, %add3A_889 : vector<16xf32>
        %add3A_897 = arith.addf %add3A_891, %add3A_892 : vector<16xf32>
        %add3A_898 = arith.addf %add3A_893, %add3A_894 : vector<16xf32>
        %add3A_899 = arith.addf %add3A_895, %add3A_896 : vector<16xf32>
        %add3A_900 = arith.addf %add3A_897, %add3A_898 : vector<16xf32>
        %add3A_901 = arith.addf %add3A_899, %add3A_890 : vector<16xf32>
        %add3A_902 = arith.addf %add3A_900, %add3A_901 : vector<16xf32>
        %mul3A_903 = arith.constant 2 : i32
        %mul3A_904 = arith.muli %add3A_152, %mul3A_903 : i32
        %add3A_905 = arith.constant 0 : i32
        %add3A_906 = arith.addi %mul3A_904, %add3A_905 : i32
        %swap3A = arith.index_cast %add3A_906 : i32 to index
        %swap3A_907 = arith.constant 0 : index
        %swap3A_908 = tpu.vector_load %arg8[%swap3A, %swap3A_907] {strides = array<i32>} : memref<512x16xf32, #tpu.memory_space<vmem>>, vector<1x16xf32>,
        %swap3A_909 = vector.shape_cast %swap3A_908 : vector<1x16xf32> to vector<16xf32>
        %swap3A_910 = vector.shape_cast %add3A_902 : vector<16xf32> to vector<1x16xf32>
        tpu.vector_store %arg8[%swap3A, %swap3A_907], %swap3A_910 {strides = array<i32>} : memref<512x16xf32, #tpu.memory_space<vmem>>, vector<1x16xf32>,
        %mul3A_911 = arith.constant 2 : i32
        %mul3A_912 = arith.muli %scan3A_149, %mul3A_911 : i32
        %mul3A_913 = arith.constant 50 : i32
        %mul3A_914 = arith.muli %mul3A_912, %mul3A_913 : i32
        %add3A_915 = arith.constant 50 : i32
        %add3A_916 = arith.addi %mul3A_914, %add3A_915 : i32
        %add3A_917 = arith.constant 0 : i32
        %add3A_918 = arith.addi %add3A_916, %add3A_917 : i32
        %get3A_919 = arith.constant 3 : i32
        %get3A_920 = arith.index_cast %get3A_919 : i32 to index
        %get3A_921 = arith.index_cast %add3A_918 : i32 to index
        %get3A_922 = arith.constant 0 : index
        %get3A_923 = tpu.vector_load %arg7[%get3A_920, %get3A_921, %get3A_922] {strides = array<i32>} : memref<4x800x16xf32, #tpu.memory_space<vmem>>, vector<1x1x16xf32>,
        %get3A_924 = vector.shape_cast %get3A_923 : vector<1x1x16xf32> to vector<16xf32>
        %mul3A_925 = arith.constant 2 : i32
        %mul3A_926 = arith.muli %scan3A_149, %mul3A_925 : i32
        %mul3A_927 = arith.constant 50 : i32
        %mul3A_928 = arith.muli %mul3A_926, %mul3A_927 : i32
        %add3A_929 = arith.constant 50 : i32
        %add3A_930 = arith.addi %mul3A_928, %add3A_929 : i32
        %add3A_931 = arith.constant 1 : i32
        %add3A_932 = arith.addi %add3A_930, %add3A_931 : i32
        %get3A_933 = arith.constant 3 : i32
        %get3A_934 = arith.index_cast %get3A_933 : i32 to index
        %get3A_935 = arith.index_cast %add3A_932 : i32 to index
        %get3A_936 = arith.constant 0 : index
        %get3A_937 = tpu.vector_load %arg7[%get3A_934, %get3A_935, %get3A_936] {strides = array<i32>} : memref<4x800x16xf32, #tpu.memory_space<vmem>>, vector<1x1x16xf32>,
        %get3A_938 = vector.shape_cast %get3A_937 : vector<1x1x16xf32> to vector<16xf32>
        %mul3A_939 = arith.constant 2 : i32
        %mul3A_940 = arith.muli %scan3A_149, %mul3A_939 : i32
        %mul3A_941 = arith.constant 50 : i32
        %mul3A_942 = arith.muli %mul3A_940, %mul3A_941 : i32
        %add3A_943 = arith.constant 50 : i32
        %add3A_944 = arith.addi %mul3A_942, %add3A_943 : i32
        %add3A_945 = arith.constant 2 : i32
        %add3A_946 = arith.addi %add3A_944, %add3A_945 : i32
        %get3A_947 = arith.constant 3 : i32
        %get3A_948 = arith.index_cast %get3A_947 : i32 to index
        %get3A_949 = arith.index_cast %add3A_946 : i32 to index
        %get3A_950 = arith.constant 0 : index
        %get3A_951 = tpu.vector_load %arg7[%get3A_948, %get3A_949, %get3A_950] {strides = array<i32>} : memref<4x800x16xf32, #tpu.memory_space<vmem>>, vector<1x1x16xf32>,
        %get3A_952 = vector.shape_cast %get3A_951 : vector<1x1x16xf32> to vector<16xf32>
        %mul3A_953 = arith.constant 2 : i32
        %mul3A_954 = arith.muli %scan3A_149, %mul3A_953 : i32
        %mul3A_955 = arith.constant 50 : i32
        %mul3A_956 = arith.muli %mul3A_954, %mul3A_955 : i32
        %add3A_957 = arith.constant 50 : i32
        %add3A_958 = arith.addi %mul3A_956, %add3A_957 : i32
        %add3A_959 = arith.constant 3 : i32
        %add3A_960 = arith.addi %add3A_958, %add3A_959 : i32
        %get3A_961 = arith.constant 3 : i32
        %get3A_962 = arith.index_cast %get3A_961 : i32 to index
        %get3A_963 = arith.index_cast %add3A_960 : i32 to index
        %get3A_964 = arith.constant 0 : index
        %get3A_965 = tpu.vector_load %arg7[%get3A_962, %get3A_963, %get3A_964] {strides = array<i32>} : memref<4x800x16xf32, #tpu.memory_space<vmem>>, vector<1x1x16xf32>,
        %get3A_966 = vector.shape_cast %get3A_965 : vector<1x1x16xf32> to vector<16xf32>
        %mul3A_967 = arith.constant 2 : i32
        %mul3A_968 = arith.muli %scan3A_149, %mul3A_967 : i32
        %mul3A_969 = arith.constant 50 : i32
        %mul3A_970 = arith.muli %mul3A_968, %mul3A_969 : i32
        %add3A_971 = arith.constant 50 : i32
        %add3A_972 = arith.addi %mul3A_970, %add3A_971 : i32
        %add3A_973 = arith.constant 4 : i32
        %add3A_974 = arith.addi %add3A_972, %add3A_973 : i32
        %get3A_975 = arith.constant 3 : i32
        %get3A_976 = arith.index_cast %get3A_975 : i32 to index
        %get3A_977 = arith.index_cast %add3A_974 : i32 to index
        %get3A_978 = arith.constant 0 : index
        %get3A_979 = tpu.vector_load %arg7[%get3A_976, %get3A_977, %get3A_978] {strides = array<i32>} : memref<4x800x16xf32, #tpu.memory_space<vmem>>, vector<1x1x16xf32>,
        %get3A_980 = vector.shape_cast %get3A_979 : vector<1x1x16xf32> to vector<16xf32>
        %mul3A_981 = arith.constant 2 : i32
        %mul3A_982 = arith.muli %scan3A_149, %mul3A_981 : i32
        %mul3A_983 = arith.constant 50 : i32
        %mul3A_984 = arith.muli %mul3A_982, %mul3A_983 : i32
        %add3A_985 = arith.constant 50 : i32
        %add3A_986 = arith.addi %mul3A_984, %add3A_985 : i32
        %add3A_987 = arith.constant 5 : i32
        %add3A_988 = arith.addi %add3A_986, %add3A_987 : i32
        %get3A_989 = arith.constant 3 : i32
        %get3A_990 = arith.index_cast %get3A_989 : i32 to index
        %get3A_991 = arith.index_cast %add3A_988 : i32 to index
        %get3A_992 = arith.constant 0 : index
        %get3A_993 = tpu.vector_load %arg7[%get3A_990, %get3A_991, %get3A_992] {strides = array<i32>} : memref<4x800x16xf32, #tpu.memory_space<vmem>>, vector<1x1x16xf32>,
        %get3A_994 = vector.shape_cast %get3A_993 : vector<1x1x16xf32> to vector<16xf32>
        %mul3A_995 = arith.constant 2 : i32
        %mul3A_996 = arith.muli %scan3A_149, %mul3A_995 : i32
        %mul3A_997 = arith.constant 50 : i32
        %mul3A_998 = arith.muli %mul3A_996, %mul3A_997 : i32
        %add3A_999 = arith.constant 50 : i32
        %add3A_1000 = arith.addi %mul3A_998, %add3A_999 : i32
        %add3A_1001 = arith.constant 6 : i32
        %add3A_1002 = arith.addi %add3A_1000, %add3A_1001 : i32
        %get3A_1003 = arith.constant 3 : i32
        %get3A_1004 = arith.index_cast %get3A_1003 : i32 to index
        %get3A_1005 = arith.index_cast %add3A_1002 : i32 to index
        %get3A_1006 = arith.constant 0 : index
        %get3A_1007 = tpu.vector_load %arg7[%get3A_1004, %get3A_1005, %get3A_1006] {strides = array<i32>} : memref<4x800x16xf32, #tpu.memory_space<vmem>>, vector<1x1x16xf32>,
        %get3A_1008 = vector.shape_cast %get3A_1007 : vector<1x1x16xf32> to vector<16xf32>
        %mul3A_1009 = arith.constant 2 : i32
        %mul3A_1010 = arith.muli %scan3A_149, %mul3A_1009 : i32
        %mul3A_1011 = arith.constant 50 : i32
        %mul3A_1012 = arith.muli %mul3A_1010, %mul3A_1011 : i32
        %add3A_1013 = arith.constant 50 : i32
        %add3A_1014 = arith.addi %mul3A_1012, %add3A_1013 : i32
        %add3A_1015 = arith.constant 7 : i32
        %add3A_1016 = arith.addi %add3A_1014, %add3A_1015 : i32
        %get3A_1017 = arith.constant 3 : i32
        %get3A_1018 = arith.index_cast %get3A_1017 : i32 to index
        %get3A_1019 = arith.index_cast %add3A_1016 : i32 to index
        %get3A_1020 = arith.constant 0 : index
        %get3A_1021 = tpu.vector_load %arg7[%get3A_1018, %get3A_1019, %get3A_1020] {strides = array<i32>} : memref<4x800x16xf32, #tpu.memory_space<vmem>>, vector<1x1x16xf32>,
        %get3A_1022 = vector.shape_cast %get3A_1021 : vector<1x1x16xf32> to vector<16xf32>
        %mul3A_1023 = arith.constant 2 : i32
        %mul3A_1024 = arith.muli %scan3A_149, %mul3A_1023 : i32
        %mul3A_1025 = arith.constant 50 : i32
        %mul3A_1026 = arith.muli %mul3A_1024, %mul3A_1025 : i32
        %add3A_1027 = arith.constant 50 : i32
        %add3A_1028 = arith.addi %mul3A_1026, %add3A_1027 : i32
        %add3A_1029 = arith.constant 8 : i32
        %add3A_1030 = arith.addi %add3A_1028, %add3A_1029 : i32
        %get3A_1031 = arith.constant 3 : i32
        %get3A_1032 = arith.index_cast %get3A_1031 : i32 to index
        %get3A_1033 = arith.index_cast %add3A_1030 : i32 to index
        %get3A_1034 = arith.constant 0 : index
        %get3A_1035 = tpu.vector_load %arg7[%get3A_1032, %get3A_1033, %get3A_1034] {strides = array<i32>} : memref<4x800x16xf32, #tpu.memory_space<vmem>>, vector<1x1x16xf32>,
        %get3A_1036 = vector.shape_cast %get3A_1035 : vector<1x1x16xf32> to vector<16xf32>
        %mul3A_1037 = arith.constant 2 : i32
        %mul3A_1038 = arith.muli %scan3A_149, %mul3A_1037 : i32
        %mul3A_1039 = arith.constant 50 : i32
        %mul3A_1040 = arith.muli %mul3A_1038, %mul3A_1039 : i32
        %add3A_1041 = arith.constant 50 : i32
        %add3A_1042 = arith.addi %mul3A_1040, %add3A_1041 : i32
        %add3A_1043 = arith.constant 9 : i32
        %add3A_1044 = arith.addi %add3A_1042, %add3A_1043 : i32
        %get3A_1045 = arith.constant 3 : i32
        %get3A_1046 = arith.index_cast %get3A_1045 : i32 to index
        %get3A_1047 = arith.index_cast %add3A_1044 : i32 to index
        %get3A_1048 = arith.constant 0 : index
        %get3A_1049 = tpu.vector_load %arg7[%get3A_1046, %get3A_1047, %get3A_1048] {strides = array<i32>} : memref<4x800x16xf32, #tpu.memory_space<vmem>>, vector<1x1x16xf32>,
        %get3A_1050 = vector.shape_cast %get3A_1049 : vector<1x1x16xf32> to vector<16xf32>
        %mul3A_1051 = arith.constant 2 : i32
        %mul3A_1052 = arith.muli %scan3A_149, %mul3A_1051 : i32
        %mul3A_1053 = arith.constant 50 : i32
        %mul3A_1054 = arith.muli %mul3A_1052, %mul3A_1053 : i32
        %add3A_1055 = arith.constant 50 : i32
        %add3A_1056 = arith.addi %mul3A_1054, %add3A_1055 : i32
        %add3A_1057 = arith.constant 10 : i32
        %add3A_1058 = arith.addi %add3A_1056, %add3A_1057 : i32
        %get3A_1059 = arith.constant 3 : i32
        %get3A_1060 = arith.index_cast %get3A_1059 : i32 to index
        %get3A_1061 = arith.index_cast %add3A_1058 : i32 to index
        %get3A_1062 = arith.constant 0 : index
        %get3A_1063 = tpu.vector_load %arg7[%get3A_1060, %get3A_1061, %get3A_1062] {strides = array<i32>} : memref<4x800x16xf32, #tpu.memory_space<vmem>>, vector<1x1x16xf32>,
        %get3A_1064 = vector.shape_cast %get3A_1063 : vector<1x1x16xf32> to vector<16xf32>
        %mul3A_1065 = arith.constant 2 : i32
        %mul3A_1066 = arith.muli %scan3A_149, %mul3A_1065 : i32
        %mul3A_1067 = arith.constant 50 : i32
        %mul3A_1068 = arith.muli %mul3A_1066, %mul3A_1067 : i32
        %add3A_1069 = arith.constant 50 : i32
        %add3A_1070 = arith.addi %mul3A_1068, %add3A_1069 : i32
        %add3A_1071 = arith.constant 11 : i32
        %add3A_1072 = arith.addi %add3A_1070, %add3A_1071 : i32
        %get3A_1073 = arith.constant 3 : i32
        %get3A_1074 = arith.index_cast %get3A_1073 : i32 to index
        %get3A_1075 = arith.index_cast %add3A_1072 : i32 to index
        %get3A_1076 = arith.constant 0 : index
        %get3A_1077 = tpu.vector_load %arg7[%get3A_1074, %get3A_1075, %get3A_1076] {strides = array<i32>} : memref<4x800x16xf32, #tpu.memory_space<vmem>>, vector<1x1x16xf32>,
        %get3A_1078 = vector.shape_cast %get3A_1077 : vector<1x1x16xf32> to vector<16xf32>
        %mul3A_1079 = arith.constant 2 : i32
        %mul3A_1080 = arith.muli %scan3A_149, %mul3A_1079 : i32
        %mul3A_1081 = arith.constant 50 : i32
        %mul3A_1082 = arith.muli %mul3A_1080, %mul3A_1081 : i32
        %add3A_1083 = arith.constant 50 : i32
        %add3A_1084 = arith.addi %mul3A_1082, %add3A_1083 : i32
        %add3A_1085 = arith.constant 12 : i32
        %add3A_1086 = arith.addi %add3A_1084, %add3A_1085 : i32
        %get3A_1087 = arith.constant 3 : i32
        %get3A_1088 = arith.index_cast %get3A_1087 : i32 to index
        %get3A_1089 = arith.index_cast %add3A_1086 : i32 to index
        %get3A_1090 = arith.constant 0 : index
        %get3A_1091 = tpu.vector_load %arg7[%get3A_1088, %get3A_1089, %get3A_1090] {strides = array<i32>} : memref<4x800x16xf32, #tpu.memory_space<vmem>>, vector<1x1x16xf32>,
        %get3A_1092 = vector.shape_cast %get3A_1091 : vector<1x1x16xf32> to vector<16xf32>
        %mul3A_1093 = arith.constant 2 : i32
        %mul3A_1094 = arith.muli %scan3A_149, %mul3A_1093 : i32
        %mul3A_1095 = arith.constant 50 : i32
        %mul3A_1096 = arith.muli %mul3A_1094, %mul3A_1095 : i32
        %add3A_1097 = arith.constant 50 : i32
        %add3A_1098 = arith.addi %mul3A_1096, %add3A_1097 : i32
        %add3A_1099 = arith.constant 13 : i32
        %add3A_1100 = arith.addi %add3A_1098, %add3A_1099 : i32
        %get3A_1101 = arith.constant 3 : i32
        %get3A_1102 = arith.index_cast %get3A_1101 : i32 to index
        %get3A_1103 = arith.index_cast %add3A_1100 : i32 to index
        %get3A_1104 = arith.constant 0 : index
        %get3A_1105 = tpu.vector_load %arg7[%get3A_1102, %get3A_1103, %get3A_1104] {strides = array<i32>} : memref<4x800x16xf32, #tpu.memory_space<vmem>>, vector<1x1x16xf32>,
        %get3A_1106 = vector.shape_cast %get3A_1105 : vector<1x1x16xf32> to vector<16xf32>
        %mul3A_1107 = arith.constant 2 : i32
        %mul3A_1108 = arith.muli %scan3A_149, %mul3A_1107 : i32
        %mul3A_1109 = arith.constant 50 : i32
        %mul3A_1110 = arith.muli %mul3A_1108, %mul3A_1109 : i32
        %add3A_1111 = arith.constant 50 : i32
        %add3A_1112 = arith.addi %mul3A_1110, %add3A_1111 : i32
        %add3A_1113 = arith.constant 14 : i32
        %add3A_1114 = arith.addi %add3A_1112, %add3A_1113 : i32
        %get3A_1115 = arith.constant 3 : i32
        %get3A_1116 = arith.index_cast %get3A_1115 : i32 to index
        %get3A_1117 = arith.index_cast %add3A_1114 : i32 to index
        %get3A_1118 = arith.constant 0 : index
        %get3A_1119 = tpu.vector_load %arg7[%get3A_1116, %get3A_1117, %get3A_1118] {strides = array<i32>} : memref<4x800x16xf32, #tpu.memory_space<vmem>>, vector<1x1x16xf32>,
        %get3A_1120 = vector.shape_cast %get3A_1119 : vector<1x1x16xf32> to vector<16xf32>
        %mul3A_1121 = arith.constant 2 : i32
        %mul3A_1122 = arith.muli %scan3A_149, %mul3A_1121 : i32
        %mul3A_1123 = arith.constant 50 : i32
        %mul3A_1124 = arith.muli %mul3A_1122, %mul3A_1123 : i32
        %add3A_1125 = arith.constant 50 : i32
        %add3A_1126 = arith.addi %mul3A_1124, %add3A_1125 : i32
        %add3A_1127 = arith.constant 15 : i32
        %add3A_1128 = arith.addi %add3A_1126, %add3A_1127 : i32
        %get3A_1129 = arith.constant 3 : i32
        %get3A_1130 = arith.index_cast %get3A_1129 : i32 to index
        %get3A_1131 = arith.index_cast %add3A_1128 : i32 to index
        %get3A_1132 = arith.constant 0 : index
        %get3A_1133 = tpu.vector_load %arg7[%get3A_1130, %get3A_1131, %get3A_1132] {strides = array<i32>} : memref<4x800x16xf32, #tpu.memory_space<vmem>>, vector<1x1x16xf32>,
        %get3A_1134 = vector.shape_cast %get3A_1133 : vector<1x1x16xf32> to vector<16xf32>
        %mul3A_1135 = arith.constant 2 : i32
        %mul3A_1136 = arith.muli %scan3A_149, %mul3A_1135 : i32
        %mul3A_1137 = arith.constant 50 : i32
        %mul3A_1138 = arith.muli %mul3A_1136, %mul3A_1137 : i32
        %add3A_1139 = arith.constant 50 : i32
        %add3A_1140 = arith.addi %mul3A_1138, %add3A_1139 : i32
        %add3A_1141 = arith.constant 16 : i32
        %add3A_1142 = arith.addi %add3A_1140, %add3A_1141 : i32
        %get3A_1143 = arith.constant 3 : i32
        %get3A_1144 = arith.index_cast %get3A_1143 : i32 to index
        %get3A_1145 = arith.index_cast %add3A_1142 : i32 to index
        %get3A_1146 = arith.constant 0 : index
        %get3A_1147 = tpu.vector_load %arg7[%get3A_1144, %get3A_1145, %get3A_1146] {strides = array<i32>} : memref<4x800x16xf32, #tpu.memory_space<vmem>>, vector<1x1x16xf32>,
        %get3A_1148 = vector.shape_cast %get3A_1147 : vector<1x1x16xf32> to vector<16xf32>
        %mul3A_1149 = arith.constant 2 : i32
        %mul3A_1150 = arith.muli %scan3A_149, %mul3A_1149 : i32
        %mul3A_1151 = arith.constant 50 : i32
        %mul3A_1152 = arith.muli %mul3A_1150, %mul3A_1151 : i32
        %add3A_1153 = arith.constant 50 : i32
        %add3A_1154 = arith.addi %mul3A_1152, %add3A_1153 : i32
        %add3A_1155 = arith.constant 17 : i32
        %add3A_1156 = arith.addi %add3A_1154, %add3A_1155 : i32
        %get3A_1157 = arith.constant 3 : i32
        %get3A_1158 = arith.index_cast %get3A_1157 : i32 to index
        %get3A_1159 = arith.index_cast %add3A_1156 : i32 to index
        %get3A_1160 = arith.constant 0 : index
        %get3A_1161 = tpu.vector_load %arg7[%get3A_1158, %get3A_1159, %get3A_1160] {strides = array<i32>} : memref<4x800x16xf32, #tpu.memory_space<vmem>>, vector<1x1x16xf32>,
        %get3A_1162 = vector.shape_cast %get3A_1161 : vector<1x1x16xf32> to vector<16xf32>
        %mul3A_1163 = arith.constant 2 : i32
        %mul3A_1164 = arith.muli %scan3A_149, %mul3A_1163 : i32
        %mul3A_1165 = arith.constant 50 : i32
        %mul3A_1166 = arith.muli %mul3A_1164, %mul3A_1165 : i32
        %add3A_1167 = arith.constant 50 : i32
        %add3A_1168 = arith.addi %mul3A_1166, %add3A_1167 : i32
        %add3A_1169 = arith.constant 18 : i32
        %add3A_1170 = arith.addi %add3A_1168, %add3A_1169 : i32
        %get3A_1171 = arith.constant 3 : i32
        %get3A_1172 = arith.index_cast %get3A_1171 : i32 to index
        %get3A_1173 = arith.index_cast %add3A_1170 : i32 to index
        %get3A_1174 = arith.constant 0 : index
        %get3A_1175 = tpu.vector_load %arg7[%get3A_1172, %get3A_1173, %get3A_1174] {strides = array<i32>} : memref<4x800x16xf32, #tpu.memory_space<vmem>>, vector<1x1x16xf32>,
        %get3A_1176 = vector.shape_cast %get3A_1175 : vector<1x1x16xf32> to vector<16xf32>
        %mul3A_1177 = arith.constant 2 : i32
        %mul3A_1178 = arith.muli %scan3A_149, %mul3A_1177 : i32
        %mul3A_1179 = arith.constant 50 : i32
        %mul3A_1180 = arith.muli %mul3A_1178, %mul3A_1179 : i32
        %add3A_1181 = arith.constant 50 : i32
        %add3A_1182 = arith.addi %mul3A_1180, %add3A_1181 : i32
        %add3A_1183 = arith.constant 19 : i32
        %add3A_1184 = arith.addi %add3A_1182, %add3A_1183 : i32
        %get3A_1185 = arith.constant 3 : i32
        %get3A_1186 = arith.index_cast %get3A_1185 : i32 to index
        %get3A_1187 = arith.index_cast %add3A_1184 : i32 to index
        %get3A_1188 = arith.constant 0 : index
        %get3A_1189 = tpu.vector_load %arg7[%get3A_1186, %get3A_1187, %get3A_1188] {strides = array<i32>} : memref<4x800x16xf32, #tpu.memory_space<vmem>>, vector<1x1x16xf32>,
        %get3A_1190 = vector.shape_cast %get3A_1189 : vector<1x1x16xf32> to vector<16xf32>
        %mul3A_1191 = arith.constant 2 : i32
        %mul3A_1192 = arith.muli %scan3A_149, %mul3A_1191 : i32
        %mul3A_1193 = arith.constant 50 : i32
        %mul3A_1194 = arith.muli %mul3A_1192, %mul3A_1193 : i32
        %add3A_1195 = arith.constant 50 : i32
        %add3A_1196 = arith.addi %mul3A_1194, %add3A_1195 : i32
        %add3A_1197 = arith.constant 20 : i32
        %add3A_1198 = arith.addi %add3A_1196, %add3A_1197 : i32
        %get3A_1199 = arith.constant 3 : i32
        %get3A_1200 = arith.index_cast %get3A_1199 : i32 to index
        %get3A_1201 = arith.index_cast %add3A_1198 : i32 to index
        %get3A_1202 = arith.constant 0 : index
        %get3A_1203 = tpu.vector_load %arg7[%get3A_1200, %get3A_1201, %get3A_1202] {strides = array<i32>} : memref<4x800x16xf32, #tpu.memory_space<vmem>>, vector<1x1x16xf32>,
        %get3A_1204 = vector.shape_cast %get3A_1203 : vector<1x1x16xf32> to vector<16xf32>
        %mul3A_1205 = arith.constant 2 : i32
        %mul3A_1206 = arith.muli %scan3A_149, %mul3A_1205 : i32
        %mul3A_1207 = arith.constant 50 : i32
        %mul3A_1208 = arith.muli %mul3A_1206, %mul3A_1207 : i32
        %add3A_1209 = arith.constant 50 : i32
        %add3A_1210 = arith.addi %mul3A_1208, %add3A_1209 : i32
        %add3A_1211 = arith.constant 21 : i32
        %add3A_1212 = arith.addi %add3A_1210, %add3A_1211 : i32
        %get3A_1213 = arith.constant 3 : i32
        %get3A_1214 = arith.index_cast %get3A_1213 : i32 to index
        %get3A_1215 = arith.index_cast %add3A_1212 : i32 to index
        %get3A_1216 = arith.constant 0 : index
        %get3A_1217 = tpu.vector_load %arg7[%get3A_1214, %get3A_1215, %get3A_1216] {strides = array<i32>} : memref<4x800x16xf32, #tpu.memory_space<vmem>>, vector<1x1x16xf32>,
        %get3A_1218 = vector.shape_cast %get3A_1217 : vector<1x1x16xf32> to vector<16xf32>
        %mul3A_1219 = arith.constant 2 : i32
        %mul3A_1220 = arith.muli %scan3A_149, %mul3A_1219 : i32
        %mul3A_1221 = arith.constant 50 : i32
        %mul3A_1222 = arith.muli %mul3A_1220, %mul3A_1221 : i32
        %add3A_1223 = arith.constant 50 : i32
        %add3A_1224 = arith.addi %mul3A_1222, %add3A_1223 : i32
        %add3A_1225 = arith.constant 22 : i32
        %add3A_1226 = arith.addi %add3A_1224, %add3A_1225 : i32
        %get3A_1227 = arith.constant 3 : i32
        %get3A_1228 = arith.index_cast %get3A_1227 : i32 to index
        %get3A_1229 = arith.index_cast %add3A_1226 : i32 to index
        %get3A_1230 = arith.constant 0 : index
        %get3A_1231 = tpu.vector_load %arg7[%get3A_1228, %get3A_1229, %get3A_1230] {strides = array<i32>} : memref<4x800x16xf32, #tpu.memory_space<vmem>>, vector<1x1x16xf32>,
        %get3A_1232 = vector.shape_cast %get3A_1231 : vector<1x1x16xf32> to vector<16xf32>
        %mul3A_1233 = arith.constant 2 : i32
        %mul3A_1234 = arith.muli %scan3A_149, %mul3A_1233 : i32
        %mul3A_1235 = arith.constant 50 : i32
        %mul3A_1236 = arith.muli %mul3A_1234, %mul3A_1235 : i32
        %add3A_1237 = arith.constant 50 : i32
        %add3A_1238 = arith.addi %mul3A_1236, %add3A_1237 : i32
        %add3A_1239 = arith.constant 23 : i32
        %add3A_1240 = arith.addi %add3A_1238, %add3A_1239 : i32
        %get3A_1241 = arith.constant 3 : i32
        %get3A_1242 = arith.index_cast %get3A_1241 : i32 to index
        %get3A_1243 = arith.index_cast %add3A_1240 : i32 to index
        %get3A_1244 = arith.constant 0 : index
        %get3A_1245 = tpu.vector_load %arg7[%get3A_1242, %get3A_1243, %get3A_1244] {strides = array<i32>} : memref<4x800x16xf32, #tpu.memory_space<vmem>>, vector<1x1x16xf32>,
        %get3A_1246 = vector.shape_cast %get3A_1245 : vector<1x1x16xf32> to vector<16xf32>
        %mul3A_1247 = arith.constant 2 : i32
        %mul3A_1248 = arith.muli %scan3A_149, %mul3A_1247 : i32
        %mul3A_1249 = arith.constant 50 : i32
        %mul3A_1250 = arith.muli %mul3A_1248, %mul3A_1249 : i32
        %add3A_1251 = arith.constant 50 : i32
        %add3A_1252 = arith.addi %mul3A_1250, %add3A_1251 : i32
        %add3A_1253 = arith.constant 24 : i32
        %add3A_1254 = arith.addi %add3A_1252, %add3A_1253 : i32
        %get3A_1255 = arith.constant 3 : i32
        %get3A_1256 = arith.index_cast %get3A_1255 : i32 to index
        %get3A_1257 = arith.index_cast %add3A_1254 : i32 to index
        %get3A_1258 = arith.constant 0 : index
        %get3A_1259 = tpu.vector_load %arg7[%get3A_1256, %get3A_1257, %get3A_1258] {strides = array<i32>} : memref<4x800x16xf32, #tpu.memory_space<vmem>>, vector<1x1x16xf32>,
        %get3A_1260 = vector.shape_cast %get3A_1259 : vector<1x1x16xf32> to vector<16xf32>
        %mul3A_1261 = arith.constant 2 : i32
        %mul3A_1262 = arith.muli %scan3A_149, %mul3A_1261 : i32
        %mul3A_1263 = arith.constant 50 : i32
        %mul3A_1264 = arith.muli %mul3A_1262, %mul3A_1263 : i32
        %add3A_1265 = arith.constant 50 : i32
        %add3A_1266 = arith.addi %mul3A_1264, %add3A_1265 : i32
        %add3A_1267 = arith.constant 25 : i32
        %add3A_1268 = arith.addi %add3A_1266, %add3A_1267 : i32
        %get3A_1269 = arith.constant 3 : i32
        %get3A_1270 = arith.index_cast %get3A_1269 : i32 to index
        %get3A_1271 = arith.index_cast %add3A_1268 : i32 to index
        %get3A_1272 = arith.constant 0 : index
        %get3A_1273 = tpu.vector_load %arg7[%get3A_1270, %get3A_1271, %get3A_1272] {strides = array<i32>} : memref<4x800x16xf32, #tpu.memory_space<vmem>>, vector<1x1x16xf32>,
        %get3A_1274 = vector.shape_cast %get3A_1273 : vector<1x1x16xf32> to vector<16xf32>
        %mul3A_1275 = arith.constant 2 : i32
        %mul3A_1276 = arith.muli %scan3A_149, %mul3A_1275 : i32
        %mul3A_1277 = arith.constant 50 : i32
        %mul3A_1278 = arith.muli %mul3A_1276, %mul3A_1277 : i32
        %add3A_1279 = arith.constant 50 : i32
        %add3A_1280 = arith.addi %mul3A_1278, %add3A_1279 : i32
        %add3A_1281 = arith.constant 26 : i32
        %add3A_1282 = arith.addi %add3A_1280, %add3A_1281 : i32
        %get3A_1283 = arith.constant 3 : i32
        %get3A_1284 = arith.index_cast %get3A_1283 : i32 to index
        %get3A_1285 = arith.index_cast %add3A_1282 : i32 to index
        %get3A_1286 = arith.constant 0 : index
        %get3A_1287 = tpu.vector_load %arg7[%get3A_1284, %get3A_1285, %get3A_1286] {strides = array<i32>} : memref<4x800x16xf32, #tpu.memory_space<vmem>>, vector<1x1x16xf32>,
        %get3A_1288 = vector.shape_cast %get3A_1287 : vector<1x1x16xf32> to vector<16xf32>
        %mul3A_1289 = arith.constant 2 : i32
        %mul3A_1290 = arith.muli %scan3A_149, %mul3A_1289 : i32
        %mul3A_1291 = arith.constant 50 : i32
        %mul3A_1292 = arith.muli %mul3A_1290, %mul3A_1291 : i32
        %add3A_1293 = arith.constant 50 : i32
        %add3A_1294 = arith.addi %mul3A_1292, %add3A_1293 : i32
        %add3A_1295 = arith.constant 27 : i32
        %add3A_1296 = arith.addi %add3A_1294, %add3A_1295 : i32
        %get3A_1297 = arith.constant 3 : i32
        %get3A_1298 = arith.index_cast %get3A_1297 : i32 to index
        %get3A_1299 = arith.index_cast %add3A_1296 : i32 to index
        %get3A_1300 = arith.constant 0 : index
        %get3A_1301 = tpu.vector_load %arg7[%get3A_1298, %get3A_1299, %get3A_1300] {strides = array<i32>} : memref<4x800x16xf32, #tpu.memory_space<vmem>>, vector<1x1x16xf32>,
        %get3A_1302 = vector.shape_cast %get3A_1301 : vector<1x1x16xf32> to vector<16xf32>
        %mul3A_1303 = arith.constant 2 : i32
        %mul3A_1304 = arith.muli %scan3A_149, %mul3A_1303 : i32
        %mul3A_1305 = arith.constant 50 : i32
        %mul3A_1306 = arith.muli %mul3A_1304, %mul3A_1305 : i32
        %add3A_1307 = arith.constant 50 : i32
        %add3A_1308 = arith.addi %mul3A_1306, %add3A_1307 : i32
        %add3A_1309 = arith.constant 28 : i32
        %add3A_1310 = arith.addi %add3A_1308, %add3A_1309 : i32
        %get3A_1311 = arith.constant 3 : i32
        %get3A_1312 = arith.index_cast %get3A_1311 : i32 to index
        %get3A_1313 = arith.index_cast %add3A_1310 : i32 to index
        %get3A_1314 = arith.constant 0 : index
        %get3A_1315 = tpu.vector_load %arg7[%get3A_1312, %get3A_1313, %get3A_1314] {strides = array<i32>} : memref<4x800x16xf32, #tpu.memory_space<vmem>>, vector<1x1x16xf32>,
        %get3A_1316 = vector.shape_cast %get3A_1315 : vector<1x1x16xf32> to vector<16xf32>
        %mul3A_1317 = arith.constant 2 : i32
        %mul3A_1318 = arith.muli %scan3A_149, %mul3A_1317 : i32
        %mul3A_1319 = arith.constant 50 : i32
        %mul3A_1320 = arith.muli %mul3A_1318, %mul3A_1319 : i32
        %add3A_1321 = arith.constant 50 : i32
        %add3A_1322 = arith.addi %mul3A_1320, %add3A_1321 : i32
        %add3A_1323 = arith.constant 29 : i32
        %add3A_1324 = arith.addi %add3A_1322, %add3A_1323 : i32
        %get3A_1325 = arith.constant 3 : i32
        %get3A_1326 = arith.index_cast %get3A_1325 : i32 to index
        %get3A_1327 = arith.index_cast %add3A_1324 : i32 to index
        %get3A_1328 = arith.constant 0 : index
        %get3A_1329 = tpu.vector_load %arg7[%get3A_1326, %get3A_1327, %get3A_1328] {strides = array<i32>} : memref<4x800x16xf32, #tpu.memory_space<vmem>>, vector<1x1x16xf32>,
        %get3A_1330 = vector.shape_cast %get3A_1329 : vector<1x1x16xf32> to vector<16xf32>
        %mul3A_1331 = arith.constant 2 : i32
        %mul3A_1332 = arith.muli %scan3A_149, %mul3A_1331 : i32
        %mul3A_1333 = arith.constant 50 : i32
        %mul3A_1334 = arith.muli %mul3A_1332, %mul3A_1333 : i32
        %add3A_1335 = arith.constant 50 : i32
        %add3A_1336 = arith.addi %mul3A_1334, %add3A_1335 : i32
        %add3A_1337 = arith.constant 30 : i32
        %add3A_1338 = arith.addi %add3A_1336, %add3A_1337 : i32
        %get3A_1339 = arith.constant 3 : i32
        %get3A_1340 = arith.index_cast %get3A_1339 : i32 to index
        %get3A_1341 = arith.index_cast %add3A_1338 : i32 to index
        %get3A_1342 = arith.constant 0 : index
        %get3A_1343 = tpu.vector_load %arg7[%get3A_1340, %get3A_1341, %get3A_1342] {strides = array<i32>} : memref<4x800x16xf32, #tpu.memory_space<vmem>>, vector<1x1x16xf32>,
        %get3A_1344 = vector.shape_cast %get3A_1343 : vector<1x1x16xf32> to vector<16xf32>
        %mul3A_1345 = arith.constant 2 : i32
        %mul3A_1346 = arith.muli %scan3A_149, %mul3A_1345 : i32
        %mul3A_1347 = arith.constant 50 : i32
        %mul3A_1348 = arith.muli %mul3A_1346, %mul3A_1347 : i32
        %add3A_1349 = arith.constant 50 : i32
        %add3A_1350 = arith.addi %mul3A_1348, %add3A_1349 : i32
        %add3A_1351 = arith.constant 31 : i32
        %add3A_1352 = arith.addi %add3A_1350, %add3A_1351 : i32
        %get3A_1353 = arith.constant 3 : i32
        %get3A_1354 = arith.index_cast %get3A_1353 : i32 to index
        %get3A_1355 = arith.index_cast %add3A_1352 : i32 to index
        %get3A_1356 = arith.constant 0 : index
        %get3A_1357 = tpu.vector_load %arg7[%get3A_1354, %get3A_1355, %get3A_1356] {strides = array<i32>} : memref<4x800x16xf32, #tpu.memory_space<vmem>>, vector<1x1x16xf32>,
        %get3A_1358 = vector.shape_cast %get3A_1357 : vector<1x1x16xf32> to vector<16xf32>
        %mul3A_1359 = arith.constant 2 : i32
        %mul3A_1360 = arith.muli %scan3A_149, %mul3A_1359 : i32
        %mul3A_1361 = arith.constant 50 : i32
        %mul3A_1362 = arith.muli %mul3A_1360, %mul3A_1361 : i32
        %add3A_1363 = arith.constant 50 : i32
        %add3A_1364 = arith.addi %mul3A_1362, %add3A_1363 : i32
        %add3A_1365 = arith.constant 32 : i32
        %add3A_1366 = arith.addi %add3A_1364, %add3A_1365 : i32
        %get3A_1367 = arith.constant 3 : i32
        %get3A_1368 = arith.index_cast %get3A_1367 : i32 to index
        %get3A_1369 = arith.index_cast %add3A_1366 : i32 to index
        %get3A_1370 = arith.constant 0 : index
        %get3A_1371 = tpu.vector_load %arg7[%get3A_1368, %get3A_1369, %get3A_1370] {strides = array<i32>} : memref<4x800x16xf32, #tpu.memory_space<vmem>>, vector<1x1x16xf32>,
        %get3A_1372 = vector.shape_cast %get3A_1371 : vector<1x1x16xf32> to vector<16xf32>
        %mul3A_1373 = arith.constant 2 : i32
        %mul3A_1374 = arith.muli %scan3A_149, %mul3A_1373 : i32
        %mul3A_1375 = arith.constant 50 : i32
        %mul3A_1376 = arith.muli %mul3A_1374, %mul3A_1375 : i32
        %add3A_1377 = arith.constant 50 : i32
        %add3A_1378 = arith.addi %mul3A_1376, %add3A_1377 : i32
        %add3A_1379 = arith.constant 33 : i32
        %add3A_1380 = arith.addi %add3A_1378, %add3A_1379 : i32
        %get3A_1381 = arith.constant 3 : i32
        %get3A_1382 = arith.index_cast %get3A_1381 : i32 to index
        %get3A_1383 = arith.index_cast %add3A_1380 : i32 to index
        %get3A_1384 = arith.constant 0 : index
        %get3A_1385 = tpu.vector_load %arg7[%get3A_1382, %get3A_1383, %get3A_1384] {strides = array<i32>} : memref<4x800x16xf32, #tpu.memory_space<vmem>>, vector<1x1x16xf32>,
        %get3A_1386 = vector.shape_cast %get3A_1385 : vector<1x1x16xf32> to vector<16xf32>
        %mul3A_1387 = arith.constant 2 : i32
        %mul3A_1388 = arith.muli %scan3A_149, %mul3A_1387 : i32
        %mul3A_1389 = arith.constant 50 : i32
        %mul3A_1390 = arith.muli %mul3A_1388, %mul3A_1389 : i32
        %add3A_1391 = arith.constant 50 : i32
        %add3A_1392 = arith.addi %mul3A_1390, %add3A_1391 : i32
        %add3A_1393 = arith.constant 34 : i32
        %add3A_1394 = arith.addi %add3A_1392, %add3A_1393 : i32
        %get3A_1395 = arith.constant 3 : i32
        %get3A_1396 = arith.index_cast %get3A_1395 : i32 to index
        %get3A_1397 = arith.index_cast %add3A_1394 : i32 to index
        %get3A_1398 = arith.constant 0 : index
        %get3A_1399 = tpu.vector_load %arg7[%get3A_1396, %get3A_1397, %get3A_1398] {strides = array<i32>} : memref<4x800x16xf32, #tpu.memory_space<vmem>>, vector<1x1x16xf32>,
        %get3A_1400 = vector.shape_cast %get3A_1399 : vector<1x1x16xf32> to vector<16xf32>
        %mul3A_1401 = arith.constant 2 : i32
        %mul3A_1402 = arith.muli %scan3A_149, %mul3A_1401 : i32
        %mul3A_1403 = arith.constant 50 : i32
        %mul3A_1404 = arith.muli %mul3A_1402, %mul3A_1403 : i32
        %add3A_1405 = arith.constant 50 : i32
        %add3A_1406 = arith.addi %mul3A_1404, %add3A_1405 : i32
        %add3A_1407 = arith.constant 35 : i32
        %add3A_1408 = arith.addi %add3A_1406, %add3A_1407 : i32
        %get3A_1409 = arith.constant 3 : i32
        %get3A_1410 = arith.index_cast %get3A_1409 : i32 to index
        %get3A_1411 = arith.index_cast %add3A_1408 : i32 to index
        %get3A_1412 = arith.constant 0 : index
        %get3A_1413 = tpu.vector_load %arg7[%get3A_1410, %get3A_1411, %get3A_1412] {strides = array<i32>} : memref<4x800x16xf32, #tpu.memory_space<vmem>>, vector<1x1x16xf32>,
        %get3A_1414 = vector.shape_cast %get3A_1413 : vector<1x1x16xf32> to vector<16xf32>
        %mul3A_1415 = arith.constant 2 : i32
        %mul3A_1416 = arith.muli %scan3A_149, %mul3A_1415 : i32
        %mul3A_1417 = arith.constant 50 : i32
        %mul3A_1418 = arith.muli %mul3A_1416, %mul3A_1417 : i32
        %add3A_1419 = arith.constant 50 : i32
        %add3A_1420 = arith.addi %mul3A_1418, %add3A_1419 : i32
        %add3A_1421 = arith.constant 36 : i32
        %add3A_1422 = arith.addi %add3A_1420, %add3A_1421 : i32
        %get3A_1423 = arith.constant 3 : i32
        %get3A_1424 = arith.index_cast %get3A_1423 : i32 to index
        %get3A_1425 = arith.index_cast %add3A_1422 : i32 to index
        %get3A_1426 = arith.constant 0 : index
        %get3A_1427 = tpu.vector_load %arg7[%get3A_1424, %get3A_1425, %get3A_1426] {strides = array<i32>} : memref<4x800x16xf32, #tpu.memory_space<vmem>>, vector<1x1x16xf32>,
        %get3A_1428 = vector.shape_cast %get3A_1427 : vector<1x1x16xf32> to vector<16xf32>
        %mul3A_1429 = arith.constant 2 : i32
        %mul3A_1430 = arith.muli %scan3A_149, %mul3A_1429 : i32
        %mul3A_1431 = arith.constant 50 : i32
        %mul3A_1432 = arith.muli %mul3A_1430, %mul3A_1431 : i32
        %add3A_1433 = arith.constant 50 : i32
        %add3A_1434 = arith.addi %mul3A_1432, %add3A_1433 : i32
        %add3A_1435 = arith.constant 37 : i32
        %add3A_1436 = arith.addi %add3A_1434, %add3A_1435 : i32
        %get3A_1437 = arith.constant 3 : i32
        %get3A_1438 = arith.index_cast %get3A_1437 : i32 to index
        %get3A_1439 = arith.index_cast %add3A_1436 : i32 to index
        %get3A_1440 = arith.constant 0 : index
        %get3A_1441 = tpu.vector_load %arg7[%get3A_1438, %get3A_1439, %get3A_1440] {strides = array<i32>} : memref<4x800x16xf32, #tpu.memory_space<vmem>>, vector<1x1x16xf32>,
        %get3A_1442 = vector.shape_cast %get3A_1441 : vector<1x1x16xf32> to vector<16xf32>
        %mul3A_1443 = arith.constant 2 : i32
        %mul3A_1444 = arith.muli %scan3A_149, %mul3A_1443 : i32
        %mul3A_1445 = arith.constant 50 : i32
        %mul3A_1446 = arith.muli %mul3A_1444, %mul3A_1445 : i32
        %add3A_1447 = arith.constant 50 : i32
        %add3A_1448 = arith.addi %mul3A_1446, %add3A_1447 : i32
        %add3A_1449 = arith.constant 38 : i32
        %add3A_1450 = arith.addi %add3A_1448, %add3A_1449 : i32
        %get3A_1451 = arith.constant 3 : i32
        %get3A_1452 = arith.index_cast %get3A_1451 : i32 to index
        %get3A_1453 = arith.index_cast %add3A_1450 : i32 to index
        %get3A_1454 = arith.constant 0 : index
        %get3A_1455 = tpu.vector_load %arg7[%get3A_1452, %get3A_1453, %get3A_1454] {strides = array<i32>} : memref<4x800x16xf32, #tpu.memory_space<vmem>>, vector<1x1x16xf32>,
        %get3A_1456 = vector.shape_cast %get3A_1455 : vector<1x1x16xf32> to vector<16xf32>
        %mul3A_1457 = arith.constant 2 : i32
        %mul3A_1458 = arith.muli %scan3A_149, %mul3A_1457 : i32
        %mul3A_1459 = arith.constant 50 : i32
        %mul3A_1460 = arith.muli %mul3A_1458, %mul3A_1459 : i32
        %add3A_1461 = arith.constant 50 : i32
        %add3A_1462 = arith.addi %mul3A_1460, %add3A_1461 : i32
        %add3A_1463 = arith.constant 39 : i32
        %add3A_1464 = arith.addi %add3A_1462, %add3A_1463 : i32
        %get3A_1465 = arith.constant 3 : i32
        %get3A_1466 = arith.index_cast %get3A_1465 : i32 to index
        %get3A_1467 = arith.index_cast %add3A_1464 : i32 to index
        %get3A_1468 = arith.constant 0 : index
        %get3A_1469 = tpu.vector_load %arg7[%get3A_1466, %get3A_1467, %get3A_1468] {strides = array<i32>} : memref<4x800x16xf32, #tpu.memory_space<vmem>>, vector<1x1x16xf32>,
        %get3A_1470 = vector.shape_cast %get3A_1469 : vector<1x1x16xf32> to vector<16xf32>
        %mul3A_1471 = arith.constant 2 : i32
        %mul3A_1472 = arith.muli %scan3A_149, %mul3A_1471 : i32
        %mul3A_1473 = arith.constant 50 : i32
        %mul3A_1474 = arith.muli %mul3A_1472, %mul3A_1473 : i32
        %add3A_1475 = arith.constant 50 : i32
        %add3A_1476 = arith.addi %mul3A_1474, %add3A_1475 : i32
        %add3A_1477 = arith.constant 40 : i32
        %add3A_1478 = arith.addi %add3A_1476, %add3A_1477 : i32
        %get3A_1479 = arith.constant 3 : i32
        %get3A_1480 = arith.index_cast %get3A_1479 : i32 to index
        %get3A_1481 = arith.index_cast %add3A_1478 : i32 to index
        %get3A_1482 = arith.constant 0 : index
        %get3A_1483 = tpu.vector_load %arg7[%get3A_1480, %get3A_1481, %get3A_1482] {strides = array<i32>} : memref<4x800x16xf32, #tpu.memory_space<vmem>>, vector<1x1x16xf32>,
        %get3A_1484 = vector.shape_cast %get3A_1483 : vector<1x1x16xf32> to vector<16xf32>
        %mul3A_1485 = arith.constant 2 : i32
        %mul3A_1486 = arith.muli %scan3A_149, %mul3A_1485 : i32
        %mul3A_1487 = arith.constant 50 : i32
        %mul3A_1488 = arith.muli %mul3A_1486, %mul3A_1487 : i32
        %add3A_1489 = arith.constant 50 : i32
        %add3A_1490 = arith.addi %mul3A_1488, %add3A_1489 : i32
        %add3A_1491 = arith.constant 41 : i32
        %add3A_1492 = arith.addi %add3A_1490, %add3A_1491 : i32
        %get3A_1493 = arith.constant 3 : i32
        %get3A_1494 = arith.index_cast %get3A_1493 : i32 to index
        %get3A_1495 = arith.index_cast %add3A_1492 : i32 to index
        %get3A_1496 = arith.constant 0 : index
        %get3A_1497 = tpu.vector_load %arg7[%get3A_1494, %get3A_1495, %get3A_1496] {strides = array<i32>} : memref<4x800x16xf32, #tpu.memory_space<vmem>>, vector<1x1x16xf32>,
        %get3A_1498 = vector.shape_cast %get3A_1497 : vector<1x1x16xf32> to vector<16xf32>
        %mul3A_1499 = arith.constant 2 : i32
        %mul3A_1500 = arith.muli %scan3A_149, %mul3A_1499 : i32
        %mul3A_1501 = arith.constant 50 : i32
        %mul3A_1502 = arith.muli %mul3A_1500, %mul3A_1501 : i32
        %add3A_1503 = arith.constant 50 : i32
        %add3A_1504 = arith.addi %mul3A_1502, %add3A_1503 : i32
        %add3A_1505 = arith.constant 42 : i32
        %add3A_1506 = arith.addi %add3A_1504, %add3A_1505 : i32
        %get3A_1507 = arith.constant 3 : i32
        %get3A_1508 = arith.index_cast %get3A_1507 : i32 to index
        %get3A_1509 = arith.index_cast %add3A_1506 : i32 to index
        %get3A_1510 = arith.constant 0 : index
        %get3A_1511 = tpu.vector_load %arg7[%get3A_1508, %get3A_1509, %get3A_1510] {strides = array<i32>} : memref<4x800x16xf32, #tpu.memory_space<vmem>>, vector<1x1x16xf32>,
        %get3A_1512 = vector.shape_cast %get3A_1511 : vector<1x1x16xf32> to vector<16xf32>
        %mul3A_1513 = arith.constant 2 : i32
        %mul3A_1514 = arith.muli %scan3A_149, %mul3A_1513 : i32
        %mul3A_1515 = arith.constant 50 : i32
        %mul3A_1516 = arith.muli %mul3A_1514, %mul3A_1515 : i32
        %add3A_1517 = arith.constant 50 : i32
        %add3A_1518 = arith.addi %mul3A_1516, %add3A_1517 : i32
        %add3A_1519 = arith.constant 43 : i32
        %add3A_1520 = arith.addi %add3A_1518, %add3A_1519 : i32
        %get3A_1521 = arith.constant 3 : i32
        %get3A_1522 = arith.index_cast %get3A_1521 : i32 to index
        %get3A_1523 = arith.index_cast %add3A_1520 : i32 to index
        %get3A_1524 = arith.constant 0 : index
        %get3A_1525 = tpu.vector_load %arg7[%get3A_1522, %get3A_1523, %get3A_1524] {strides = array<i32>} : memref<4x800x16xf32, #tpu.memory_space<vmem>>, vector<1x1x16xf32>,
        %get3A_1526 = vector.shape_cast %get3A_1525 : vector<1x1x16xf32> to vector<16xf32>
        %mul3A_1527 = arith.constant 2 : i32
        %mul3A_1528 = arith.muli %scan3A_149, %mul3A_1527 : i32
        %mul3A_1529 = arith.constant 50 : i32
        %mul3A_1530 = arith.muli %mul3A_1528, %mul3A_1529 : i32
        %add3A_1531 = arith.constant 50 : i32
        %add3A_1532 = arith.addi %mul3A_1530, %add3A_1531 : i32
        %add3A_1533 = arith.constant 44 : i32
        %add3A_1534 = arith.addi %add3A_1532, %add3A_1533 : i32
        %get3A_1535 = arith.constant 3 : i32
        %get3A_1536 = arith.index_cast %get3A_1535 : i32 to index
        %get3A_1537 = arith.index_cast %add3A_1534 : i32 to index
        %get3A_1538 = arith.constant 0 : index
        %get3A_1539 = tpu.vector_load %arg7[%get3A_1536, %get3A_1537, %get3A_1538] {strides = array<i32>} : memref<4x800x16xf32, #tpu.memory_space<vmem>>, vector<1x1x16xf32>,
        %get3A_1540 = vector.shape_cast %get3A_1539 : vector<1x1x16xf32> to vector<16xf32>
        %mul3A_1541 = arith.constant 2 : i32
        %mul3A_1542 = arith.muli %scan3A_149, %mul3A_1541 : i32
        %mul3A_1543 = arith.constant 50 : i32
        %mul3A_1544 = arith.muli %mul3A_1542, %mul3A_1543 : i32
        %add3A_1545 = arith.constant 50 : i32
        %add3A_1546 = arith.addi %mul3A_1544, %add3A_1545 : i32
        %add3A_1547 = arith.constant 45 : i32
        %add3A_1548 = arith.addi %add3A_1546, %add3A_1547 : i32
        %get3A_1549 = arith.constant 3 : i32
        %get3A_1550 = arith.index_cast %get3A_1549 : i32 to index
        %get3A_1551 = arith.index_cast %add3A_1548 : i32 to index
        %get3A_1552 = arith.constant 0 : index
        %get3A_1553 = tpu.vector_load %arg7[%get3A_1550, %get3A_1551, %get3A_1552] {strides = array<i32>} : memref<4x800x16xf32, #tpu.memory_space<vmem>>, vector<1x1x16xf32>,
        %get3A_1554 = vector.shape_cast %get3A_1553 : vector<1x1x16xf32> to vector<16xf32>
        %mul3A_1555 = arith.constant 2 : i32
        %mul3A_1556 = arith.muli %scan3A_149, %mul3A_1555 : i32
        %mul3A_1557 = arith.constant 50 : i32
        %mul3A_1558 = arith.muli %mul3A_1556, %mul3A_1557 : i32
        %add3A_1559 = arith.constant 50 : i32
        %add3A_1560 = arith.addi %mul3A_1558, %add3A_1559 : i32
        %add3A_1561 = arith.constant 46 : i32
        %add3A_1562 = arith.addi %add3A_1560, %add3A_1561 : i32
        %get3A_1563 = arith.constant 3 : i32
        %get3A_1564 = arith.index_cast %get3A_1563 : i32 to index
        %get3A_1565 = arith.index_cast %add3A_1562 : i32 to index
        %get3A_1566 = arith.constant 0 : index
        %get3A_1567 = tpu.vector_load %arg7[%get3A_1564, %get3A_1565, %get3A_1566] {strides = array<i32>} : memref<4x800x16xf32, #tpu.memory_space<vmem>>, vector<1x1x16xf32>,
        %get3A_1568 = vector.shape_cast %get3A_1567 : vector<1x1x16xf32> to vector<16xf32>
        %mul3A_1569 = arith.constant 2 : i32
        %mul3A_1570 = arith.muli %scan3A_149, %mul3A_1569 : i32
        %mul3A_1571 = arith.constant 50 : i32
        %mul3A_1572 = arith.muli %mul3A_1570, %mul3A_1571 : i32
        %add3A_1573 = arith.constant 50 : i32
        %add3A_1574 = arith.addi %mul3A_1572, %add3A_1573 : i32
        %add3A_1575 = arith.constant 47 : i32
        %add3A_1576 = arith.addi %add3A_1574, %add3A_1575 : i32
        %get3A_1577 = arith.constant 3 : i32
        %get3A_1578 = arith.index_cast %get3A_1577 : i32 to index
        %get3A_1579 = arith.index_cast %add3A_1576 : i32 to index
        %get3A_1580 = arith.constant 0 : index
        %get3A_1581 = tpu.vector_load %arg7[%get3A_1578, %get3A_1579, %get3A_1580] {strides = array<i32>} : memref<4x800x16xf32, #tpu.memory_space<vmem>>, vector<1x1x16xf32>,
        %get3A_1582 = vector.shape_cast %get3A_1581 : vector<1x1x16xf32> to vector<16xf32>
        %mul3A_1583 = arith.constant 2 : i32
        %mul3A_1584 = arith.muli %scan3A_149, %mul3A_1583 : i32
        %mul3A_1585 = arith.constant 50 : i32
        %mul3A_1586 = arith.muli %mul3A_1584, %mul3A_1585 : i32
        %add3A_1587 = arith.constant 50 : i32
        %add3A_1588 = arith.addi %mul3A_1586, %add3A_1587 : i32
        %add3A_1589 = arith.constant 48 : i32
        %add3A_1590 = arith.addi %add3A_1588, %add3A_1589 : i32
        %get3A_1591 = arith.constant 3 : i32
        %get3A_1592 = arith.index_cast %get3A_1591 : i32 to index
        %get3A_1593 = arith.index_cast %add3A_1590 : i32 to index
        %get3A_1594 = arith.constant 0 : index
        %get3A_1595 = tpu.vector_load %arg7[%get3A_1592, %get3A_1593, %get3A_1594] {strides = array<i32>} : memref<4x800x16xf32, #tpu.memory_space<vmem>>, vector<1x1x16xf32>,
        %get3A_1596 = vector.shape_cast %get3A_1595 : vector<1x1x16xf32> to vector<16xf32>
        %mul3A_1597 = arith.constant 2 : i32
        %mul3A_1598 = arith.muli %scan3A_149, %mul3A_1597 : i32
        %mul3A_1599 = arith.constant 50 : i32
        %mul3A_1600 = arith.muli %mul3A_1598, %mul3A_1599 : i32
        %add3A_1601 = arith.constant 50 : i32
        %add3A_1602 = arith.addi %mul3A_1600, %add3A_1601 : i32
        %add3A_1603 = arith.constant 49 : i32
        %add3A_1604 = arith.addi %add3A_1602, %add3A_1603 : i32
        %get3A_1605 = arith.constant 3 : i32
        %get3A_1606 = arith.index_cast %get3A_1605 : i32 to index
        %get3A_1607 = arith.index_cast %add3A_1604 : i32 to index
        %get3A_1608 = arith.constant 0 : index
        %get3A_1609 = tpu.vector_load %arg7[%get3A_1606, %get3A_1607, %get3A_1608] {strides = array<i32>} : memref<4x800x16xf32, #tpu.memory_space<vmem>>, vector<1x1x16xf32>,
        %get3A_1610 = vector.shape_cast %get3A_1609 : vector<1x1x16xf32> to vector<16xf32>
        %add3A_1611 = arith.addf %get3A_924, %get3A_938 : vector<16xf32>
        %add3A_1612 = arith.addf %get3A_952, %get3A_966 : vector<16xf32>
        %add3A_1613 = arith.addf %get3A_980, %get3A_994 : vector<16xf32>
        %add3A_1614 = arith.addf %get3A_1008, %get3A_1022 : vector<16xf32>
        %add3A_1615 = arith.addf %get3A_1036, %get3A_1050 : vector<16xf32>
        %add3A_1616 = arith.addf %get3A_1064, %get3A_1078 : vector<16xf32>
        %add3A_1617 = arith.addf %get3A_1092, %get3A_1106 : vector<16xf32>
        %add3A_1618 = arith.addf %get3A_1120, %get3A_1134 : vector<16xf32>
        %add3A_1619 = arith.addf %get3A_1148, %get3A_1162 : vector<16xf32>
        %add3A_1620 = arith.addf %get3A_1176, %get3A_1190 : vector<16xf32>
        %add3A_1621 = arith.addf %get3A_1204, %get3A_1218 : vector<16xf32>
        %add3A_1622 = arith.addf %get3A_1232, %get3A_1246 : vector<16xf32>
        %add3A_1623 = arith.addf %get3A_1260, %get3A_1274 : vector<16xf32>
        %add3A_1624 = arith.addf %get3A_1288, %get3A_1302 : vector<16xf32>
        %add3A_1625 = arith.addf %get3A_1316, %get3A_1330 : vector<16xf32>
        %add3A_1626 = arith.addf %get3A_1344, %get3A_1358 : vector<16xf32>
        %add3A_1627 = arith.addf %get3A_1372, %get3A_1386 : vector<16xf32>
        %add3A_1628 = arith.addf %get3A_1400, %get3A_1414 : vector<16xf32>
        %add3A_1629 = arith.addf %get3A_1428, %get3A_1442 : vector<16xf32>
        %add3A_1630 = arith.addf %get3A_1456, %get3A_1470 : vector<16xf32>
        %add3A_1631 = arith.addf %get3A_1484, %get3A_1498 : vector<16xf32>
        %add3A_1632 = arith.addf %get3A_1512, %get3A_1526 : vector<16xf32>
        %add3A_1633 = arith.addf %get3A_1540, %get3A_1554 : vector<16xf32>
        %add3A_1634 = arith.addf %get3A_1568, %get3A_1582 : vector<16xf32>
        %add3A_1635 = arith.addf %get3A_1596, %get3A_1610 : vector<16xf32>
        %add3A_1636 = arith.addf %add3A_1611, %add3A_1612 : vector<16xf32>
        %add3A_1637 = arith.addf %add3A_1613, %add3A_1614 : vector<16xf32>
        %add3A_1638 = arith.addf %add3A_1615, %add3A_1616 : vector<16xf32>
        %add3A_1639 = arith.addf %add3A_1617, %add3A_1618 : vector<16xf32>
        %add3A_1640 = arith.addf %add3A_1619, %add3A_1620 : vector<16xf32>
        %add3A_1641 = arith.addf %add3A_1621, %add3A_1622 : vector<16xf32>
        %add3A_1642 = arith.addf %add3A_1623, %add3A_1624 : vector<16xf32>
        %add3A_1643 = arith.addf %add3A_1625, %add3A_1626 : vector<16xf32>
        %add3A_1644 = arith.addf %add3A_1627, %add3A_1628 : vector<16xf32>
        %add3A_1645 = arith.addf %add3A_1629, %add3A_1630 : vector<16xf32>
        %add3A_1646 = arith.addf %add3A_1631, %add3A_1632 : vector<16xf32>
        %add3A_1647 = arith.addf %add3A_1633, %add3A_1634 : vector<16xf32>
        %add3A_1648 = arith.addf %add3A_1635, %get3A_4 : vector<16xf32>
        %add3A_1649 = arith.addf %add3A_1636, %add3A_1637 : vector<16xf32>
        %add3A_1650 = arith.addf %add3A_1638, %add3A_1639 : vector<16xf32>
        %add3A_1651 = arith.addf %add3A_1640, %add3A_1641 : vector<16xf32>
        %add3A_1652 = arith.addf %add3A_1642, %add3A_1643 : vector<16xf32>
        %add3A_1653 = arith.addf %add3A_1644, %add3A_1645 : vector<16xf32>
        %add3A_1654 = arith.addf %add3A_1646, %add3A_1647 : vector<16xf32>
        %add3A_1655 = arith.addf %add3A_1649, %add3A_1650 : vector<16xf32>
        %add3A_1656 = arith.addf %add3A_1651, %add3A_1652 : vector<16xf32>
        %add3A_1657 = arith.addf %add3A_1653, %add3A_1654 : vector<16xf32>
        %add3A_1658 = arith.addf %add3A_1655, %add3A_1656 : vector<16xf32>
        %add3A_1659 = arith.addf %add3A_1657, %add3A_1648 : vector<16xf32>
        %add3A_1660 = arith.addf %add3A_1658, %add3A_1659 : vector<16xf32>
        %mul3A_1661 = arith.constant 2 : i32
        %mul3A_1662 = arith.muli %add3A_152, %mul3A_1661 : i32
        %add3A_1663 = arith.constant 1 : i32
        %add3A_1664 = arith.addi %mul3A_1662, %add3A_1663 : i32
        %swap3A_1665 = arith.index_cast %add3A_1664 : i32 to index
        %swap3A_1666 = arith.constant 0 : index
        %swap3A_1667 = tpu.vector_load %arg8[%swap3A_1665, %swap3A_1666] {strides = array<i32>} : memref<512x16xf32, #tpu.memory_space<vmem>>, vector<1x16xf32>,
        %swap3A_1668 = vector.shape_cast %swap3A_1667 : vector<1x16xf32> to vector<16xf32>
        %swap3A_1669 = vector.shape_cast %add3A_1660 : vector<16xf32> to vector<1x16xf32>
        tpu.vector_store %arg8[%swap3A_1665, %swap3A_1666], %swap3A_1669 {strides = array<i32>} : memref<512x16xf32, #tpu.memory_space<vmem>>, vector<1x16xf32>,
      }
      %scan3A_141 = arith.constant 8 : i32
      %add3A_142 = arith.constant 4 : i32
      %add3A_143 = arith.addi %add3A_125, %add3A_142 : i32
      %lt3A_144 = arith.constant 32 : i32
      %lt3A_145 = arith.cmpi slt, %add3A_143, %lt3A_144 : i32
      %convert_element_type3A_146 = arith.extui %lt3A_145 : i1 to i32
      %cond3A_147 = arith.constant 0 : i32
      %cond3A_148 = arith.cmpi ne, %convert_element_type3A_146, %cond3A_147 : i32
      scf.if %cond3A_148 {
        %mul3A_149 = arith.constant 800 : i32
        %mul3A_150 = arith.muli %add3A_143, %mul3A_149 : i32
        %dma_start3A_151 = arith.constant 3 : i32
        %dma_start3A_152 = arith.constant 0 : i32
        %dma_start3A_153 = arith.constant 0 : i32
        %dma_start3A_154 = tpu.memref_slice %arg7[%dma_start3A_151, %dma_start3A_152, %dma_start3A_153] : memref<4x800x16xf32, #tpu.memory_space<vmem>> -> memref<1x800x16xf32, #tpu.memory_space<vmem>>
        %dma_start3A_155 = tpu.memref_squeeze %dma_start3A_154 : memref<1x800x16xf32, #tpu.memory_space<vmem>> -> memref<800x16xf32, #tpu.memory_space<vmem>>
        %dma_start3A_156 = tpu.memref_slice %arg6[%mul3A_150] : memref<25600xi32, #tpu.memory_space<vmem>> -> memref<800xi32, #tpu.memory_space<vmem>>
        %dma_start3A_157 = arith.constant 0 : i32
        %dma_start3A_158 = arith.constant 0 : i32
        %dma_start3A_159 = tpu.memref_slice %arg3[%dma_start3A_157, %dma_start3A_158] : memref<1000000x16xf32, #tpu.memory_space<hbm>> -> memref<1000000x16xf32, #tpu.memory_space<hbm>>
        tpu.enqueue_indirect_dma source(%dma_start3A_159 : memref<1000000x16xf32, #tpu.memory_space<hbm>>) target(%dma_start3A_155 : memref<800x16xf32, #tpu.memory_space<vmem>>) offsets(%dma_start3A_156 : memref<800xi32, #tpu.memory_space<vmem>>) semaphore(%arg13 : memref<!tpu.dma_semaphore, #tpu.memory_space<semaphore_mem>>)
      } else {
      }
    }
    %scan3A_47 = arith.constant 8 : i32
    %mul3A_48 = arith.constant 512 : i32
    %mul3A_49 = arith.muli %add3A, %mul3A_48 : i32
    "tpu.region"() ({
      %run_scoped3A = tpu.sem_alloc : memref<!tpu.dma_semaphore, #tpu.memory_space<semaphore_mem>>
      %dma_start3A_50 = arith.constant 0 : i32
      %dma_start3A_51 = tpu.memref_slice %arg5[%mul3A_49, %dma_start3A_50] : memref<16384x16xf32, #tpu.memory_space<hbm>> -> memref<512x16xf32, #tpu.memory_space<hbm>>
      %dma_start3A_52 = arith.constant 0 : i32
      %dma_start3A_53 = tpu.memref_slice %arg5[%mul3A_49, %dma_start3A_52] : memref<16384x16xf32, #tpu.memory_space<hbm>> -> memref<512x16xf32, #tpu.memory_space<hbm>>
      tpu.enqueue_dma source(%arg8 : memref<512x16xf32, #tpu.memory_space<vmem>>) target(%dma_start3A_53 : memref<512x16xf32, #tpu.memory_space<hbm>>) target_semaphore(%run_scoped3A : memref<!tpu.dma_semaphore, #tpu.memory_space<semaphore_mem>>)
      %dma_wait3A = arith.constant 0 : i32
      %dma_wait3A_54 = tpu.memref_slice %arg5[%mul3A_49, %dma_wait3A] : memref<16384x16xf32, #tpu.memory_space<hbm>> -> memref<512x16xf32, #tpu.memory_space<hbm>>
      %dma_wait3A_55 = arith.constant 0 : i32
      %dma_wait3A_56 = tpu.memref_slice %arg5[%mul3A_49, %dma_wait3A_55] : memref<16384x16xf32, #tpu.memory_space<hbm>> -> memref<512x16xf32, #tpu.memory_space<hbm>>
      tpu.wait_dma2 semaphore(%run_scoped3A : memref<!tpu.dma_semaphore, #tpu.memory_space<semaphore_mem>>) src(%arg8 : memref<512x16xf32, #tpu.memory_space<vmem>>) dst(%dma_wait3A_56 : memref<512x16xf32, #tpu.memory_space<hbm>>)
      tpu.yield
    }) : () -> ()
    return
  }
}

</mosaic_0001>

<sc_bundles>
// kernel: _run.3.cloned.1.call-start
scs
__scs_entry_jumppad:
0x0: {  	(pc) =	sbr.rel $0x88, $3  }
0x1: {  	(tag) =	ssettag $0x0;
	lr =	simm.s32 $0x1  }
0x2: {  	[smem:$0x3F9E] =	sst lr;
	_ =	strace $0xD0000000  }
0x3: {  	_ = 	snop  }
0x4: {  	_ = 	snop  }
0x5: {  	_ = 	snop  }
0x6: {  	_ = 	snop  }
0x7: {  	_ = 	snop  }
__scs_overlays_trampoline_lowered:
0x8: {  	[smem:$0x3FAD] =	sst s0  }
0x9: {  	[smem:$0x3FAE] =	sst s1  }
0xa: {  	[smem:$0x3FAF] =	sst s2  }
0xb: {  	[smem:$0x3FB0] =	sst s3  }
0xc: {  	[smem:$0x3FB1] =	sst s4  }
0xd: {  	[smem:$0x3FB2] =	sst s5  }
0xe: {  	[smem:$0x3FB3] =	sst s6  }
0xf: {  	[smem:$0x3FB4] =	sst s7  }
0x10: {  	[smem:$0x3FB5] =	sst s8  }
0x11: {  	[smem:$0x3FB6] =	sst s9;
	s0 =	simm.s32 @!p0 $0x0  }
0x12: {  	s1 =	sld [smem:$0x3F9C];
	s0 =	simm.s32 @p0 $0x1  }
0x13: {  	[smem:$0x3FB7] =	sst s0;
	s0 =	simm.s32 @!p1 $0x0  }
0x14: {  	s2 =	sld [smem:$0x3F9B];
	s0 =	simm.s32 @p1 $0x1  }
0x15: {  	[smem:$0x3FB8] =	sst s0;
	s0 =	simm.s32 @!p2 $0x0  }
0x16: {  	s3 =	sld [smem:$0x3FDB];
	s0 =	simm.s32 @p2 $0x1  }
0x17: {  	s4 =	simm.s32 $0x1BF5;
	[smem:$0x3FBA] =	sst s0  }
0x18: {  	s0 =	sld [smem:$0x3F9D];
	_ =	swait.ge [sflag:s4], $0x0  }
0x19: {  	s7 =	sld [smem:$0x3F9E]  }
0x1a: {  	s8 =	sadd.s32 $0xFFFFE003, lr  }
0x1b: {  	s9 =	sadd.s32 $0xFFFFFEF7, lr;
	s5 =	simm.s32 $0xFFFFFFFF;
	p2 =	slt.u32 s8, $0xFFFFF086  }
0x1c: {  	p1 =	slt.u32 s9, $0xF7A;
	s5 =	simm.s32 @!p2 $0x0  }
0x1d: {  	s5 =	simm.s32 @p1 $0x1;
	p0 =	seq.s32 s7, s2  }
0x1e: {  	s7 =	smul.u32 @!p0 $0xF7A, s2;
	p2 =	seq.s32 @!p0 s5, $0x0  }
0x1f: {  	s9 =	smul.u32 $0xF7A, s1;
	s8 =	simm.s32 @!p0 $0x1BF5;
	p2 =	por !p2, p0  }
0x20: {  	[sflag:s8] =	ssyncset.s32 @!p0 $0xFFFFF086;
	s6 =	sadd.s32 @!p0 s3, s7;
	s7 =	simm.s32 @!p0 $0x108  }
0x21: {  	s3 =	sadd.s32 s3, s9;
	s6 =	sadd.s32 @!p0 $0x88, s6;
	s7 =	simm.s32 @p2 $0x1082  }
0x22: {  	[simem:s7], [sflag:s8] =	dma.local @!p0 [hbm:s6], $0xF7A  }
0x23: {  	s9 =	sor.u32 $0xD0000000, s2;
	s6 =	simm.s32 $0x108;
	_ =	swait.ge @!p0 [sflag:s8], $0x0  }
0x24: {  	s3 =	sadd.s32 $0x88, s3;
	s6 =	simm.s32 @!p1 $0x1082;
	[sflag:s4] =	ssyncset.s32 $0xFFFFF086  }
0x25: {  	[simem:s6], [sflag:s4] =	dma.local [hbm:s3], $0xF7A  }
0x26: {  	[smem:$0x3F9E] =	sst s1;
	(tag) =	ssettag s2;
	_ =	strace s9  }
0x27: {  	s1 =	sld [smem:$0x3FAE]  }
0x28: {  	s2 =	sld [smem:$0x3FAF]  }
0x29: {  	s4 =	sld [smem:$0x3FB1]  }
0x2a: {  	p0 =	seq.s32 s5, $0x0;
	s5 =	sld [smem:$0x3FB2]  }
0x2b: {  	s6 =	sld [smem:$0x3FB3]  }
0x2c: {  	s7 =	sld [smem:$0x3FB4]  }
0x2d: {  	s3 =	simm.s32 $0x108;
	s8 =	sld [smem:$0x3FB5]  }
0x2e: {  	s3 =	simm.s32 @!p0 $0x1082;
	s9 =	sld [smem:$0x3FB6]  }
0x2f: {  	lr =	sadd.s32 s0, s3;
	s0 =	sld [smem:$0x3FAD]  }
0x30: {  	s3 =	sld [smem:$0x3FB0]  }
0x31: {  	[smem:$0x3FB9] =	sst s10  }
0x32: {  	s10 =	sld [smem:$0x3FB7];
	_ =	sdelay $0x3  }
0x33: {  	p0 =	seq.s32 s10, $0x1;
	s10 =	sld [smem:$0x3FB9];
	_ =	sdelay $0x3  }
0x34: {  	[smem:$0x3FB9] =	sst s10  }
0x35: {  	s10 =	sld [smem:$0x3FB8];
	_ =	sdelay $0x3  }
0x36: {  	p1 =	seq.s32 s10, $0x1;
	s10 =	sld [smem:$0x3FB9];
	_ =	sdelay $0x3  }
0x37: {  	[smem:$0x3FB9] =	sst s10  }
0x38: {  	s10 =	sld [smem:$0x3FBA]  }
0x39: {  	_ = 	snop;
	(pc) =	sbr.ind lr, $3  }
0x3a: {  	_ = 	snop  }
0x3b: {  	_ = 	snop  }
0x3c: {  	p2 =	seq.s32 s10, $0x1;
	s10 =	sld [smem:$0x3FB9]  }
0x3d: {  	_ =	shalt  }
0x3e: {  	_ =	shalt  }
0x3f: {  	_ =	shalt  }
0x40: {  	_ =	shalt  }
0x41: {  	_ =	shalt  }
0x42: {  	_ =	shalt  }
0x43: {  	_ =	shalt  }
0x44: {  	_ =	shalt  }
0x45: {  	_ =	shalt  }
0x46: {  	_ =	shalt  }
0x47: {  	_ =	shalt  }
0x48: {  	_ =	shalt  }
0x49: {  	_ =	shalt  }
0x4a: {  	_ =	shalt  }
0x4b: {  	_ =	shalt  }
0x4c: {  	_ =	shalt  }
0x4d: {  	_ =	shalt  }
0x4e: {  	_ =	shalt  }
0x4f: {  	_ =	shalt  }
0x50: {  	_ =	shalt  }
0x51: {  	_ =	shalt  }
0x52: {  	_ =	shalt  }
0x53: {  	_ =	shalt  }
0x54: {  	_ =	shalt  }
0x55: {  	_ =	shalt  }
0x56: {  	_ =	shalt  }
0x57: {  	_ =	shalt  }
0x58: {  	_ =	shalt  }
0x59: {  	_ =	shalt  }
0x5a: {  	_ =	shalt  }
0x5b: {  	_ =	shalt  }
0x5c: {  	_ =	shalt  }
0x5d: {  	_ =	shalt  }
0x5e: {  	_ =	shalt  }
0x5f: {  	_ =	shalt  }
0x60: {  	_ =	shalt  }
0x61: {  	_ =	shalt  }
0x62: {  	_ =	shalt  }
0x63: {  	_ =	shalt  }
0x64: {  	_ =	shalt  }
0x65: {  	_ =	shalt  }
0x66: {  	_ =	shalt  }
0x67: {  	_ =	shalt  }
0x68: {  	_ =	shalt  }
0x69: {  	_ =	shalt  }
0x6a: {  	_ =	shalt  }
0x6b: {  	_ =	shalt  }
0x6c: {  	_ =	shalt  }
0x6d: {  	_ =	shalt  }
0x6e: {  	_ =	shalt  }
0x6f: {  	_ =	shalt  }
0x70: {  	_ =	shalt  }
0x71: {  	_ =	shalt  }
0x72: {  	_ =	shalt  }
0x73: {  	_ =	shalt  }
0x74: {  	_ =	shalt  }
0x75: {  	_ =	shalt  }
0x76: {  	_ =	shalt  }
0x77: {  	_ =	shalt  }
0x78: {  	_ =	shalt  }
0x79: {  	_ =	shalt  }
0x7a: {  	_ =	shalt  }
0x7b: {  	_ =	shalt  }
0x7c: {  	_ =	shalt  }
0x7d: {  	_ =	shalt  }
0x7e: {  	_ =	shalt  }
0x7f: {  	_ =	shalt  }
0x80: {  	_ =	shalt  }
0x81: {  	_ =	shalt  }
0x82: {  	_ =	shalt  }
0x83: {  	_ =	shalt  }
0x84: {  	_ =	shalt  }
0x85: {  	_ =	shalt  }
0x86: {  	_ =	shalt  }
0x87: {  	_ =	shalt  }
.Lfunc_end0:
.L_simem_size_0:
called_computation_lowered:
.L_overlay_start_0:
0x88: {  	s2 =	sld [smem:$0x3FD9]  }
0x89: {  	s3 =	sld [smem:$0x3FFE];
	_ =	sdelay $0x1  }
0x8a: {  	s1 =	srdreg.scid  }
0x8b: {  	s0 =	sand.u32 $0x1, s1  }
0x8c: {  	s17 =	sshll.u32 s0, $0xA;
	s2 =	sadd.s32 s3, s2  }
0x8d: {  	s2 =	sadd.s32 s2, s17  }
0x8e: {  	[smem:$0x3FC5] =	sst s2  }
0x8f: {  	_ = 	snop  }
0x90: {  	s2 =	sld [smem:$0x3FC9]  }
0x91: {  	s18 =	sld [smem:$0x3FC7]  }
0x92: {  	s4 =	sld [smem:$0x3FD0];
	(tm) =	ssettm $0x1  }
0x93: {  	s5 =	sld [smem:$0x3FFB];
	_ =	sdelay $0x3  }
0x94: {  	_ =	strace s5  }
0x95: {  	s5 =	sld [smem:$0x3FFC];
	_ =	sdelay $0x3  }
0x96: {  	_ =	strace s5  }
0x97: {  	s5 =	sld [smem:$0x3FFD];
	_ =	sdelay $0x3  }
0x98: {  	_ =	strace s5  }
0x99: {  	_ =	strace $0x8FFFFFFF  }
0x9a: {  	s19 =	sld [smem:$0x3FDB];
	_ =	sdelay $0x1  }
0x9b: {  	s6 =	simm.s32 $_scs_section_size  }
0x9c: {  	s7 =	simm.s32 $_size__tile_overlayer_lowered;
	s8 =	simm.s32 $_tile_overlayer_lowered  }
0x9d: {  	s22 =	simm.s32 $0x1BFF;
	s21 =	sshll.u32 s8, $0x1;
	s5 =	sadd.s32 s6, s19  }
0x9e: {  	s9 =	simm.s32 $0x0;
	s20 =	sshll.u32 s7, $0x1;
	s7 =	sadd.s32 s21, s5  }
0x9f: {  	[timem:s9], [sflag:s22] =	dma.local [hbm:s7], s20  }
0xa0: {  	_ =	swait.ge [sflag:s22], s20  }
0xa1: {  	s6 =	ssub.s32 $0x0, s20;
	[sflag:s22] =	ssyncset.done $0x0  }
0xa2: {  	[sflag:s22] =	ssyncadd.s32 s6;
	_ =	sdelay $0x1  }
0xa3: {  	s23 =	simm.s32 $0x1B8B  }
0xa4: {  	_ =	swait.ge [sflag:s23], $0x1  }
0xa5: {  	[sflag:s23] =	ssyncset.done $0x0  }
0xa6: {  	s25 =	simm.s32 $0x1B8E;
	s24 =	sld [smem:$0x3FFE];
	[sflag:s23] =	ssyncadd.s32 $0xFFFFFFFF  }
0xa7: {  	s26 =	simm.s32 $execute0_lowered;
	[smem:$0x3FD2] =	sst s25  }
0xa8: {  	s7 =	sshll.u32 s26, $0x1;
	_ =	strace $0x80000046;
	[dreg:$0x1] =	wrdreg $0xFFFFFFFF  }
0xa9: {  	s28 =	simm.s32 $_size_execute0_lowered;
	s5 =	sadd.s32 s5, s7;
	[dreg:$0x0] =	wrdreg $0x0  }
0xaa: {  	s7 =	sshll.u32 s28, $0x1;
	[dreg:$0x2] =	wrdreg s5  }
0xab: {  	[dreg:$0x3] =	wrdreg s7  }
0xac: {  	[dreg:$0x4] =	wrdreg $0xC0  }
0xad: {  	_ =	task [dreg:s9], $0x5FFFF  }
0xae: {  	[dreg:$0x1] =	wrdreg $0xFFFFFFFF  }
0xaf: {  	[dreg:$0x0] =	wrdreg $0x60  }
0xb0: {  	[dreg:$0x2] =	wrdreg s2  }
0xb1: {  	[dreg:$0x3] =	wrdreg s24  }
0xb2: {  	[dreg:$0x4] =	wrdreg s18  }
0xb3: {  	[dreg:$0x5] =	wrdreg s4  }
0xb4: {  	[dreg:$0x6] =	wrdreg $0x9  }
0xb5: {  	_ =	task.clear_ibuf [dreg:s9], $0x7FFFF;
	_ =	strace $0x90000046  }
0xb6: {  	s29 =	simm.s32 $0x9;
	_ =	strace $0x80000048  }
0xb7: {  	_ =	swait.ge [sflag:s29], $0x1  }
0xb8: {  	[sflag:s29] =	ssyncadd.s32 $0xFFFFFFFF  }
0xb9: {  	_ =	strace $0x90000048  }
0xba: {  	_ =	sfence  }
0xbb: {  	s30 =	sld [smem:$0x0];
	_ =	sdelay $0x2  }
0xbc: {  	s31 =	sshll.u32 s1, $0xD;
	s1 =	sshrl.u32 s1, $0x2  }
0xbd: {  	s3 =	sand.u32 $0x4000, s31;
	s1 =	sadd.s32 s1, s30  }
0xbe: {  	s0 =	sor.u32 s3, s0;
	s1 =	sshll.u32 s1, $0x11  }
0xbf: {  	s0 =	sor.u32 s1, s0  }
0xc0: {  	s0 =	sadd.s32 $0x8F2B, s0  }
0xc1: {  	[sflag:s0] =	ssyncadd.remote.s32 $0x1  }
0xc2: {  	_ =	sfence.sel $0xFFFF  }
0xc3: {  	[dreg:$0x0] =	wrdreg $0xFFFFFFFF;
	(pc) =	sbr.abs _section_cstart, $3  }
0xc4: {  	[dreg:$0x1] =	wrdreg $0xFFFFFFFF  }
0xc5: {  	_ =	task.clear_ibuf [dreg:s9], $0x2FFFF;
	_ =	strace $0x9FFFFFFF  }
0xc6: {  	(tm) =	ssettm $0x7FFFFFFF  }
0xc7: {  	_ =	shalt  }
tec
execute0_lowered:
.L_overlay_start_1:
0x0: {  	(tag) =	ssettag $0x1  }
0x1: {  	s0 =	rddreg [dreg:$0x0]  }
0x2: {  	s4 =	rddreg [dreg:$0x1]  }
0x3: {  	s2 =	rddreg [dreg:$0x2]  }
0x4: {  	s6 =	rddreg [dreg:$0x3]  }
0x5: {  	s5 =	srdreg.scid;
	s1 =	stileid.u32;
	s3 =	simm.s32 $0x0  }
0x6: {  	s10 =	simm.s32 $0x320;
	s11 =	simm.s32 $0x6400;
	s12 =	simm.s32 $0x9600  }
0x7: {  	s13 =	simm.s32 $0x640;
	s14 =	simm.s32 $0xC800;
	s15 =	simm.s32 $0x960  }
0x8: {  	s16 =	simm.s32 $0xFA00;
	s17 =	simm.s32 $0x1;
	s18 =	simm.s32 $0x2  }
0x9: {  	s19 =	simm.s32 $0x3;
	s20 =	simm.s32 $0x4;
	s21 =	simm.s32 $0x12C00  }
0xa: {  	s22 =	simm.s32 $0x0;
	s5 =	sand.u32 $0x1, s5;
	s7 =	sshll.u32 s1, $0x1  }
.Ltmp0:
0xb: {  	[smem:$0x7FF] =	sst s3;
	s4 =	sadd.s32 $0xF42800, s4;
	(pc) =	sbr.rel .LBB2_1-.Ltmp0, $4  }
0xc: {  	s8 =	ssub.s32 $0x2, s5;
	s5 =	sor.u32 s5, s7;
	_ =	strace $0x80000047  }
0xd: {  	s30 =	sshrl.u32 s8, $0x1;
	s9 =	smul.u32 $0xC80, s5;
	s31 =	sshll.u32 s5, $0xA  }
0xe: {  	s7 =	ssub.s32 s8, s30;
	s6 =	sadd.s32 s6, s31;
	s8 =	simm.s32 $0x5  }
0xf: {  	s5 =	sadd.s32 s0, s9;
	s7 =	smax.u32 s7, $0x1;
	s9 =	simm.s32 $0x14C00  }
.LBB2_12:
0x10: {  	s22 =	sadd.s32 $0x1, s22  }
0x11: {  	p0 =	sne.s32 s22, s7  }
.Ltmp1:
0x12: {  	_ = 	snop;
	(pc) =	sbr.rel @!p0 .LBB2_13-.Ltmp1, $4  }
0x13: {  	[hbm4b:s6+s3] =	stream.linear.scatter [tilespmem:s21], [sflag:$0x5], $0x2000, $0x38;
	[tilespmem:$0x14C10] =	vst v63  }
0x14: {  	_ =	swait.ge [sflag:s8], $0x2000  }
0x15: {  	[sflag:s8] =	ssyncset.done $0x0  }
0x16: {  	[sflag:s8] =	ssyncadd.s32 $0xFFFFE000  }
.LBB2_1:
0x17: {  	[tilespmem:s3], [sflag:$0x5] =	stream.linear.gather [hbm4b:s5+s3], $0x6400, $0x38;
	[tilespmem:$0x14C10] =	vst v63  }
0x18: {  	_ =	swait.ge [sflag:s8], $0x6400  }
0x19: {  	[sflag:s8] =	ssyncset.done $0x0  }
0x1a: {  	[sflag:s8] =	ssyncadd.s32 $0xFFFF9C00  }
0x1b: {  	[tilespmem:s9], [sflag:$0x5] =	stream.linear.gather [hbm4b:s2+s3], $0x10, $0x38;
	[tilespmem:$0x14C10] =	vst v63  }
0x1c: {  	_ =	swait.ge [sflag:s8], $0x10  }
0x1d: {  	[sflag:s8] =	ssyncset.done $0x0  }
0x1e: {  	[sflag:s8] =	ssyncadd.s32 $0xFFFFFFF0  }
0x1f: {  	v0 =	vld [tilespmem:$0x14C00];
	[tilespmem:s11], [sflag:$0x1] =	stream.indirect.gather [hbm4b:s4+s10], $0x10, s3, s10, $0xb8  }
0x20: {  	_ = 	snop  }
0x21: {  	[tilespmem:s12], [sflag:$0x2] =	stream.indirect.gather [hbm4b:s4+s10], $0x10, s10, s10, $0xb8;
	[tilespmem:$0x14C10] =	vst v63  }
0x22: {  	s23 =	simm.s32 $0x12C10;
	s24 =	simm.s32 $0x12D10  }
0x23: {  	[tilespmem:s14], [sflag:$0x3] =	stream.indirect.gather [hbm4b:s4+s10], $0x10, s13, s10, $0xb8;
	[tilespmem:$0x14C10] =	vst v63  }
0x24: {  	s25 =	simm.s32 $0x12E10;
	s26 =	simm.s32 $0x12F10;
	s28 =	simm.s32 $0x0  }
0x25: {  	[tilespmem:s16], [sflag:$0x4] =	stream.indirect.gather [hbm4b:s4+s10], $0x10, s15, s10, $0xb8;
	[tilespmem:$0x14C10] =	vst v63  }
.LBB2_2:
0x26: {  	_ =	swait.ge [sflag:s17], $0x3200  }
0x27: {  	[sflag:s17] =	ssyncset.done $0x0  }
0x28: {  	s29 =	simm.s32 $0x0;
	s30 =	simm.s32 $0x6720;
	v1 =	vmov s23;
	[sflag:s17] =	ssyncadd.s32 $0xFFFFCE00  }
.LBB2_3:
0x29: {  	v2 =	vld [tilespmem:s30+$0xFFFFFCE0]  }
0x2a: {  	v3 =	vld [tilespmem:s30+$0xFFFFFCF0]  }
0x2b: {  	v4 =	vld [tilespmem:s30+$0xFFFFFD00]  }
0x2c: {  	v5 =	vld [tilespmem:s30+$0xFFFFFD10]  }
0x2d: {  	v6 =	vld [tilespmem:s30+$0xFFFFFD20]  }
0x2e: {  	v7 =	vld [tilespmem:s30+$0xFFFFFD30]  }
0x2f: {  	v8 =	vld [tilespmem:s30+$0xFFFFFD40]  }
0x30: {  	v9 =	vld [tilespmem:s30+$0xFFFFFD50]  }
0x31: {  	v10 =	vld [tilespmem:s30+$0xFFFFFD60]  }
0x32: {  	v11 =	vld [tilespmem:s30+$0xFFFFFD70]  }
0x33: {  	v12 =	vld [tilespmem:s30+$0xFFFFFD80]  }
0x34: {  	v13 =	vld [tilespmem:s30+$0xFFFFFD90]  }
0x35: {  	v14 =	vld [tilespmem:s30+$0xFFFFFDA0]  }
0x36: {  	v15 =	vld [tilespmem:s30+$0xFFFFFDB0]  }
0x37: {  	v16 =	vld [tilespmem:s30+$0xFFFFFDC0]  }
0x38: {  	v17 =	vld [tilespmem:s30+$0xFFFFFDD0]  }
0x39: {  	v18 =	vld [tilespmem:s30+$0xFFFFFDE0]  }
0x3a: {  	v19 =	vld [tilespmem:s30+$0xFFFFFDF0]  }
0x3b: {  	v20 =	vld [tilespmem:s30+$0xFFFFFE00]  }
0x3c: {  	v21 =	vld [tilespmem:s30+$0xFFFFFE10]  }
0x3d: {  	v22 =	vld [tilespmem:s30+$0xFFFFFE20]  }
0x3e: {  	v23 =	vld [tilespmem:s30+$0xFFFFFE30]  }
0x3f: {  	v24 =	vld [tilespmem:s30+$0xFFFFFE40]  }
0x40: {  	v25 =	vld [tilespmem:s30+$0xFFFFFE50]  }
0x41: {  	v26 =	vld [tilespmem:s30+$0xFFFFFE60]  }
0x42: {  	v27 =	vld [tilespmem:s30+$0xFFFFFE70]  }
0x43: {  	v28 =	vld [tilespmem:s30+$0xFFFFFE80]  }
0x44: {  	v29 =	vld [tilespmem:s30+$0xFFFFFE90]  }
0x45: {  	v30 =	vld [tilespmem:s30+$0xFFFFFEA0]  }
0x46: {  	v31 =	vld [tilespmem:s30+$0xFFFFFEB0]  }
0x47: {  	v32 =	vld [tilespmem:s30+$0xFFFFFEC0]  }
0x48: {  	v33 =	vld [tilespmem:s30+$0xFFFFFED0]  }
0x49: {  	v34 =	vld [tilespmem:s30+$0xFFFFFEE0]  }
0x4a: {  	v35 =	vld [tilespmem:s30+$0xFFFFFEF0]  }
0x4b: {  	v36 =	vld [tilespmem:s30+$0xFFFFFF00]  }
0x4c: {  	v37 =	vld [tilespmem:s30+$0xFFFFFF10]  }
0x4d: {  	v38 =	vld [tilespmem:s30+$0xFFFFFF20]  }
0x4e: {  	v39 =	vld [tilespmem:s30+$0xFFFFFF30]  }
0x4f: {  	v40 =	vld [tilespmem:s30+$0xFFFFFF40]  }
0x50: {  	v41 =	vld [tilespmem:s30+$0xFFFFFF50];
	v2 =	vadd.f32 v3, v2  }
0x51: {  	v42 =	vld [tilespmem:s30+$0xFFFFFF60];
	v4 =	vadd.f32 v5, v4;
	v5 =	vadd.f32 v7, v6  }
0x52: {  	v43 =	vld [tilespmem:s30+$0xFFFFFF70];
	v7 =	vadd.f32 v9, v8;
	v8 =	vadd.f32 v11, v10  }
0x53: {  	v46 =	vld [tilespmem:s30+$0xFFFFFFC0];
	v10 =	vadd.f32 v13, v12;
	v45 =	vadd.f32 v15, v14  }
0x54: {  	v49 =	vld [tilespmem:s30+$0xFFFFFFD0];
	v47 =	vadd.f32 v17, v16;
	v48 =	vadd.f32 v19, v18  }
0x55: {  	v52 =	vld [tilespmem:s30+$0xFFFFFFE0];
	v50 =	vadd.f32 v21, v20;
	v51 =	vadd.f32 v23, v22  }
0x56: {  	v55 =	vld [tilespmem:s30+$0xFFFFFFF0];
	v53 =	vadd.f32 v25, v24;
	v54 =	vadd.f32 v27, v26  }
0x57: {  	v56 =	vadd.f32 v29, v28;
	v57 =	vadd.f32 v31, v30  }
0x58: {  	v58 =	vadd.f32 v33, v32;
	v59 =	vadd.f32 v35, v34  }
0x59: {  	v44 =	vld [tilespmem:s30+$0xFFFFFF80];
	v60 =	vadd.f32 v37, v36;
	v61 =	vadd.f32 v39, v38  }
0x5a: {  	v3 =	vld [tilespmem:s30+$0xFFFFFF90];
	v62 =	vadd.f32 v41, v40;
	v63 =	vadd.f32 v43, v42  }
0x5b: {  	v6 =	vld [tilespmem:s30+$0xFFFFFFA0];
	v31 =	vadd.f32 v49, v46;
	v32 =	vadd.f32 v55, v52  }
0x5c: {  	v9 =	vld [tilespmem:s30+$0xFFFFFFB0];
	v2 =	vadd.f32 v4, v2;
	v33 =	vadd.f32 v7, v5  }
0x5d: {  	v34 =	vadd.f32 v10, v8;
	v35 =	vadd.f32 v47, v45  }
0x5e: {  	v36 =	vadd.f32 v50, v48;
	v37 =	vadd.f32 v53, v51  }
0x5f: {  	v38 =	vadd.f32 v56, v54;
	v39 =	vadd.f32 v58, v57  }
0x60: {  	v40 =	vadd.f32 v60, v59;
	v41 =	vadd.f32 v62, v61  }
0x61: {  	v3 =	vadd.f32 v3, v44;
	v6 =	vadd.f32 v9, v6  }
0x62: {  	v2 =	vadd.f32 v33, v2;
	v42 =	vadd.f32 v35, v34  }
0x63: {  	v3 =	vadd.f32 v3, v63;
	v6 =	vadd.f32 v31, v6  }
0x64: {  	v43 =	vadd.f32 v37, v36;
	v45 =	vadd.f32 v41, v40  }
0x65: {  	v44 =	vadd.f32 v39, v38;
	v3 =	vadd.f32 v6, v3  }
0x66: {  	v46 =	vadd.f32 v32, v0;
	v2 =	vadd.f32 v42, v2  }
0x67: {  	v47 =	vadd.f32 v44, v43;
	v3 =	vadd.f32 v3, v45;
	_ =	sdelay $0x1  }
0x68: {  	v2 =	vadd.f32 v47, v2;
	v3 =	vadd.f32 v46, v3;
	_ =	sdelay $0x1  }
0x69: {  	v2 =	vadd.f32 v3, v2  }
0x6a: {  	s0 =	sshra.s32 s29, $0x2  }
0x6b: {  	[tilespmem:v1+s0+$0xFFFFFFF0 ss:$0x1] =	vst.idx.msk $0xffff, v2  }
0x6c: {  	v2 =	vld [tilespmem:s30+$0x0]  }
0x6d: {  	v3 =	vld [tilespmem:s30+$0x10]  }
0x6e: {  	v4 =	vld [tilespmem:s30+$0x20]  }
0x6f: {  	v5 =	vld [tilespmem:s30+$0x30]  }
0x70: {  	v6 =	vld [tilespmem:s30+$0x40]  }
0x71: {  	v48 =	vld [tilespmem:s30+$0x50]  }
0x72: {  	v8 =	vld [tilespmem:s30+$0x60]  }
0x73: {  	v9 =	vld [tilespmem:s30+$0x70]  }
0x74: {  	v10 =	vld [tilespmem:s30+$0x80]  }
0x75: {  	v49 =	vld [tilespmem:s30+$0x90]  }
0x76: {  	v12 =	vld [tilespmem:s30+$0xA0]  }
0x77: {  	v50 =	vld [tilespmem:s30+$0xB0]  }
0x78: {  	v51 =	vld [tilespmem:s30+$0xC0]  }
0x79: {  	v52 =	vld [tilespmem:s30+$0xD0]  }
0x7a: {  	v16 =	vld [tilespmem:s30+$0xE0]  }
0x7b: {  	v53 =	vld [tilespmem:s30+$0xF0]  }
0x7c: {  	v54 =	vld [tilespmem:s30+$0x100]  }
0x7d: {  	v55 =	vld [tilespmem:s30+$0x110]  }
0x7e: {  	v20 =	vld [tilespmem:s30+$0x120]  }
0x7f: {  	v56 =	vld [tilespmem:s30+$0x130]  }
0x80: {  	v57 =	vld [tilespmem:s30+$0x140]  }
0x81: {  	v58 =	vld [tilespmem:s30+$0x150]  }
0x82: {  	v24 =	vld [tilespmem:s30+$0x160]  }
0x83: {  	v59 =	vld [tilespmem:s30+$0x170]  }
0x84: {  	v60 =	vld [tilespmem:s30+$0x180]  }
0x85: {  	v61 =	vld [tilespmem:s30+$0x190]  }
0x86: {  	v28 =	vld [tilespmem:s30+$0x1A0]  }
0x87: {  	v62 =	vld [tilespmem:s30+$0x1B0]  }
0x88: {  	v30 =	vld [tilespmem:s30+$0x1C0]  }
0x89: {  	v63 =	vld [tilespmem:s30+$0x1D0]  }
0x8a: {  	v32 =	vld [tilespmem:s30+$0x1E0]  }
0x8b: {  	v33 =	vld [tilespmem:s30+$0x1F0]  }
0x8c: {  	v34 =	vld [tilespmem:s30+$0x200]  }
0x8d: {  	v35 =	vld [tilespmem:s30+$0x210]  }
0x8e: {  	v36 =	vld [tilespmem:s30+$0x220]  }
0x8f: {  	v37 =	vld [tilespmem:s30+$0x230]  }
0x90: {  	v38 =	vld [tilespmem:s30+$0x240]  }
0x91: {  	v39 =	vld [tilespmem:s30+$0x250]  }
0x92: {  	v40 =	vld [tilespmem:s30+$0x260]  }
0x93: {  	v41 =	vld [tilespmem:s30+$0x270];
	v2 =	vadd.f32 v3, v2  }
0x94: {  	v42 =	vld [tilespmem:s30+$0x280];
	v4 =	vadd.f32 v5, v4;
	v5 =	vadd.f32 v48, v6  }
0x95: {  	v43 =	vld [tilespmem:s30+$0x290];
	v7 =	vadd.f32 v9, v8;
	v8 =	vadd.f32 v49, v10  }
0x96: {  	v44 =	vld [tilespmem:s30+$0x2A0];
	v50 =	vadd.f32 v50, v12;
	v51 =	vadd.f32 v52, v51  }
0x97: {  	v3 =	vld [tilespmem:s30+$0x2B0];
	v53 =	vadd.f32 v53, v16;
	v54 =	vadd.f32 v55, v54  }
0x98: {  	v48 =	vld [tilespmem:s30+$0x2C0];
	v56 =	vadd.f32 v56, v20;
	v57 =	vadd.f32 v58, v57  }
0x99: {  	v49 =	vld [tilespmem:s30+$0x2D0];
	v59 =	vadd.f32 v59, v24;
	v60 =	vadd.f32 v61, v60  }
0x9a: {  	v52 =	vld [tilespmem:s30+$0x2E0];
	v62 =	vadd.f32 v62, v28;
	v63 =	vadd.f32 v63, v30  }
0x9b: {  	v55 =	vld [tilespmem:s30+$0x2F0];
	v33 =	vadd.f32 v33, v32;
	v35 =	vadd.f32 v35, v34  }
0x9c: {  	v58 =	vld [tilespmem:s30+$0x300];
	v37 =	vadd.f32 v37, v36;
	v39 =	vadd.f32 v39, v38  }
0x9d: {  	v61 =	vld [tilespmem:s30+$0x310];
	v45 =	vadd.f32 v41, v40;
	v46 =	vadd.f32 v43, v42  }
0x9e: {  	v2 =	vadd.f32 v4, v2;
	v50 =	vadd.f32 v50, v8  }
0x9f: {  	v51 =	vadd.f32 v53, v51;
	v53 =	vadd.f32 v59, v57  }
0xa0: {  	v57 =	vadd.f32 v45, v39;
	v3 =	vadd.f32 v3, v44  }
0xa1: {  	v6 =	vadd.f32 v49, v48;
	v47 =	vadd.f32 v55, v52  }
0xa2: {  	v48 =	vadd.f32 v61, v58;
	v49 =	vadd.f32 v7, v5  }
0xa3: {  	v52 =	vadd.f32 v56, v54;
	v54 =	vadd.f32 v62, v60  }
0xa4: {  	v55 =	vadd.f32 v33, v63;
	v56 =	vadd.f32 v37, v35  }
0xa5: {  	v58 =	vadd.f32 v51, v50;
	v3 =	vadd.f32 v3, v46  }
0xa6: {  	v6 =	vadd.f32 v47, v6;
	v2 =	vadd.f32 v49, v2  }
0xa7: {  	v59 =	vadd.f32 v53, v52;
	v60 =	vadd.f32 v55, v54  }
0xa8: {  	v61 =	vadd.f32 v57, v56;
	v3 =	vadd.f32 v6, v3  }
0xa9: {  	v62 =	vadd.f32 v48, v0;
	v2 =	vadd.f32 v58, v2  }
0xaa: {  	v63 =	vadd.f32 v60, v59;
	v3 =	vadd.f32 v3, v61  }
0xab: {  	p0 =	sne.s32 s29, $0x380  }
.Ltmp2:
0xac: {  	v2 =	vadd.f32 v63, v2;
	v3 =	vadd.f32 v62, v3;
	(pc) =	sbr.rel @p0 .LBB2_3-.Ltmp2, $3  }
0xad: {  	_ = 	snop  }
0xae: {  	v2 =	vadd.f32 v3, v2;
	_ =	sdelay $0x1  }
0xaf: {  	s29 =	sadd.s32 $0x80, s29;
	s30 =	sadd.s32 $0x640, s30;
	[tilespmem:v1+s0+$0x0 ss:$0x1] =	vst.idx.msk $0xffff, v2  }
0xb0: {  	p0 =	seq.s32 s28, $0x7  }
0xb1: {  	s0 =	smul.u32 @!p0 $0x3200, s28;
	_ =	sdelay $0x1  }
0xb2: {  	s29 =	sshra.s32 @!p0 s0, $0x2  }
0xb3: {  	s30 =	simm.s32 @!p0 $0x320;
	s31 =	simm.s32 @!p0 $0x6400;
	s0 =	sadd.s32 @!p0 $0xC80, s29  }
0xb4: {  	[tilespmem:s31], [sflag:$0x1] =	stream.indirect.gather @!p0 [hbm4b:s4+s30], $0x10, s0, s30, $0xb8;
	[tilespmem:$0x14C10] =	vst v63  }
0xb5: {  	_ =	swait.ge [sflag:s18], $0x3200  }
0xb6: {  	[sflag:s18] =	ssyncset.done $0x0  }
0xb7: {  	v1 =	vmov s24;
	s30 =	simm.s32 $0x0;
	s31 =	simm.s32 $0x9C30;
	[sflag:s18] =	ssyncadd.s32 $0xFFFFCE00  }
.LBB2_5:
0xb8: {  	v2 =	vld [tilespmem:s31+$0xFFFFF9D0]  }
0xb9: {  	v3 =	vld [tilespmem:s31+$0xFFFFF9E0]  }
0xba: {  	v4 =	vld [tilespmem:s31+$0xFFFFF9F0]  }
0xbb: {  	v5 =	vld [tilespmem:s31+$0xFFFFFA00]  }
0xbc: {  	v6 =	vld [tilespmem:s31+$0xFFFFFA10]  }
0xbd: {  	v7 =	vld [tilespmem:s31+$0xFFFFFA20]  }
0xbe: {  	v8 =	vld [tilespmem:s31+$0xFFFFFA30]  }
0xbf: {  	v9 =	vld [tilespmem:s31+$0xFFFFFA40]  }
0xc0: {  	v10 =	vld [tilespmem:s31+$0xFFFFFA50]  }
0xc1: {  	v11 =	vld [tilespmem:s31+$0xFFFFFA60]  }
0xc2: {  	v12 =	vld [tilespmem:s31+$0xFFFFFA70]  }
0xc3: {  	v13 =	vld [tilespmem:s31+$0xFFFFFA80]  }
0xc4: {  	v14 =	vld [tilespmem:s31+$0xFFFFFA90]  }
0xc5: {  	v15 =	vld [tilespmem:s31+$0xFFFFFAA0]  }
0xc6: {  	v16 =	vld [tilespmem:s31+$0xFFFFFAB0]  }
0xc7: {  	v17 =	vld [tilespmem:s31+$0xFFFFFAC0]  }
0xc8: {  	v18 =	vld [tilespmem:s31+$0xFFFFFAD0]  }
0xc9: {  	v19 =	vld [tilespmem:s31+$0xFFFFFAE0]  }
0xca: {  	v20 =	vld [tilespmem:s31+$0xFFFFFAF0]  }
0xcb: {  	v21 =	vld [tilespmem:s31+$0xFFFFFB00]  }
0xcc: {  	v22 =	vld [tilespmem:s31+$0xFFFFFB10]  }
0xcd: {  	v23 =	vld [tilespmem:s31+$0xFFFFFB20]  }
0xce: {  	v24 =	vld [tilespmem:s31+$0xFFFFFB30]  }
0xcf: {  	v25 =	vld [tilespmem:s31+$0xFFFFFB40]  }
0xd0: {  	v26 =	vld [tilespmem:s31+$0xFFFFFB50]  }
0xd1: {  	v27 =	vld [tilespmem:s31+$0xFFFFFB60]  }
0xd2: {  	v28 =	vld [tilespmem:s31+$0xFFFFFB70]  }
0xd3: {  	v29 =	vld [tilespmem:s31+$0xFFFFFB80]  }
0xd4: {  	v30 =	vld [tilespmem:s31+$0xFFFFFB90]  }
0xd5: {  	v31 =	vld [tilespmem:s31+$0xFFFFFBA0]  }
0xd6: {  	v32 =	vld [tilespmem:s31+$0xFFFFFBB0]  }
0xd7: {  	v33 =	vld [tilespmem:s31+$0xFFFFFBC0]  }
0xd8: {  	v34 =	vld [tilespmem:s31+$0xFFFFFBD0]  }
0xd9: {  	v35 =	vld [tilespmem:s31+$0xFFFFFBE0]  }
0xda: {  	v36 =	vld [tilespmem:s31+$0xFFFFFBF0]  }
0xdb: {  	v37 =	vld [tilespmem:s31+$0xFFFFFC00]  }
0xdc: {  	v38 =	vld [tilespmem:s31+$0xFFFFFC10]  }
0xdd: {  	v39 =	vld [tilespmem:s31+$0xFFFFFC20]  }
0xde: {  	v40 =	vld [tilespmem:s31+$0xFFFFFC30]  }
0xdf: {  	v41 =	vld [tilespmem:s31+$0xFFFFFC40];
	v2 =	vadd.f32 v3, v2  }
0xe0: {  	v42 =	vld [tilespmem:s31+$0xFFFFFC50];
	v4 =	vadd.f32 v5, v4;
	v5 =	vadd.f32 v7, v6  }
0xe1: {  	v43 =	vld [tilespmem:s31+$0xFFFFFC60];
	v7 =	vadd.f32 v9, v8;
	v8 =	vadd.f32 v11, v10  }
0xe2: {  	v46 =	vld [tilespmem:s31+$0xFFFFFCB0];
	v10 =	vadd.f32 v13, v12;
	v45 =	vadd.f32 v15, v14  }
0xe3: {  	v49 =	vld [tilespmem:s31+$0xFFFFFCC0];
	v47 =	vadd.f32 v17, v16;
	v48 =	vadd.f32 v19, v18  }
0xe4: {  	v52 =	vld [tilespmem:s31+$0xFFFFFCD0];
	v50 =	vadd.f32 v21, v20;
	v51 =	vadd.f32 v23, v22  }
0xe5: {  	v55 =	vld [tilespmem:s31+$0xFFFFFCE0];
	v53 =	vadd.f32 v25, v24;
	v54 =	vadd.f32 v27, v26  }
0xe6: {  	v56 =	vadd.f32 v29, v28;
	v57 =	vadd.f32 v31, v30  }
0xe7: {  	v58 =	vadd.f32 v33, v32;
	v59 =	vadd.f32 v35, v34  }
0xe8: {  	v44 =	vld [tilespmem:s31+$0xFFFFFC70];
	v60 =	vadd.f32 v37, v36;
	v61 =	vadd.f32 v39, v38  }
0xe9: {  	v3 =	vld [tilespmem:s31+$0xFFFFFC80];
	v62 =	vadd.f32 v41, v40;
	v63 =	vadd.f32 v43, v42  }
0xea: {  	v6 =	vld [tilespmem:s31+$0xFFFFFC90];
	v31 =	vadd.f32 v49, v46;
	v32 =	vadd.f32 v55, v52  }
0xeb: {  	v9 =	vld [tilespmem:s31+$0xFFFFFCA0];
	v2 =	vadd.f32 v4, v2;
	v33 =	vadd.f32 v7, v5  }
0xec: {  	v34 =	vadd.f32 v10, v8;
	v35 =	vadd.f32 v47, v45  }
0xed: {  	v36 =	vadd.f32 v50, v48;
	v37 =	vadd.f32 v53, v51  }
0xee: {  	v38 =	vadd.f32 v56, v54;
	v39 =	vadd.f32 v58, v57  }
0xef: {  	v40 =	vadd.f32 v60, v59;
	v41 =	vadd.f32 v62, v61  }
0xf0: {  	v3 =	vadd.f32 v3, v44;
	v6 =	vadd.f32 v9, v6  }
0xf1: {  	v2 =	vadd.f32 v33, v2;
	v42 =	vadd.f32 v35, v34  }
0xf2: {  	v3 =	vadd.f32 v3, v63;
	v6 =	vadd.f32 v31, v6  }
0xf3: {  	v43 =	vadd.f32 v37, v36;
	v45 =	vadd.f32 v41, v40  }
0xf4: {  	v44 =	vadd.f32 v39, v38;
	v3 =	vadd.f32 v6, v3  }
0xf5: {  	v46 =	vadd.f32 v32, v0;
	v2 =	vadd.f32 v42, v2  }
0xf6: {  	v47 =	vadd.f32 v44, v43;
	v3 =	vadd.f32 v3, v45;
	_ =	sdelay $0x1  }
0xf7: {  	v2 =	vadd.f32 v47, v2;
	v3 =	vadd.f32 v46, v3;
	_ =	sdelay $0x1  }
0xf8: {  	v2 =	vadd.f32 v3, v2  }
0xf9: {  	s0 =	sshra.s32 s30, $0x2  }
0xfa: {  	[tilespmem:v1+s0+$0xFFFFFFF0 ss:$0x1] =	vst.idx.msk $0xffff, v2  }
0xfb: {  	v2 =	vld [tilespmem:s31+$0xFFFFFCF0]  }
0xfc: {  	v3 =	vld [tilespmem:s31+$0xFFFFFD00]  }
0xfd: {  	v4 =	vld [tilespmem:s31+$0xFFFFFD10]  }
0xfe: {  	v5 =	vld [tilespmem:s31+$0xFFFFFD20]  }
0xff: {  	v6 =	vld [tilespmem:s31+$0xFFFFFD30]  }
0x100: {  	v48 =	vld [tilespmem:s31+$0xFFFFFD40]  }
0x101: {  	v8 =	vld [tilespmem:s31+$0xFFFFFD50]  }
0x102: {  	v9 =	vld [tilespmem:s31+$0xFFFFFD60]  }
0x103: {  	v10 =	vld [tilespmem:s31+$0xFFFFFD70]  }
0x104: {  	v49 =	vld [tilespmem:s31+$0xFFFFFD80]  }
0x105: {  	v12 =	vld [tilespmem:s31+$0xFFFFFD90]  }
0x106: {  	v50 =	vld [tilespmem:s31+$0xFFFFFDA0]  }
0x107: {  	v51 =	vld [tilespmem:s31+$0xFFFFFDB0]  }
0x108: {  	v52 =	vld [tilespmem:s31+$0xFFFFFDC0]  }
0x109: {  	v16 =	vld [tilespmem:s31+$0xFFFFFDD0]  }
0x10a: {  	v53 =	vld [tilespmem:s31+$0xFFFFFDE0]  }
0x10b: {  	v54 =	vld [tilespmem:s31+$0xFFFFFDF0]  }
0x10c: {  	v55 =	vld [tilespmem:s31+$0xFFFFFE00]  }
0x10d: {  	v20 =	vld [tilespmem:s31+$0xFFFFFE10]  }
0x10e: {  	v56 =	vld [tilespmem:s31+$0xFFFFFE20]  }
0x10f: {  	v57 =	vld [tilespmem:s31+$0xFFFFFE30]  }
0x110: {  	v58 =	vld [tilespmem:s31+$0xFFFFFE40]  }
0x111: {  	v24 =	vld [tilespmem:s31+$0xFFFFFE50]  }
0x112: {  	v59 =	vld [tilespmem:s31+$0xFFFFFE60]  }
0x113: {  	v60 =	vld [tilespmem:s31+$0xFFFFFE70]  }
0x114: {  	v61 =	vld [tilespmem:s31+$0xFFFFFE80]  }
0x115: {  	v28 =	vld [tilespmem:s31+$0xFFFFFE90]  }
0x116: {  	v62 =	vld [tilespmem:s31+$0xFFFFFEA0]  }
0x117: {  	v30 =	vld [tilespmem:s31+$0xFFFFFEB0]  }
0x118: {  	v63 =	vld [tilespmem:s31+$0xFFFFFEC0]  }
0x119: {  	v32 =	vld [tilespmem:s31+$0xFFFFFED0]  }
0x11a: {  	v33 =	vld [tilespmem:s31+$0xFFFFFEE0]  }
0x11b: {  	v34 =	vld [tilespmem:s31+$0xFFFFFEF0]  }
0x11c: {  	v35 =	vld [tilespmem:s31+$0xFFFFFF00]  }
0x11d: {  	v36 =	vld [tilespmem:s31+$0xFFFFFF10]  }
0x11e: {  	v37 =	vld [tilespmem:s31+$0xFFFFFF20]  }
0x11f: {  	v38 =	vld [tilespmem:s31+$0xFFFFFF30]  }
0x120: {  	v39 =	vld [tilespmem:s31+$0xFFFFFF40]  }
0x121: {  	v40 =	vld [tilespmem:s31+$0xFFFFFF50]  }
0x122: {  	v41 =	vld [tilespmem:s31+$0xFFFFFF60];
	v2 =	vadd.f32 v3, v2  }
0x123: {  	v42 =	vld [tilespmem:s31+$0xFFFFFF70];
	v4 =	vadd.f32 v5, v4;
	v5 =	vadd.f32 v48, v6  }
0x124: {  	v43 =	vld [tilespmem:s31+$0xFFFFFF80];
	v7 =	vadd.f32 v9, v8;
	v8 =	vadd.f32 v49, v10  }
0x125: {  	v44 =	vld [tilespmem:s31+$0xFFFFFF90];
	v50 =	vadd.f32 v50, v12;
	v51 =	vadd.f32 v52, v51  }
0x126: {  	v3 =	vld [tilespmem:s31+$0xFFFFFFA0];
	v53 =	vadd.f32 v53, v16;
	v54 =	vadd.f32 v55, v54  }
0x127: {  	v48 =	vld [tilespmem:s31+$0xFFFFFFB0];
	v56 =	vadd.f32 v56, v20;
	v57 =	vadd.f32 v58, v57  }
0x128: {  	v49 =	vld [tilespmem:s31+$0xFFFFFFC0];
	v59 =	vadd.f32 v59, v24;
	v60 =	vadd.f32 v61, v60  }
0x129: {  	v52 =	vld [tilespmem:s31+$0xFFFFFFD0];
	v62 =	vadd.f32 v62, v28;
	v63 =	vadd.f32 v63, v30  }
0x12a: {  	v55 =	vld [tilespmem:s31+$0xFFFFFFE0];
	v33 =	vadd.f32 v33, v32;
	v35 =	vadd.f32 v35, v34  }
0x12b: {  	v58 =	vld [tilespmem:s31+$0xFFFFFFF0];
	v37 =	vadd.f32 v37, v36;
	v39 =	vadd.f32 v39, v38  }
0x12c: {  	v61 =	vld [tilespmem:s31+$0x0];
	v45 =	vadd.f32 v41, v40;
	v46 =	vadd.f32 v43, v42  }
0x12d: {  	v2 =	vadd.f32 v4, v2;
	v50 =	vadd.f32 v50, v8  }
0x12e: {  	v51 =	vadd.f32 v53, v51;
	v53 =	vadd.f32 v59, v57  }
0x12f: {  	v57 =	vadd.f32 v45, v39;
	v3 =	vadd.f32 v3, v44  }
0x130: {  	v6 =	vadd.f32 v49, v48;
	v47 =	vadd.f32 v55, v52  }
0x131: {  	v48 =	vadd.f32 v61, v58;
	v49 =	vadd.f32 v7, v5  }
0x132: {  	v52 =	vadd.f32 v56, v54;
	v54 =	vadd.f32 v62, v60  }
0x133: {  	v55 =	vadd.f32 v33, v63;
	v56 =	vadd.f32 v37, v35  }
0x134: {  	v58 =	vadd.f32 v51, v50;
	v3 =	vadd.f32 v3, v46  }
0x135: {  	v6 =	vadd.f32 v47, v6;
	v2 =	vadd.f32 v49, v2  }
0x136: {  	v59 =	vadd.f32 v53, v52;
	v60 =	vadd.f32 v55, v54  }
0x137: {  	v61 =	vadd.f32 v57, v56;
	v3 =	vadd.f32 v6, v3  }
0x138: {  	v62 =	vadd.f32 v48, v0;
	v2 =	vadd.f32 v58, v2  }
0x139: {  	v63 =	vadd.f32 v60, v59;
	v3 =	vadd.f32 v3, v61  }
0x13a: {  	p1 =	sne.s32 s30, $0x380  }
.Ltmp3:
0x13b: {  	v2 =	vadd.f32 v63, v2;
	v3 =	vadd.f32 v62, v3;
	(pc) =	sbr.rel @p1 .LBB2_5-.Ltmp3, $3  }
0x13c: {  	_ = 	snop  }
0x13d: {  	v2 =	vadd.f32 v3, v2;
	_ =	sdelay $0x1  }
0x13e: {  	s30 =	sadd.s32 $0x80, s30;
	s31 =	sadd.s32 $0x640, s31;
	[tilespmem:v1+s0+$0x0 ss:$0x1] =	vst.idx.msk $0xffff, v2  }
0x13f: {  	s0 =	sadd.s32 @!p0 $0xFA0, s29;
	s30 =	simm.s32 @!p0 $0x320;
	s31 =	simm.s32 @!p0 $0x9600  }
0x140: {  	[tilespmem:s31], [sflag:$0x2] =	stream.indirect.gather @!p0 [hbm4b:s4+s30], $0x10, s0, s30, $0xb8;
	[tilespmem:$0x14C10] =	vst v63  }
0x141: {  	_ =	swait.ge [sflag:s19], $0x3200  }
0x142: {  	[sflag:s19] =	ssyncset.done $0x0  }
0x143: {  	s30 =	simm.s32 $0x0;
	s31 =	smov.u32 s25;
	[sflag:s19] =	ssyncadd.s32 $0xFFFFCE00  }
.LBB2_7:
0x144: {  	s0 =	sshra.s32 s30, $0x2  }
0x145: {  	v1 =	vld [tilespmem:s0+$0xC800]  }
0x146: {  	v2 =	vld [tilespmem:s0+$0xC810]  }
0x147: {  	v3 =	vld [tilespmem:s0+$0xC820]  }
0x148: {  	v4 =	vld [tilespmem:s0+$0xC830]  }
0x149: {  	v5 =	vld [tilespmem:s0+$0xC840]  }
0x14a: {  	v6 =	vld [tilespmem:s0+$0xC850]  }
0x14b: {  	v7 =	vld [tilespmem:s0+$0xC860]  }
0x14c: {  	v8 =	vld [tilespmem:s0+$0xC870]  }
0x14d: {  	v9 =	vld [tilespmem:s0+$0xC880]  }
0x14e: {  	v10 =	vld [tilespmem:s0+$0xC890]  }
0x14f: {  	v11 =	vld [tilespmem:s0+$0xC8A0]  }
0x150: {  	v12 =	vld [tilespmem:s0+$0xC8B0]  }
0x151: {  	v13 =	vld [tilespmem:s0+$0xC8C0]  }
0x152: {  	v14 =	vld [tilespmem:s0+$0xC8D0]  }
0x153: {  	v15 =	vld [tilespmem:s0+$0xC8E0]  }
0x154: {  	v16 =	vld [tilespmem:s0+$0xC8F0]  }
0x155: {  	v17 =	vld [tilespmem:s0+$0xC900]  }
0x156: {  	v18 =	vld [tilespmem:s0+$0xC910]  }
0x157: {  	v19 =	vld [tilespmem:s0+$0xC920]  }
0x158: {  	v20 =	vld [tilespmem:s0+$0xC930]  }
0x159: {  	v21 =	vld [tilespmem:s0+$0xC940]  }
0x15a: {  	v22 =	vld [tilespmem:s0+$0xC950]  }
0x15b: {  	v23 =	vld [tilespmem:s0+$0xC960]  }
0x15c: {  	v24 =	vld [tilespmem:s0+$0xC970]  }
0x15d: {  	v25 =	vld [tilespmem:s0+$0xC980]  }
0x15e: {  	v26 =	vld [tilespmem:s0+$0xC990]  }
0x15f: {  	v27 =	vld [tilespmem:s0+$0xC9A0]  }
0x160: {  	v28 =	vld [tilespmem:s0+$0xC9B0]  }
0x161: {  	v29 =	vld [tilespmem:s0+$0xC9C0]  }
0x162: {  	v30 =	vld [tilespmem:s0+$0xC9D0]  }
0x163: {  	v31 =	vld [tilespmem:s0+$0xC9E0]  }
0x164: {  	v32 =	vld [tilespmem:s0+$0xC9F0]  }
0x165: {  	v33 =	vld [tilespmem:s0+$0xCA00]  }
0x166: {  	v34 =	vld [tilespmem:s0+$0xCA10]  }
0x167: {  	v35 =	vld [tilespmem:s0+$0xCA20]  }
0x168: {  	v36 =	vld [tilespmem:s0+$0xCA30]  }
0x169: {  	v37 =	vld [tilespmem:s0+$0xCA40]  }
0x16a: {  	v38 =	vld [tilespmem:s0+$0xCA50]  }
0x16b: {  	v39 =	vld [tilespmem:s0+$0xCA60]  }
0x16c: {  	v40 =	vld [tilespmem:s0+$0xCA70]  }
0x16d: {  	v41 =	vld [tilespmem:s0+$0xCA80];
	v1 =	vadd.f32 v2, v1  }
0x16e: {  	v42 =	vld [tilespmem:s0+$0xCA90];
	v3 =	vadd.f32 v4, v3;
	v4 =	vadd.f32 v6, v5  }
0x16f: {  	v44 =	vld [tilespmem:s0+$0xCAC0];
	v45 =	vadd.f32 v8, v7;
	v46 =	vadd.f32 v10, v9  }
0x170: {  	v47 =	vld [tilespmem:s0+$0xCAD0];
	v48 =	vadd.f32 v12, v11;
	v49 =	vadd.f32 v14, v13  }
0x171: {  	v50 =	vld [tilespmem:s0+$0xCAE0];
	v51 =	vadd.f32 v16, v15;
	v52 =	vadd.f32 v18, v17  }
0x172: {  	v53 =	vld [tilespmem:s0+$0xCAF0];
	v54 =	vadd.f32 v20, v19;
	v55 =	vadd.f32 v22, v21  }
0x173: {  	v56 =	vld [tilespmem:s0+$0xCB00];
	v57 =	vadd.f32 v24, v23;
	v58 =	vadd.f32 v26, v25  }
0x174: {  	v59 =	vld [tilespmem:s0+$0xCB10];
	v60 =	vadd.f32 v28, v27;
	v61 =	vadd.f32 v30, v29  }
0x175: {  	v62 =	vadd.f32 v32, v31;
	v63 =	vadd.f32 v34, v33  }
0x176: {  	v32 =	vadd.f32 v36, v35;
	v33 =	vadd.f32 v38, v37  }
0x177: {  	v34 =	vadd.f32 v40, v39;
	v35 =	vadd.f32 v42, v41  }
0x178: {  	v43 =	vld [tilespmem:s0+$0xCAA0];
	v5 =	vadd.f32 v47, v44;
	v36 =	vadd.f32 v53, v50  }
0x179: {  	v2 =	vld [tilespmem:s0+$0xCAB0];
	v37 =	vadd.f32 v59, v56;
	v1 =	vadd.f32 v3, v1  }
0x17a: {  	v3 =	vadd.f32 v45, v4;
	v38 =	vadd.f32 v48, v46  }
0x17b: {  	v39 =	vadd.f32 v51, v49;
	v40 =	vadd.f32 v54, v52  }
0x17c: {  	v41 =	vadd.f32 v57, v55;
	v42 =	vadd.f32 v60, v58  }
0x17d: {  	v44 =	vadd.f32 v32, v63;
	v45 =	vadd.f32 v34, v33  }
0x17e: {  	v5 =	vadd.f32 v36, v5;
	v2 =	vadd.f32 v2, v43  }
0x17f: {  	v1 =	vadd.f32 v3, v1;
	v3 =	vadd.f32 v39, v38  }
0x180: {  	v43 =	vadd.f32 v62, v61;
	v2 =	vadd.f32 v2, v35  }
0x181: {  	v46 =	vadd.f32 v41, v40;
	v48 =	vadd.f32 v45, v44  }
0x182: {  	v47 =	vadd.f32 v43, v42;
	v2 =	vadd.f32 v5, v2  }
0x183: {  	v49 =	vadd.f32 v37, v0;
	v1 =	vadd.f32 v3, v1  }
0x184: {  	v3 =	vadd.f32 v47, v46;
	v2 =	vadd.f32 v2, v48;
	_ =	sdelay $0x1  }
0x185: {  	v1 =	vadd.f32 v3, v1;
	v2 =	vadd.f32 v49, v2;
	_ =	sdelay $0x1  }
0x186: {  	v1 =	vadd.f32 v2, v1;
	_ =	sdelay $0x1  }
0x187: {  	[tilespmem:s31+$0xFFFFFFF0] =	vst v1  }
0x188: {  	v1 =	vld [tilespmem:s0+$0xCB20]  }
0x189: {  	v2 =	vld [tilespmem:s0+$0xCB30]  }
0x18a: {  	v3 =	vld [tilespmem:s0+$0xCB40]  }
0x18b: {  	v4 =	vld [tilespmem:s0+$0xCB50]  }
0x18c: {  	v5 =	vld [tilespmem:s0+$0xCB60]  }
0x18d: {  	v50 =	vld [tilespmem:s0+$0xCB70]  }
0x18e: {  	v7 =	vld [tilespmem:s0+$0xCB80]  }
0x18f: {  	v8 =	vld [tilespmem:s0+$0xCB90]  }
0x190: {  	v9 =	vld [tilespmem:s0+$0xCBA0]  }
0x191: {  	v51 =	vld [tilespmem:s0+$0xCBB0]  }
0x192: {  	v11 =	vld [tilespmem:s0+$0xCBC0]  }
0x193: {  	v12 =	vld [tilespmem:s0+$0xCBD0]  }
0x194: {  	v13 =	vld [tilespmem:s0+$0xCBE0]  }
0x195: {  	v52 =	vld [tilespmem:s0+$0xCBF0]  }
0x196: {  	v15 =	vld [tilespmem:s0+$0xCC00]  }
0x197: {  	v53 =	vld [tilespmem:s0+$0xCC10]  }
0x198: {  	v54 =	vld [tilespmem:s0+$0xCC20]  }
0x199: {  	v55 =	vld [tilespmem:s0+$0xCC30]  }
0x19a: {  	v19 =	vld [tilespmem:s0+$0xCC40]  }
0x19b: {  	v56 =	vld [tilespmem:s0+$0xCC50]  }
0x19c: {  	v57 =	vld [tilespmem:s0+$0xCC60]  }
0x19d: {  	v58 =	vld [tilespmem:s0+$0xCC70]  }
0x19e: {  	v23 =	vld [tilespmem:s0+$0xCC80]  }
0x19f: {  	v59 =	vld [tilespmem:s0+$0xCC90]  }
0x1a0: {  	v60 =	vld [tilespmem:s0+$0xCCA0]  }
0x1a1: {  	v61 =	vld [tilespmem:s0+$0xCCB0]  }
0x1a2: {  	v27 =	vld [tilespmem:s0+$0xCCC0]  }
0x1a3: {  	v62 =	vld [tilespmem:s0+$0xCCD0]  }
0x1a4: {  	v29 =	vld [tilespmem:s0+$0xCCE0]  }
0x1a5: {  	v63 =	vld [tilespmem:s0+$0xCCF0]  }
0x1a6: {  	v31 =	vld [tilespmem:s0+$0xCD00]  }
0x1a7: {  	v32 =	vld [tilespmem:s0+$0xCD10]  }
0x1a8: {  	v33 =	vld [tilespmem:s0+$0xCD20]  }
0x1a9: {  	v45 =	vld [tilespmem:s0+$0xCD30]  }
0x1aa: {  	v35 =	vld [tilespmem:s0+$0xCD40]  }
0x1ab: {  	v46 =	vld [tilespmem:s0+$0xCD50]  }
0x1ac: {  	v37 =	vld [tilespmem:s0+$0xCD60]  }
0x1ad: {  	v47 =	vld [tilespmem:s0+$0xCD70]  }
0x1ae: {  	v39 =	vld [tilespmem:s0+$0xCD80]  }
0x1af: {  	v48 =	vld [tilespmem:s0+$0xCD90];
	v1 =	vadd.f32 v2, v1  }
0x1b0: {  	v41 =	vld [tilespmem:s0+$0xCDA0];
	v3 =	vadd.f32 v4, v3;
	v4 =	vadd.f32 v50, v5  }
0x1b1: {  	v49 =	vld [tilespmem:s0+$0xCDB0];
	v6 =	vadd.f32 v8, v7;
	v7 =	vadd.f32 v51, v9  }
0x1b2: {  	v43 =	vld [tilespmem:s0+$0xCDC0];
	v9 =	vadd.f32 v12, v11;
	v10 =	vadd.f32 v52, v13  }
0x1b3: {  	v2 =	vld [tilespmem:s0+$0xCDD0];
	v53 =	vadd.f32 v53, v15;
	v54 =	vadd.f32 v55, v54  }
0x1b4: {  	v50 =	vld [tilespmem:s0+$0xCDE0];
	v56 =	vadd.f32 v56, v19;
	v57 =	vadd.f32 v58, v57  }
0x1b5: {  	v51 =	vld [tilespmem:s0+$0xCDF0];
	v59 =	vadd.f32 v59, v23;
	v60 =	vadd.f32 v61, v60  }
0x1b6: {  	v52 =	vld [tilespmem:s0+$0xCE00];
	v62 =	vadd.f32 v62, v27;
	v63 =	vadd.f32 v63, v29  }
0x1b7: {  	v55 =	vld [tilespmem:s0+$0xCE10];
	v44 =	vadd.f32 v32, v31;
	v45 =	vadd.f32 v45, v33  }
0x1b8: {  	v58 =	vld [tilespmem:s0+$0xCE20];
	v46 =	vadd.f32 v46, v35;
	v47 =	vadd.f32 v47, v37  }
0x1b9: {  	v61 =	vld [tilespmem:s0+$0xCE30];
	v48 =	vadd.f32 v48, v39;
	v49 =	vadd.f32 v49, v41  }
0x1ba: {  	v1 =	vadd.f32 v3, v1;
	v3 =	vadd.f32 v6, v4  }
0x1bb: {  	v53 =	vadd.f32 v53, v10;
	v54 =	vadd.f32 v56, v54  }
0x1bc: {  	v56 =	vadd.f32 v62, v60;
	v1 =	vadd.f32 v3, v1  }
0x1bd: {  	v2 =	vadd.f32 v2, v43;
	v5 =	vadd.f32 v51, v50  }
0x1be: {  	v50 =	vadd.f32 v55, v52;
	v51 =	vadd.f32 v61, v58  }
0x1bf: {  	v52 =	vadd.f32 v9, v7;
	v55 =	vadd.f32 v59, v57  }
0x1c0: {  	v57 =	vadd.f32 v44, v63;
	v58 =	vadd.f32 v46, v45  }
0x1c1: {  	v59 =	vadd.f32 v48, v47;
	v2 =	vadd.f32 v2, v49  }
0x1c2: {  	v5 =	vadd.f32 v50, v5;
	v3 =	vadd.f32 v53, v52  }
0x1c3: {  	v60 =	vadd.f32 v55, v54;
	v61 =	vadd.f32 v57, v56  }
0x1c4: {  	v62 =	vadd.f32 v59, v58;
	v2 =	vadd.f32 v5, v2  }
0x1c5: {  	v63 =	vadd.f32 v51, v0;
	v1 =	vadd.f32 v3, v1  }
0x1c6: {  	v3 =	vadd.f32 v61, v60;
	v2 =	vadd.f32 v2, v62  }
0x1c7: {  	p1 =	sne.s32 s30, $0xAF00  }
.Ltmp4:
0x1c8: {  	v1 =	vadd.f32 v3, v1;
	v2 =	vadd.f32 v63, v2;
	(pc) =	sbr.rel @p1 .LBB2_7-.Ltmp4, $3  }
0x1c9: {  	_ = 	snop  }
0x1ca: {  	v1 =	vadd.f32 v2, v1;
	_ =	sdelay $0x1  }
0x1cb: {  	s30 =	sadd.s32 $0x1900, s30;
	[tilespmem:s31+$0x0] =	vst v1;
	s31 =	sadd.s32 $0x20, s31  }
0x1cc: {  	s0 =	sadd.s32 @!p0 $0x12C0, s29;
	s29 =	simm.s32 @!p0 $0x320;
	s30 =	simm.s32 @!p0 $0xC800  }
0x1cd: {  	[tilespmem:s30], [sflag:$0x3] =	stream.indirect.gather @!p0 [hbm4b:s4+s29], $0x10, s0, s29, $0xb8;
	[tilespmem:$0x14C10] =	vst v63  }
0x1ce: {  	_ =	swait.ge [sflag:s20], $0x3200  }
0x1cf: {  	[sflag:s20] =	ssyncset.done $0x0  }
0x1d0: {  	s29 =	simm.s32 $0x0;
	s30 =	smov.u32 s26;
	[sflag:s20] =	ssyncadd.s32 $0xFFFFCE00  }
.LBB2_9:
0x1d1: {  	s0 =	sshra.s32 s29, $0x2  }
0x1d2: {  	v1 =	vld [tilespmem:s0+$0xFA00]  }
0x1d3: {  	v2 =	vld [tilespmem:s0+$0xFA10]  }
0x1d4: {  	v3 =	vld [tilespmem:s0+$0xFA20]  }
0x1d5: {  	v4 =	vld [tilespmem:s0+$0xFA30]  }
0x1d6: {  	v5 =	vld [tilespmem:s0+$0xFA40]  }
0x1d7: {  	v6 =	vld [tilespmem:s0+$0xFA50]  }
0x1d8: {  	v7 =	vld [tilespmem:s0+$0xFA60]  }
0x1d9: {  	v8 =	vld [tilespmem:s0+$0xFA70]  }
0x1da: {  	v9 =	vld [tilespmem:s0+$0xFA80]  }
0x1db: {  	v10 =	vld [tilespmem:s0+$0xFA90]  }
0x1dc: {  	v11 =	vld [tilespmem:s0+$0xFAA0]  }
0x1dd: {  	v12 =	vld [tilespmem:s0+$0xFAB0]  }
0x1de: {  	v13 =	vld [tilespmem:s0+$0xFAC0]  }
0x1df: {  	v14 =	vld [tilespmem:s0+$0xFAD0]  }
0x1e0: {  	v15 =	vld [tilespmem:s0+$0xFAE0]  }
0x1e1: {  	v16 =	vld [tilespmem:s0+$0xFAF0]  }
0x1e2: {  	v17 =	vld [tilespmem:s0+$0xFB00]  }
0x1e3: {  	v18 =	vld [tilespmem:s0+$0xFB10]  }
0x1e4: {  	v19 =	vld [tilespmem:s0+$0xFB20]  }
0x1e5: {  	v20 =	vld [tilespmem:s0+$0xFB30]  }
0x1e6: {  	v21 =	vld [tilespmem:s0+$0xFB40]  }
0x1e7: {  	v22 =	vld [tilespmem:s0+$0xFB50]  }
0x1e8: {  	v23 =	vld [tilespmem:s0+$0xFB60]  }
0x1e9: {  	v24 =	vld [tilespmem:s0+$0xFB70]  }
0x1ea: {  	v25 =	vld [tilespmem:s0+$0xFB80]  }
0x1eb: {  	v26 =	vld [tilespmem:s0+$0xFB90]  }
0x1ec: {  	v27 =	vld [tilespmem:s0+$0xFBA0]  }
0x1ed: {  	v28 =	vld [tilespmem:s0+$0xFBB0]  }
0x1ee: {  	v29 =	vld [tilespmem:s0+$0xFBC0]  }
0x1ef: {  	v30 =	vld [tilespmem:s0+$0xFBD0]  }
0x1f0: {  	v31 =	vld [tilespmem:s0+$0xFBE0]  }
0x1f1: {  	v32 =	vld [tilespmem:s0+$0xFBF0]  }
0x1f2: {  	v33 =	vld [tilespmem:s0+$0xFC00]  }
0x1f3: {  	v34 =	vld [tilespmem:s0+$0xFC10]  }
0x1f4: {  	v35 =	vld [tilespmem:s0+$0xFC20]  }
0x1f5: {  	v36 =	vld [tilespmem:s0+$0xFC30]  }
0x1f6: {  	v37 =	vld [tilespmem:s0+$0xFC40]  }
0x1f7: {  	v38 =	vld [tilespmem:s0+$0xFC50]  }
0x1f8: {  	v39 =	vld [tilespmem:s0+$0xFC60]  }
0x1f9: {  	v40 =	vld [tilespmem:s0+$0xFC70]  }
0x1fa: {  	v41 =	vld [tilespmem:s0+$0xFC80];
	v1 =	vadd.f32 v2, v1  }
0x1fb: {  	v42 =	vld [tilespmem:s0+$0xFC90];
	v3 =	vadd.f32 v4, v3;
	v4 =	vadd.f32 v6, v5  }
0x1fc: {  	v44 =	vld [tilespmem:s0+$0xFCC0];
	v45 =	vadd.f32 v8, v7;
	v46 =	vadd.f32 v10, v9  }
0x1fd: {  	v47 =	vld [tilespmem:s0+$0xFCD0];
	v48 =	vadd.f32 v12, v11;
	v49 =	vadd.f32 v14, v13  }
0x1fe: {  	v50 =	vld [tilespmem:s0+$0xFCE0];
	v51 =	vadd.f32 v16, v15;
	v52 =	vadd.f32 v18, v17  }
0x1ff: {  	v53 =	vld [tilespmem:s0+$0xFCF0];
	v54 =	vadd.f32 v20, v19;
	v55 =	vadd.f32 v22, v21  }
0x200: {  	v56 =	vld [tilespmem:s0+$0xFD00];
	v57 =	vadd.f32 v24, v23;
	v58 =	vadd.f32 v26, v25  }
0x201: {  	v59 =	vld [tilespmem:s0+$0xFD10];
	v60 =	vadd.f32 v28, v27;
	v61 =	vadd.f32 v30, v29  }
0x202: {  	v62 =	vadd.f32 v32, v31;
	v63 =	vadd.f32 v34, v33  }
0x203: {  	v32 =	vadd.f32 v36, v35;
	v33 =	vadd.f32 v38, v37  }
0x204: {  	v34 =	vadd.f32 v40, v39;
	v35 =	vadd.f32 v42, v41  }
0x205: {  	v43 =	vld [tilespmem:s0+$0xFCA0];
	v5 =	vadd.f32 v47, v44;
	v36 =	vadd.f32 v53, v50  }
0x206: {  	v2 =	vld [tilespmem:s0+$0xFCB0];
	v37 =	vadd.f32 v59, v56;
	v1 =	vadd.f32 v3, v1  }
0x207: {  	v3 =	vadd.f32 v45, v4;
	v38 =	vadd.f32 v48, v46  }
0x208: {  	v39 =	vadd.f32 v51, v49;
	v40 =	vadd.f32 v54, v52  }
0x209: {  	v41 =	vadd.f32 v57, v55;
	v42 =	vadd.f32 v60, v58  }
0x20a: {  	v44 =	vadd.f32 v32, v63;
	v45 =	vadd.f32 v34, v33  }
0x20b: {  	v5 =	vadd.f32 v36, v5;
	v2 =	vadd.f32 v2, v43  }
0x20c: {  	v1 =	vadd.f32 v3, v1;
	v3 =	vadd.f32 v39, v38  }
0x20d: {  	v43 =	vadd.f32 v62, v61;
	v2 =	vadd.f32 v2, v35  }
0x20e: {  	v46 =	vadd.f32 v41, v40;
	v48 =	vadd.f32 v45, v44  }
0x20f: {  	v47 =	vadd.f32 v43, v42;
	v2 =	vadd.f32 v5, v2  }
0x210: {  	v49 =	vadd.f32 v37, v0;
	v1 =	vadd.f32 v3, v1  }
0x211: {  	v3 =	vadd.f32 v47, v46;
	v2 =	vadd.f32 v2, v48;
	_ =	sdelay $0x1  }
0x212: {  	v1 =	vadd.f32 v3, v1;
	v2 =	vadd.f32 v49, v2;
	_ =	sdelay $0x1  }
0x213: {  	v1 =	vadd.f32 v2, v1;
	_ =	sdelay $0x1  }
0x214: {  	[tilespmem:s30+$0xFFFFFFF0] =	vst v1  }
0x215: {  	v1 =	vld [tilespmem:s0+$0xFD20]  }
0x216: {  	v2 =	vld [tilespmem:s0+$0xFD30]  }
0x217: {  	v3 =	vld [tilespmem:s0+$0xFD40]  }
0x218: {  	v4 =	vld [tilespmem:s0+$0xFD50]  }
0x219: {  	v5 =	vld [tilespmem:s0+$0xFD60]  }
0x21a: {  	v50 =	vld [tilespmem:s0+$0xFD70]  }
0x21b: {  	v7 =	vld [tilespmem:s0+$0xFD80]  }
0x21c: {  	v8 =	vld [tilespmem:s0+$0xFD90]  }
0x21d: {  	v9 =	vld [tilespmem:s0+$0xFDA0]  }
0x21e: {  	v51 =	vld [tilespmem:s0+$0xFDB0]  }
0x21f: {  	v11 =	vld [tilespmem:s0+$0xFDC0]  }
0x220: {  	v12 =	vld [tilespmem:s0+$0xFDD0]  }
0x221: {  	v13 =	vld [tilespmem:s0+$0xFDE0]  }
0x222: {  	v52 =	vld [tilespmem:s0+$0xFDF0]  }
0x223: {  	v15 =	vld [tilespmem:s0+$0xFE00]  }
0x224: {  	v53 =	vld [tilespmem:s0+$0xFE10]  }
0x225: {  	v54 =	vld [tilespmem:s0+$0xFE20]  }
0x226: {  	v55 =	vld [tilespmem:s0+$0xFE30]  }
0x227: {  	v19 =	vld [tilespmem:s0+$0xFE40]  }
0x228: {  	v56 =	vld [tilespmem:s0+$0xFE50]  }
0x229: {  	v57 =	vld [tilespmem:s0+$0xFE60]  }
0x22a: {  	v58 =	vld [tilespmem:s0+$0xFE70]  }
0x22b: {  	v23 =	vld [tilespmem:s0+$0xFE80]  }
0x22c: {  	v59 =	vld [tilespmem:s0+$0xFE90]  }
0x22d: {  	v60 =	vld [tilespmem:s0+$0xFEA0]  }
0x22e: {  	v61 =	vld [tilespmem:s0+$0xFEB0]  }
0x22f: {  	v27 =	vld [tilespmem:s0+$0xFEC0]  }
0x230: {  	v62 =	vld [tilespmem:s0+$0xFED0]  }
0x231: {  	v29 =	vld [tilespmem:s0+$0xFEE0]  }
0x232: {  	v63 =	vld [tilespmem:s0+$0xFEF0]  }
0x233: {  	v31 =	vld [tilespmem:s0+$0xFF00]  }
0x234: {  	v32 =	vld [tilespmem:s0+$0xFF10]  }
0x235: {  	v33 =	vld [tilespmem:s0+$0xFF20]  }
0x236: {  	v45 =	vld [tilespmem:s0+$0xFF30]  }
0x237: {  	v35 =	vld [tilespmem:s0+$0xFF40]  }
0x238: {  	v46 =	vld [tilespmem:s0+$0xFF50]  }
0x239: {  	v37 =	vld [tilespmem:s0+$0xFF60]  }
0x23a: {  	v47 =	vld [tilespmem:s0+$0xFF70]  }
0x23b: {  	v39 =	vld [tilespmem:s0+$0xFF80]  }
0x23c: {  	v48 =	vld [tilespmem:s0+$0xFF90];
	v1 =	vadd.f32 v2, v1  }
0x23d: {  	v41 =	vld [tilespmem:s0+$0xFFA0];
	v3 =	vadd.f32 v4, v3;
	v4 =	vadd.f32 v50, v5  }
0x23e: {  	v49 =	vld [tilespmem:s0+$0xFFB0];
	v6 =	vadd.f32 v8, v7;
	v7 =	vadd.f32 v51, v9  }
0x23f: {  	v43 =	vld [tilespmem:s0+$0xFFC0];
	v9 =	vadd.f32 v12, v11;
	v10 =	vadd.f32 v52, v13  }
0x240: {  	v2 =	vld [tilespmem:s0+$0xFFD0];
	v53 =	vadd.f32 v53, v15;
	v54 =	vadd.f32 v55, v54  }
0x241: {  	v50 =	vld [tilespmem:s0+$0xFFE0];
	v56 =	vadd.f32 v56, v19;
	v57 =	vadd.f32 v58, v57  }
0x242: {  	v51 =	vld [tilespmem:s0+$0xFFF0];
	v59 =	vadd.f32 v59, v23;
	v60 =	vadd.f32 v61, v60  }
0x243: {  	v52 =	vld [tilespmem:s0+$0x10000];
	v62 =	vadd.f32 v62, v27;
	v63 =	vadd.f32 v63, v29  }
0x244: {  	v55 =	vld [tilespmem:s0+$0x10010];
	v44 =	vadd.f32 v32, v31;
	v45 =	vadd.f32 v45, v33  }
0x245: {  	v58 =	vld [tilespmem:s0+$0x10020];
	v46 =	vadd.f32 v46, v35;
	v47 =	vadd.f32 v47, v37  }
0x246: {  	v61 =	vld [tilespmem:s0+$0x10030];
	v48 =	vadd.f32 v48, v39;
	v49 =	vadd.f32 v49, v41  }
0x247: {  	v1 =	vadd.f32 v3, v1;
	v3 =	vadd.f32 v6, v4  }
0x248: {  	v53 =	vadd.f32 v53, v10;
	v54 =	vadd.f32 v56, v54  }
0x249: {  	v56 =	vadd.f32 v62, v60;
	v1 =	vadd.f32 v3, v1  }
0x24a: {  	v2 =	vadd.f32 v2, v43;
	v5 =	vadd.f32 v51, v50  }
0x24b: {  	v50 =	vadd.f32 v55, v52;
	v51 =	vadd.f32 v61, v58  }
0x24c: {  	v52 =	vadd.f32 v9, v7;
	v55 =	vadd.f32 v59, v57  }
0x24d: {  	v57 =	vadd.f32 v44, v63;
	v58 =	vadd.f32 v46, v45  }
0x24e: {  	v59 =	vadd.f32 v48, v47;
	v2 =	vadd.f32 v2, v49  }
0x24f: {  	v5 =	vadd.f32 v50, v5;
	v3 =	vadd.f32 v53, v52  }
0x250: {  	v60 =	vadd.f32 v55, v54;
	v61 =	vadd.f32 v57, v56  }
0x251: {  	v62 =	vadd.f32 v59, v58;
	v2 =	vadd.f32 v5, v2  }
0x252: {  	v63 =	vadd.f32 v51, v0;
	v1 =	vadd.f32 v3, v1  }
0x253: {  	v3 =	vadd.f32 v61, v60;
	v2 =	vadd.f32 v2, v62  }
0x254: {  	p1 =	sne.s32 s29, $0xAF00  }
.Ltmp5:
0x255: {  	v1 =	vadd.f32 v3, v1;
	v2 =	vadd.f32 v63, v2;
	(pc) =	sbr.rel @p1 .LBB2_9-.Ltmp5, $3  }
0x256: {  	_ = 	snop  }
0x257: {  	v1 =	vadd.f32 v2, v1;
	_ =	sdelay $0x1  }
0x258: {  	s29 =	sadd.s32 $0x1900, s29;
	[tilespmem:s30+$0x0] =	vst v1;
	s30 =	sadd.s32 $0x20, s30  }
.Ltmp6:
0x259: {  	(pc) =	sbr.rel @p0 .LBB2_12-.Ltmp6, $1  }
0x25a: {  	_ =	sdelay $0x3  }
0x25b: {  	s0 =	smul.u32 $0x3200, s28  }
.Ltmp7:
0x25c: {  	_ = 	snop;
	(pc) =	sbr.rel .LBB2_2-.Ltmp7, $4  }
0x25d: {  	s28 =	sadd.s32 $0x1, s28  }
0x25e: {  	s23 =	sadd.s32 $0x400, s23;
	s24 =	sadd.s32 $0x400, s24;
	s0 =	sshra.s32 s0, $0x2  }
0x25f: {  	s25 =	sadd.s32 $0x400, s25;
	s26 =	sadd.s32 $0x400, s26;
	s0 =	sadd.s32 $0x15E0, s0  }
0x260: {  	[tilespmem:s16], [sflag:$0x4] =	stream.indirect.gather [hbm4b:s4+s10], $0x10, s0, s10, $0xb8;
	[tilespmem:$0x14C10] =	vst v63  }
.LBB2_13:
0x261: {  	_ =	sfence.sel $0x180000  }
0x262: {  	[bflag:$0x0] =	sbarrier.arrive $0xFFFF  }
0x263: {  	_ =	strace $0x90000047  }
0x264: {  	[bflag:$0x2] =	sbarrier.arrive $0xFFFF  }
0x265: {  	p0 =	sne.s32 s1, $0x0;
	s0 =	rddreg [dreg:$0x4]  }
0x266: {  	s0 =	sadd.s32 @!p0 $0x100000, s0  }
0x267: {  	[sflag:s0] =	ssyncadd.tile.s32 @!p0 $0x1;
	_ =	shalt  }
.Lfunc_end2:
_tile_overlayer_lowered:
.L_overlay_start_2:
0x268: {  	(tag) =	ssettag $0x2  }
0x269: {  	s0 =	rddreg [dreg:$0x0];
	s2 =	stileid.u32  }
0x26a: {  	s1 =	rddreg [dreg:$0x1];
	p0 =	sne.s32 s2, $0x0  }
0x26b: {  	s3 =	rddreg [dreg:$0x2];
	[bflag:$0x3] =	sbarrier.arrive $0xFFFF;
	s2 =	simm.s32 @!p0 $0x1C05  }
0x26c: {  	[timem:s3], [sflag:s2] =	dma.local @!p0 [hbm:s0], s1  }
0x26d: {  	s0 =	simm.s32 @!p0 $0x5  }
0x26e: {  	_ =	swait.ge @!p0 [sflag:s0], s1  }
0x26f: {  	s1 =	ssub.s32 @!p0 $0x0, s1;
	[sflag:s0] =	ssyncset.done @!p0 $0x0  }
0x270: {  	[sflag:s0] =	ssyncadd.s32 @!p0 s1  }
0x271: {  	[bflag:$0x3] =	sbarrier.arrive $0xFFFF  }
0x272: {  	_ =	shalt  }

</sc_bundles>
